<compile_context>
chip_gen: v7x
topology: tpu7x:2x2x1
jax: 0.10.2.dev20260603
libtpu: 0.0.44.dev20260713+nightly
codegen_flags: <defaults>
</compile_context>

<pallas_src>
import functools

import jax
import jax.numpy as jnp
from jax import lax
from jax.experimental import pallas as pl
from jax.experimental.pallas import tpu as pltpu
from jax.experimental.pallas import tpu_sc as plsc

_NC = 2
_NS = 16
_KH = 5


@functools.partial(jax.jit, static_argnames=("H", "B"))
def _gather(idx_tiles, table_t, H, B):
    D, V = table_t.shape
    d_per_core = D // _NC
    b_chunk = B // _NS
    nq = H // _KH
    cs = _KH * b_chunk
    v_main = (V // _NS) // 128 * 128
    v_tail = V - v_main * _NS

    mesh = plsc.VectorSubcoreMesh(
        core_axis_name="c", subcore_axis_name="s",
        num_cores=_NC, num_subcores=_NS,
    )

    @functools.partial(
        pl.kernel,
        out_type=jax.ShapeDtypeStruct((H, D, B), jnp.float32),
        mesh=mesh,
        scratch_types=[
            pltpu.VMEM((cs,), jnp.int32),
            pltpu.VMEM((cs,), jnp.int32),
            pltpu.VMEM((cs,), jnp.float32),
            pltpu.VMEM((cs,), jnp.float32),
            pltpu.VMEM_SHARED((1, V), jnp.float32),
            pltpu.VMEM_SHARED((1, V), jnp.float32),
            pltpu.SemaphoreType.DMA,
            pltpu.SemaphoreType.DMA,
            pltpu.SemaphoreType.DMA,
            pltpu.SemaphoreType.DMA,
            pltpu.SemaphoreType.DMA,
            pltpu.SemaphoreType.DMA,
        ],
    )
    def k(idx_hbm, table_hbm, out_hbm, idx0, idx1, val0, val1, row_a, row_b,
          ssem_a, ssem_b, isem, gsem, wsem0, wsem1):
        c = lax.axis_index("c")
        s = lax.axis_index("s")
        b0 = pl.multiple_of(s * b_chunk, 128)
        v0 = pl.multiple_of(s * v_main, 128)
        d_base = c * d_per_core
        idxb = (idx0, idx1)
        valb = (val0, val1)
        wsem = (wsem0, wsem1)

        def idx_copy(q, buf):
            return pltpu.make_async_copy(
                idx_hbm.at[s, pl.ds((q % nq) * cs, cs)], buf, isem)

        v_half = v_main // 2

        def stage_descrs(row, row_sh, ssem):
            v1 = pl.multiple_of(v0 + v_half, 128)
            return (
                pltpu.make_async_copy(
                    table_hbm.at[pl.ds(row, 1), pl.ds(v0, v_half)],
                    row_sh.at[:, pl.ds(v0, v_half)], ssem),
                pltpu.make_async_copy(
                    table_hbm.at[pl.ds(row, 1), pl.ds(v1, v_half)],
                    row_sh.at[:, pl.ds(v1, v_half)], ssem),
                pltpu.make_async_copy(
                    table_hbm.at[pl.ds(row, 1), pl.ds(v_main * _NS, v_tail)],
                    row_sh.at[:, pl.ds(v_main * _NS, v_tail)], ssem),
            )

        def fire_stage(row, row_sh, ssem):
            ds_ = stage_descrs(row, row_sh, ssem)
            ds_[0].start()
            ds_[1].start()
            @pl.when(s == _NS - 1)
            def _():
                ds_[2].start()

        def wait_stage(row, row_sh, ssem):
            ds_ = stage_descrs(row, row_sh, ssem)
            ds_[0].wait()
            ds_[1].wait()
            @pl.when(s == _NS - 1)
            def _():
                ds_[2].wait()

        def drain(sem, buf):
            pltpu.make_async_copy(table_hbm.at[0, pl.ds(0, cs)], buf,
                                  sem).wait()

        def fire_writes(q, row):
            p = q % 2
            for i in range(_KH):
                h = q * _KH + i
                pltpu.make_async_copy(
                    valb[p].at[pl.ds(i * b_chunk, b_chunk)],
                    out_hbm.at[h, row, pl.ds(b0, b_chunk)], wsem[p]).start()

        def process(d, row_sh, other_sh, ssem, other_ssem):
            row = d_base + d
            wait_stage(row, row_sh, ssem)
            plsc.subcore_barrier()
            @pl.when(d + 1 < d_per_core)
            def _():
                fire_stage(row + 1, other_sh, other_ssem)
            for q in range(nq):
                p = q % 2
                if q >= 2:
                    drain(wsem[p], valb[p])
                else:
                    @pl.when(d > 0)
                    def _():
                        drain(wsem[p], valb[p])
                idx_copy(q, idxb[p]).wait()
                pltpu.make_async_copy(row_sh.at[0].at[idxb[p]], valb[p],
                                      gsem).start()
                if q > 0:
                    drain(gsem, valb[1 - p])
                idx_copy(q + 1, idxb[(q + 1) % 2]).start()
                if q > 0:
                    fire_writes(q - 1, row)
            drain(gsem, valb[(nq - 1) % 2])
            fire_writes(nq - 1, row)

        idx_copy(0, idxb[0]).start()
        fire_stage(d_base, row_a, ssem_a)

        def body(i, carry):
            d = i * 2
            process(d, row_a, row_b, ssem_a, ssem_b)
            process(d + 1, row_b, row_a, ssem_b, ssem_a)
            return carry

        lax.fori_loop(0, d_per_core // 2, body, 0)
        idx_copy(0, idxb[0]).wait()
        drain(wsem[0], valb[0])
        drain(wsem[1], valb[1])

    return k(idx_tiles, table_t)


def kernel(indices, lookup_table):
    B0, H = indices.shape
    idx_tiles = (indices.T.reshape(H, _NS, B0 // _NS)
                 .transpose(1, 0, 2).reshape(_NS, H * (B0 // _NS)))
    out3 = _gather(idx_tiles, lookup_table.T, H, B0)
    return out3.transpose(2, 0, 1)

# --- scband reference (transcript-rebuilt; emitter-appended) ---
"""Pipeline reference for scband-embedding-57234734187206 (READ-ONLY COPY).

The authoritative reference and input builder live on the scoring server;
editing this copy changes nothing except your own understanding.
"""

import jax, jax.numpy as jnp
import numpy as np

VOCAB = 1000000
EMBED_DIM = 64
BATCH = 4096
HIST_LEN = 50

def setup_inputs(seed: int = 0) -> dict:
    key = jax.random.key(seed)
    k_idx, k_tab = jax.random.split(key)
    indices = jax.random.randint(k_idx, (BATCH, HIST_LEN), 0, VOCAB, dtype=jnp.int64 if jax.config.read('jax_enable_x64') else jnp.int32)
    # init_values: the learned embedding table (init_values in the original module)
    lookup_table = jax.random.normal(k_tab, (VOCAB, EMBED_DIM), dtype=jnp.float32) * 0.05
    return {"indices": indices, "lookup_table": lookup_table}

def reference(indices, lookup_table):
    # Faithful translation of tf.nn.embedding_lookup(lookup_table, indices)
    return jnp.take(lookup_table, indices, axis=0)

if __name__ == "__main__":
    import jax
    _d = setup_inputs()
    print(jax.jit(kernel)(*tuple(_d.values())))

</pallas_src>

<mosaic_0001>
#map = affine_map<(d0, d1) -> (0, 0)>
#map1 = affine_map<(d0, d1) -> (0, 0, 0)>
module attributes {stable_mosaic.version = 14 : i64} {
  func.func @k(%arg0: i32, %arg1: i32, %arg2: memref<16x12800xi32, #tpu.memory_space<hbm>>, %arg3: memref<64x1000000xf32, #tpu.memory_space<hbm>>, %arg4: memref<50x64x4096xf32, #tpu.memory_space<hbm>>, %arg5: memref<1280xi32, #tpu.memory_space<vmem>>, %arg6: memref<1280xi32, #tpu.memory_space<vmem>>, %arg7: memref<1280xf32, #tpu.memory_space<vmem>>, %arg8: memref<1280xf32, #tpu.memory_space<vmem>>, %arg9: memref<1x1000000xf32, #tpu.memory_space<vmem_shared>>, %arg10: memref<1x1000000xf32, #tpu.memory_space<vmem_shared>>, %arg11: memref<!tpu.dma_semaphore, #tpu.memory_space<semaphore_mem>>, %arg12: memref<!tpu.dma_semaphore, #tpu.memory_space<semaphore_mem>>, %arg13: memref<!tpu.dma_semaphore, #tpu.memory_space<semaphore_mem>>, %arg14: memref<!tpu.dma_semaphore, #tpu.memory_space<semaphore_mem>>, %arg15: memref<!tpu.dma_semaphore, #tpu.memory_space<semaphore_mem>>, %arg16: memref<!tpu.dma_semaphore, #tpu.memory_space<semaphore_mem>>) attributes {dimension_semantics = [#tpu.dimension_semantics<core_parallel>, #tpu.dimension_semantics<subcore_parallel>], iteration_bounds = array<i64: 2, 16>, scalar_prefetch = 0 : i64, scratch_operands = 12 : i64, tpu.core_type = #tpu.core_type<sc_vector_subcore>, window_params = [{transform_indices = #map}, {transform_indices = #map}, {transform_indices = #map1}]} {
    %mul3A = arith.constant 256 : i32
    %mul3A_0 = arith.muli %arg1, %mul3A : i32
    %multiple_of3A = tpu.assume_multiple %mul3A_0, 128 : i32
    %mul3A_1 = arith.constant 62464 : i32
    %mul3A_2 = arith.muli %arg1, %mul3A_1 : i32
    %multiple_of3A_3 = tpu.assume_multiple %mul3A_2, 128 : i32
    %mul3A_4 = arith.constant 32 : i32
    %mul3A_5 = arith.muli %arg0, %mul3A_4 : i32
    %dma_start3A = arith.constant 0 : i32
    %dma_start3A_6 = tpu.memref_slice %arg2[%arg1, %dma_start3A] : memref<16x12800xi32, #tpu.memory_space<hbm>> -> memref<1x1280xi32, #tpu.memory_space<hbm>>
    %dma_start3A_7 = tpu.memref_squeeze %dma_start3A_6 : memref<1x1280xi32, #tpu.memory_space<hbm>> -> memref<1280xi32, #tpu.memory_space<hbm>>
    %dma_start3A_8 = arith.constant 0 : i32
    %dma_start3A_9 = tpu.memref_slice %arg2[%arg1, %dma_start3A_8] : memref<16x12800xi32, #tpu.memory_space<hbm>> -> memref<1x1280xi32, #tpu.memory_space<hbm>>
    %dma_start3A_10 = tpu.memref_squeeze %dma_start3A_9 : memref<1x1280xi32, #tpu.memory_space<hbm>> -> memref<1280xi32, #tpu.memory_space<hbm>>
    tpu.enqueue_dma source(%dma_start3A_10 : memref<1280xi32, #tpu.memory_space<hbm>>) target(%arg5 : memref<1280xi32, #tpu.memory_space<vmem>>) target_semaphore(%arg13 : memref<!tpu.dma_semaphore, #tpu.memory_space<semaphore_mem>>)
    %add3A = arith.constant 31232 : i32
    %add3A_11 = arith.addi %multiple_of3A_3, %add3A : i32
    %multiple_of3A_12 = tpu.assume_multiple %add3A_11, 128 : i32
    %dma_start3A_13 = arith.constant 0 : i32
    %dma_start3A_14 = tpu.memref_slice %arg9[%dma_start3A_13, %multiple_of3A_3] : memref<1x1000000xf32, #tpu.memory_space<vmem_shared>> -> memref<1x31232xf32, #tpu.memory_space<vmem_shared>>
    %dma_start3A_15 = tpu.memref_slice %arg3[%mul3A_5, %multiple_of3A_3] : memref<64x1000000xf32, #tpu.memory_space<hbm>> -> memref<1x31232xf32, #tpu.memory_space<hbm>>
    tpu.enqueue_dma source(%dma_start3A_15 : memref<1x31232xf32, #tpu.memory_space<hbm>>) target(%dma_start3A_14 : memref<1x31232xf32, #tpu.memory_space<vmem_shared>>) target_semaphore(%arg11 : memref<!tpu.dma_semaphore, #tpu.memory_space<semaphore_mem>>)
    %dma_start3A_16 = arith.constant 0 : i32
    %dma_start3A_17 = tpu.memref_slice %arg9[%dma_start3A_16, %multiple_of3A_12] : memref<1x1000000xf32, #tpu.memory_space<vmem_shared>> -> memref<1x31232xf32, #tpu.memory_space<vmem_shared>>
    %dma_start3A_18 = tpu.memref_slice %arg3[%mul3A_5, %multiple_of3A_12] : memref<64x1000000xf32, #tpu.memory_space<hbm>> -> memref<1x31232xf32, #tpu.memory_space<hbm>>
    tpu.enqueue_dma source(%dma_start3A_18 : memref<1x31232xf32, #tpu.memory_space<hbm>>) target(%dma_start3A_17 : memref<1x31232xf32, #tpu.memory_space<vmem_shared>>) target_semaphore(%arg11 : memref<!tpu.dma_semaphore, #tpu.memory_space<semaphore_mem>>)
    %eq3A = arith.constant 15 : i32
    %eq3A_19 = arith.cmpi eq, %arg1, %eq3A : i32
    %convert_element_type3A = arith.extui %eq3A_19 : i1 to i32
    %cond3A = arith.constant 0 : i32
    %cond3A_20 = arith.cmpi ne, %convert_element_type3A, %cond3A : i32
    scf.if %cond3A_20 {
      %dma_start3A_45 = arith.constant 0 : i32
      %dma_start3A_46 = arith.constant 999424 : i32
      %dma_start3A_47 = tpu.memref_slice %arg9[%dma_start3A_45, %dma_start3A_46] : memref<1x1000000xf32, #tpu.memory_space<vmem_shared>> -> memref<1x576xf32, #tpu.memory_space<vmem_shared>>
      %dma_start3A_48 = arith.constant 999424 : i32
      %dma_start3A_49 = tpu.memref_slice %arg3[%mul3A_5, %dma_start3A_48] : memref<64x1000000xf32, #tpu.memory_space<hbm>> -> memref<1x576xf32, #tpu.memory_space<hbm>>
      tpu.enqueue_dma source(%dma_start3A_49 : memref<1x576xf32, #tpu.memory_space<hbm>>) target(%dma_start3A_47 : memref<1x576xf32, #tpu.memory_space<vmem_shared>>) target_semaphore(%arg11 : memref<!tpu.dma_semaphore, #tpu.memory_space<semaphore_mem>>)
    } else {
    }
    %scan3A = arith.constant 0 : i32
    %scan3A_21 = arith.constant 0 : i32
    %scan3A_22 = arith.constant 16 : i32
    %scan3A_23 = arith.addi %scan3A_21, %scan3A_22 : i32
    %scan3A_24 = arith.constant 1 : i32
    scf.for %scan3A_45 = %scan3A_21 to %scan3A_23 step %scan3A_24  : i32 {
      %mul3A_46 = arith.constant 2 : i32
      %mul3A_47 = arith.muli %scan3A_45, %mul3A_46 : i32
      %add3A_48 = arith.addi %mul3A_5, %mul3A_47 : i32
      %add3A_49 = arith.constant 31232 : i32
      %add3A_50 = arith.addi %multiple_of3A_3, %add3A_49 : i32
      %multiple_of3A_51 = tpu.assume_multiple %add3A_50, 128 : i32
      %dma_wait3A_52 = arith.constant 0 : i32
      %dma_wait3A_53 = tpu.memref_slice %arg9[%dma_wait3A_52, %multiple_of3A_3] : memref<1x1000000xf32, #tpu.memory_space<vmem_shared>> -> memref<1x31232xf32, #tpu.memory_space<vmem_shared>>
      %dma_wait3A_54 = tpu.memref_slice %arg3[%add3A_48, %multiple_of3A_3] : memref<64x1000000xf32, #tpu.memory_space<hbm>> -> memref<1x31232xf32, #tpu.memory_space<hbm>>
      tpu.wait_dma2 semaphore(%arg11 : memref<!tpu.dma_semaphore, #tpu.memory_space<semaphore_mem>>) src(%dma_wait3A_54 : memref<1x31232xf32, #tpu.memory_space<hbm>>) dst(%dma_wait3A_53 : memref<1x31232xf32, #tpu.memory_space<vmem_shared>>)
      %dma_wait3A_55 = arith.constant 0 : i32
      %dma_wait3A_56 = tpu.memref_slice %arg9[%dma_wait3A_55, %multiple_of3A_51] : memref<1x1000000xf32, #tpu.memory_space<vmem_shared>> -> memref<1x31232xf32, #tpu.memory_space<vmem_shared>>
      %dma_wait3A_57 = tpu.memref_slice %arg3[%add3A_48, %multiple_of3A_51] : memref<64x1000000xf32, #tpu.memory_space<hbm>> -> memref<1x31232xf32, #tpu.memory_space<hbm>>
      tpu.wait_dma2 semaphore(%arg11 : memref<!tpu.dma_semaphore, #tpu.memory_space<semaphore_mem>>) src(%dma_wait3A_57 : memref<1x31232xf32, #tpu.memory_space<hbm>>) dst(%dma_wait3A_56 : memref<1x31232xf32, #tpu.memory_space<vmem_shared>>)
      %eq3A_58 = arith.constant 15 : i32
      %eq3A_59 = arith.cmpi eq, %arg1, %eq3A_58 : i32
      %convert_element_type3A_60 = arith.extui %eq3A_59 : i1 to i32
      %cond3A_61 = arith.constant 0 : i32
      %cond3A_62 = arith.cmpi ne, %convert_element_type3A_60, %cond3A_61 : i32
      scf.if %cond3A_62 {
        %dma_wait3A_1625 = arith.constant 0 : i32
        %dma_wait3A_1626 = arith.constant 999424 : i32
        %dma_wait3A_1627 = tpu.memref_slice %arg9[%dma_wait3A_1625, %dma_wait3A_1626] : memref<1x1000000xf32, #tpu.memory_space<vmem_shared>> -> memref<1x576xf32, #tpu.memory_space<vmem_shared>>
        %dma_wait3A_1628 = arith.constant 999424 : i32
        %dma_wait3A_1629 = tpu.memref_slice %arg3[%add3A_48, %dma_wait3A_1628] : memref<64x1000000xf32, #tpu.memory_space<hbm>> -> memref<1x576xf32, #tpu.memory_space<hbm>>
        tpu.wait_dma2 semaphore(%arg11 : memref<!tpu.dma_semaphore, #tpu.memory_space<semaphore_mem>>) src(%dma_wait3A_1629 : memref<1x576xf32, #tpu.memory_space<hbm>>) dst(%dma_wait3A_1627 : memref<1x576xf32, #tpu.memory_space<vmem_shared>>)
      } else {
      }
      %barrier3A = arith.constant 0 : index
      tpu.barrier barrier_id(%barrier3A)
      %add3A_63 = arith.constant 1 : i32
      %add3A_64 = arith.addi %mul3A_47, %add3A_63 : i32
      %lt3A = arith.constant 32 : i32
      %lt3A_65 = arith.cmpi slt, %add3A_64, %lt3A : i32
      %convert_element_type3A_66 = arith.extui %lt3A_65 : i1 to i32
      %cond3A_67 = arith.constant 0 : i32
      %cond3A_68 = arith.cmpi ne, %convert_element_type3A_66, %cond3A_67 : i32
      scf.if %cond3A_68 {
        %add3A_1625 = arith.constant 1 : i32
        %add3A_1626 = arith.addi %add3A_48, %add3A_1625 : i32
        %add3A_1627 = arith.constant 31232 : i32
        %add3A_1628 = arith.addi %multiple_of3A_3, %add3A_1627 : i32
        %multiple_of3A_1629 = tpu.assume_multiple %add3A_1628, 128 : i32
        %dma_start3A_1630 = arith.constant 0 : i32
        %dma_start3A_1631 = tpu.memref_slice %arg10[%dma_start3A_1630, %multiple_of3A_3] : memref<1x1000000xf32, #tpu.memory_space<vmem_shared>> -> memref<1x31232xf32, #tpu.memory_space<vmem_shared>>
        %dma_start3A_1632 = tpu.memref_slice %arg3[%add3A_1626, %multiple_of3A_3] : memref<64x1000000xf32, #tpu.memory_space<hbm>> -> memref<1x31232xf32, #tpu.memory_space<hbm>>
        tpu.enqueue_dma source(%dma_start3A_1632 : memref<1x31232xf32, #tpu.memory_space<hbm>>) target(%dma_start3A_1631 : memref<1x31232xf32, #tpu.memory_space<vmem_shared>>) target_semaphore(%arg12 : memref<!tpu.dma_semaphore, #tpu.memory_space<semaphore_mem>>)
        %dma_start3A_1633 = arith.constant 0 : i32
        %dma_start3A_1634 = tpu.memref_slice %arg10[%dma_start3A_1633, %multiple_of3A_1629] : memref<1x1000000xf32, #tpu.memory_space<vmem_shared>> -> memref<1x31232xf32, #tpu.memory_space<vmem_shared>>
        %dma_start3A_1635 = tpu.memref_slice %arg3[%add3A_1626, %multiple_of3A_1629] : memref<64x1000000xf32, #tpu.memory_space<hbm>> -> memref<1x31232xf32, #tpu.memory_space<hbm>>
        tpu.enqueue_dma source(%dma_start3A_1635 : memref<1x31232xf32, #tpu.memory_space<hbm>>) target(%dma_start3A_1634 : memref<1x31232xf32, #tpu.memory_space<vmem_shared>>) target_semaphore(%arg12 : memref<!tpu.dma_semaphore, #tpu.memory_space<semaphore_mem>>)
        %eq3A_1636 = arith.constant 15 : i32
        %eq3A_1637 = arith.cmpi eq, %arg1, %eq3A_1636 : i32
        %convert_element_type3A_1638 = arith.extui %eq3A_1637 : i1 to i32
        %cond3A_1639 = arith.constant 0 : i32
        %cond3A_1640 = arith.cmpi ne, %convert_element_type3A_1638, %cond3A_1639 : i32
        scf.if %cond3A_1640 {
          %dma_start3A_1641 = arith.constant 0 : i32
          %dma_start3A_1642 = arith.constant 999424 : i32
          %dma_start3A_1643 = tpu.memref_slice %arg10[%dma_start3A_1641, %dma_start3A_1642] : memref<1x1000000xf32, #tpu.memory_space<vmem_shared>> -> memref<1x576xf32, #tpu.memory_space<vmem_shared>>
          %dma_start3A_1644 = arith.constant 999424 : i32
          %dma_start3A_1645 = tpu.memref_slice %arg3[%add3A_1626, %dma_start3A_1644] : memref<64x1000000xf32, #tpu.memory_space<hbm>> -> memref<1x576xf32, #tpu.memory_space<hbm>>
          tpu.enqueue_dma source(%dma_start3A_1645 : memref<1x576xf32, #tpu.memory_space<hbm>>) target(%dma_start3A_1643 : memref<1x576xf32, #tpu.memory_space<vmem_shared>>) target_semaphore(%arg12 : memref<!tpu.dma_semaphore, #tpu.memory_space<semaphore_mem>>)
        } else {
        }
      } else {
      }
      %gt3A = arith.constant 0 : i32
      %gt3A_69 = arith.cmpi sgt, %mul3A_47, %gt3A : i32
      %convert_element_type3A_70 = arith.extui %gt3A_69 : i1 to i32
      %cond3A_71 = arith.constant 0 : i32
      %cond3A_72 = arith.cmpi ne, %convert_element_type3A_70, %cond3A_71 : i32
      scf.if %cond3A_72 {
        %dma_wait3A_1625 = arith.constant 0 : i32
        %dma_wait3A_1626 = arith.constant 0 : i32
        %dma_wait3A_1627 = tpu.memref_slice %arg3[%dma_wait3A_1625, %dma_wait3A_1626] : memref<64x1000000xf32, #tpu.memory_space<hbm>> -> memref<1x1280xf32, #tpu.memory_space<hbm>>
        %dma_wait3A_1628 = tpu.memref_squeeze %dma_wait3A_1627 : memref<1x1280xf32, #tpu.memory_space<hbm>> -> memref<1280xf32, #tpu.memory_space<hbm>>
        %dma_wait3A_1629 = arith.constant 0 : i32
        %dma_wait3A_1630 = tpu.memref_slice %arg3[%dma_wait3A_1625, %dma_wait3A_1629] : memref<64x1000000xf32, #tpu.memory_space<hbm>> -> memref<1x1280xf32, #tpu.memory_space<hbm>>
        %dma_wait3A_1631 = tpu.memref_squeeze %dma_wait3A_1630 : memref<1x1280xf32, #tpu.memory_space<hbm>> -> memref<1280xf32, #tpu.memory_space<hbm>>
        tpu.wait_dma2 semaphore(%arg15 : memref<!tpu.dma_semaphore, #tpu.memory_space<semaphore_mem>>) src(%dma_wait3A_1631 : memref<1280xf32, #tpu.memory_space<hbm>>) dst(%arg7 : memref<1280xf32, #tpu.memory_space<vmem>>)
      } else {
      }
      %dma_wait3A_73 = arith.constant 0 : i32
      %dma_wait3A_74 = tpu.memref_slice %arg2[%arg1, %dma_wait3A_73] : memref<16x12800xi32, #tpu.memory_space<hbm>> -> memref<1x1280xi32, #tpu.memory_space<hbm>>
      %dma_wait3A_75 = tpu.memref_squeeze %dma_wait3A_74 : memref<1x1280xi32, #tpu.memory_space<hbm>> -> memref<1280xi32, #tpu.memory_space<hbm>>
      %dma_wait3A_76 = arith.constant 0 : i32
      %dma_wait3A_77 = tpu.memref_slice %arg2[%arg1, %dma_wait3A_76] : memref<16x12800xi32, #tpu.memory_space<hbm>> -> memref<1x1280xi32, #tpu.memory_space<hbm>>
      %dma_wait3A_78 = tpu.memref_squeeze %dma_wait3A_77 : memref<1x1280xi32, #tpu.memory_space<hbm>> -> memref<1280xi32, #tpu.memory_space<hbm>>
      tpu.wait_dma2 semaphore(%arg13 : memref<!tpu.dma_semaphore, #tpu.memory_space<semaphore_mem>>) src(%dma_wait3A_78 : memref<1280xi32, #tpu.memory_space<hbm>>) dst(%arg5 : memref<1280xi32, #tpu.memory_space<vmem>>)
      %dma_start3A_79 = arith.constant 0 : i32
      %dma_start3A_80 = arith.constant 0 : i32
      %dma_start3A_81 = tpu.memref_slice %arg9[%dma_start3A_79, %dma_start3A_80] : memref<1x1000000xf32, #tpu.memory_space<vmem_shared>> -> memref<1x1000000xf32, #tpu.memory_space<vmem_shared>>
      %dma_start3A_82 = tpu.memref_squeeze %dma_start3A_81 : memref<1x1000000xf32, #tpu.memory_space<vmem_shared>> -> memref<1000000xf32, #tpu.memory_space<vmem_shared>>
      %dma_start3A_83 = arith.constant 0 : i32
      %dma_start3A_84 = tpu.memref_slice %dma_start3A_82[%dma_start3A_83] : memref<1000000xf32, #tpu.memory_space<vmem_shared>> -> memref<1000000xf32, #tpu.memory_space<vmem_shared>>
      tpu.enqueue_indirect_dma source(%dma_start3A_84 : memref<1000000xf32, #tpu.memory_space<vmem_shared>>) target(%arg7 : memref<1280xf32, #tpu.memory_space<vmem>>) offsets(%arg5 : memref<1280xi32, #tpu.memory_space<vmem>>) semaphore(%arg14 : memref<!tpu.dma_semaphore, #tpu.memory_space<semaphore_mem>>)
      %dma_start3A_85 = arith.constant 1280 : i32
      %dma_start3A_86 = tpu.memref_slice %arg2[%arg1, %dma_start3A_85] : memref<16x12800xi32, #tpu.memory_space<hbm>> -> memref<1x1280xi32, #tpu.memory_space<hbm>>
      %dma_start3A_87 = tpu.memref_squeeze %dma_start3A_86 : memref<1x1280xi32, #tpu.memory_space<hbm>> -> memref<1280xi32, #tpu.memory_space<hbm>>
      %dma_start3A_88 = arith.constant 1280 : i32
      %dma_start3A_89 = tpu.memref_slice %arg2[%arg1, %dma_start3A_88] : memref<16x12800xi32, #tpu.memory_space<hbm>> -> memref<1x1280xi32, #tpu.memory_space<hbm>>
      %dma_start3A_90 = tpu.memref_squeeze %dma_start3A_89 : memref<1x1280xi32, #tpu.memory_space<hbm>> -> memref<1280xi32, #tpu.memory_space<hbm>>
      tpu.enqueue_dma source(%dma_start3A_90 : memref<1280xi32, #tpu.memory_space<hbm>>) target(%arg6 : memref<1280xi32, #tpu.memory_space<vmem>>) target_semaphore(%arg13 : memref<!tpu.dma_semaphore, #tpu.memory_space<semaphore_mem>>)
      %gt3A_91 = arith.constant 0 : i32
      %gt3A_92 = arith.cmpi sgt, %mul3A_47, %gt3A_91 : i32
      %convert_element_type3A_93 = arith.extui %gt3A_92 : i1 to i32
      %cond3A_94 = arith.constant 0 : i32
      %cond3A_95 = arith.cmpi ne, %convert_element_type3A_93, %cond3A_94 : i32
      scf.if %cond3A_95 {
        %dma_wait3A_1625 = arith.constant 0 : i32
        %dma_wait3A_1626 = arith.constant 0 : i32
        %dma_wait3A_1627 = tpu.memref_slice %arg3[%dma_wait3A_1625, %dma_wait3A_1626] : memref<64x1000000xf32, #tpu.memory_space<hbm>> -> memref<1x1280xf32, #tpu.memory_space<hbm>>
        %dma_wait3A_1628 = tpu.memref_squeeze %dma_wait3A_1627 : memref<1x1280xf32, #tpu.memory_space<hbm>> -> memref<1280xf32, #tpu.memory_space<hbm>>
        %dma_wait3A_1629 = arith.constant 0 : i32
        %dma_wait3A_1630 = tpu.memref_slice %arg3[%dma_wait3A_1625, %dma_wait3A_1629] : memref<64x1000000xf32, #tpu.memory_space<hbm>> -> memref<1x1280xf32, #tpu.memory_space<hbm>>
        %dma_wait3A_1631 = tpu.memref_squeeze %dma_wait3A_1630 : memref<1x1280xf32, #tpu.memory_space<hbm>> -> memref<1280xf32, #tpu.memory_space<hbm>>
        tpu.wait_dma2 semaphore(%arg16 : memref<!tpu.dma_semaphore, #tpu.memory_space<semaphore_mem>>) src(%dma_wait3A_1631 : memref<1280xf32, #tpu.memory_space<hbm>>) dst(%arg8 : memref<1280xf32, #tpu.memory_space<vmem>>)
      } else {
      }
      %dma_wait3A_96 = arith.constant 1280 : i32
      %dma_wait3A_97 = tpu.memref_slice %arg2[%arg1, %dma_wait3A_96] : memref<16x12800xi32, #tpu.memory_space<hbm>> -> memref<1x1280xi32, #tpu.memory_space<hbm>>
      %dma_wait3A_98 = tpu.memref_squeeze %dma_wait3A_97 : memref<1x1280xi32, #tpu.memory_space<hbm>> -> memref<1280xi32, #tpu.memory_space<hbm>>
      %dma_wait3A_99 = arith.constant 1280 : i32
      %dma_wait3A_100 = tpu.memref_slice %arg2[%arg1, %dma_wait3A_99] : memref<16x12800xi32, #tpu.memory_space<hbm>> -> memref<1x1280xi32, #tpu.memory_space<hbm>>
      %dma_wait3A_101 = tpu.memref_squeeze %dma_wait3A_100 : memref<1x1280xi32, #tpu.memory_space<hbm>> -> memref<1280xi32, #tpu.memory_space<hbm>>
      tpu.wait_dma2 semaphore(%arg13 : memref<!tpu.dma_semaphore, #tpu.memory_space<semaphore_mem>>) src(%dma_wait3A_101 : memref<1280xi32, #tpu.memory_space<hbm>>) dst(%arg6 : memref<1280xi32, #tpu.memory_space<vmem>>)
      %dma_start3A_102 = arith.constant 0 : i32
      %dma_start3A_103 = arith.constant 0 : i32
      %dma_start3A_104 = tpu.memref_slice %arg9[%dma_start3A_102, %dma_start3A_103] : memref<1x1000000xf32, #tpu.memory_space<vmem_shared>> -> memref<1x1000000xf32, #tpu.memory_space<vmem_shared>>
      %dma_start3A_105 = tpu.memref_squeeze %dma_start3A_104 : memref<1x1000000xf32, #tpu.memory_space<vmem_shared>> -> memref<1000000xf32, #tpu.memory_space<vmem_shared>>
      %dma_start3A_106 = arith.constant 0 : i32
      %dma_start3A_107 = tpu.memref_slice %dma_start3A_105[%dma_start3A_106] : memref<1000000xf32, #tpu.memory_space<vmem_shared>> -> memref<1000000xf32, #tpu.memory_space<vmem_shared>>
      tpu.enqueue_indirect_dma source(%dma_start3A_107 : memref<1000000xf32, #tpu.memory_space<vmem_shared>>) target(%arg8 : memref<1280xf32, #tpu.memory_space<vmem>>) offsets(%arg6 : memref<1280xi32, #tpu.memory_space<vmem>>) semaphore(%arg14 : memref<!tpu.dma_semaphore, #tpu.memory_space<semaphore_mem>>)
      %dma_wait3A_108 = arith.constant 0 : i32
      %dma_wait3A_109 = arith.constant 0 : i32
      %dma_wait3A_110 = tpu.memref_slice %arg3[%dma_wait3A_108, %dma_wait3A_109] : memref<64x1000000xf32, #tpu.memory_space<hbm>> -> memref<1x1280xf32, #tpu.memory_space<hbm>>
      %dma_wait3A_111 = tpu.memref_squeeze %dma_wait3A_110 : memref<1x1280xf32, #tpu.memory_space<hbm>> -> memref<1280xf32, #tpu.memory_space<hbm>>
      %dma_wait3A_112 = arith.constant 0 : i32
      %dma_wait3A_113 = tpu.memref_slice %arg3[%dma_wait3A_108, %dma_wait3A_112] : memref<64x1000000xf32, #tpu.memory_space<hbm>> -> memref<1x1280xf32, #tpu.memory_space<hbm>>
      %dma_wait3A_114 = tpu.memref_squeeze %dma_wait3A_113 : memref<1x1280xf32, #tpu.memory_space<hbm>> -> memref<1280xf32, #tpu.memory_space<hbm>>
      tpu.wait_dma2 semaphore(%arg14 : memref<!tpu.dma_semaphore, #tpu.memory_space<semaphore_mem>>) src(%dma_wait3A_114 : memref<1280xf32, #tpu.memory_space<hbm>>) dst(%arg7 : memref<1280xf32, #tpu.memory_space<vmem>>)
      %dma_start3A_115 = arith.constant 2560 : i32
      %dma_start3A_116 = tpu.memref_slice %arg2[%arg1, %dma_start3A_115] : memref<16x12800xi32, #tpu.memory_space<hbm>> -> memref<1x1280xi32, #tpu.memory_space<hbm>>
      %dma_start3A_117 = tpu.memref_squeeze %dma_start3A_116 : memref<1x1280xi32, #tpu.memory_space<hbm>> -> memref<1280xi32, #tpu.memory_space<hbm>>
      %dma_start3A_118 = arith.constant 2560 : i32
      %dma_start3A_119 = tpu.memref_slice %arg2[%arg1, %dma_start3A_118] : memref<16x12800xi32, #tpu.memory_space<hbm>> -> memref<1x1280xi32, #tpu.memory_space<hbm>>
      %dma_start3A_120 = tpu.memref_squeeze %dma_start3A_119 : memref<1x1280xi32, #tpu.memory_space<hbm>> -> memref<1280xi32, #tpu.memory_space<hbm>>
      tpu.enqueue_dma source(%dma_start3A_120 : memref<1280xi32, #tpu.memory_space<hbm>>) target(%arg5 : memref<1280xi32, #tpu.memory_space<vmem>>) target_semaphore(%arg13 : memref<!tpu.dma_semaphore, #tpu.memory_space<semaphore_mem>>)
      %dma_start3A_121 = arith.constant 0 : i32
      %dma_start3A_122 = arith.constant 0 : i32
      %dma_start3A_123 = tpu.memref_slice %arg7[%dma_start3A_122] : memref<1280xf32, #tpu.memory_space<vmem>> -> memref<256xf32, #tpu.memory_space<vmem>>
      %dma_start3A_124 = tpu.memref_slice %arg4[%dma_start3A_121, %add3A_48, %multiple_of3A] : memref<50x64x4096xf32, #tpu.memory_space<hbm>> -> memref<1x1x256xf32, #tpu.memory_space<hbm>>
      %dma_start3A_125 = tpu.memref_squeeze %dma_start3A_124 : memref<1x1x256xf32, #tpu.memory_space<hbm>> -> memref<256xf32, #tpu.memory_space<hbm>>
      %dma_start3A_126 = tpu.memref_slice %arg4[%dma_start3A_121, %add3A_48, %multiple_of3A] : memref<50x64x4096xf32, #tpu.memory_space<hbm>> -> memref<1x1x256xf32, #tpu.memory_space<hbm>>
      %dma_start3A_127 = tpu.memref_squeeze %dma_start3A_126 : memref<1x1x256xf32, #tpu.memory_space<hbm>> -> memref<256xf32, #tpu.memory_space<hbm>>
      %dma_start3A_128 = arith.constant 0 : i32
      %dma_start3A_129 = tpu.memref_slice %arg7[%dma_start3A_128] : memref<1280xf32, #tpu.memory_space<vmem>> -> memref<256xf32, #tpu.memory_space<vmem>>
      tpu.enqueue_dma source(%dma_start3A_129 : memref<256xf32, #tpu.memory_space<vmem>>) target(%dma_start3A_127 : memref<256xf32, #tpu.memory_space<hbm>>) target_semaphore(%arg15 : memref<!tpu.dma_semaphore, #tpu.memory_space<semaphore_mem>>)
      %dma_start3A_130 = arith.constant 1 : i32
      %dma_start3A_131 = arith.constant 256 : i32
      %dma_start3A_132 = tpu.memref_slice %arg7[%dma_start3A_131] : memref<1280xf32, #tpu.memory_space<vmem>> -> memref<256xf32, #tpu.memory_space<vmem>>
      %dma_start3A_133 = tpu.memref_slice %arg4[%dma_start3A_130, %add3A_48, %multiple_of3A] : memref<50x64x4096xf32, #tpu.memory_space<hbm>> -> memref<1x1x256xf32, #tpu.memory_space<hbm>>
      %dma_start3A_134 = tpu.memref_squeeze %dma_start3A_133 : memref<1x1x256xf32, #tpu.memory_space<hbm>> -> memref<256xf32, #tpu.memory_space<hbm>>
      %dma_start3A_135 = tpu.memref_slice %arg4[%dma_start3A_130, %add3A_48, %multiple_of3A] : memref<50x64x4096xf32, #tpu.memory_space<hbm>> -> memref<1x1x256xf32, #tpu.memory_space<hbm>>
      %dma_start3A_136 = tpu.memref_squeeze %dma_start3A_135 : memref<1x1x256xf32, #tpu.memory_space<hbm>> -> memref<256xf32, #tpu.memory_space<hbm>>
      %dma_start3A_137 = arith.constant 256 : i32
      %dma_start3A_138 = tpu.memref_slice %arg7[%dma_start3A_137] : memref<1280xf32, #tpu.memory_space<vmem>> -> memref<256xf32, #tpu.memory_space<vmem>>
      tpu.enqueue_dma source(%dma_start3A_138 : memref<256xf32, #tpu.memory_space<vmem>>) target(%dma_start3A_136 : memref<256xf32, #tpu.memory_space<hbm>>) target_semaphore(%arg15 : memref<!tpu.dma_semaphore, #tpu.memory_space<semaphore_mem>>)
      %dma_start3A_139 = arith.constant 2 : i32
      %dma_start3A_140 = arith.constant 512 : i32
      %dma_start3A_141 = tpu.memref_slice %arg7[%dma_start3A_140] : memref<1280xf32, #tpu.memory_space<vmem>> -> memref<256xf32, #tpu.memory_space<vmem>>
      %dma_start3A_142 = tpu.memref_slice %arg4[%dma_start3A_139, %add3A_48, %multiple_of3A] : memref<50x64x4096xf32, #tpu.memory_space<hbm>> -> memref<1x1x256xf32, #tpu.memory_space<hbm>>
      %dma_start3A_143 = tpu.memref_squeeze %dma_start3A_142 : memref<1x1x256xf32, #tpu.memory_space<hbm>> -> memref<256xf32, #tpu.memory_space<hbm>>
      %dma_start3A_144 = tpu.memref_slice %arg4[%dma_start3A_139, %add3A_48, %multiple_of3A] : memref<50x64x4096xf32, #tpu.memory_space<hbm>> -> memref<1x1x256xf32, #tpu.memory_space<hbm>>
      %dma_start3A_145 = tpu.memref_squeeze %dma_start3A_144 : memref<1x1x256xf32, #tpu.memory_space<hbm>> -> memref<256xf32, #tpu.memory_space<hbm>>
      %dma_start3A_146 = arith.constant 512 : i32
      %dma_start3A_147 = tpu.memref_slice %arg7[%dma_start3A_146] : memref<1280xf32, #tpu.memory_space<vmem>> -> memref<256xf32, #tpu.memory_space<vmem>>
      tpu.enqueue_dma source(%dma_start3A_147 : memref<256xf32, #tpu.memory_space<vmem>>) target(%dma_start3A_145 : memref<256xf32, #tpu.memory_space<hbm>>) target_semaphore(%arg15 : memref<!tpu.dma_semaphore, #tpu.memory_space<semaphore_mem>>)
      %dma_start3A_148 = arith.constant 3 : i32
      %dma_start3A_149 = arith.constant 768 : i32
      %dma_start3A_150 = tpu.memref_slice %arg7[%dma_start3A_149] : memref<1280xf32, #tpu.memory_space<vmem>> -> memref<256xf32, #tpu.memory_space<vmem>>
      %dma_start3A_151 = tpu.memref_slice %arg4[%dma_start3A_148, %add3A_48, %multiple_of3A] : memref<50x64x4096xf32, #tpu.memory_space<hbm>> -> memref<1x1x256xf32, #tpu.memory_space<hbm>>
      %dma_start3A_152 = tpu.memref_squeeze %dma_start3A_151 : memref<1x1x256xf32, #tpu.memory_space<hbm>> -> memref<256xf32, #tpu.memory_space<hbm>>
      %dma_start3A_153 = tpu.memref_slice %arg4[%dma_start3A_148, %add3A_48, %multiple_of3A] : memref<50x64x4096xf32, #tpu.memory_space<hbm>> -> memref<1x1x256xf32, #tpu.memory_space<hbm>>
      %dma_start3A_154 = tpu.memref_squeeze %dma_start3A_153 : memref<1x1x256xf32, #tpu.memory_space<hbm>> -> memref<256xf32, #tpu.memory_space<hbm>>
      %dma_start3A_155 = arith.constant 768 : i32
      %dma_start3A_156 = tpu.memref_slice %arg7[%dma_start3A_155] : memref<1280xf32, #tpu.memory_space<vmem>> -> memref<256xf32, #tpu.memory_space<vmem>>
      tpu.enqueue_dma source(%dma_start3A_156 : memref<256xf32, #tpu.memory_space<vmem>>) target(%dma_start3A_154 : memref<256xf32, #tpu.memory_space<hbm>>) target_semaphore(%arg15 : memref<!tpu.dma_semaphore, #tpu.memory_space<semaphore_mem>>)
      %dma_start3A_157 = arith.constant 4 : i32
      %dma_start3A_158 = arith.constant 1024 : i32
      %dma_start3A_159 = tpu.memref_slice %arg7[%dma_start3A_158] : memref<1280xf32, #tpu.memory_space<vmem>> -> memref<256xf32, #tpu.memory_space<vmem>>
      %dma_start3A_160 = tpu.memref_slice %arg4[%dma_start3A_157, %add3A_48, %multiple_of3A] : memref<50x64x4096xf32, #tpu.memory_space<hbm>> -> memref<1x1x256xf32, #tpu.memory_space<hbm>>
      %dma_start3A_161 = tpu.memref_squeeze %dma_start3A_160 : memref<1x1x256xf32, #tpu.memory_space<hbm>> -> memref<256xf32, #tpu.memory_space<hbm>>
      %dma_start3A_162 = tpu.memref_slice %arg4[%dma_start3A_157, %add3A_48, %multiple_of3A] : memref<50x64x4096xf32, #tpu.memory_space<hbm>> -> memref<1x1x256xf32, #tpu.memory_space<hbm>>
      %dma_start3A_163 = tpu.memref_squeeze %dma_start3A_162 : memref<1x1x256xf32, #tpu.memory_space<hbm>> -> memref<256xf32, #tpu.memory_space<hbm>>
      %dma_start3A_164 = arith.constant 1024 : i32
      %dma_start3A_165 = tpu.memref_slice %arg7[%dma_start3A_164] : memref<1280xf32, #tpu.memory_space<vmem>> -> memref<256xf32, #tpu.memory_space<vmem>>
      tpu.enqueue_dma source(%dma_start3A_165 : memref<256xf32, #tpu.memory_space<vmem>>) target(%dma_start3A_163 : memref<256xf32, #tpu.memory_space<hbm>>) target_semaphore(%arg15 : memref<!tpu.dma_semaphore, #tpu.memory_space<semaphore_mem>>)
      %dma_wait3A_166 = arith.constant 0 : i32
      %dma_wait3A_167 = arith.constant 0 : i32
      %dma_wait3A_168 = tpu.memref_slice %arg3[%dma_wait3A_166, %dma_wait3A_167] : memref<64x1000000xf32, #tpu.memory_space<hbm>> -> memref<1x1280xf32, #tpu.memory_space<hbm>>
      %dma_wait3A_169 = tpu.memref_squeeze %dma_wait3A_168 : memref<1x1280xf32, #tpu.memory_space<hbm>> -> memref<1280xf32, #tpu.memory_space<hbm>>
      %dma_wait3A_170 = arith.constant 0 : i32
      %dma_wait3A_171 = tpu.memref_slice %arg3[%dma_wait3A_166, %dma_wait3A_170] : memref<64x1000000xf32, #tpu.memory_space<hbm>> -> memref<1x1280xf32, #tpu.memory_space<hbm>>
      %dma_wait3A_172 = tpu.memref_squeeze %dma_wait3A_171 : memref<1x1280xf32, #tpu.memory_space<hbm>> -> memref<1280xf32, #tpu.memory_space<hbm>>
      tpu.wait_dma2 semaphore(%arg15 : memref<!tpu.dma_semaphore, #tpu.memory_space<semaphore_mem>>) src(%dma_wait3A_172 : memref<1280xf32, #tpu.memory_space<hbm>>) dst(%arg7 : memref<1280xf32, #tpu.memory_space<vmem>>)
      %dma_wait3A_173 = arith.constant 2560 : i32
      %dma_wait3A_174 = tpu.memref_slice %arg2[%arg1, %dma_wait3A_173] : memref<16x12800xi32, #tpu.memory_space<hbm>> -> memref<1x1280xi32, #tpu.memory_space<hbm>>
      %dma_wait3A_175 = tpu.memref_squeeze %dma_wait3A_174 : memref<1x1280xi32, #tpu.memory_space<hbm>> -> memref<1280xi32, #tpu.memory_space<hbm>>
      %dma_wait3A_176 = arith.constant 2560 : i32
      %dma_wait3A_177 = tpu.memref_slice %arg2[%arg1, %dma_wait3A_176] : memref<16x12800xi32, #tpu.memory_space<hbm>> -> memref<1x1280xi32, #tpu.memory_space<hbm>>
      %dma_wait3A_178 = tpu.memref_squeeze %dma_wait3A_177 : memref<1x1280xi32, #tpu.memory_space<hbm>> -> memref<1280xi32, #tpu.memory_space<hbm>>
      tpu.wait_dma2 semaphore(%arg13 : memref<!tpu.dma_semaphore, #tpu.memory_space<semaphore_mem>>) src(%dma_wait3A_178 : memref<1280xi32, #tpu.memory_space<hbm>>) dst(%arg5 : memref<1280xi32, #tpu.memory_space<vmem>>)
      %dma_start3A_179 = arith.constant 0 : i32
      %dma_start3A_180 = arith.constant 0 : i32
      %dma_start3A_181 = tpu.memref_slice %arg9[%dma_start3A_179, %dma_start3A_180] : memref<1x1000000xf32, #tpu.memory_space<vmem_shared>> -> memref<1x1000000xf32, #tpu.memory_space<vmem_shared>>
      %dma_start3A_182 = tpu.memref_squeeze %dma_start3A_181 : memref<1x1000000xf32, #tpu.memory_space<vmem_shared>> -> memref<1000000xf32, #tpu.memory_space<vmem_shared>>
      %dma_start3A_183 = arith.constant 0 : i32
      %dma_start3A_184 = tpu.memref_slice %dma_start3A_182[%dma_start3A_183] : memref<1000000xf32, #tpu.memory_space<vmem_shared>> -> memref<1000000xf32, #tpu.memory_space<vmem_shared>>
      tpu.enqueue_indirect_dma source(%dma_start3A_184 : memref<1000000xf32, #tpu.memory_space<vmem_shared>>) target(%arg7 : memref<1280xf32, #tpu.memory_space<vmem>>) offsets(%arg5 : memref<1280xi32, #tpu.memory_space<vmem>>) semaphore(%arg14 : memref<!tpu.dma_semaphore, #tpu.memory_space<semaphore_mem>>)
      %dma_wait3A_185 = arith.constant 0 : i32
      %dma_wait3A_186 = arith.constant 0 : i32
      %dma_wait3A_187 = tpu.memref_slice %arg3[%dma_wait3A_185, %dma_wait3A_186] : memref<64x1000000xf32, #tpu.memory_space<hbm>> -> memref<1x1280xf32, #tpu.memory_space<hbm>>
      %dma_wait3A_188 = tpu.memref_squeeze %dma_wait3A_187 : memref<1x1280xf32, #tpu.memory_space<hbm>> -> memref<1280xf32, #tpu.memory_space<hbm>>
      %dma_wait3A_189 = arith.constant 0 : i32
      %dma_wait3A_190 = tpu.memref_slice %arg3[%dma_wait3A_185, %dma_wait3A_189] : memref<64x1000000xf32, #tpu.memory_space<hbm>> -> memref<1x1280xf32, #tpu.memory_space<hbm>>
      %dma_wait3A_191 = tpu.memref_squeeze %dma_wait3A_190 : memref<1x1280xf32, #tpu.memory_space<hbm>> -> memref<1280xf32, #tpu.memory_space<hbm>>
      tpu.wait_dma2 semaphore(%arg14 : memref<!tpu.dma_semaphore, #tpu.memory_space<semaphore_mem>>) src(%dma_wait3A_191 : memref<1280xf32, #tpu.memory_space<hbm>>) dst(%arg8 : memref<1280xf32, #tpu.memory_space<vmem>>)
      %dma_start3A_192 = arith.constant 3840 : i32
      %dma_start3A_193 = tpu.memref_slice %arg2[%arg1, %dma_start3A_192] : memref<16x12800xi32, #tpu.memory_space<hbm>> -> memref<1x1280xi32, #tpu.memory_space<hbm>>
      %dma_start3A_194 = tpu.memref_squeeze %dma_start3A_193 : memref<1x1280xi32, #tpu.memory_space<hbm>> -> memref<1280xi32, #tpu.memory_space<hbm>>
      %dma_start3A_195 = arith.constant 3840 : i32
      %dma_start3A_196 = tpu.memref_slice %arg2[%arg1, %dma_start3A_195] : memref<16x12800xi32, #tpu.memory_space<hbm>> -> memref<1x1280xi32, #tpu.memory_space<hbm>>
      %dma_start3A_197 = tpu.memref_squeeze %dma_start3A_196 : memref<1x1280xi32, #tpu.memory_space<hbm>> -> memref<1280xi32, #tpu.memory_space<hbm>>
      tpu.enqueue_dma source(%dma_start3A_197 : memref<1280xi32, #tpu.memory_space<hbm>>) target(%arg6 : memref<1280xi32, #tpu.memory_space<vmem>>) target_semaphore(%arg13 : memref<!tpu.dma_semaphore, #tpu.memory_space<semaphore_mem>>)
      %dma_start3A_198 = arith.constant 5 : i32
      %dma_start3A_199 = arith.constant 0 : i32
      %dma_start3A_200 = tpu.memref_slice %arg8[%dma_start3A_199] : memref<1280xf32, #tpu.memory_space<vmem>> -> memref<256xf32, #tpu.memory_space<vmem>>
      %dma_start3A_201 = tpu.memref_slice %arg4[%dma_start3A_198, %add3A_48, %multiple_of3A] : memref<50x64x4096xf32, #tpu.memory_space<hbm>> -> memref<1x1x256xf32, #tpu.memory_space<hbm>>
      %dma_start3A_202 = tpu.memref_squeeze %dma_start3A_201 : memref<1x1x256xf32, #tpu.memory_space<hbm>> -> memref<256xf32, #tpu.memory_space<hbm>>
      %dma_start3A_203 = tpu.memref_slice %arg4[%dma_start3A_198, %add3A_48, %multiple_of3A] : memref<50x64x4096xf32, #tpu.memory_space<hbm>> -> memref<1x1x256xf32, #tpu.memory_space<hbm>>
      %dma_start3A_204 = tpu.memref_squeeze %dma_start3A_203 : memref<1x1x256xf32, #tpu.memory_space<hbm>> -> memref<256xf32, #tpu.memory_space<hbm>>
      %dma_start3A_205 = arith.constant 0 : i32
      %dma_start3A_206 = tpu.memref_slice %arg8[%dma_start3A_205] : memref<1280xf32, #tpu.memory_space<vmem>> -> memref<256xf32, #tpu.memory_space<vmem>>
      tpu.enqueue_dma source(%dma_start3A_206 : memref<256xf32, #tpu.memory_space<vmem>>) target(%dma_start3A_204 : memref<256xf32, #tpu.memory_space<hbm>>) target_semaphore(%arg16 : memref<!tpu.dma_semaphore, #tpu.memory_space<semaphore_mem>>)
      %dma_start3A_207 = arith.constant 6 : i32
      %dma_start3A_208 = arith.constant 256 : i32
      %dma_start3A_209 = tpu.memref_slice %arg8[%dma_start3A_208] : memref<1280xf32, #tpu.memory_space<vmem>> -> memref<256xf32, #tpu.memory_space<vmem>>
      %dma_start3A_210 = tpu.memref_slice %arg4[%dma_start3A_207, %add3A_48, %multiple_of3A] : memref<50x64x4096xf32, #tpu.memory_space<hbm>> -> memref<1x1x256xf32, #tpu.memory_space<hbm>>
      %dma_start3A_211 = tpu.memref_squeeze %dma_start3A_210 : memref<1x1x256xf32, #tpu.memory_space<hbm>> -> memref<256xf32, #tpu.memory_space<hbm>>
      %dma_start3A_212 = tpu.memref_slice %arg4[%dma_start3A_207, %add3A_48, %multiple_of3A] : memref<50x64x4096xf32, #tpu.memory_space<hbm>> -> memref<1x1x256xf32, #tpu.memory_space<hbm>>
      %dma_start3A_213 = tpu.memref_squeeze %dma_start3A_212 : memref<1x1x256xf32, #tpu.memory_space<hbm>> -> memref<256xf32, #tpu.memory_space<hbm>>
      %dma_start3A_214 = arith.constant 256 : i32
      %dma_start3A_215 = tpu.memref_slice %arg8[%dma_start3A_214] : memref<1280xf32, #tpu.memory_space<vmem>> -> memref<256xf32, #tpu.memory_space<vmem>>
      tpu.enqueue_dma source(%dma_start3A_215 : memref<256xf32, #tpu.memory_space<vmem>>) target(%dma_start3A_213 : memref<256xf32, #tpu.memory_space<hbm>>) target_semaphore(%arg16 : memref<!tpu.dma_semaphore, #tpu.memory_space<semaphore_mem>>)
      %dma_start3A_216 = arith.constant 7 : i32
      %dma_start3A_217 = arith.constant 512 : i32
      %dma_start3A_218 = tpu.memref_slice %arg8[%dma_start3A_217] : memref<1280xf32, #tpu.memory_space<vmem>> -> memref<256xf32, #tpu.memory_space<vmem>>
      %dma_start3A_219 = tpu.memref_slice %arg4[%dma_start3A_216, %add3A_48, %multiple_of3A] : memref<50x64x4096xf32, #tpu.memory_space<hbm>> -> memref<1x1x256xf32, #tpu.memory_space<hbm>>
      %dma_start3A_220 = tpu.memref_squeeze %dma_start3A_219 : memref<1x1x256xf32, #tpu.memory_space<hbm>> -> memref<256xf32, #tpu.memory_space<hbm>>
      %dma_start3A_221 = tpu.memref_slice %arg4[%dma_start3A_216, %add3A_48, %multiple_of3A] : memref<50x64x4096xf32, #tpu.memory_space<hbm>> -> memref<1x1x256xf32, #tpu.memory_space<hbm>>
      %dma_start3A_222 = tpu.memref_squeeze %dma_start3A_221 : memref<1x1x256xf32, #tpu.memory_space<hbm>> -> memref<256xf32, #tpu.memory_space<hbm>>
      %dma_start3A_223 = arith.constant 512 : i32
      %dma_start3A_224 = tpu.memref_slice %arg8[%dma_start3A_223] : memref<1280xf32, #tpu.memory_space<vmem>> -> memref<256xf32, #tpu.memory_space<vmem>>
      tpu.enqueue_dma source(%dma_start3A_224 : memref<256xf32, #tpu.memory_space<vmem>>) target(%dma_start3A_222 : memref<256xf32, #tpu.memory_space<hbm>>) target_semaphore(%arg16 : memref<!tpu.dma_semaphore, #tpu.memory_space<semaphore_mem>>)
      %dma_start3A_225 = arith.constant 8 : i32
      %dma_start3A_226 = arith.constant 768 : i32
      %dma_start3A_227 = tpu.memref_slice %arg8[%dma_start3A_226] : memref<1280xf32, #tpu.memory_space<vmem>> -> memref<256xf32, #tpu.memory_space<vmem>>
      %dma_start3A_228 = tpu.memref_slice %arg4[%dma_start3A_225, %add3A_48, %multiple_of3A] : memref<50x64x4096xf32, #tpu.memory_space<hbm>> -> memref<1x1x256xf32, #tpu.memory_space<hbm>>
      %dma_start3A_229 = tpu.memref_squeeze %dma_start3A_228 : memref<1x1x256xf32, #tpu.memory_space<hbm>> -> memref<256xf32, #tpu.memory_space<hbm>>
      %dma_start3A_230 = tpu.memref_slice %arg4[%dma_start3A_225, %add3A_48, %multiple_of3A] : memref<50x64x4096xf32, #tpu.memory_space<hbm>> -> memref<1x1x256xf32, #tpu.memory_space<hbm>>
      %dma_start3A_231 = tpu.memref_squeeze %dma_start3A_230 : memref<1x1x256xf32, #tpu.memory_space<hbm>> -> memref<256xf32, #tpu.memory_space<hbm>>
      %dma_start3A_232 = arith.constant 768 : i32
      %dma_start3A_233 = tpu.memref_slice %arg8[%dma_start3A_232] : memref<1280xf32, #tpu.memory_space<vmem>> -> memref<256xf32, #tpu.memory_space<vmem>>
      tpu.enqueue_dma source(%dma_start3A_233 : memref<256xf32, #tpu.memory_space<vmem>>) target(%dma_start3A_231 : memref<256xf32, #tpu.memory_space<hbm>>) target_semaphore(%arg16 : memref<!tpu.dma_semaphore, #tpu.memory_space<semaphore_mem>>)
      %dma_start3A_234 = arith.constant 9 : i32
      %dma_start3A_235 = arith.constant 1024 : i32
      %dma_start3A_236 = tpu.memref_slice %arg8[%dma_start3A_235] : memref<1280xf32, #tpu.memory_space<vmem>> -> memref<256xf32, #tpu.memory_space<vmem>>
      %dma_start3A_237 = tpu.memref_slice %arg4[%dma_start3A_234, %add3A_48, %multiple_of3A] : memref<50x64x4096xf32, #tpu.memory_space<hbm>> -> memref<1x1x256xf32, #tpu.memory_space<hbm>>
      %dma_start3A_238 = tpu.memref_squeeze %dma_start3A_237 : memref<1x1x256xf32, #tpu.memory_space<hbm>> -> memref<256xf32, #tpu.memory_space<hbm>>
      %dma_start3A_239 = tpu.memref_slice %arg4[%dma_start3A_234, %add3A_48, %multiple_of3A] : memref<50x64x4096xf32, #tpu.memory_space<hbm>> -> memref<1x1x256xf32, #tpu.memory_space<hbm>>
      %dma_start3A_240 = tpu.memref_squeeze %dma_start3A_239 : memref<1x1x256xf32, #tpu.memory_space<hbm>> -> memref<256xf32, #tpu.memory_space<hbm>>
      %dma_start3A_241 = arith.constant 1024 : i32
      %dma_start3A_242 = tpu.memref_slice %arg8[%dma_start3A_241] : memref<1280xf32, #tpu.memory_space<vmem>> -> memref<256xf32, #tpu.memory_space<vmem>>
      tpu.enqueue_dma source(%dma_start3A_242 : memref<256xf32, #tpu.memory_space<vmem>>) target(%dma_start3A_240 : memref<256xf32, #tpu.memory_space<hbm>>) target_semaphore(%arg16 : memref<!tpu.dma_semaphore, #tpu.memory_space<semaphore_mem>>)
      %dma_wait3A_243 = arith.constant 0 : i32
      %dma_wait3A_244 = arith.constant 0 : i32
      %dma_wait3A_245 = tpu.memref_slice %arg3[%dma_wait3A_243, %dma_wait3A_244] : memref<64x1000000xf32, #tpu.memory_space<hbm>> -> memref<1x1280xf32, #tpu.memory_space<hbm>>
      %dma_wait3A_246 = tpu.memref_squeeze %dma_wait3A_245 : memref<1x1280xf32, #tpu.memory_space<hbm>> -> memref<1280xf32, #tpu.memory_space<hbm>>
      %dma_wait3A_247 = arith.constant 0 : i32
      %dma_wait3A_248 = tpu.memref_slice %arg3[%dma_wait3A_243, %dma_wait3A_247] : memref<64x1000000xf32, #tpu.memory_space<hbm>> -> memref<1x1280xf32, #tpu.memory_space<hbm>>
      %dma_wait3A_249 = tpu.memref_squeeze %dma_wait3A_248 : memref<1x1280xf32, #tpu.memory_space<hbm>> -> memref<1280xf32, #tpu.memory_space<hbm>>
      tpu.wait_dma2 semaphore(%arg16 : memref<!tpu.dma_semaphore, #tpu.memory_space<semaphore_mem>>) src(%dma_wait3A_249 : memref<1280xf32, #tpu.memory_space<hbm>>) dst(%arg8 : memref<1280xf32, #tpu.memory_space<vmem>>)
      %dma_wait3A_250 = arith.constant 3840 : i32
      %dma_wait3A_251 = tpu.memref_slice %arg2[%arg1, %dma_wait3A_250] : memref<16x12800xi32, #tpu.memory_space<hbm>> -> memref<1x1280xi32, #tpu.memory_space<hbm>>
      %dma_wait3A_252 = tpu.memref_squeeze %dma_wait3A_251 : memref<1x1280xi32, #tpu.memory_space<hbm>> -> memref<1280xi32, #tpu.memory_space<hbm>>
      %dma_wait3A_253 = arith.constant 3840 : i32
      %dma_wait3A_254 = tpu.memref_slice %arg2[%arg1, %dma_wait3A_253] : memref<16x12800xi32, #tpu.memory_space<hbm>> -> memref<1x1280xi32, #tpu.memory_space<hbm>>
      %dma_wait3A_255 = tpu.memref_squeeze %dma_wait3A_254 : memref<1x1280xi32, #tpu.memory_space<hbm>> -> memref<1280xi32, #tpu.memory_space<hbm>>
      tpu.wait_dma2 semaphore(%arg13 : memref<!tpu.dma_semaphore, #tpu.memory_space<semaphore_mem>>) src(%dma_wait3A_255 : memref<1280xi32, #tpu.memory_space<hbm>>) dst(%arg6 : memref<1280xi32, #tpu.memory_space<vmem>>)
      %dma_start3A_256 = arith.constant 0 : i32
      %dma_start3A_257 = arith.constant 0 : i32
      %dma_start3A_258 = tpu.memref_slice %arg9[%dma_start3A_256, %dma_start3A_257] : memref<1x1000000xf32, #tpu.memory_space<vmem_shared>> -> memref<1x1000000xf32, #tpu.memory_space<vmem_shared>>
      %dma_start3A_259 = tpu.memref_squeeze %dma_start3A_258 : memref<1x1000000xf32, #tpu.memory_space<vmem_shared>> -> memref<1000000xf32, #tpu.memory_space<vmem_shared>>
      %dma_start3A_260 = arith.constant 0 : i32
      %dma_start3A_261 = tpu.memref_slice %dma_start3A_259[%dma_start3A_260] : memref<1000000xf32, #tpu.memory_space<vmem_shared>> -> memref<1000000xf32, #tpu.memory_space<vmem_shared>>
      tpu.enqueue_indirect_dma source(%dma_start3A_261 : memref<1000000xf32, #tpu.memory_space<vmem_shared>>) target(%arg8 : memref<1280xf32, #tpu.memory_space<vmem>>) offsets(%arg6 : memref<1280xi32, #tpu.memory_space<vmem>>) semaphore(%arg14 : memref<!tpu.dma_semaphore, #tpu.memory_space<semaphore_mem>>)
      %dma_wait3A_262 = arith.constant 0 : i32
      %dma_wait3A_263 = arith.constant 0 : i32
      %dma_wait3A_264 = tpu.memref_slice %arg3[%dma_wait3A_262, %dma_wait3A_263] : memref<64x1000000xf32, #tpu.memory_space<hbm>> -> memref<1x1280xf32, #tpu.memory_space<hbm>>
      %dma_wait3A_265 = tpu.memref_squeeze %dma_wait3A_264 : memref<1x1280xf32, #tpu.memory_space<hbm>> -> memref<1280xf32, #tpu.memory_space<hbm>>
      %dma_wait3A_266 = arith.constant 0 : i32
      %dma_wait3A_267 = tpu.memref_slice %arg3[%dma_wait3A_262, %dma_wait3A_266] : memref<64x1000000xf32, #tpu.memory_space<hbm>> -> memref<1x1280xf32, #tpu.memory_space<hbm>>
      %dma_wait3A_268 = tpu.memref_squeeze %dma_wait3A_267 : memref<1x1280xf32, #tpu.memory_space<hbm>> -> memref<1280xf32, #tpu.memory_space<hbm>>
      tpu.wait_dma2 semaphore(%arg14 : memref<!tpu.dma_semaphore, #tpu.memory_space<semaphore_mem>>) src(%dma_wait3A_268 : memref<1280xf32, #tpu.memory_space<hbm>>) dst(%arg7 : memref<1280xf32, #tpu.memory_space<vmem>>)
      %dma_start3A_269 = arith.constant 5120 : i32
      %dma_start3A_270 = tpu.memref_slice %arg2[%arg1, %dma_start3A_269] : memref<16x12800xi32, #tpu.memory_space<hbm>> -> memref<1x1280xi32, #tpu.memory_space<hbm>>
      %dma_start3A_271 = tpu.memref_squeeze %dma_start3A_270 : memref<1x1280xi32, #tpu.memory_space<hbm>> -> memref<1280xi32, #tpu.memory_space<hbm>>
      %dma_start3A_272 = arith.constant 5120 : i32
      %dma_start3A_273 = tpu.memref_slice %arg2[%arg1, %dma_start3A_272] : memref<16x12800xi32, #tpu.memory_space<hbm>> -> memref<1x1280xi32, #tpu.memory_space<hbm>>
      %dma_start3A_274 = tpu.memref_squeeze %dma_start3A_273 : memref<1x1280xi32, #tpu.memory_space<hbm>> -> memref<1280xi32, #tpu.memory_space<hbm>>
      tpu.enqueue_dma source(%dma_start3A_274 : memref<1280xi32, #tpu.memory_space<hbm>>) target(%arg5 : memref<1280xi32, #tpu.memory_space<vmem>>) target_semaphore(%arg13 : memref<!tpu.dma_semaphore, #tpu.memory_space<semaphore_mem>>)
      %dma_start3A_275 = arith.constant 10 : i32
      %dma_start3A_276 = arith.constant 0 : i32
      %dma_start3A_277 = tpu.memref_slice %arg7[%dma_start3A_276] : memref<1280xf32, #tpu.memory_space<vmem>> -> memref<256xf32, #tpu.memory_space<vmem>>
      %dma_start3A_278 = tpu.memref_slice %arg4[%dma_start3A_275, %add3A_48, %multiple_of3A] : memref<50x64x4096xf32, #tpu.memory_space<hbm>> -> memref<1x1x256xf32, #tpu.memory_space<hbm>>
      %dma_start3A_279 = tpu.memref_squeeze %dma_start3A_278 : memref<1x1x256xf32, #tpu.memory_space<hbm>> -> memref<256xf32, #tpu.memory_space<hbm>>
      %dma_start3A_280 = tpu.memref_slice %arg4[%dma_start3A_275, %add3A_48, %multiple_of3A] : memref<50x64x4096xf32, #tpu.memory_space<hbm>> -> memref<1x1x256xf32, #tpu.memory_space<hbm>>
      %dma_start3A_281 = tpu.memref_squeeze %dma_start3A_280 : memref<1x1x256xf32, #tpu.memory_space<hbm>> -> memref<256xf32, #tpu.memory_space<hbm>>
      %dma_start3A_282 = arith.constant 0 : i32
      %dma_start3A_283 = tpu.memref_slice %arg7[%dma_start3A_282] : memref<1280xf32, #tpu.memory_space<vmem>> -> memref<256xf32, #tpu.memory_space<vmem>>
      tpu.enqueue_dma source(%dma_start3A_283 : memref<256xf32, #tpu.memory_space<vmem>>) target(%dma_start3A_281 : memref<256xf32, #tpu.memory_space<hbm>>) target_semaphore(%arg15 : memref<!tpu.dma_semaphore, #tpu.memory_space<semaphore_mem>>)
      %dma_start3A_284 = arith.constant 11 : i32
      %dma_start3A_285 = arith.constant 256 : i32
      %dma_start3A_286 = tpu.memref_slice %arg7[%dma_start3A_285] : memref<1280xf32, #tpu.memory_space<vmem>> -> memref<256xf32, #tpu.memory_space<vmem>>
      %dma_start3A_287 = tpu.memref_slice %arg4[%dma_start3A_284, %add3A_48, %multiple_of3A] : memref<50x64x4096xf32, #tpu.memory_space<hbm>> -> memref<1x1x256xf32, #tpu.memory_space<hbm>>
      %dma_start3A_288 = tpu.memref_squeeze %dma_start3A_287 : memref<1x1x256xf32, #tpu.memory_space<hbm>> -> memref<256xf32, #tpu.memory_space<hbm>>
      %dma_start3A_289 = tpu.memref_slice %arg4[%dma_start3A_284, %add3A_48, %multiple_of3A] : memref<50x64x4096xf32, #tpu.memory_space<hbm>> -> memref<1x1x256xf32, #tpu.memory_space<hbm>>
      %dma_start3A_290 = tpu.memref_squeeze %dma_start3A_289 : memref<1x1x256xf32, #tpu.memory_space<hbm>> -> memref<256xf32, #tpu.memory_space<hbm>>
      %dma_start3A_291 = arith.constant 256 : i32
      %dma_start3A_292 = tpu.memref_slice %arg7[%dma_start3A_291] : memref<1280xf32, #tpu.memory_space<vmem>> -> memref<256xf32, #tpu.memory_space<vmem>>
      tpu.enqueue_dma source(%dma_start3A_292 : memref<256xf32, #tpu.memory_space<vmem>>) target(%dma_start3A_290 : memref<256xf32, #tpu.memory_space<hbm>>) target_semaphore(%arg15 : memref<!tpu.dma_semaphore, #tpu.memory_space<semaphore_mem>>)
      %dma_start3A_293 = arith.constant 12 : i32
      %dma_start3A_294 = arith.constant 512 : i32
      %dma_start3A_295 = tpu.memref_slice %arg7[%dma_start3A_294] : memref<1280xf32, #tpu.memory_space<vmem>> -> memref<256xf32, #tpu.memory_space<vmem>>
      %dma_start3A_296 = tpu.memref_slice %arg4[%dma_start3A_293, %add3A_48, %multiple_of3A] : memref<50x64x4096xf32, #tpu.memory_space<hbm>> -> memref<1x1x256xf32, #tpu.memory_space<hbm>>
      %dma_start3A_297 = tpu.memref_squeeze %dma_start3A_296 : memref<1x1x256xf32, #tpu.memory_space<hbm>> -> memref<256xf32, #tpu.memory_space<hbm>>
      %dma_start3A_298 = tpu.memref_slice %arg4[%dma_start3A_293, %add3A_48, %multiple_of3A] : memref<50x64x4096xf32, #tpu.memory_space<hbm>> -> memref<1x1x256xf32, #tpu.memory_space<hbm>>
      %dma_start3A_299 = tpu.memref_squeeze %dma_start3A_298 : memref<1x1x256xf32, #tpu.memory_space<hbm>> -> memref<256xf32, #tpu.memory_space<hbm>>
      %dma_start3A_300 = arith.constant 512 : i32
      %dma_start3A_301 = tpu.memref_slice %arg7[%dma_start3A_300] : memref<1280xf32, #tpu.memory_space<vmem>> -> memref<256xf32, #tpu.memory_space<vmem>>
      tpu.enqueue_dma source(%dma_start3A_301 : memref<256xf32, #tpu.memory_space<vmem>>) target(%dma_start3A_299 : memref<256xf32, #tpu.memory_space<hbm>>) target_semaphore(%arg15 : memref<!tpu.dma_semaphore, #tpu.memory_space<semaphore_mem>>)
      %dma_start3A_302 = arith.constant 13 : i32
      %dma_start3A_303 = arith.constant 768 : i32
      %dma_start3A_304 = tpu.memref_slice %arg7[%dma_start3A_303] : memref<1280xf32, #tpu.memory_space<vmem>> -> memref<256xf32, #tpu.memory_space<vmem>>
      %dma_start3A_305 = tpu.memref_slice %arg4[%dma_start3A_302, %add3A_48, %multiple_of3A] : memref<50x64x4096xf32, #tpu.memory_space<hbm>> -> memref<1x1x256xf32, #tpu.memory_space<hbm>>
      %dma_start3A_306 = tpu.memref_squeeze %dma_start3A_305 : memref<1x1x256xf32, #tpu.memory_space<hbm>> -> memref<256xf32, #tpu.memory_space<hbm>>
      %dma_start3A_307 = tpu.memref_slice %arg4[%dma_start3A_302, %add3A_48, %multiple_of3A] : memref<50x64x4096xf32, #tpu.memory_space<hbm>> -> memref<1x1x256xf32, #tpu.memory_space<hbm>>
      %dma_start3A_308 = tpu.memref_squeeze %dma_start3A_307 : memref<1x1x256xf32, #tpu.memory_space<hbm>> -> memref<256xf32, #tpu.memory_space<hbm>>
      %dma_start3A_309 = arith.constant 768 : i32
      %dma_start3A_310 = tpu.memref_slice %arg7[%dma_start3A_309] : memref<1280xf32, #tpu.memory_space<vmem>> -> memref<256xf32, #tpu.memory_space<vmem>>
      tpu.enqueue_dma source(%dma_start3A_310 : memref<256xf32, #tpu.memory_space<vmem>>) target(%dma_start3A_308 : memref<256xf32, #tpu.memory_space<hbm>>) target_semaphore(%arg15 : memref<!tpu.dma_semaphore, #tpu.memory_space<semaphore_mem>>)
      %dma_start3A_311 = arith.constant 14 : i32
      %dma_start3A_312 = arith.constant 1024 : i32
      %dma_start3A_313 = tpu.memref_slice %arg7[%dma_start3A_312] : memref<1280xf32, #tpu.memory_space<vmem>> -> memref<256xf32, #tpu.memory_space<vmem>>
      %dma_start3A_314 = tpu.memref_slice %arg4[%dma_start3A_311, %add3A_48, %multiple_of3A] : memref<50x64x4096xf32, #tpu.memory_space<hbm>> -> memref<1x1x256xf32, #tpu.memory_space<hbm>>
      %dma_start3A_315 = tpu.memref_squeeze %dma_start3A_314 : memref<1x1x256xf32, #tpu.memory_space<hbm>> -> memref<256xf32, #tpu.memory_space<hbm>>
      %dma_start3A_316 = tpu.memref_slice %arg4[%dma_start3A_311, %add3A_48, %multiple_of3A] : memref<50x64x4096xf32, #tpu.memory_space<hbm>> -> memref<1x1x256xf32, #tpu.memory_space<hbm>>
      %dma_start3A_317 = tpu.memref_squeeze %dma_start3A_316 : memref<1x1x256xf32, #tpu.memory_space<hbm>> -> memref<256xf32, #tpu.memory_space<hbm>>
      %dma_start3A_318 = arith.constant 1024 : i32
      %dma_start3A_319 = tpu.memref_slice %arg7[%dma_start3A_318] : memref<1280xf32, #tpu.memory_space<vmem>> -> memref<256xf32, #tpu.memory_space<vmem>>
      tpu.enqueue_dma source(%dma_start3A_319 : memref<256xf32, #tpu.memory_space<vmem>>) target(%dma_start3A_317 : memref<256xf32, #tpu.memory_space<hbm>>) target_semaphore(%arg15 : memref<!tpu.dma_semaphore, #tpu.memory_space<semaphore_mem>>)
      %dma_wait3A_320 = arith.constant 0 : i32
      %dma_wait3A_321 = arith.constant 0 : i32
      %dma_wait3A_322 = tpu.memref_slice %arg3[%dma_wait3A_320, %dma_wait3A_321] : memref<64x1000000xf32, #tpu.memory_space<hbm>> -> memref<1x1280xf32, #tpu.memory_space<hbm>>
      %dma_wait3A_323 = tpu.memref_squeeze %dma_wait3A_322 : memref<1x1280xf32, #tpu.memory_space<hbm>> -> memref<1280xf32, #tpu.memory_space<hbm>>
      %dma_wait3A_324 = arith.constant 0 : i32
      %dma_wait3A_325 = tpu.memref_slice %arg3[%dma_wait3A_320, %dma_wait3A_324] : memref<64x1000000xf32, #tpu.memory_space<hbm>> -> memref<1x1280xf32, #tpu.memory_space<hbm>>
      %dma_wait3A_326 = tpu.memref_squeeze %dma_wait3A_325 : memref<1x1280xf32, #tpu.memory_space<hbm>> -> memref<1280xf32, #tpu.memory_space<hbm>>
      tpu.wait_dma2 semaphore(%arg15 : memref<!tpu.dma_semaphore, #tpu.memory_space<semaphore_mem>>) src(%dma_wait3A_326 : memref<1280xf32, #tpu.memory_space<hbm>>) dst(%arg7 : memref<1280xf32, #tpu.memory_space<vmem>>)
      %dma_wait3A_327 = arith.constant 5120 : i32
      %dma_wait3A_328 = tpu.memref_slice %arg2[%arg1, %dma_wait3A_327] : memref<16x12800xi32, #tpu.memory_space<hbm>> -> memref<1x1280xi32, #tpu.memory_space<hbm>>
      %dma_wait3A_329 = tpu.memref_squeeze %dma_wait3A_328 : memref<1x1280xi32, #tpu.memory_space<hbm>> -> memref<1280xi32, #tpu.memory_space<hbm>>
      %dma_wait3A_330 = arith.constant 5120 : i32
      %dma_wait3A_331 = tpu.memref_slice %arg2[%arg1, %dma_wait3A_330] : memref<16x12800xi32, #tpu.memory_space<hbm>> -> memref<1x1280xi32, #tpu.memory_space<hbm>>
      %dma_wait3A_332 = tpu.memref_squeeze %dma_wait3A_331 : memref<1x1280xi32, #tpu.memory_space<hbm>> -> memref<1280xi32, #tpu.memory_space<hbm>>
      tpu.wait_dma2 semaphore(%arg13 : memref<!tpu.dma_semaphore, #tpu.memory_space<semaphore_mem>>) src(%dma_wait3A_332 : memref<1280xi32, #tpu.memory_space<hbm>>) dst(%arg5 : memref<1280xi32, #tpu.memory_space<vmem>>)
      %dma_start3A_333 = arith.constant 0 : i32
      %dma_start3A_334 = arith.constant 0 : i32
      %dma_start3A_335 = tpu.memref_slice %arg9[%dma_start3A_333, %dma_start3A_334] : memref<1x1000000xf32, #tpu.memory_space<vmem_shared>> -> memref<1x1000000xf32, #tpu.memory_space<vmem_shared>>
      %dma_start3A_336 = tpu.memref_squeeze %dma_start3A_335 : memref<1x1000000xf32, #tpu.memory_space<vmem_shared>> -> memref<1000000xf32, #tpu.memory_space<vmem_shared>>
      %dma_start3A_337 = arith.constant 0 : i32
      %dma_start3A_338 = tpu.memref_slice %dma_start3A_336[%dma_start3A_337] : memref<1000000xf32, #tpu.memory_space<vmem_shared>> -> memref<1000000xf32, #tpu.memory_space<vmem_shared>>
      tpu.enqueue_indirect_dma source(%dma_start3A_338 : memref<1000000xf32, #tpu.memory_space<vmem_shared>>) target(%arg7 : memref<1280xf32, #tpu.memory_space<vmem>>) offsets(%arg5 : memref<1280xi32, #tpu.memory_space<vmem>>) semaphore(%arg14 : memref<!tpu.dma_semaphore, #tpu.memory_space<semaphore_mem>>)
      %dma_wait3A_339 = arith.constant 0 : i32
      %dma_wait3A_340 = arith.constant 0 : i32
      %dma_wait3A_341 = tpu.memref_slice %arg3[%dma_wait3A_339, %dma_wait3A_340] : memref<64x1000000xf32, #tpu.memory_space<hbm>> -> memref<1x1280xf32, #tpu.memory_space<hbm>>
      %dma_wait3A_342 = tpu.memref_squeeze %dma_wait3A_341 : memref<1x1280xf32, #tpu.memory_space<hbm>> -> memref<1280xf32, #tpu.memory_space<hbm>>
      %dma_wait3A_343 = arith.constant 0 : i32
      %dma_wait3A_344 = tpu.memref_slice %arg3[%dma_wait3A_339, %dma_wait3A_343] : memref<64x1000000xf32, #tpu.memory_space<hbm>> -> memref<1x1280xf32, #tpu.memory_space<hbm>>
      %dma_wait3A_345 = tpu.memref_squeeze %dma_wait3A_344 : memref<1x1280xf32, #tpu.memory_space<hbm>> -> memref<1280xf32, #tpu.memory_space<hbm>>
      tpu.wait_dma2 semaphore(%arg14 : memref<!tpu.dma_semaphore, #tpu.memory_space<semaphore_mem>>) src(%dma_wait3A_345 : memref<1280xf32, #tpu.memory_space<hbm>>) dst(%arg8 : memref<1280xf32, #tpu.memory_space<vmem>>)
      %dma_start3A_346 = arith.constant 6400 : i32
      %dma_start3A_347 = tpu.memref_slice %arg2[%arg1, %dma_start3A_346] : memref<16x12800xi32, #tpu.memory_space<hbm>> -> memref<1x1280xi32, #tpu.memory_space<hbm>>
      %dma_start3A_348 = tpu.memref_squeeze %dma_start3A_347 : memref<1x1280xi32, #tpu.memory_space<hbm>> -> memref<1280xi32, #tpu.memory_space<hbm>>
      %dma_start3A_349 = arith.constant 6400 : i32
      %dma_start3A_350 = tpu.memref_slice %arg2[%arg1, %dma_start3A_349] : memref<16x12800xi32, #tpu.memory_space<hbm>> -> memref<1x1280xi32, #tpu.memory_space<hbm>>
      %dma_start3A_351 = tpu.memref_squeeze %dma_start3A_350 : memref<1x1280xi32, #tpu.memory_space<hbm>> -> memref<1280xi32, #tpu.memory_space<hbm>>
      tpu.enqueue_dma source(%dma_start3A_351 : memref<1280xi32, #tpu.memory_space<hbm>>) target(%arg6 : memref<1280xi32, #tpu.memory_space<vmem>>) target_semaphore(%arg13 : memref<!tpu.dma_semaphore, #tpu.memory_space<semaphore_mem>>)
      %dma_start3A_352 = arith.constant 15 : i32
      %dma_start3A_353 = arith.constant 0 : i32
      %dma_start3A_354 = tpu.memref_slice %arg8[%dma_start3A_353] : memref<1280xf32, #tpu.memory_space<vmem>> -> memref<256xf32, #tpu.memory_space<vmem>>
      %dma_start3A_355 = tpu.memref_slice %arg4[%dma_start3A_352, %add3A_48, %multiple_of3A] : memref<50x64x4096xf32, #tpu.memory_space<hbm>> -> memref<1x1x256xf32, #tpu.memory_space<hbm>>
      %dma_start3A_356 = tpu.memref_squeeze %dma_start3A_355 : memref<1x1x256xf32, #tpu.memory_space<hbm>> -> memref<256xf32, #tpu.memory_space<hbm>>
      %dma_start3A_357 = tpu.memref_slice %arg4[%dma_start3A_352, %add3A_48, %multiple_of3A] : memref<50x64x4096xf32, #tpu.memory_space<hbm>> -> memref<1x1x256xf32, #tpu.memory_space<hbm>>
      %dma_start3A_358 = tpu.memref_squeeze %dma_start3A_357 : memref<1x1x256xf32, #tpu.memory_space<hbm>> -> memref<256xf32, #tpu.memory_space<hbm>>
      %dma_start3A_359 = arith.constant 0 : i32
      %dma_start3A_360 = tpu.memref_slice %arg8[%dma_start3A_359] : memref<1280xf32, #tpu.memory_space<vmem>> -> memref<256xf32, #tpu.memory_space<vmem>>
      tpu.enqueue_dma source(%dma_start3A_360 : memref<256xf32, #tpu.memory_space<vmem>>) target(%dma_start3A_358 : memref<256xf32, #tpu.memory_space<hbm>>) target_semaphore(%arg16 : memref<!tpu.dma_semaphore, #tpu.memory_space<semaphore_mem>>)
      %dma_start3A_361 = arith.constant 16 : i32
      %dma_start3A_362 = arith.constant 256 : i32
      %dma_start3A_363 = tpu.memref_slice %arg8[%dma_start3A_362] : memref<1280xf32, #tpu.memory_space<vmem>> -> memref<256xf32, #tpu.memory_space<vmem>>
      %dma_start3A_364 = tpu.memref_slice %arg4[%dma_start3A_361, %add3A_48, %multiple_of3A] : memref<50x64x4096xf32, #tpu.memory_space<hbm>> -> memref<1x1x256xf32, #tpu.memory_space<hbm>>
      %dma_start3A_365 = tpu.memref_squeeze %dma_start3A_364 : memref<1x1x256xf32, #tpu.memory_space<hbm>> -> memref<256xf32, #tpu.memory_space<hbm>>
      %dma_start3A_366 = tpu.memref_slice %arg4[%dma_start3A_361, %add3A_48, %multiple_of3A] : memref<50x64x4096xf32, #tpu.memory_space<hbm>> -> memref<1x1x256xf32, #tpu.memory_space<hbm>>
      %dma_start3A_367 = tpu.memref_squeeze %dma_start3A_366 : memref<1x1x256xf32, #tpu.memory_space<hbm>> -> memref<256xf32, #tpu.memory_space<hbm>>
      %dma_start3A_368 = arith.constant 256 : i32
      %dma_start3A_369 = tpu.memref_slice %arg8[%dma_start3A_368] : memref<1280xf32, #tpu.memory_space<vmem>> -> memref<256xf32, #tpu.memory_space<vmem>>
      tpu.enqueue_dma source(%dma_start3A_369 : memref<256xf32, #tpu.memory_space<vmem>>) target(%dma_start3A_367 : memref<256xf32, #tpu.memory_space<hbm>>) target_semaphore(%arg16 : memref<!tpu.dma_semaphore, #tpu.memory_space<semaphore_mem>>)
      %dma_start3A_370 = arith.constant 17 : i32
      %dma_start3A_371 = arith.constant 512 : i32
      %dma_start3A_372 = tpu.memref_slice %arg8[%dma_start3A_371] : memref<1280xf32, #tpu.memory_space<vmem>> -> memref<256xf32, #tpu.memory_space<vmem>>
      %dma_start3A_373 = tpu.memref_slice %arg4[%dma_start3A_370, %add3A_48, %multiple_of3A] : memref<50x64x4096xf32, #tpu.memory_space<hbm>> -> memref<1x1x256xf32, #tpu.memory_space<hbm>>
      %dma_start3A_374 = tpu.memref_squeeze %dma_start3A_373 : memref<1x1x256xf32, #tpu.memory_space<hbm>> -> memref<256xf32, #tpu.memory_space<hbm>>
      %dma_start3A_375 = tpu.memref_slice %arg4[%dma_start3A_370, %add3A_48, %multiple_of3A] : memref<50x64x4096xf32, #tpu.memory_space<hbm>> -> memref<1x1x256xf32, #tpu.memory_space<hbm>>
      %dma_start3A_376 = tpu.memref_squeeze %dma_start3A_375 : memref<1x1x256xf32, #tpu.memory_space<hbm>> -> memref<256xf32, #tpu.memory_space<hbm>>
      %dma_start3A_377 = arith.constant 512 : i32
      %dma_start3A_378 = tpu.memref_slice %arg8[%dma_start3A_377] : memref<1280xf32, #tpu.memory_space<vmem>> -> memref<256xf32, #tpu.memory_space<vmem>>
      tpu.enqueue_dma source(%dma_start3A_378 : memref<256xf32, #tpu.memory_space<vmem>>) target(%dma_start3A_376 : memref<256xf32, #tpu.memory_space<hbm>>) target_semaphore(%arg16 : memref<!tpu.dma_semaphore, #tpu.memory_space<semaphore_mem>>)
      %dma_start3A_379 = arith.constant 18 : i32
      %dma_start3A_380 = arith.constant 768 : i32
      %dma_start3A_381 = tpu.memref_slice %arg8[%dma_start3A_380] : memref<1280xf32, #tpu.memory_space<vmem>> -> memref<256xf32, #tpu.memory_space<vmem>>
      %dma_start3A_382 = tpu.memref_slice %arg4[%dma_start3A_379, %add3A_48, %multiple_of3A] : memref<50x64x4096xf32, #tpu.memory_space<hbm>> -> memref<1x1x256xf32, #tpu.memory_space<hbm>>
      %dma_start3A_383 = tpu.memref_squeeze %dma_start3A_382 : memref<1x1x256xf32, #tpu.memory_space<hbm>> -> memref<256xf32, #tpu.memory_space<hbm>>
      %dma_start3A_384 = tpu.memref_slice %arg4[%dma_start3A_379, %add3A_48, %multiple_of3A] : memref<50x64x4096xf32, #tpu.memory_space<hbm>> -> memref<1x1x256xf32, #tpu.memory_space<hbm>>
      %dma_start3A_385 = tpu.memref_squeeze %dma_start3A_384 : memref<1x1x256xf32, #tpu.memory_space<hbm>> -> memref<256xf32, #tpu.memory_space<hbm>>
      %dma_start3A_386 = arith.constant 768 : i32
      %dma_start3A_387 = tpu.memref_slice %arg8[%dma_start3A_386] : memref<1280xf32, #tpu.memory_space<vmem>> -> memref<256xf32, #tpu.memory_space<vmem>>
      tpu.enqueue_dma source(%dma_start3A_387 : memref<256xf32, #tpu.memory_space<vmem>>) target(%dma_start3A_385 : memref<256xf32, #tpu.memory_space<hbm>>) target_semaphore(%arg16 : memref<!tpu.dma_semaphore, #tpu.memory_space<semaphore_mem>>)
      %dma_start3A_388 = arith.constant 19 : i32
      %dma_start3A_389 = arith.constant 1024 : i32
      %dma_start3A_390 = tpu.memref_slice %arg8[%dma_start3A_389] : memref<1280xf32, #tpu.memory_space<vmem>> -> memref<256xf32, #tpu.memory_space<vmem>>
      %dma_start3A_391 = tpu.memref_slice %arg4[%dma_start3A_388, %add3A_48, %multiple_of3A] : memref<50x64x4096xf32, #tpu.memory_space<hbm>> -> memref<1x1x256xf32, #tpu.memory_space<hbm>>
      %dma_start3A_392 = tpu.memref_squeeze %dma_start3A_391 : memref<1x1x256xf32, #tpu.memory_space<hbm>> -> memref<256xf32, #tpu.memory_space<hbm>>
      %dma_start3A_393 = tpu.memref_slice %arg4[%dma_start3A_388, %add3A_48, %multiple_of3A] : memref<50x64x4096xf32, #tpu.memory_space<hbm>> -> memref<1x1x256xf32, #tpu.memory_space<hbm>>
      %dma_start3A_394 = tpu.memref_squeeze %dma_start3A_393 : memref<1x1x256xf32, #tpu.memory_space<hbm>> -> memref<256xf32, #tpu.memory_space<hbm>>
      %dma_start3A_395 = arith.constant 1024 : i32
      %dma_start3A_396 = tpu.memref_slice %arg8[%dma_start3A_395] : memref<1280xf32, #tpu.memory_space<vmem>> -> memref<256xf32, #tpu.memory_space<vmem>>
      tpu.enqueue_dma source(%dma_start3A_396 : memref<256xf32, #tpu.memory_space<vmem>>) target(%dma_start3A_394 : memref<256xf32, #tpu.memory_space<hbm>>) target_semaphore(%arg16 : memref<!tpu.dma_semaphore, #tpu.memory_space<semaphore_mem>>)
      %dma_wait3A_397 = arith.constant 0 : i32
      %dma_wait3A_398 = arith.constant 0 : i32
      %dma_wait3A_399 = tpu.memref_slice %arg3[%dma_wait3A_397, %dma_wait3A_398] : memref<64x1000000xf32, #tpu.memory_space<hbm>> -> memref<1x1280xf32, #tpu.memory_space<hbm>>
      %dma_wait3A_400 = tpu.memref_squeeze %dma_wait3A_399 : memref<1x1280xf32, #tpu.memory_space<hbm>> -> memref<1280xf32, #tpu.memory_space<hbm>>
      %dma_wait3A_401 = arith.constant 0 : i32
      %dma_wait3A_402 = tpu.memref_slice %arg3[%dma_wait3A_397, %dma_wait3A_401] : memref<64x1000000xf32, #tpu.memory_space<hbm>> -> memref<1x1280xf32, #tpu.memory_space<hbm>>
      %dma_wait3A_403 = tpu.memref_squeeze %dma_wait3A_402 : memref<1x1280xf32, #tpu.memory_space<hbm>> -> memref<1280xf32, #tpu.memory_space<hbm>>
      tpu.wait_dma2 semaphore(%arg16 : memref<!tpu.dma_semaphore, #tpu.memory_space<semaphore_mem>>) src(%dma_wait3A_403 : memref<1280xf32, #tpu.memory_space<hbm>>) dst(%arg8 : memref<1280xf32, #tpu.memory_space<vmem>>)
      %dma_wait3A_404 = arith.constant 6400 : i32
      %dma_wait3A_405 = tpu.memref_slice %arg2[%arg1, %dma_wait3A_404] : memref<16x12800xi32, #tpu.memory_space<hbm>> -> memref<1x1280xi32, #tpu.memory_space<hbm>>
      %dma_wait3A_406 = tpu.memref_squeeze %dma_wait3A_405 : memref<1x1280xi32, #tpu.memory_space<hbm>> -> memref<1280xi32, #tpu.memory_space<hbm>>
      %dma_wait3A_407 = arith.constant 6400 : i32
      %dma_wait3A_408 = tpu.memref_slice %arg2[%arg1, %dma_wait3A_407] : memref<16x12800xi32, #tpu.memory_space<hbm>> -> memref<1x1280xi32, #tpu.memory_space<hbm>>
      %dma_wait3A_409 = tpu.memref_squeeze %dma_wait3A_408 : memref<1x1280xi32, #tpu.memory_space<hbm>> -> memref<1280xi32, #tpu.memory_space<hbm>>
      tpu.wait_dma2 semaphore(%arg13 : memref<!tpu.dma_semaphore, #tpu.memory_space<semaphore_mem>>) src(%dma_wait3A_409 : memref<1280xi32, #tpu.memory_space<hbm>>) dst(%arg6 : memref<1280xi32, #tpu.memory_space<vmem>>)
      %dma_start3A_410 = arith.constant 0 : i32
      %dma_start3A_411 = arith.constant 0 : i32
      %dma_start3A_412 = tpu.memref_slice %arg9[%dma_start3A_410, %dma_start3A_411] : memref<1x1000000xf32, #tpu.memory_space<vmem_shared>> -> memref<1x1000000xf32, #tpu.memory_space<vmem_shared>>
      %dma_start3A_413 = tpu.memref_squeeze %dma_start3A_412 : memref<1x1000000xf32, #tpu.memory_space<vmem_shared>> -> memref<1000000xf32, #tpu.memory_space<vmem_shared>>
      %dma_start3A_414 = arith.constant 0 : i32
      %dma_start3A_415 = tpu.memref_slice %dma_start3A_413[%dma_start3A_414] : memref<1000000xf32, #tpu.memory_space<vmem_shared>> -> memref<1000000xf32, #tpu.memory_space<vmem_shared>>
      tpu.enqueue_indirect_dma source(%dma_start3A_415 : memref<1000000xf32, #tpu.memory_space<vmem_shared>>) target(%arg8 : memref<1280xf32, #tpu.memory_space<vmem>>) offsets(%arg6 : memref<1280xi32, #tpu.memory_space<vmem>>) semaphore(%arg14 : memref<!tpu.dma_semaphore, #tpu.memory_space<semaphore_mem>>)
      %dma_wait3A_416 = arith.constant 0 : i32
      %dma_wait3A_417 = arith.constant 0 : i32
      %dma_wait3A_418 = tpu.memref_slice %arg3[%dma_wait3A_416, %dma_wait3A_417] : memref<64x1000000xf32, #tpu.memory_space<hbm>> -> memref<1x1280xf32, #tpu.memory_space<hbm>>
      %dma_wait3A_419 = tpu.memref_squeeze %dma_wait3A_418 : memref<1x1280xf32, #tpu.memory_space<hbm>> -> memref<1280xf32, #tpu.memory_space<hbm>>
      %dma_wait3A_420 = arith.constant 0 : i32
      %dma_wait3A_421 = tpu.memref_slice %arg3[%dma_wait3A_416, %dma_wait3A_420] : memref<64x1000000xf32, #tpu.memory_space<hbm>> -> memref<1x1280xf32, #tpu.memory_space<hbm>>
      %dma_wait3A_422 = tpu.memref_squeeze %dma_wait3A_421 : memref<1x1280xf32, #tpu.memory_space<hbm>> -> memref<1280xf32, #tpu.memory_space<hbm>>
      tpu.wait_dma2 semaphore(%arg14 : memref<!tpu.dma_semaphore, #tpu.memory_space<semaphore_mem>>) src(%dma_wait3A_422 : memref<1280xf32, #tpu.memory_space<hbm>>) dst(%arg7 : memref<1280xf32, #tpu.memory_space<vmem>>)
      %dma_start3A_423 = arith.constant 7680 : i32
      %dma_start3A_424 = tpu.memref_slice %arg2[%arg1, %dma_start3A_423] : memref<16x12800xi32, #tpu.memory_space<hbm>> -> memref<1x1280xi32, #tpu.memory_space<hbm>>
      %dma_start3A_425 = tpu.memref_squeeze %dma_start3A_424 : memref<1x1280xi32, #tpu.memory_space<hbm>> -> memref<1280xi32, #tpu.memory_space<hbm>>
      %dma_start3A_426 = arith.constant 7680 : i32
      %dma_start3A_427 = tpu.memref_slice %arg2[%arg1, %dma_start3A_426] : memref<16x12800xi32, #tpu.memory_space<hbm>> -> memref<1x1280xi32, #tpu.memory_space<hbm>>
      %dma_start3A_428 = tpu.memref_squeeze %dma_start3A_427 : memref<1x1280xi32, #tpu.memory_space<hbm>> -> memref<1280xi32, #tpu.memory_space<hbm>>
      tpu.enqueue_dma source(%dma_start3A_428 : memref<1280xi32, #tpu.memory_space<hbm>>) target(%arg5 : memref<1280xi32, #tpu.memory_space<vmem>>) target_semaphore(%arg13 : memref<!tpu.dma_semaphore, #tpu.memory_space<semaphore_mem>>)
      %dma_start3A_429 = arith.constant 20 : i32
      %dma_start3A_430 = arith.constant 0 : i32
      %dma_start3A_431 = tpu.memref_slice %arg7[%dma_start3A_430] : memref<1280xf32, #tpu.memory_space<vmem>> -> memref<256xf32, #tpu.memory_space<vmem>>
      %dma_start3A_432 = tpu.memref_slice %arg4[%dma_start3A_429, %add3A_48, %multiple_of3A] : memref<50x64x4096xf32, #tpu.memory_space<hbm>> -> memref<1x1x256xf32, #tpu.memory_space<hbm>>
      %dma_start3A_433 = tpu.memref_squeeze %dma_start3A_432 : memref<1x1x256xf32, #tpu.memory_space<hbm>> -> memref<256xf32, #tpu.memory_space<hbm>>
      %dma_start3A_434 = tpu.memref_slice %arg4[%dma_start3A_429, %add3A_48, %multiple_of3A] : memref<50x64x4096xf32, #tpu.memory_space<hbm>> -> memref<1x1x256xf32, #tpu.memory_space<hbm>>
      %dma_start3A_435 = tpu.memref_squeeze %dma_start3A_434 : memref<1x1x256xf32, #tpu.memory_space<hbm>> -> memref<256xf32, #tpu.memory_space<hbm>>
      %dma_start3A_436 = arith.constant 0 : i32
      %dma_start3A_437 = tpu.memref_slice %arg7[%dma_start3A_436] : memref<1280xf32, #tpu.memory_space<vmem>> -> memref<256xf32, #tpu.memory_space<vmem>>
      tpu.enqueue_dma source(%dma_start3A_437 : memref<256xf32, #tpu.memory_space<vmem>>) target(%dma_start3A_435 : memref<256xf32, #tpu.memory_space<hbm>>) target_semaphore(%arg15 : memref<!tpu.dma_semaphore, #tpu.memory_space<semaphore_mem>>)
      %dma_start3A_438 = arith.constant 21 : i32
      %dma_start3A_439 = arith.constant 256 : i32
      %dma_start3A_440 = tpu.memref_slice %arg7[%dma_start3A_439] : memref<1280xf32, #tpu.memory_space<vmem>> -> memref<256xf32, #tpu.memory_space<vmem>>
      %dma_start3A_441 = tpu.memref_slice %arg4[%dma_start3A_438, %add3A_48, %multiple_of3A] : memref<50x64x4096xf32, #tpu.memory_space<hbm>> -> memref<1x1x256xf32, #tpu.memory_space<hbm>>
      %dma_start3A_442 = tpu.memref_squeeze %dma_start3A_441 : memref<1x1x256xf32, #tpu.memory_space<hbm>> -> memref<256xf32, #tpu.memory_space<hbm>>
      %dma_start3A_443 = tpu.memref_slice %arg4[%dma_start3A_438, %add3A_48, %multiple_of3A] : memref<50x64x4096xf32, #tpu.memory_space<hbm>> -> memref<1x1x256xf32, #tpu.memory_space<hbm>>
      %dma_start3A_444 = tpu.memref_squeeze %dma_start3A_443 : memref<1x1x256xf32, #tpu.memory_space<hbm>> -> memref<256xf32, #tpu.memory_space<hbm>>
      %dma_start3A_445 = arith.constant 256 : i32
      %dma_start3A_446 = tpu.memref_slice %arg7[%dma_start3A_445] : memref<1280xf32, #tpu.memory_space<vmem>> -> memref<256xf32, #tpu.memory_space<vmem>>
      tpu.enqueue_dma source(%dma_start3A_446 : memref<256xf32, #tpu.memory_space<vmem>>) target(%dma_start3A_444 : memref<256xf32, #tpu.memory_space<hbm>>) target_semaphore(%arg15 : memref<!tpu.dma_semaphore, #tpu.memory_space<semaphore_mem>>)
      %dma_start3A_447 = arith.constant 22 : i32
      %dma_start3A_448 = arith.constant 512 : i32
      %dma_start3A_449 = tpu.memref_slice %arg7[%dma_start3A_448] : memref<1280xf32, #tpu.memory_space<vmem>> -> memref<256xf32, #tpu.memory_space<vmem>>
      %dma_start3A_450 = tpu.memref_slice %arg4[%dma_start3A_447, %add3A_48, %multiple_of3A] : memref<50x64x4096xf32, #tpu.memory_space<hbm>> -> memref<1x1x256xf32, #tpu.memory_space<hbm>>
      %dma_start3A_451 = tpu.memref_squeeze %dma_start3A_450 : memref<1x1x256xf32, #tpu.memory_space<hbm>> -> memref<256xf32, #tpu.memory_space<hbm>>
      %dma_start3A_452 = tpu.memref_slice %arg4[%dma_start3A_447, %add3A_48, %multiple_of3A] : memref<50x64x4096xf32, #tpu.memory_space<hbm>> -> memref<1x1x256xf32, #tpu.memory_space<hbm>>
      %dma_start3A_453 = tpu.memref_squeeze %dma_start3A_452 : memref<1x1x256xf32, #tpu.memory_space<hbm>> -> memref<256xf32, #tpu.memory_space<hbm>>
      %dma_start3A_454 = arith.constant 512 : i32
      %dma_start3A_455 = tpu.memref_slice %arg7[%dma_start3A_454] : memref<1280xf32, #tpu.memory_space<vmem>> -> memref<256xf32, #tpu.memory_space<vmem>>
      tpu.enqueue_dma source(%dma_start3A_455 : memref<256xf32, #tpu.memory_space<vmem>>) target(%dma_start3A_453 : memref<256xf32, #tpu.memory_space<hbm>>) target_semaphore(%arg15 : memref<!tpu.dma_semaphore, #tpu.memory_space<semaphore_mem>>)
      %dma_start3A_456 = arith.constant 23 : i32
      %dma_start3A_457 = arith.constant 768 : i32
      %dma_start3A_458 = tpu.memref_slice %arg7[%dma_start3A_457] : memref<1280xf32, #tpu.memory_space<vmem>> -> memref<256xf32, #tpu.memory_space<vmem>>
      %dma_start3A_459 = tpu.memref_slice %arg4[%dma_start3A_456, %add3A_48, %multiple_of3A] : memref<50x64x4096xf32, #tpu.memory_space<hbm>> -> memref<1x1x256xf32, #tpu.memory_space<hbm>>
      %dma_start3A_460 = tpu.memref_squeeze %dma_start3A_459 : memref<1x1x256xf32, #tpu.memory_space<hbm>> -> memref<256xf32, #tpu.memory_space<hbm>>
      %dma_start3A_461 = tpu.memref_slice %arg4[%dma_start3A_456, %add3A_48, %multiple_of3A] : memref<50x64x4096xf32, #tpu.memory_space<hbm>> -> memref<1x1x256xf32, #tpu.memory_space<hbm>>
      %dma_start3A_462 = tpu.memref_squeeze %dma_start3A_461 : memref<1x1x256xf32, #tpu.memory_space<hbm>> -> memref<256xf32, #tpu.memory_space<hbm>>
      %dma_start3A_463 = arith.constant 768 : i32
      %dma_start3A_464 = tpu.memref_slice %arg7[%dma_start3A_463] : memref<1280xf32, #tpu.memory_space<vmem>> -> memref<256xf32, #tpu.memory_space<vmem>>
      tpu.enqueue_dma source(%dma_start3A_464 : memref<256xf32, #tpu.memory_space<vmem>>) target(%dma_start3A_462 : memref<256xf32, #tpu.memory_space<hbm>>) target_semaphore(%arg15 : memref<!tpu.dma_semaphore, #tpu.memory_space<semaphore_mem>>)
      %dma_start3A_465 = arith.constant 24 : i32
      %dma_start3A_466 = arith.constant 1024 : i32
      %dma_start3A_467 = tpu.memref_slice %arg7[%dma_start3A_466] : memref<1280xf32, #tpu.memory_space<vmem>> -> memref<256xf32, #tpu.memory_space<vmem>>
      %dma_start3A_468 = tpu.memref_slice %arg4[%dma_start3A_465, %add3A_48, %multiple_of3A] : memref<50x64x4096xf32, #tpu.memory_space<hbm>> -> memref<1x1x256xf32, #tpu.memory_space<hbm>>
      %dma_start3A_469 = tpu.memref_squeeze %dma_start3A_468 : memref<1x1x256xf32, #tpu.memory_space<hbm>> -> memref<256xf32, #tpu.memory_space<hbm>>
      %dma_start3A_470 = tpu.memref_slice %arg4[%dma_start3A_465, %add3A_48, %multiple_of3A] : memref<50x64x4096xf32, #tpu.memory_space<hbm>> -> memref<1x1x256xf32, #tpu.memory_space<hbm>>
      %dma_start3A_471 = tpu.memref_squeeze %dma_start3A_470 : memref<1x1x256xf32, #tpu.memory_space<hbm>> -> memref<256xf32, #tpu.memory_space<hbm>>
      %dma_start3A_472 = arith.constant 1024 : i32
      %dma_start3A_473 = tpu.memref_slice %arg7[%dma_start3A_472] : memref<1280xf32, #tpu.memory_space<vmem>> -> memref<256xf32, #tpu.memory_space<vmem>>
      tpu.enqueue_dma source(%dma_start3A_473 : memref<256xf32, #tpu.memory_space<vmem>>) target(%dma_start3A_471 : memref<256xf32, #tpu.memory_space<hbm>>) target_semaphore(%arg15 : memref<!tpu.dma_semaphore, #tpu.memory_space<semaphore_mem>>)
      %dma_wait3A_474 = arith.constant 0 : i32
      %dma_wait3A_475 = arith.constant 0 : i32
      %dma_wait3A_476 = tpu.memref_slice %arg3[%dma_wait3A_474, %dma_wait3A_475] : memref<64x1000000xf32, #tpu.memory_space<hbm>> -> memref<1x1280xf32, #tpu.memory_space<hbm>>
      %dma_wait3A_477 = tpu.memref_squeeze %dma_wait3A_476 : memref<1x1280xf32, #tpu.memory_space<hbm>> -> memref<1280xf32, #tpu.memory_space<hbm>>
      %dma_wait3A_478 = arith.constant 0 : i32
      %dma_wait3A_479 = tpu.memref_slice %arg3[%dma_wait3A_474, %dma_wait3A_478] : memref<64x1000000xf32, #tpu.memory_space<hbm>> -> memref<1x1280xf32, #tpu.memory_space<hbm>>
      %dma_wait3A_480 = tpu.memref_squeeze %dma_wait3A_479 : memref<1x1280xf32, #tpu.memory_space<hbm>> -> memref<1280xf32, #tpu.memory_space<hbm>>
      tpu.wait_dma2 semaphore(%arg15 : memref<!tpu.dma_semaphore, #tpu.memory_space<semaphore_mem>>) src(%dma_wait3A_480 : memref<1280xf32, #tpu.memory_space<hbm>>) dst(%arg7 : memref<1280xf32, #tpu.memory_space<vmem>>)
      %dma_wait3A_481 = arith.constant 7680 : i32
      %dma_wait3A_482 = tpu.memref_slice %arg2[%arg1, %dma_wait3A_481] : memref<16x12800xi32, #tpu.memory_space<hbm>> -> memref<1x1280xi32, #tpu.memory_space<hbm>>
      %dma_wait3A_483 = tpu.memref_squeeze %dma_wait3A_482 : memref<1x1280xi32, #tpu.memory_space<hbm>> -> memref<1280xi32, #tpu.memory_space<hbm>>
      %dma_wait3A_484 = arith.constant 7680 : i32
      %dma_wait3A_485 = tpu.memref_slice %arg2[%arg1, %dma_wait3A_484] : memref<16x12800xi32, #tpu.memory_space<hbm>> -> memref<1x1280xi32, #tpu.memory_space<hbm>>
      %dma_wait3A_486 = tpu.memref_squeeze %dma_wait3A_485 : memref<1x1280xi32, #tpu.memory_space<hbm>> -> memref<1280xi32, #tpu.memory_space<hbm>>
      tpu.wait_dma2 semaphore(%arg13 : memref<!tpu.dma_semaphore, #tpu.memory_space<semaphore_mem>>) src(%dma_wait3A_486 : memref<1280xi32, #tpu.memory_space<hbm>>) dst(%arg5 : memref<1280xi32, #tpu.memory_space<vmem>>)
      %dma_start3A_487 = arith.constant 0 : i32
      %dma_start3A_488 = arith.constant 0 : i32
      %dma_start3A_489 = tpu.memref_slice %arg9[%dma_start3A_487, %dma_start3A_488] : memref<1x1000000xf32, #tpu.memory_space<vmem_shared>> -> memref<1x1000000xf32, #tpu.memory_space<vmem_shared>>
      %dma_start3A_490 = tpu.memref_squeeze %dma_start3A_489 : memref<1x1000000xf32, #tpu.memory_space<vmem_shared>> -> memref<1000000xf32, #tpu.memory_space<vmem_shared>>
      %dma_start3A_491 = arith.constant 0 : i32
      %dma_start3A_492 = tpu.memref_slice %dma_start3A_490[%dma_start3A_491] : memref<1000000xf32, #tpu.memory_space<vmem_shared>> -> memref<1000000xf32, #tpu.memory_space<vmem_shared>>
      tpu.enqueue_indirect_dma source(%dma_start3A_492 : memref<1000000xf32, #tpu.memory_space<vmem_shared>>) target(%arg7 : memref<1280xf32, #tpu.memory_space<vmem>>) offsets(%arg5 : memref<1280xi32, #tpu.memory_space<vmem>>) semaphore(%arg14 : memref<!tpu.dma_semaphore, #tpu.memory_space<semaphore_mem>>)
      %dma_wait3A_493 = arith.constant 0 : i32
      %dma_wait3A_494 = arith.constant 0 : i32
      %dma_wait3A_495 = tpu.memref_slice %arg3[%dma_wait3A_493, %dma_wait3A_494] : memref<64x1000000xf32, #tpu.memory_space<hbm>> -> memref<1x1280xf32, #tpu.memory_space<hbm>>
      %dma_wait3A_496 = tpu.memref_squeeze %dma_wait3A_495 : memref<1x1280xf32, #tpu.memory_space<hbm>> -> memref<1280xf32, #tpu.memory_space<hbm>>
      %dma_wait3A_497 = arith.constant 0 : i32
      %dma_wait3A_498 = tpu.memref_slice %arg3[%dma_wait3A_493, %dma_wait3A_497] : memref<64x1000000xf32, #tpu.memory_space<hbm>> -> memref<1x1280xf32, #tpu.memory_space<hbm>>
      %dma_wait3A_499 = tpu.memref_squeeze %dma_wait3A_498 : memref<1x1280xf32, #tpu.memory_space<hbm>> -> memref<1280xf32, #tpu.memory_space<hbm>>
      tpu.wait_dma2 semaphore(%arg14 : memref<!tpu.dma_semaphore, #tpu.memory_space<semaphore_mem>>) src(%dma_wait3A_499 : memref<1280xf32, #tpu.memory_space<hbm>>) dst(%arg8 : memref<1280xf32, #tpu.memory_space<vmem>>)
      %dma_start3A_500 = arith.constant 8960 : i32
      %dma_start3A_501 = tpu.memref_slice %arg2[%arg1, %dma_start3A_500] : memref<16x12800xi32, #tpu.memory_space<hbm>> -> memref<1x1280xi32, #tpu.memory_space<hbm>>
      %dma_start3A_502 = tpu.memref_squeeze %dma_start3A_501 : memref<1x1280xi32, #tpu.memory_space<hbm>> -> memref<1280xi32, #tpu.memory_space<hbm>>
      %dma_start3A_503 = arith.constant 8960 : i32
      %dma_start3A_504 = tpu.memref_slice %arg2[%arg1, %dma_start3A_503] : memref<16x12800xi32, #tpu.memory_space<hbm>> -> memref<1x1280xi32, #tpu.memory_space<hbm>>
      %dma_start3A_505 = tpu.memref_squeeze %dma_start3A_504 : memref<1x1280xi32, #tpu.memory_space<hbm>> -> memref<1280xi32, #tpu.memory_space<hbm>>
      tpu.enqueue_dma source(%dma_start3A_505 : memref<1280xi32, #tpu.memory_space<hbm>>) target(%arg6 : memref<1280xi32, #tpu.memory_space<vmem>>) target_semaphore(%arg13 : memref<!tpu.dma_semaphore, #tpu.memory_space<semaphore_mem>>)
      %dma_start3A_506 = arith.constant 25 : i32
      %dma_start3A_507 = arith.constant 0 : i32
      %dma_start3A_508 = tpu.memref_slice %arg8[%dma_start3A_507] : memref<1280xf32, #tpu.memory_space<vmem>> -> memref<256xf32, #tpu.memory_space<vmem>>
      %dma_start3A_509 = tpu.memref_slice %arg4[%dma_start3A_506, %add3A_48, %multiple_of3A] : memref<50x64x4096xf32, #tpu.memory_space<hbm>> -> memref<1x1x256xf32, #tpu.memory_space<hbm>>
      %dma_start3A_510 = tpu.memref_squeeze %dma_start3A_509 : memref<1x1x256xf32, #tpu.memory_space<hbm>> -> memref<256xf32, #tpu.memory_space<hbm>>
      %dma_start3A_511 = tpu.memref_slice %arg4[%dma_start3A_506, %add3A_48, %multiple_of3A] : memref<50x64x4096xf32, #tpu.memory_space<hbm>> -> memref<1x1x256xf32, #tpu.memory_space<hbm>>
      %dma_start3A_512 = tpu.memref_squeeze %dma_start3A_511 : memref<1x1x256xf32, #tpu.memory_space<hbm>> -> memref<256xf32, #tpu.memory_space<hbm>>
      %dma_start3A_513 = arith.constant 0 : i32
      %dma_start3A_514 = tpu.memref_slice %arg8[%dma_start3A_513] : memref<1280xf32, #tpu.memory_space<vmem>> -> memref<256xf32, #tpu.memory_space<vmem>>
      tpu.enqueue_dma source(%dma_start3A_514 : memref<256xf32, #tpu.memory_space<vmem>>) target(%dma_start3A_512 : memref<256xf32, #tpu.memory_space<hbm>>) target_semaphore(%arg16 : memref<!tpu.dma_semaphore, #tpu.memory_space<semaphore_mem>>)
      %dma_start3A_515 = arith.constant 26 : i32
      %dma_start3A_516 = arith.constant 256 : i32
      %dma_start3A_517 = tpu.memref_slice %arg8[%dma_start3A_516] : memref<1280xf32, #tpu.memory_space<vmem>> -> memref<256xf32, #tpu.memory_space<vmem>>
      %dma_start3A_518 = tpu.memref_slice %arg4[%dma_start3A_515, %add3A_48, %multiple_of3A] : memref<50x64x4096xf32, #tpu.memory_space<hbm>> -> memref<1x1x256xf32, #tpu.memory_space<hbm>>
      %dma_start3A_519 = tpu.memref_squeeze %dma_start3A_518 : memref<1x1x256xf32, #tpu.memory_space<hbm>> -> memref<256xf32, #tpu.memory_space<hbm>>
      %dma_start3A_520 = tpu.memref_slice %arg4[%dma_start3A_515, %add3A_48, %multiple_of3A] : memref<50x64x4096xf32, #tpu.memory_space<hbm>> -> memref<1x1x256xf32, #tpu.memory_space<hbm>>
      %dma_start3A_521 = tpu.memref_squeeze %dma_start3A_520 : memref<1x1x256xf32, #tpu.memory_space<hbm>> -> memref<256xf32, #tpu.memory_space<hbm>>
      %dma_start3A_522 = arith.constant 256 : i32
      %dma_start3A_523 = tpu.memref_slice %arg8[%dma_start3A_522] : memref<1280xf32, #tpu.memory_space<vmem>> -> memref<256xf32, #tpu.memory_space<vmem>>
      tpu.enqueue_dma source(%dma_start3A_523 : memref<256xf32, #tpu.memory_space<vmem>>) target(%dma_start3A_521 : memref<256xf32, #tpu.memory_space<hbm>>) target_semaphore(%arg16 : memref<!tpu.dma_semaphore, #tpu.memory_space<semaphore_mem>>)
      %dma_start3A_524 = arith.constant 27 : i32
      %dma_start3A_525 = arith.constant 512 : i32
      %dma_start3A_526 = tpu.memref_slice %arg8[%dma_start3A_525] : memref<1280xf32, #tpu.memory_space<vmem>> -> memref<256xf32, #tpu.memory_space<vmem>>
      %dma_start3A_527 = tpu.memref_slice %arg4[%dma_start3A_524, %add3A_48, %multiple_of3A] : memref<50x64x4096xf32, #tpu.memory_space<hbm>> -> memref<1x1x256xf32, #tpu.memory_space<hbm>>
      %dma_start3A_528 = tpu.memref_squeeze %dma_start3A_527 : memref<1x1x256xf32, #tpu.memory_space<hbm>> -> memref<256xf32, #tpu.memory_space<hbm>>
      %dma_start3A_529 = tpu.memref_slice %arg4[%dma_start3A_524, %add3A_48, %multiple_of3A] : memref<50x64x4096xf32, #tpu.memory_space<hbm>> -> memref<1x1x256xf32, #tpu.memory_space<hbm>>
      %dma_start3A_530 = tpu.memref_squeeze %dma_start3A_529 : memref<1x1x256xf32, #tpu.memory_space<hbm>> -> memref<256xf32, #tpu.memory_space<hbm>>
      %dma_start3A_531 = arith.constant 512 : i32
      %dma_start3A_532 = tpu.memref_slice %arg8[%dma_start3A_531] : memref<1280xf32, #tpu.memory_space<vmem>> -> memref<256xf32, #tpu.memory_space<vmem>>
      tpu.enqueue_dma source(%dma_start3A_532 : memref<256xf32, #tpu.memory_space<vmem>>) target(%dma_start3A_530 : memref<256xf32, #tpu.memory_space<hbm>>) target_semaphore(%arg16 : memref<!tpu.dma_semaphore, #tpu.memory_space<semaphore_mem>>)
      %dma_start3A_533 = arith.constant 28 : i32
      %dma_start3A_534 = arith.constant 768 : i32
      %dma_start3A_535 = tpu.memref_slice %arg8[%dma_start3A_534] : memref<1280xf32, #tpu.memory_space<vmem>> -> memref<256xf32, #tpu.memory_space<vmem>>
      %dma_start3A_536 = tpu.memref_slice %arg4[%dma_start3A_533, %add3A_48, %multiple_of3A] : memref<50x64x4096xf32, #tpu.memory_space<hbm>> -> memref<1x1x256xf32, #tpu.memory_space<hbm>>
      %dma_start3A_537 = tpu.memref_squeeze %dma_start3A_536 : memref<1x1x256xf32, #tpu.memory_space<hbm>> -> memref<256xf32, #tpu.memory_space<hbm>>
      %dma_start3A_538 = tpu.memref_slice %arg4[%dma_start3A_533, %add3A_48, %multiple_of3A] : memref<50x64x4096xf32, #tpu.memory_space<hbm>> -> memref<1x1x256xf32, #tpu.memory_space<hbm>>
      %dma_start3A_539 = tpu.memref_squeeze %dma_start3A_538 : memref<1x1x256xf32, #tpu.memory_space<hbm>> -> memref<256xf32, #tpu.memory_space<hbm>>
      %dma_start3A_540 = arith.constant 768 : i32
      %dma_start3A_541 = tpu.memref_slice %arg8[%dma_start3A_540] : memref<1280xf32, #tpu.memory_space<vmem>> -> memref<256xf32, #tpu.memory_space<vmem>>
      tpu.enqueue_dma source(%dma_start3A_541 : memref<256xf32, #tpu.memory_space<vmem>>) target(%dma_start3A_539 : memref<256xf32, #tpu.memory_space<hbm>>) target_semaphore(%arg16 : memref<!tpu.dma_semaphore, #tpu.memory_space<semaphore_mem>>)
      %dma_start3A_542 = arith.constant 29 : i32
      %dma_start3A_543 = arith.constant 1024 : i32
      %dma_start3A_544 = tpu.memref_slice %arg8[%dma_start3A_543] : memref<1280xf32, #tpu.memory_space<vmem>> -> memref<256xf32, #tpu.memory_space<vmem>>
      %dma_start3A_545 = tpu.memref_slice %arg4[%dma_start3A_542, %add3A_48, %multiple_of3A] : memref<50x64x4096xf32, #tpu.memory_space<hbm>> -> memref<1x1x256xf32, #tpu.memory_space<hbm>>
      %dma_start3A_546 = tpu.memref_squeeze %dma_start3A_545 : memref<1x1x256xf32, #tpu.memory_space<hbm>> -> memref<256xf32, #tpu.memory_space<hbm>>
      %dma_start3A_547 = tpu.memref_slice %arg4[%dma_start3A_542, %add3A_48, %multiple_of3A] : memref<50x64x4096xf32, #tpu.memory_space<hbm>> -> memref<1x1x256xf32, #tpu.memory_space<hbm>>
      %dma_start3A_548 = tpu.memref_squeeze %dma_start3A_547 : memref<1x1x256xf32, #tpu.memory_space<hbm>> -> memref<256xf32, #tpu.memory_space<hbm>>
      %dma_start3A_549 = arith.constant 1024 : i32
      %dma_start3A_550 = tpu.memref_slice %arg8[%dma_start3A_549] : memref<1280xf32, #tpu.memory_space<vmem>> -> memref<256xf32, #tpu.memory_space<vmem>>
      tpu.enqueue_dma source(%dma_start3A_550 : memref<256xf32, #tpu.memory_space<vmem>>) target(%dma_start3A_548 : memref<256xf32, #tpu.memory_space<hbm>>) target_semaphore(%arg16 : memref<!tpu.dma_semaphore, #tpu.memory_space<semaphore_mem>>)
      %dma_wait3A_551 = arith.constant 0 : i32
      %dma_wait3A_552 = arith.constant 0 : i32
      %dma_wait3A_553 = tpu.memref_slice %arg3[%dma_wait3A_551, %dma_wait3A_552] : memref<64x1000000xf32, #tpu.memory_space<hbm>> -> memref<1x1280xf32, #tpu.memory_space<hbm>>
      %dma_wait3A_554 = tpu.memref_squeeze %dma_wait3A_553 : memref<1x1280xf32, #tpu.memory_space<hbm>> -> memref<1280xf32, #tpu.memory_space<hbm>>
      %dma_wait3A_555 = arith.constant 0 : i32
      %dma_wait3A_556 = tpu.memref_slice %arg3[%dma_wait3A_551, %dma_wait3A_555] : memref<64x1000000xf32, #tpu.memory_space<hbm>> -> memref<1x1280xf32, #tpu.memory_space<hbm>>
      %dma_wait3A_557 = tpu.memref_squeeze %dma_wait3A_556 : memref<1x1280xf32, #tpu.memory_space<hbm>> -> memref<1280xf32, #tpu.memory_space<hbm>>
      tpu.wait_dma2 semaphore(%arg16 : memref<!tpu.dma_semaphore, #tpu.memory_space<semaphore_mem>>) src(%dma_wait3A_557 : memref<1280xf32, #tpu.memory_space<hbm>>) dst(%arg8 : memref<1280xf32, #tpu.memory_space<vmem>>)
      %dma_wait3A_558 = arith.constant 8960 : i32
      %dma_wait3A_559 = tpu.memref_slice %arg2[%arg1, %dma_wait3A_558] : memref<16x12800xi32, #tpu.memory_space<hbm>> -> memref<1x1280xi32, #tpu.memory_space<hbm>>
      %dma_wait3A_560 = tpu.memref_squeeze %dma_wait3A_559 : memref<1x1280xi32, #tpu.memory_space<hbm>> -> memref<1280xi32, #tpu.memory_space<hbm>>
      %dma_wait3A_561 = arith.constant 8960 : i32
      %dma_wait3A_562 = tpu.memref_slice %arg2[%arg1, %dma_wait3A_561] : memref<16x12800xi32, #tpu.memory_space<hbm>> -> memref<1x1280xi32, #tpu.memory_space<hbm>>
      %dma_wait3A_563 = tpu.memref_squeeze %dma_wait3A_562 : memref<1x1280xi32, #tpu.memory_space<hbm>> -> memref<1280xi32, #tpu.memory_space<hbm>>
      tpu.wait_dma2 semaphore(%arg13 : memref<!tpu.dma_semaphore, #tpu.memory_space<semaphore_mem>>) src(%dma_wait3A_563 : memref<1280xi32, #tpu.memory_space<hbm>>) dst(%arg6 : memref<1280xi32, #tpu.memory_space<vmem>>)
      %dma_start3A_564 = arith.constant 0 : i32
      %dma_start3A_565 = arith.constant 0 : i32
      %dma_start3A_566 = tpu.memref_slice %arg9[%dma_start3A_564, %dma_start3A_565] : memref<1x1000000xf32, #tpu.memory_space<vmem_shared>> -> memref<1x1000000xf32, #tpu.memory_space<vmem_shared>>
      %dma_start3A_567 = tpu.memref_squeeze %dma_start3A_566 : memref<1x1000000xf32, #tpu.memory_space<vmem_shared>> -> memref<1000000xf32, #tpu.memory_space<vmem_shared>>
      %dma_start3A_568 = arith.constant 0 : i32
      %dma_start3A_569 = tpu.memref_slice %dma_start3A_567[%dma_start3A_568] : memref<1000000xf32, #tpu.memory_space<vmem_shared>> -> memref<1000000xf32, #tpu.memory_space<vmem_shared>>
      tpu.enqueue_indirect_dma source(%dma_start3A_569 : memref<1000000xf32, #tpu.memory_space<vmem_shared>>) target(%arg8 : memref<1280xf32, #tpu.memory_space<vmem>>) offsets(%arg6 : memref<1280xi32, #tpu.memory_space<vmem>>) semaphore(%arg14 : memref<!tpu.dma_semaphore, #tpu.memory_space<semaphore_mem>>)
      %dma_wait3A_570 = arith.constant 0 : i32
      %dma_wait3A_571 = arith.constant 0 : i32
      %dma_wait3A_572 = tpu.memref_slice %arg3[%dma_wait3A_570, %dma_wait3A_571] : memref<64x1000000xf32, #tpu.memory_space<hbm>> -> memref<1x1280xf32, #tpu.memory_space<hbm>>
      %dma_wait3A_573 = tpu.memref_squeeze %dma_wait3A_572 : memref<1x1280xf32, #tpu.memory_space<hbm>> -> memref<1280xf32, #tpu.memory_space<hbm>>
      %dma_wait3A_574 = arith.constant 0 : i32
      %dma_wait3A_575 = tpu.memref_slice %arg3[%dma_wait3A_570, %dma_wait3A_574] : memref<64x1000000xf32, #tpu.memory_space<hbm>> -> memref<1x1280xf32, #tpu.memory_space<hbm>>
      %dma_wait3A_576 = tpu.memref_squeeze %dma_wait3A_575 : memref<1x1280xf32, #tpu.memory_space<hbm>> -> memref<1280xf32, #tpu.memory_space<hbm>>
      tpu.wait_dma2 semaphore(%arg14 : memref<!tpu.dma_semaphore, #tpu.memory_space<semaphore_mem>>) src(%dma_wait3A_576 : memref<1280xf32, #tpu.memory_space<hbm>>) dst(%arg7 : memref<1280xf32, #tpu.memory_space<vmem>>)
      %dma_start3A_577 = arith.constant 10240 : i32
      %dma_start3A_578 = tpu.memref_slice %arg2[%arg1, %dma_start3A_577] : memref<16x12800xi32, #tpu.memory_space<hbm>> -> memref<1x1280xi32, #tpu.memory_space<hbm>>
      %dma_start3A_579 = tpu.memref_squeeze %dma_start3A_578 : memref<1x1280xi32, #tpu.memory_space<hbm>> -> memref<1280xi32, #tpu.memory_space<hbm>>
      %dma_start3A_580 = arith.constant 10240 : i32
      %dma_start3A_581 = tpu.memref_slice %arg2[%arg1, %dma_start3A_580] : memref<16x12800xi32, #tpu.memory_space<hbm>> -> memref<1x1280xi32, #tpu.memory_space<hbm>>
      %dma_start3A_582 = tpu.memref_squeeze %dma_start3A_581 : memref<1x1280xi32, #tpu.memory_space<hbm>> -> memref<1280xi32, #tpu.memory_space<hbm>>
      tpu.enqueue_dma source(%dma_start3A_582 : memref<1280xi32, #tpu.memory_space<hbm>>) target(%arg5 : memref<1280xi32, #tpu.memory_space<vmem>>) target_semaphore(%arg13 : memref<!tpu.dma_semaphore, #tpu.memory_space<semaphore_mem>>)
      %dma_start3A_583 = arith.constant 30 : i32
      %dma_start3A_584 = arith.constant 0 : i32
      %dma_start3A_585 = tpu.memref_slice %arg7[%dma_start3A_584] : memref<1280xf32, #tpu.memory_space<vmem>> -> memref<256xf32, #tpu.memory_space<vmem>>
      %dma_start3A_586 = tpu.memref_slice %arg4[%dma_start3A_583, %add3A_48, %multiple_of3A] : memref<50x64x4096xf32, #tpu.memory_space<hbm>> -> memref<1x1x256xf32, #tpu.memory_space<hbm>>
      %dma_start3A_587 = tpu.memref_squeeze %dma_start3A_586 : memref<1x1x256xf32, #tpu.memory_space<hbm>> -> memref<256xf32, #tpu.memory_space<hbm>>
      %dma_start3A_588 = tpu.memref_slice %arg4[%dma_start3A_583, %add3A_48, %multiple_of3A] : memref<50x64x4096xf32, #tpu.memory_space<hbm>> -> memref<1x1x256xf32, #tpu.memory_space<hbm>>
      %dma_start3A_589 = tpu.memref_squeeze %dma_start3A_588 : memref<1x1x256xf32, #tpu.memory_space<hbm>> -> memref<256xf32, #tpu.memory_space<hbm>>
      %dma_start3A_590 = arith.constant 0 : i32
      %dma_start3A_591 = tpu.memref_slice %arg7[%dma_start3A_590] : memref<1280xf32, #tpu.memory_space<vmem>> -> memref<256xf32, #tpu.memory_space<vmem>>
      tpu.enqueue_dma source(%dma_start3A_591 : memref<256xf32, #tpu.memory_space<vmem>>) target(%dma_start3A_589 : memref<256xf32, #tpu.memory_space<hbm>>) target_semaphore(%arg15 : memref<!tpu.dma_semaphore, #tpu.memory_space<semaphore_mem>>)
      %dma_start3A_592 = arith.constant 31 : i32
      %dma_start3A_593 = arith.constant 256 : i32
      %dma_start3A_594 = tpu.memref_slice %arg7[%dma_start3A_593] : memref<1280xf32, #tpu.memory_space<vmem>> -> memref<256xf32, #tpu.memory_space<vmem>>
      %dma_start3A_595 = tpu.memref_slice %arg4[%dma_start3A_592, %add3A_48, %multiple_of3A] : memref<50x64x4096xf32, #tpu.memory_space<hbm>> -> memref<1x1x256xf32, #tpu.memory_space<hbm>>
      %dma_start3A_596 = tpu.memref_squeeze %dma_start3A_595 : memref<1x1x256xf32, #tpu.memory_space<hbm>> -> memref<256xf32, #tpu.memory_space<hbm>>
      %dma_start3A_597 = tpu.memref_slice %arg4[%dma_start3A_592, %add3A_48, %multiple_of3A] : memref<50x64x4096xf32, #tpu.memory_space<hbm>> -> memref<1x1x256xf32, #tpu.memory_space<hbm>>
      %dma_start3A_598 = tpu.memref_squeeze %dma_start3A_597 : memref<1x1x256xf32, #tpu.memory_space<hbm>> -> memref<256xf32, #tpu.memory_space<hbm>>
      %dma_start3A_599 = arith.constant 256 : i32
      %dma_start3A_600 = tpu.memref_slice %arg7[%dma_start3A_599] : memref<1280xf32, #tpu.memory_space<vmem>> -> memref<256xf32, #tpu.memory_space<vmem>>
      tpu.enqueue_dma source(%dma_start3A_600 : memref<256xf32, #tpu.memory_space<vmem>>) target(%dma_start3A_598 : memref<256xf32, #tpu.memory_space<hbm>>) target_semaphore(%arg15 : memref<!tpu.dma_semaphore, #tpu.memory_space<semaphore_mem>>)
      %dma_start3A_601 = arith.constant 32 : i32
      %dma_start3A_602 = arith.constant 512 : i32
      %dma_start3A_603 = tpu.memref_slice %arg7[%dma_start3A_602] : memref<1280xf32, #tpu.memory_space<vmem>> -> memref<256xf32, #tpu.memory_space<vmem>>
      %dma_start3A_604 = tpu.memref_slice %arg4[%dma_start3A_601, %add3A_48, %multiple_of3A] : memref<50x64x4096xf32, #tpu.memory_space<hbm>> -> memref<1x1x256xf32, #tpu.memory_space<hbm>>
      %dma_start3A_605 = tpu.memref_squeeze %dma_start3A_604 : memref<1x1x256xf32, #tpu.memory_space<hbm>> -> memref<256xf32, #tpu.memory_space<hbm>>
      %dma_start3A_606 = tpu.memref_slice %arg4[%dma_start3A_601, %add3A_48, %multiple_of3A] : memref<50x64x4096xf32, #tpu.memory_space<hbm>> -> memref<1x1x256xf32, #tpu.memory_space<hbm>>
      %dma_start3A_607 = tpu.memref_squeeze %dma_start3A_606 : memref<1x1x256xf32, #tpu.memory_space<hbm>> -> memref<256xf32, #tpu.memory_space<hbm>>
      %dma_start3A_608 = arith.constant 512 : i32
      %dma_start3A_609 = tpu.memref_slice %arg7[%dma_start3A_608] : memref<1280xf32, #tpu.memory_space<vmem>> -> memref<256xf32, #tpu.memory_space<vmem>>
      tpu.enqueue_dma source(%dma_start3A_609 : memref<256xf32, #tpu.memory_space<vmem>>) target(%dma_start3A_607 : memref<256xf32, #tpu.memory_space<hbm>>) target_semaphore(%arg15 : memref<!tpu.dma_semaphore, #tpu.memory_space<semaphore_mem>>)
      %dma_start3A_610 = arith.constant 33 : i32
      %dma_start3A_611 = arith.constant 768 : i32
      %dma_start3A_612 = tpu.memref_slice %arg7[%dma_start3A_611] : memref<1280xf32, #tpu.memory_space<vmem>> -> memref<256xf32, #tpu.memory_space<vmem>>
      %dma_start3A_613 = tpu.memref_slice %arg4[%dma_start3A_610, %add3A_48, %multiple_of3A] : memref<50x64x4096xf32, #tpu.memory_space<hbm>> -> memref<1x1x256xf32, #tpu.memory_space<hbm>>
      %dma_start3A_614 = tpu.memref_squeeze %dma_start3A_613 : memref<1x1x256xf32, #tpu.memory_space<hbm>> -> memref<256xf32, #tpu.memory_space<hbm>>
      %dma_start3A_615 = tpu.memref_slice %arg4[%dma_start3A_610, %add3A_48, %multiple_of3A] : memref<50x64x4096xf32, #tpu.memory_space<hbm>> -> memref<1x1x256xf32, #tpu.memory_space<hbm>>
      %dma_start3A_616 = tpu.memref_squeeze %dma_start3A_615 : memref<1x1x256xf32, #tpu.memory_space<hbm>> -> memref<256xf32, #tpu.memory_space<hbm>>
      %dma_start3A_617 = arith.constant 768 : i32
      %dma_start3A_618 = tpu.memref_slice %arg7[%dma_start3A_617] : memref<1280xf32, #tpu.memory_space<vmem>> -> memref<256xf32, #tpu.memory_space<vmem>>
      tpu.enqueue_dma source(%dma_start3A_618 : memref<256xf32, #tpu.memory_space<vmem>>) target(%dma_start3A_616 : memref<256xf32, #tpu.memory_space<hbm>>) target_semaphore(%arg15 : memref<!tpu.dma_semaphore, #tpu.memory_space<semaphore_mem>>)
      %dma_start3A_619 = arith.constant 34 : i32
      %dma_start3A_620 = arith.constant 1024 : i32
      %dma_start3A_621 = tpu.memref_slice %arg7[%dma_start3A_620] : memref<1280xf32, #tpu.memory_space<vmem>> -> memref<256xf32, #tpu.memory_space<vmem>>
      %dma_start3A_622 = tpu.memref_slice %arg4[%dma_start3A_619, %add3A_48, %multiple_of3A] : memref<50x64x4096xf32, #tpu.memory_space<hbm>> -> memref<1x1x256xf32, #tpu.memory_space<hbm>>
      %dma_start3A_623 = tpu.memref_squeeze %dma_start3A_622 : memref<1x1x256xf32, #tpu.memory_space<hbm>> -> memref<256xf32, #tpu.memory_space<hbm>>
      %dma_start3A_624 = tpu.memref_slice %arg4[%dma_start3A_619, %add3A_48, %multiple_of3A] : memref<50x64x4096xf32, #tpu.memory_space<hbm>> -> memref<1x1x256xf32, #tpu.memory_space<hbm>>
      %dma_start3A_625 = tpu.memref_squeeze %dma_start3A_624 : memref<1x1x256xf32, #tpu.memory_space<hbm>> -> memref<256xf32, #tpu.memory_space<hbm>>
      %dma_start3A_626 = arith.constant 1024 : i32
      %dma_start3A_627 = tpu.memref_slice %arg7[%dma_start3A_626] : memref<1280xf32, #tpu.memory_space<vmem>> -> memref<256xf32, #tpu.memory_space<vmem>>
      tpu.enqueue_dma source(%dma_start3A_627 : memref<256xf32, #tpu.memory_space<vmem>>) target(%dma_start3A_625 : memref<256xf32, #tpu.memory_space<hbm>>) target_semaphore(%arg15 : memref<!tpu.dma_semaphore, #tpu.memory_space<semaphore_mem>>)
      %dma_wait3A_628 = arith.constant 0 : i32
      %dma_wait3A_629 = arith.constant 0 : i32
      %dma_wait3A_630 = tpu.memref_slice %arg3[%dma_wait3A_628, %dma_wait3A_629] : memref<64x1000000xf32, #tpu.memory_space<hbm>> -> memref<1x1280xf32, #tpu.memory_space<hbm>>
      %dma_wait3A_631 = tpu.memref_squeeze %dma_wait3A_630 : memref<1x1280xf32, #tpu.memory_space<hbm>> -> memref<1280xf32, #tpu.memory_space<hbm>>
      %dma_wait3A_632 = arith.constant 0 : i32
      %dma_wait3A_633 = tpu.memref_slice %arg3[%dma_wait3A_628, %dma_wait3A_632] : memref<64x1000000xf32, #tpu.memory_space<hbm>> -> memref<1x1280xf32, #tpu.memory_space<hbm>>
      %dma_wait3A_634 = tpu.memref_squeeze %dma_wait3A_633 : memref<1x1280xf32, #tpu.memory_space<hbm>> -> memref<1280xf32, #tpu.memory_space<hbm>>
      tpu.wait_dma2 semaphore(%arg15 : memref<!tpu.dma_semaphore, #tpu.memory_space<semaphore_mem>>) src(%dma_wait3A_634 : memref<1280xf32, #tpu.memory_space<hbm>>) dst(%arg7 : memref<1280xf32, #tpu.memory_space<vmem>>)
      %dma_wait3A_635 = arith.constant 10240 : i32
      %dma_wait3A_636 = tpu.memref_slice %arg2[%arg1, %dma_wait3A_635] : memref<16x12800xi32, #tpu.memory_space<hbm>> -> memref<1x1280xi32, #tpu.memory_space<hbm>>
      %dma_wait3A_637 = tpu.memref_squeeze %dma_wait3A_636 : memref<1x1280xi32, #tpu.memory_space<hbm>> -> memref<1280xi32, #tpu.memory_space<hbm>>
      %dma_wait3A_638 = arith.constant 10240 : i32
      %dma_wait3A_639 = tpu.memref_slice %arg2[%arg1, %dma_wait3A_638] : memref<16x12800xi32, #tpu.memory_space<hbm>> -> memref<1x1280xi32, #tpu.memory_space<hbm>>
      %dma_wait3A_640 = tpu.memref_squeeze %dma_wait3A_639 : memref<1x1280xi32, #tpu.memory_space<hbm>> -> memref<1280xi32, #tpu.memory_space<hbm>>
      tpu.wait_dma2 semaphore(%arg13 : memref<!tpu.dma_semaphore, #tpu.memory_space<semaphore_mem>>) src(%dma_wait3A_640 : memref<1280xi32, #tpu.memory_space<hbm>>) dst(%arg5 : memref<1280xi32, #tpu.memory_space<vmem>>)
      %dma_start3A_641 = arith.constant 0 : i32
      %dma_start3A_642 = arith.constant 0 : i32
      %dma_start3A_643 = tpu.memref_slice %arg9[%dma_start3A_641, %dma_start3A_642] : memref<1x1000000xf32, #tpu.memory_space<vmem_shared>> -> memref<1x1000000xf32, #tpu.memory_space<vmem_shared>>
      %dma_start3A_644 = tpu.memref_squeeze %dma_start3A_643 : memref<1x1000000xf32, #tpu.memory_space<vmem_shared>> -> memref<1000000xf32, #tpu.memory_space<vmem_shared>>
      %dma_start3A_645 = arith.constant 0 : i32
      %dma_start3A_646 = tpu.memref_slice %dma_start3A_644[%dma_start3A_645] : memref<1000000xf32, #tpu.memory_space<vmem_shared>> -> memref<1000000xf32, #tpu.memory_space<vmem_shared>>
      tpu.enqueue_indirect_dma source(%dma_start3A_646 : memref<1000000xf32, #tpu.memory_space<vmem_shared>>) target(%arg7 : memref<1280xf32, #tpu.memory_space<vmem>>) offsets(%arg5 : memref<1280xi32, #tpu.memory_space<vmem>>) semaphore(%arg14 : memref<!tpu.dma_semaphore, #tpu.memory_space<semaphore_mem>>)
      %dma_wait3A_647 = arith.constant 0 : i32
      %dma_wait3A_648 = arith.constant 0 : i32
      %dma_wait3A_649 = tpu.memref_slice %arg3[%dma_wait3A_647, %dma_wait3A_648] : memref<64x1000000xf32, #tpu.memory_space<hbm>> -> memref<1x1280xf32, #tpu.memory_space<hbm>>
      %dma_wait3A_650 = tpu.memref_squeeze %dma_wait3A_649 : memref<1x1280xf32, #tpu.memory_space<hbm>> -> memref<1280xf32, #tpu.memory_space<hbm>>
      %dma_wait3A_651 = arith.constant 0 : i32
      %dma_wait3A_652 = tpu.memref_slice %arg3[%dma_wait3A_647, %dma_wait3A_651] : memref<64x1000000xf32, #tpu.memory_space<hbm>> -> memref<1x1280xf32, #tpu.memory_space<hbm>>
      %dma_wait3A_653 = tpu.memref_squeeze %dma_wait3A_652 : memref<1x1280xf32, #tpu.memory_space<hbm>> -> memref<1280xf32, #tpu.memory_space<hbm>>
      tpu.wait_dma2 semaphore(%arg14 : memref<!tpu.dma_semaphore, #tpu.memory_space<semaphore_mem>>) src(%dma_wait3A_653 : memref<1280xf32, #tpu.memory_space<hbm>>) dst(%arg8 : memref<1280xf32, #tpu.memory_space<vmem>>)
      %dma_start3A_654 = arith.constant 11520 : i32
      %dma_start3A_655 = tpu.memref_slice %arg2[%arg1, %dma_start3A_654] : memref<16x12800xi32, #tpu.memory_space<hbm>> -> memref<1x1280xi32, #tpu.memory_space<hbm>>
      %dma_start3A_656 = tpu.memref_squeeze %dma_start3A_655 : memref<1x1280xi32, #tpu.memory_space<hbm>> -> memref<1280xi32, #tpu.memory_space<hbm>>
      %dma_start3A_657 = arith.constant 11520 : i32
      %dma_start3A_658 = tpu.memref_slice %arg2[%arg1, %dma_start3A_657] : memref<16x12800xi32, #tpu.memory_space<hbm>> -> memref<1x1280xi32, #tpu.memory_space<hbm>>
      %dma_start3A_659 = tpu.memref_squeeze %dma_start3A_658 : memref<1x1280xi32, #tpu.memory_space<hbm>> -> memref<1280xi32, #tpu.memory_space<hbm>>
      tpu.enqueue_dma source(%dma_start3A_659 : memref<1280xi32, #tpu.memory_space<hbm>>) target(%arg6 : memref<1280xi32, #tpu.memory_space<vmem>>) target_semaphore(%arg13 : memref<!tpu.dma_semaphore, #tpu.memory_space<semaphore_mem>>)
      %dma_start3A_660 = arith.constant 35 : i32
      %dma_start3A_661 = arith.constant 0 : i32
      %dma_start3A_662 = tpu.memref_slice %arg8[%dma_start3A_661] : memref<1280xf32, #tpu.memory_space<vmem>> -> memref<256xf32, #tpu.memory_space<vmem>>
      %dma_start3A_663 = tpu.memref_slice %arg4[%dma_start3A_660, %add3A_48, %multiple_of3A] : memref<50x64x4096xf32, #tpu.memory_space<hbm>> -> memref<1x1x256xf32, #tpu.memory_space<hbm>>
      %dma_start3A_664 = tpu.memref_squeeze %dma_start3A_663 : memref<1x1x256xf32, #tpu.memory_space<hbm>> -> memref<256xf32, #tpu.memory_space<hbm>>
      %dma_start3A_665 = tpu.memref_slice %arg4[%dma_start3A_660, %add3A_48, %multiple_of3A] : memref<50x64x4096xf32, #tpu.memory_space<hbm>> -> memref<1x1x256xf32, #tpu.memory_space<hbm>>
      %dma_start3A_666 = tpu.memref_squeeze %dma_start3A_665 : memref<1x1x256xf32, #tpu.memory_space<hbm>> -> memref<256xf32, #tpu.memory_space<hbm>>
      %dma_start3A_667 = arith.constant 0 : i32
      %dma_start3A_668 = tpu.memref_slice %arg8[%dma_start3A_667] : memref<1280xf32, #tpu.memory_space<vmem>> -> memref<256xf32, #tpu.memory_space<vmem>>
      tpu.enqueue_dma source(%dma_start3A_668 : memref<256xf32, #tpu.memory_space<vmem>>) target(%dma_start3A_666 : memref<256xf32, #tpu.memory_space<hbm>>) target_semaphore(%arg16 : memref<!tpu.dma_semaphore, #tpu.memory_space<semaphore_mem>>)
      %dma_start3A_669 = arith.constant 36 : i32
      %dma_start3A_670 = arith.constant 256 : i32
      %dma_start3A_671 = tpu.memref_slice %arg8[%dma_start3A_670] : memref<1280xf32, #tpu.memory_space<vmem>> -> memref<256xf32, #tpu.memory_space<vmem>>
      %dma_start3A_672 = tpu.memref_slice %arg4[%dma_start3A_669, %add3A_48, %multiple_of3A] : memref<50x64x4096xf32, #tpu.memory_space<hbm>> -> memref<1x1x256xf32, #tpu.memory_space<hbm>>
      %dma_start3A_673 = tpu.memref_squeeze %dma_start3A_672 : memref<1x1x256xf32, #tpu.memory_space<hbm>> -> memref<256xf32, #tpu.memory_space<hbm>>
      %dma_start3A_674 = tpu.memref_slice %arg4[%dma_start3A_669, %add3A_48, %multiple_of3A] : memref<50x64x4096xf32, #tpu.memory_space<hbm>> -> memref<1x1x256xf32, #tpu.memory_space<hbm>>
      %dma_start3A_675 = tpu.memref_squeeze %dma_start3A_674 : memref<1x1x256xf32, #tpu.memory_space<hbm>> -> memref<256xf32, #tpu.memory_space<hbm>>
      %dma_start3A_676 = arith.constant 256 : i32
      %dma_start3A_677 = tpu.memref_slice %arg8[%dma_start3A_676] : memref<1280xf32, #tpu.memory_space<vmem>> -> memref<256xf32, #tpu.memory_space<vmem>>
      tpu.enqueue_dma source(%dma_start3A_677 : memref<256xf32, #tpu.memory_space<vmem>>) target(%dma_start3A_675 : memref<256xf32, #tpu.memory_space<hbm>>) target_semaphore(%arg16 : memref<!tpu.dma_semaphore, #tpu.memory_space<semaphore_mem>>)
      %dma_start3A_678 = arith.constant 37 : i32
      %dma_start3A_679 = arith.constant 512 : i32
      %dma_start3A_680 = tpu.memref_slice %arg8[%dma_start3A_679] : memref<1280xf32, #tpu.memory_space<vmem>> -> memref<256xf32, #tpu.memory_space<vmem>>
      %dma_start3A_681 = tpu.memref_slice %arg4[%dma_start3A_678, %add3A_48, %multiple_of3A] : memref<50x64x4096xf32, #tpu.memory_space<hbm>> -> memref<1x1x256xf32, #tpu.memory_space<hbm>>
      %dma_start3A_682 = tpu.memref_squeeze %dma_start3A_681 : memref<1x1x256xf32, #tpu.memory_space<hbm>> -> memref<256xf32, #tpu.memory_space<hbm>>
      %dma_start3A_683 = tpu.memref_slice %arg4[%dma_start3A_678, %add3A_48, %multiple_of3A] : memref<50x64x4096xf32, #tpu.memory_space<hbm>> -> memref<1x1x256xf32, #tpu.memory_space<hbm>>
      %dma_start3A_684 = tpu.memref_squeeze %dma_start3A_683 : memref<1x1x256xf32, #tpu.memory_space<hbm>> -> memref<256xf32, #tpu.memory_space<hbm>>
      %dma_start3A_685 = arith.constant 512 : i32
      %dma_start3A_686 = tpu.memref_slice %arg8[%dma_start3A_685] : memref<1280xf32, #tpu.memory_space<vmem>> -> memref<256xf32, #tpu.memory_space<vmem>>
      tpu.enqueue_dma source(%dma_start3A_686 : memref<256xf32, #tpu.memory_space<vmem>>) target(%dma_start3A_684 : memref<256xf32, #tpu.memory_space<hbm>>) target_semaphore(%arg16 : memref<!tpu.dma_semaphore, #tpu.memory_space<semaphore_mem>>)
      %dma_start3A_687 = arith.constant 38 : i32
      %dma_start3A_688 = arith.constant 768 : i32
      %dma_start3A_689 = tpu.memref_slice %arg8[%dma_start3A_688] : memref<1280xf32, #tpu.memory_space<vmem>> -> memref<256xf32, #tpu.memory_space<vmem>>
      %dma_start3A_690 = tpu.memref_slice %arg4[%dma_start3A_687, %add3A_48, %multiple_of3A] : memref<50x64x4096xf32, #tpu.memory_space<hbm>> -> memref<1x1x256xf32, #tpu.memory_space<hbm>>
      %dma_start3A_691 = tpu.memref_squeeze %dma_start3A_690 : memref<1x1x256xf32, #tpu.memory_space<hbm>> -> memref<256xf32, #tpu.memory_space<hbm>>
      %dma_start3A_692 = tpu.memref_slice %arg4[%dma_start3A_687, %add3A_48, %multiple_of3A] : memref<50x64x4096xf32, #tpu.memory_space<hbm>> -> memref<1x1x256xf32, #tpu.memory_space<hbm>>
      %dma_start3A_693 = tpu.memref_squeeze %dma_start3A_692 : memref<1x1x256xf32, #tpu.memory_space<hbm>> -> memref<256xf32, #tpu.memory_space<hbm>>
      %dma_start3A_694 = arith.constant 768 : i32
      %dma_start3A_695 = tpu.memref_slice %arg8[%dma_start3A_694] : memref<1280xf32, #tpu.memory_space<vmem>> -> memref<256xf32, #tpu.memory_space<vmem>>
      tpu.enqueue_dma source(%dma_start3A_695 : memref<256xf32, #tpu.memory_space<vmem>>) target(%dma_start3A_693 : memref<256xf32, #tpu.memory_space<hbm>>) target_semaphore(%arg16 : memref<!tpu.dma_semaphore, #tpu.memory_space<semaphore_mem>>)
      %dma_start3A_696 = arith.constant 39 : i32
      %dma_start3A_697 = arith.constant 1024 : i32
      %dma_start3A_698 = tpu.memref_slice %arg8[%dma_start3A_697] : memref<1280xf32, #tpu.memory_space<vmem>> -> memref<256xf32, #tpu.memory_space<vmem>>
      %dma_start3A_699 = tpu.memref_slice %arg4[%dma_start3A_696, %add3A_48, %multiple_of3A] : memref<50x64x4096xf32, #tpu.memory_space<hbm>> -> memref<1x1x256xf32, #tpu.memory_space<hbm>>
      %dma_start3A_700 = tpu.memref_squeeze %dma_start3A_699 : memref<1x1x256xf32, #tpu.memory_space<hbm>> -> memref<256xf32, #tpu.memory_space<hbm>>
      %dma_start3A_701 = tpu.memref_slice %arg4[%dma_start3A_696, %add3A_48, %multiple_of3A] : memref<50x64x4096xf32, #tpu.memory_space<hbm>> -> memref<1x1x256xf32, #tpu.memory_space<hbm>>
      %dma_start3A_702 = tpu.memref_squeeze %dma_start3A_701 : memref<1x1x256xf32, #tpu.memory_space<hbm>> -> memref<256xf32, #tpu.memory_space<hbm>>
      %dma_start3A_703 = arith.constant 1024 : i32
      %dma_start3A_704 = tpu.memref_slice %arg8[%dma_start3A_703] : memref<1280xf32, #tpu.memory_space<vmem>> -> memref<256xf32, #tpu.memory_space<vmem>>
      tpu.enqueue_dma source(%dma_start3A_704 : memref<256xf32, #tpu.memory_space<vmem>>) target(%dma_start3A_702 : memref<256xf32, #tpu.memory_space<hbm>>) target_semaphore(%arg16 : memref<!tpu.dma_semaphore, #tpu.memory_space<semaphore_mem>>)
      %dma_wait3A_705 = arith.constant 0 : i32
      %dma_wait3A_706 = arith.constant 0 : i32
      %dma_wait3A_707 = tpu.memref_slice %arg3[%dma_wait3A_705, %dma_wait3A_706] : memref<64x1000000xf32, #tpu.memory_space<hbm>> -> memref<1x1280xf32, #tpu.memory_space<hbm>>
      %dma_wait3A_708 = tpu.memref_squeeze %dma_wait3A_707 : memref<1x1280xf32, #tpu.memory_space<hbm>> -> memref<1280xf32, #tpu.memory_space<hbm>>
      %dma_wait3A_709 = arith.constant 0 : i32
      %dma_wait3A_710 = tpu.memref_slice %arg3[%dma_wait3A_705, %dma_wait3A_709] : memref<64x1000000xf32, #tpu.memory_space<hbm>> -> memref<1x1280xf32, #tpu.memory_space<hbm>>
      %dma_wait3A_711 = tpu.memref_squeeze %dma_wait3A_710 : memref<1x1280xf32, #tpu.memory_space<hbm>> -> memref<1280xf32, #tpu.memory_space<hbm>>
      tpu.wait_dma2 semaphore(%arg16 : memref<!tpu.dma_semaphore, #tpu.memory_space<semaphore_mem>>) src(%dma_wait3A_711 : memref<1280xf32, #tpu.memory_space<hbm>>) dst(%arg8 : memref<1280xf32, #tpu.memory_space<vmem>>)
      %dma_wait3A_712 = arith.constant 11520 : i32
      %dma_wait3A_713 = tpu.memref_slice %arg2[%arg1, %dma_wait3A_712] : memref<16x12800xi32, #tpu.memory_space<hbm>> -> memref<1x1280xi32, #tpu.memory_space<hbm>>
      %dma_wait3A_714 = tpu.memref_squeeze %dma_wait3A_713 : memref<1x1280xi32, #tpu.memory_space<hbm>> -> memref<1280xi32, #tpu.memory_space<hbm>>
      %dma_wait3A_715 = arith.constant 11520 : i32
      %dma_wait3A_716 = tpu.memref_slice %arg2[%arg1, %dma_wait3A_715] : memref<16x12800xi32, #tpu.memory_space<hbm>> -> memref<1x1280xi32, #tpu.memory_space<hbm>>
      %dma_wait3A_717 = tpu.memref_squeeze %dma_wait3A_716 : memref<1x1280xi32, #tpu.memory_space<hbm>> -> memref<1280xi32, #tpu.memory_space<hbm>>
      tpu.wait_dma2 semaphore(%arg13 : memref<!tpu.dma_semaphore, #tpu.memory_space<semaphore_mem>>) src(%dma_wait3A_717 : memref<1280xi32, #tpu.memory_space<hbm>>) dst(%arg6 : memref<1280xi32, #tpu.memory_space<vmem>>)
      %dma_start3A_718 = arith.constant 0 : i32
      %dma_start3A_719 = arith.constant 0 : i32
      %dma_start3A_720 = tpu.memref_slice %arg9[%dma_start3A_718, %dma_start3A_719] : memref<1x1000000xf32, #tpu.memory_space<vmem_shared>> -> memref<1x1000000xf32, #tpu.memory_space<vmem_shared>>
      %dma_start3A_721 = tpu.memref_squeeze %dma_start3A_720 : memref<1x1000000xf32, #tpu.memory_space<vmem_shared>> -> memref<1000000xf32, #tpu.memory_space<vmem_shared>>
      %dma_start3A_722 = arith.constant 0 : i32
      %dma_start3A_723 = tpu.memref_slice %dma_start3A_721[%dma_start3A_722] : memref<1000000xf32, #tpu.memory_space<vmem_shared>> -> memref<1000000xf32, #tpu.memory_space<vmem_shared>>
      tpu.enqueue_indirect_dma source(%dma_start3A_723 : memref<1000000xf32, #tpu.memory_space<vmem_shared>>) target(%arg8 : memref<1280xf32, #tpu.memory_space<vmem>>) offsets(%arg6 : memref<1280xi32, #tpu.memory_space<vmem>>) semaphore(%arg14 : memref<!tpu.dma_semaphore, #tpu.memory_space<semaphore_mem>>)
      %dma_wait3A_724 = arith.constant 0 : i32
      %dma_wait3A_725 = arith.constant 0 : i32
      %dma_wait3A_726 = tpu.memref_slice %arg3[%dma_wait3A_724, %dma_wait3A_725] : memref<64x1000000xf32, #tpu.memory_space<hbm>> -> memref<1x1280xf32, #tpu.memory_space<hbm>>
      %dma_wait3A_727 = tpu.memref_squeeze %dma_wait3A_726 : memref<1x1280xf32, #tpu.memory_space<hbm>> -> memref<1280xf32, #tpu.memory_space<hbm>>
      %dma_wait3A_728 = arith.constant 0 : i32
      %dma_wait3A_729 = tpu.memref_slice %arg3[%dma_wait3A_724, %dma_wait3A_728] : memref<64x1000000xf32, #tpu.memory_space<hbm>> -> memref<1x1280xf32, #tpu.memory_space<hbm>>
      %dma_wait3A_730 = tpu.memref_squeeze %dma_wait3A_729 : memref<1x1280xf32, #tpu.memory_space<hbm>> -> memref<1280xf32, #tpu.memory_space<hbm>>
      tpu.wait_dma2 semaphore(%arg14 : memref<!tpu.dma_semaphore, #tpu.memory_space<semaphore_mem>>) src(%dma_wait3A_730 : memref<1280xf32, #tpu.memory_space<hbm>>) dst(%arg7 : memref<1280xf32, #tpu.memory_space<vmem>>)
      %dma_start3A_731 = arith.constant 0 : i32
      %dma_start3A_732 = tpu.memref_slice %arg2[%arg1, %dma_start3A_731] : memref<16x12800xi32, #tpu.memory_space<hbm>> -> memref<1x1280xi32, #tpu.memory_space<hbm>>
      %dma_start3A_733 = tpu.memref_squeeze %dma_start3A_732 : memref<1x1280xi32, #tpu.memory_space<hbm>> -> memref<1280xi32, #tpu.memory_space<hbm>>
      %dma_start3A_734 = arith.constant 0 : i32
      %dma_start3A_735 = tpu.memref_slice %arg2[%arg1, %dma_start3A_734] : memref<16x12800xi32, #tpu.memory_space<hbm>> -> memref<1x1280xi32, #tpu.memory_space<hbm>>
      %dma_start3A_736 = tpu.memref_squeeze %dma_start3A_735 : memref<1x1280xi32, #tpu.memory_space<hbm>> -> memref<1280xi32, #tpu.memory_space<hbm>>
      tpu.enqueue_dma source(%dma_start3A_736 : memref<1280xi32, #tpu.memory_space<hbm>>) target(%arg5 : memref<1280xi32, #tpu.memory_space<vmem>>) target_semaphore(%arg13 : memref<!tpu.dma_semaphore, #tpu.memory_space<semaphore_mem>>)
      %dma_start3A_737 = arith.constant 40 : i32
      %dma_start3A_738 = arith.constant 0 : i32
      %dma_start3A_739 = tpu.memref_slice %arg7[%dma_start3A_738] : memref<1280xf32, #tpu.memory_space<vmem>> -> memref<256xf32, #tpu.memory_space<vmem>>
      %dma_start3A_740 = tpu.memref_slice %arg4[%dma_start3A_737, %add3A_48, %multiple_of3A] : memref<50x64x4096xf32, #tpu.memory_space<hbm>> -> memref<1x1x256xf32, #tpu.memory_space<hbm>>
      %dma_start3A_741 = tpu.memref_squeeze %dma_start3A_740 : memref<1x1x256xf32, #tpu.memory_space<hbm>> -> memref<256xf32, #tpu.memory_space<hbm>>
      %dma_start3A_742 = tpu.memref_slice %arg4[%dma_start3A_737, %add3A_48, %multiple_of3A] : memref<50x64x4096xf32, #tpu.memory_space<hbm>> -> memref<1x1x256xf32, #tpu.memory_space<hbm>>
      %dma_start3A_743 = tpu.memref_squeeze %dma_start3A_742 : memref<1x1x256xf32, #tpu.memory_space<hbm>> -> memref<256xf32, #tpu.memory_space<hbm>>
      %dma_start3A_744 = arith.constant 0 : i32
      %dma_start3A_745 = tpu.memref_slice %arg7[%dma_start3A_744] : memref<1280xf32, #tpu.memory_space<vmem>> -> memref<256xf32, #tpu.memory_space<vmem>>
      tpu.enqueue_dma source(%dma_start3A_745 : memref<256xf32, #tpu.memory_space<vmem>>) target(%dma_start3A_743 : memref<256xf32, #tpu.memory_space<hbm>>) target_semaphore(%arg15 : memref<!tpu.dma_semaphore, #tpu.memory_space<semaphore_mem>>)
      %dma_start3A_746 = arith.constant 41 : i32
      %dma_start3A_747 = arith.constant 256 : i32
      %dma_start3A_748 = tpu.memref_slice %arg7[%dma_start3A_747] : memref<1280xf32, #tpu.memory_space<vmem>> -> memref<256xf32, #tpu.memory_space<vmem>>
      %dma_start3A_749 = tpu.memref_slice %arg4[%dma_start3A_746, %add3A_48, %multiple_of3A] : memref<50x64x4096xf32, #tpu.memory_space<hbm>> -> memref<1x1x256xf32, #tpu.memory_space<hbm>>
      %dma_start3A_750 = tpu.memref_squeeze %dma_start3A_749 : memref<1x1x256xf32, #tpu.memory_space<hbm>> -> memref<256xf32, #tpu.memory_space<hbm>>
      %dma_start3A_751 = tpu.memref_slice %arg4[%dma_start3A_746, %add3A_48, %multiple_of3A] : memref<50x64x4096xf32, #tpu.memory_space<hbm>> -> memref<1x1x256xf32, #tpu.memory_space<hbm>>
      %dma_start3A_752 = tpu.memref_squeeze %dma_start3A_751 : memref<1x1x256xf32, #tpu.memory_space<hbm>> -> memref<256xf32, #tpu.memory_space<hbm>>
      %dma_start3A_753 = arith.constant 256 : i32
      %dma_start3A_754 = tpu.memref_slice %arg7[%dma_start3A_753] : memref<1280xf32, #tpu.memory_space<vmem>> -> memref<256xf32, #tpu.memory_space<vmem>>
      tpu.enqueue_dma source(%dma_start3A_754 : memref<256xf32, #tpu.memory_space<vmem>>) target(%dma_start3A_752 : memref<256xf32, #tpu.memory_space<hbm>>) target_semaphore(%arg15 : memref<!tpu.dma_semaphore, #tpu.memory_space<semaphore_mem>>)
      %dma_start3A_755 = arith.constant 42 : i32
      %dma_start3A_756 = arith.constant 512 : i32
      %dma_start3A_757 = tpu.memref_slice %arg7[%dma_start3A_756] : memref<1280xf32, #tpu.memory_space<vmem>> -> memref<256xf32, #tpu.memory_space<vmem>>
      %dma_start3A_758 = tpu.memref_slice %arg4[%dma_start3A_755, %add3A_48, %multiple_of3A] : memref<50x64x4096xf32, #tpu.memory_space<hbm>> -> memref<1x1x256xf32, #tpu.memory_space<hbm>>
      %dma_start3A_759 = tpu.memref_squeeze %dma_start3A_758 : memref<1x1x256xf32, #tpu.memory_space<hbm>> -> memref<256xf32, #tpu.memory_space<hbm>>
      %dma_start3A_760 = tpu.memref_slice %arg4[%dma_start3A_755, %add3A_48, %multiple_of3A] : memref<50x64x4096xf32, #tpu.memory_space<hbm>> -> memref<1x1x256xf32, #tpu.memory_space<hbm>>
      %dma_start3A_761 = tpu.memref_squeeze %dma_start3A_760 : memref<1x1x256xf32, #tpu.memory_space<hbm>> -> memref<256xf32, #tpu.memory_space<hbm>>
      %dma_start3A_762 = arith.constant 512 : i32
      %dma_start3A_763 = tpu.memref_slice %arg7[%dma_start3A_762] : memref<1280xf32, #tpu.memory_space<vmem>> -> memref<256xf32, #tpu.memory_space<vmem>>
      tpu.enqueue_dma source(%dma_start3A_763 : memref<256xf32, #tpu.memory_space<vmem>>) target(%dma_start3A_761 : memref<256xf32, #tpu.memory_space<hbm>>) target_semaphore(%arg15 : memref<!tpu.dma_semaphore, #tpu.memory_space<semaphore_mem>>)
      %dma_start3A_764 = arith.constant 43 : i32
      %dma_start3A_765 = arith.constant 768 : i32
      %dma_start3A_766 = tpu.memref_slice %arg7[%dma_start3A_765] : memref<1280xf32, #tpu.memory_space<vmem>> -> memref<256xf32, #tpu.memory_space<vmem>>
      %dma_start3A_767 = tpu.memref_slice %arg4[%dma_start3A_764, %add3A_48, %multiple_of3A] : memref<50x64x4096xf32, #tpu.memory_space<hbm>> -> memref<1x1x256xf32, #tpu.memory_space<hbm>>
      %dma_start3A_768 = tpu.memref_squeeze %dma_start3A_767 : memref<1x1x256xf32, #tpu.memory_space<hbm>> -> memref<256xf32, #tpu.memory_space<hbm>>
      %dma_start3A_769 = tpu.memref_slice %arg4[%dma_start3A_764, %add3A_48, %multiple_of3A] : memref<50x64x4096xf32, #tpu.memory_space<hbm>> -> memref<1x1x256xf32, #tpu.memory_space<hbm>>
      %dma_start3A_770 = tpu.memref_squeeze %dma_start3A_769 : memref<1x1x256xf32, #tpu.memory_space<hbm>> -> memref<256xf32, #tpu.memory_space<hbm>>
      %dma_start3A_771 = arith.constant 768 : i32
      %dma_start3A_772 = tpu.memref_slice %arg7[%dma_start3A_771] : memref<1280xf32, #tpu.memory_space<vmem>> -> memref<256xf32, #tpu.memory_space<vmem>>
      tpu.enqueue_dma source(%dma_start3A_772 : memref<256xf32, #tpu.memory_space<vmem>>) target(%dma_start3A_770 : memref<256xf32, #tpu.memory_space<hbm>>) target_semaphore(%arg15 : memref<!tpu.dma_semaphore, #tpu.memory_space<semaphore_mem>>)
      %dma_start3A_773 = arith.constant 44 : i32
      %dma_start3A_774 = arith.constant 1024 : i32
      %dma_start3A_775 = tpu.memref_slice %arg7[%dma_start3A_774] : memref<1280xf32, #tpu.memory_space<vmem>> -> memref<256xf32, #tpu.memory_space<vmem>>
      %dma_start3A_776 = tpu.memref_slice %arg4[%dma_start3A_773, %add3A_48, %multiple_of3A] : memref<50x64x4096xf32, #tpu.memory_space<hbm>> -> memref<1x1x256xf32, #tpu.memory_space<hbm>>
      %dma_start3A_777 = tpu.memref_squeeze %dma_start3A_776 : memref<1x1x256xf32, #tpu.memory_space<hbm>> -> memref<256xf32, #tpu.memory_space<hbm>>
      %dma_start3A_778 = tpu.memref_slice %arg4[%dma_start3A_773, %add3A_48, %multiple_of3A] : memref<50x64x4096xf32, #tpu.memory_space<hbm>> -> memref<1x1x256xf32, #tpu.memory_space<hbm>>
      %dma_start3A_779 = tpu.memref_squeeze %dma_start3A_778 : memref<1x1x256xf32, #tpu.memory_space<hbm>> -> memref<256xf32, #tpu.memory_space<hbm>>
      %dma_start3A_780 = arith.constant 1024 : i32
      %dma_start3A_781 = tpu.memref_slice %arg7[%dma_start3A_780] : memref<1280xf32, #tpu.memory_space<vmem>> -> memref<256xf32, #tpu.memory_space<vmem>>
      tpu.enqueue_dma source(%dma_start3A_781 : memref<256xf32, #tpu.memory_space<vmem>>) target(%dma_start3A_779 : memref<256xf32, #tpu.memory_space<hbm>>) target_semaphore(%arg15 : memref<!tpu.dma_semaphore, #tpu.memory_space<semaphore_mem>>)
      %dma_wait3A_782 = arith.constant 0 : i32
      %dma_wait3A_783 = arith.constant 0 : i32
      %dma_wait3A_784 = tpu.memref_slice %arg3[%dma_wait3A_782, %dma_wait3A_783] : memref<64x1000000xf32, #tpu.memory_space<hbm>> -> memref<1x1280xf32, #tpu.memory_space<hbm>>
      %dma_wait3A_785 = tpu.memref_squeeze %dma_wait3A_784 : memref<1x1280xf32, #tpu.memory_space<hbm>> -> memref<1280xf32, #tpu.memory_space<hbm>>
      %dma_wait3A_786 = arith.constant 0 : i32
      %dma_wait3A_787 = tpu.memref_slice %arg3[%dma_wait3A_782, %dma_wait3A_786] : memref<64x1000000xf32, #tpu.memory_space<hbm>> -> memref<1x1280xf32, #tpu.memory_space<hbm>>
      %dma_wait3A_788 = tpu.memref_squeeze %dma_wait3A_787 : memref<1x1280xf32, #tpu.memory_space<hbm>> -> memref<1280xf32, #tpu.memory_space<hbm>>
      tpu.wait_dma2 semaphore(%arg14 : memref<!tpu.dma_semaphore, #tpu.memory_space<semaphore_mem>>) src(%dma_wait3A_788 : memref<1280xf32, #tpu.memory_space<hbm>>) dst(%arg8 : memref<1280xf32, #tpu.memory_space<vmem>>)
      %dma_start3A_789 = arith.constant 45 : i32
      %dma_start3A_790 = arith.constant 0 : i32
      %dma_start3A_791 = tpu.memref_slice %arg8[%dma_start3A_790] : memref<1280xf32, #tpu.memory_space<vmem>> -> memref<256xf32, #tpu.memory_space<vmem>>
      %dma_start3A_792 = tpu.memref_slice %arg4[%dma_start3A_789, %add3A_48, %multiple_of3A] : memref<50x64x4096xf32, #tpu.memory_space<hbm>> -> memref<1x1x256xf32, #tpu.memory_space<hbm>>
      %dma_start3A_793 = tpu.memref_squeeze %dma_start3A_792 : memref<1x1x256xf32, #tpu.memory_space<hbm>> -> memref<256xf32, #tpu.memory_space<hbm>>
      %dma_start3A_794 = tpu.memref_slice %arg4[%dma_start3A_789, %add3A_48, %multiple_of3A] : memref<50x64x4096xf32, #tpu.memory_space<hbm>> -> memref<1x1x256xf32, #tpu.memory_space<hbm>>
      %dma_start3A_795 = tpu.memref_squeeze %dma_start3A_794 : memref<1x1x256xf32, #tpu.memory_space<hbm>> -> memref<256xf32, #tpu.memory_space<hbm>>
      %dma_start3A_796 = arith.constant 0 : i32
      %dma_start3A_797 = tpu.memref_slice %arg8[%dma_start3A_796] : memref<1280xf32, #tpu.memory_space<vmem>> -> memref<256xf32, #tpu.memory_space<vmem>>
      tpu.enqueue_dma source(%dma_start3A_797 : memref<256xf32, #tpu.memory_space<vmem>>) target(%dma_start3A_795 : memref<256xf32, #tpu.memory_space<hbm>>) target_semaphore(%arg16 : memref<!tpu.dma_semaphore, #tpu.memory_space<semaphore_mem>>)
      %dma_start3A_798 = arith.constant 46 : i32
      %dma_start3A_799 = arith.constant 256 : i32
      %dma_start3A_800 = tpu.memref_slice %arg8[%dma_start3A_799] : memref<1280xf32, #tpu.memory_space<vmem>> -> memref<256xf32, #tpu.memory_space<vmem>>
      %dma_start3A_801 = tpu.memref_slice %arg4[%dma_start3A_798, %add3A_48, %multiple_of3A] : memref<50x64x4096xf32, #tpu.memory_space<hbm>> -> memref<1x1x256xf32, #tpu.memory_space<hbm>>
      %dma_start3A_802 = tpu.memref_squeeze %dma_start3A_801 : memref<1x1x256xf32, #tpu.memory_space<hbm>> -> memref<256xf32, #tpu.memory_space<hbm>>
      %dma_start3A_803 = tpu.memref_slice %arg4[%dma_start3A_798, %add3A_48, %multiple_of3A] : memref<50x64x4096xf32, #tpu.memory_space<hbm>> -> memref<1x1x256xf32, #tpu.memory_space<hbm>>
      %dma_start3A_804 = tpu.memref_squeeze %dma_start3A_803 : memref<1x1x256xf32, #tpu.memory_space<hbm>> -> memref<256xf32, #tpu.memory_space<hbm>>
      %dma_start3A_805 = arith.constant 256 : i32
      %dma_start3A_806 = tpu.memref_slice %arg8[%dma_start3A_805] : memref<1280xf32, #tpu.memory_space<vmem>> -> memref<256xf32, #tpu.memory_space<vmem>>
      tpu.enqueue_dma source(%dma_start3A_806 : memref<256xf32, #tpu.memory_space<vmem>>) target(%dma_start3A_804 : memref<256xf32, #tpu.memory_space<hbm>>) target_semaphore(%arg16 : memref<!tpu.dma_semaphore, #tpu.memory_space<semaphore_mem>>)
      %dma_start3A_807 = arith.constant 47 : i32
      %dma_start3A_808 = arith.constant 512 : i32
      %dma_start3A_809 = tpu.memref_slice %arg8[%dma_start3A_808] : memref<1280xf32, #tpu.memory_space<vmem>> -> memref<256xf32, #tpu.memory_space<vmem>>
      %dma_start3A_810 = tpu.memref_slice %arg4[%dma_start3A_807, %add3A_48, %multiple_of3A] : memref<50x64x4096xf32, #tpu.memory_space<hbm>> -> memref<1x1x256xf32, #tpu.memory_space<hbm>>
      %dma_start3A_811 = tpu.memref_squeeze %dma_start3A_810 : memref<1x1x256xf32, #tpu.memory_space<hbm>> -> memref<256xf32, #tpu.memory_space<hbm>>
      %dma_start3A_812 = tpu.memref_slice %arg4[%dma_start3A_807, %add3A_48, %multiple_of3A] : memref<50x64x4096xf32, #tpu.memory_space<hbm>> -> memref<1x1x256xf32, #tpu.memory_space<hbm>>
      %dma_start3A_813 = tpu.memref_squeeze %dma_start3A_812 : memref<1x1x256xf32, #tpu.memory_space<hbm>> -> memref<256xf32, #tpu.memory_space<hbm>>
      %dma_start3A_814 = arith.constant 512 : i32
      %dma_start3A_815 = tpu.memref_slice %arg8[%dma_start3A_814] : memref<1280xf32, #tpu.memory_space<vmem>> -> memref<256xf32, #tpu.memory_space<vmem>>
      tpu.enqueue_dma source(%dma_start3A_815 : memref<256xf32, #tpu.memory_space<vmem>>) target(%dma_start3A_813 : memref<256xf32, #tpu.memory_space<hbm>>) target_semaphore(%arg16 : memref<!tpu.dma_semaphore, #tpu.memory_space<semaphore_mem>>)
      %dma_start3A_816 = arith.constant 48 : i32
      %dma_start3A_817 = arith.constant 768 : i32
      %dma_start3A_818 = tpu.memref_slice %arg8[%dma_start3A_817] : memref<1280xf32, #tpu.memory_space<vmem>> -> memref<256xf32, #tpu.memory_space<vmem>>
      %dma_start3A_819 = tpu.memref_slice %arg4[%dma_start3A_816, %add3A_48, %multiple_of3A] : memref<50x64x4096xf32, #tpu.memory_space<hbm>> -> memref<1x1x256xf32, #tpu.memory_space<hbm>>
      %dma_start3A_820 = tpu.memref_squeeze %dma_start3A_819 : memref<1x1x256xf32, #tpu.memory_space<hbm>> -> memref<256xf32, #tpu.memory_space<hbm>>
      %dma_start3A_821 = tpu.memref_slice %arg4[%dma_start3A_816, %add3A_48, %multiple_of3A] : memref<50x64x4096xf32, #tpu.memory_space<hbm>> -> memref<1x1x256xf32, #tpu.memory_space<hbm>>
      %dma_start3A_822 = tpu.memref_squeeze %dma_start3A_821 : memref<1x1x256xf32, #tpu.memory_space<hbm>> -> memref<256xf32, #tpu.memory_space<hbm>>
      %dma_start3A_823 = arith.constant 768 : i32
      %dma_start3A_824 = tpu.memref_slice %arg8[%dma_start3A_823] : memref<1280xf32, #tpu.memory_space<vmem>> -> memref<256xf32, #tpu.memory_space<vmem>>
      tpu.enqueue_dma source(%dma_start3A_824 : memref<256xf32, #tpu.memory_space<vmem>>) target(%dma_start3A_822 : memref<256xf32, #tpu.memory_space<hbm>>) target_semaphore(%arg16 : memref<!tpu.dma_semaphore, #tpu.memory_space<semaphore_mem>>)
      %dma_start3A_825 = arith.constant 49 : i32
      %dma_start3A_826 = arith.constant 1024 : i32
      %dma_start3A_827 = tpu.memref_slice %arg8[%dma_start3A_826] : memref<1280xf32, #tpu.memory_space<vmem>> -> memref<256xf32, #tpu.memory_space<vmem>>
      %dma_start3A_828 = tpu.memref_slice %arg4[%dma_start3A_825, %add3A_48, %multiple_of3A] : memref<50x64x4096xf32, #tpu.memory_space<hbm>> -> memref<1x1x256xf32, #tpu.memory_space<hbm>>
      %dma_start3A_829 = tpu.memref_squeeze %dma_start3A_828 : memref<1x1x256xf32, #tpu.memory_space<hbm>> -> memref<256xf32, #tpu.memory_space<hbm>>
      %dma_start3A_830 = tpu.memref_slice %arg4[%dma_start3A_825, %add3A_48, %multiple_of3A] : memref<50x64x4096xf32, #tpu.memory_space<hbm>> -> memref<1x1x256xf32, #tpu.memory_space<hbm>>
      %dma_start3A_831 = tpu.memref_squeeze %dma_start3A_830 : memref<1x1x256xf32, #tpu.memory_space<hbm>> -> memref<256xf32, #tpu.memory_space<hbm>>
      %dma_start3A_832 = arith.constant 1024 : i32
      %dma_start3A_833 = tpu.memref_slice %arg8[%dma_start3A_832] : memref<1280xf32, #tpu.memory_space<vmem>> -> memref<256xf32, #tpu.memory_space<vmem>>
      tpu.enqueue_dma source(%dma_start3A_833 : memref<256xf32, #tpu.memory_space<vmem>>) target(%dma_start3A_831 : memref<256xf32, #tpu.memory_space<hbm>>) target_semaphore(%arg16 : memref<!tpu.dma_semaphore, #tpu.memory_space<semaphore_mem>>)
      %add3A_834 = arith.constant 1 : i32
      %add3A_835 = arith.addi %mul3A_47, %add3A_834 : i32
      %add3A_836 = arith.addi %mul3A_5, %add3A_835 : i32
      %add3A_837 = arith.constant 31232 : i32
      %add3A_838 = arith.addi %multiple_of3A_3, %add3A_837 : i32
      %multiple_of3A_839 = tpu.assume_multiple %add3A_838, 128 : i32
      %dma_wait3A_840 = arith.constant 0 : i32
      %dma_wait3A_841 = tpu.memref_slice %arg10[%dma_wait3A_840, %multiple_of3A_3] : memref<1x1000000xf32, #tpu.memory_space<vmem_shared>> -> memref<1x31232xf32, #tpu.memory_space<vmem_shared>>
      %dma_wait3A_842 = tpu.memref_slice %arg3[%add3A_836, %multiple_of3A_3] : memref<64x1000000xf32, #tpu.memory_space<hbm>> -> memref<1x31232xf32, #tpu.memory_space<hbm>>
      tpu.wait_dma2 semaphore(%arg12 : memref<!tpu.dma_semaphore, #tpu.memory_space<semaphore_mem>>) src(%dma_wait3A_842 : memref<1x31232xf32, #tpu.memory_space<hbm>>) dst(%dma_wait3A_841 : memref<1x31232xf32, #tpu.memory_space<vmem_shared>>)
      %dma_wait3A_843 = arith.constant 0 : i32
      %dma_wait3A_844 = tpu.memref_slice %arg10[%dma_wait3A_843, %multiple_of3A_839] : memref<1x1000000xf32, #tpu.memory_space<vmem_shared>> -> memref<1x31232xf32, #tpu.memory_space<vmem_shared>>
      %dma_wait3A_845 = tpu.memref_slice %arg3[%add3A_836, %multiple_of3A_839] : memref<64x1000000xf32, #tpu.memory_space<hbm>> -> memref<1x31232xf32, #tpu.memory_space<hbm>>
      tpu.wait_dma2 semaphore(%arg12 : memref<!tpu.dma_semaphore, #tpu.memory_space<semaphore_mem>>) src(%dma_wait3A_845 : memref<1x31232xf32, #tpu.memory_space<hbm>>) dst(%dma_wait3A_844 : memref<1x31232xf32, #tpu.memory_space<vmem_shared>>)
      %eq3A_846 = arith.constant 15 : i32
      %eq3A_847 = arith.cmpi eq, %arg1, %eq3A_846 : i32
      %convert_element_type3A_848 = arith.extui %eq3A_847 : i1 to i32
      %cond3A_849 = arith.constant 0 : i32
      %cond3A_850 = arith.cmpi ne, %convert_element_type3A_848, %cond3A_849 : i32
      scf.if %cond3A_850 {
        %dma_wait3A_1625 = arith.constant 0 : i32
        %dma_wait3A_1626 = arith.constant 999424 : i32
        %dma_wait3A_1627 = tpu.memref_slice %arg10[%dma_wait3A_1625, %dma_wait3A_1626] : memref<1x1000000xf32, #tpu.memory_space<vmem_shared>> -> memref<1x576xf32, #tpu.memory_space<vmem_shared>>
        %dma_wait3A_1628 = arith.constant 999424 : i32
        %dma_wait3A_1629 = tpu.memref_slice %arg3[%add3A_836, %dma_wait3A_1628] : memref<64x1000000xf32, #tpu.memory_space<hbm>> -> memref<1x576xf32, #tpu.memory_space<hbm>>
        tpu.wait_dma2 semaphore(%arg12 : memref<!tpu.dma_semaphore, #tpu.memory_space<semaphore_mem>>) src(%dma_wait3A_1629 : memref<1x576xf32, #tpu.memory_space<hbm>>) dst(%dma_wait3A_1627 : memref<1x576xf32, #tpu.memory_space<vmem_shared>>)
      } else {
      }
      %barrier3A_851 = arith.constant 0 : index
      tpu.barrier barrier_id(%barrier3A_851)
      %add3A_852 = arith.constant 1 : i32
      %add3A_853 = arith.addi %add3A_835, %add3A_852 : i32
      %lt3A_854 = arith.constant 32 : i32
      %lt3A_855 = arith.cmpi slt, %add3A_853, %lt3A_854 : i32
      %convert_element_type3A_856 = arith.extui %lt3A_855 : i1 to i32
      %cond3A_857 = arith.constant 0 : i32
      %cond3A_858 = arith.cmpi ne, %convert_element_type3A_856, %cond3A_857 : i32
      scf.if %cond3A_858 {
        %add3A_1625 = arith.constant 1 : i32
        %add3A_1626 = arith.addi %add3A_836, %add3A_1625 : i32
        %add3A_1627 = arith.constant 31232 : i32
        %add3A_1628 = arith.addi %multiple_of3A_3, %add3A_1627 : i32
        %multiple_of3A_1629 = tpu.assume_multiple %add3A_1628, 128 : i32
        %dma_start3A_1630 = arith.constant 0 : i32
        %dma_start3A_1631 = tpu.memref_slice %arg9[%dma_start3A_1630, %multiple_of3A_3] : memref<1x1000000xf32, #tpu.memory_space<vmem_shared>> -> memref<1x31232xf32, #tpu.memory_space<vmem_shared>>
        %dma_start3A_1632 = tpu.memref_slice %arg3[%add3A_1626, %multiple_of3A_3] : memref<64x1000000xf32, #tpu.memory_space<hbm>> -> memref<1x31232xf32, #tpu.memory_space<hbm>>
        tpu.enqueue_dma source(%dma_start3A_1632 : memref<1x31232xf32, #tpu.memory_space<hbm>>) target(%dma_start3A_1631 : memref<1x31232xf32, #tpu.memory_space<vmem_shared>>) target_semaphore(%arg11 : memref<!tpu.dma_semaphore, #tpu.memory_space<semaphore_mem>>)
        %dma_start3A_1633 = arith.constant 0 : i32
        %dma_start3A_1634 = tpu.memref_slice %arg9[%dma_start3A_1633, %multiple_of3A_1629] : memref<1x1000000xf32, #tpu.memory_space<vmem_shared>> -> memref<1x31232xf32, #tpu.memory_space<vmem_shared>>
        %dma_start3A_1635 = tpu.memref_slice %arg3[%add3A_1626, %multiple_of3A_1629] : memref<64x1000000xf32, #tpu.memory_space<hbm>> -> memref<1x31232xf32, #tpu.memory_space<hbm>>
        tpu.enqueue_dma source(%dma_start3A_1635 : memref<1x31232xf32, #tpu.memory_space<hbm>>) target(%dma_start3A_1634 : memref<1x31232xf32, #tpu.memory_space<vmem_shared>>) target_semaphore(%arg11 : memref<!tpu.dma_semaphore, #tpu.memory_space<semaphore_mem>>)
        %eq3A_1636 = arith.constant 15 : i32
        %eq3A_1637 = arith.cmpi eq, %arg1, %eq3A_1636 : i32
        %convert_element_type3A_1638 = arith.extui %eq3A_1637 : i1 to i32
        %cond3A_1639 = arith.constant 0 : i32
        %cond3A_1640 = arith.cmpi ne, %convert_element_type3A_1638, %cond3A_1639 : i32
        scf.if %cond3A_1640 {
          %dma_start3A_1641 = arith.constant 0 : i32
          %dma_start3A_1642 = arith.constant 999424 : i32
          %dma_start3A_1643 = tpu.memref_slice %arg9[%dma_start3A_1641, %dma_start3A_1642] : memref<1x1000000xf32, #tpu.memory_space<vmem_shared>> -> memref<1x576xf32, #tpu.memory_space<vmem_shared>>
          %dma_start3A_1644 = arith.constant 999424 : i32
          %dma_start3A_1645 = tpu.memref_slice %arg3[%add3A_1626, %dma_start3A_1644] : memref<64x1000000xf32, #tpu.memory_space<hbm>> -> memref<1x576xf32, #tpu.memory_space<hbm>>
          tpu.enqueue_dma source(%dma_start3A_1645 : memref<1x576xf32, #tpu.memory_space<hbm>>) target(%dma_start3A_1643 : memref<1x576xf32, #tpu.memory_space<vmem_shared>>) target_semaphore(%arg11 : memref<!tpu.dma_semaphore, #tpu.memory_space<semaphore_mem>>)
        } else {
        }
      } else {
      }
      %gt3A_859 = arith.constant 0 : i32
      %gt3A_860 = arith.cmpi sgt, %add3A_835, %gt3A_859 : i32
      %convert_element_type3A_861 = arith.extui %gt3A_860 : i1 to i32
      %cond3A_862 = arith.constant 0 : i32
      %cond3A_863 = arith.cmpi ne, %convert_element_type3A_861, %cond3A_862 : i32
      scf.if %cond3A_863 {
        %dma_wait3A_1625 = arith.constant 0 : i32
        %dma_wait3A_1626 = arith.constant 0 : i32
        %dma_wait3A_1627 = tpu.memref_slice %arg3[%dma_wait3A_1625, %dma_wait3A_1626] : memref<64x1000000xf32, #tpu.memory_space<hbm>> -> memref<1x1280xf32, #tpu.memory_space<hbm>>
        %dma_wait3A_1628 = tpu.memref_squeeze %dma_wait3A_1627 : memref<1x1280xf32, #tpu.memory_space<hbm>> -> memref<1280xf32, #tpu.memory_space<hbm>>
        %dma_wait3A_1629 = arith.constant 0 : i32
        %dma_wait3A_1630 = tpu.memref_slice %arg3[%dma_wait3A_1625, %dma_wait3A_1629] : memref<64x1000000xf32, #tpu.memory_space<hbm>> -> memref<1x1280xf32, #tpu.memory_space<hbm>>
        %dma_wait3A_1631 = tpu.memref_squeeze %dma_wait3A_1630 : memref<1x1280xf32, #tpu.memory_space<hbm>> -> memref<1280xf32, #tpu.memory_space<hbm>>
        tpu.wait_dma2 semaphore(%arg15 : memref<!tpu.dma_semaphore, #tpu.memory_space<semaphore_mem>>) src(%dma_wait3A_1631 : memref<1280xf32, #tpu.memory_space<hbm>>) dst(%arg7 : memref<1280xf32, #tpu.memory_space<vmem>>)
      } else {
      }
      %dma_wait3A_864 = arith.constant 0 : i32
      %dma_wait3A_865 = tpu.memref_slice %arg2[%arg1, %dma_wait3A_864] : memref<16x12800xi32, #tpu.memory_space<hbm>> -> memref<1x1280xi32, #tpu.memory_space<hbm>>
      %dma_wait3A_866 = tpu.memref_squeeze %dma_wait3A_865 : memref<1x1280xi32, #tpu.memory_space<hbm>> -> memref<1280xi32, #tpu.memory_space<hbm>>
      %dma_wait3A_867 = arith.constant 0 : i32
      %dma_wait3A_868 = tpu.memref_slice %arg2[%arg1, %dma_wait3A_867] : memref<16x12800xi32, #tpu.memory_space<hbm>> -> memref<1x1280xi32, #tpu.memory_space<hbm>>
      %dma_wait3A_869 = tpu.memref_squeeze %dma_wait3A_868 : memref<1x1280xi32, #tpu.memory_space<hbm>> -> memref<1280xi32, #tpu.memory_space<hbm>>
      tpu.wait_dma2 semaphore(%arg13 : memref<!tpu.dma_semaphore, #tpu.memory_space<semaphore_mem>>) src(%dma_wait3A_869 : memref<1280xi32, #tpu.memory_space<hbm>>) dst(%arg5 : memref<1280xi32, #tpu.memory_space<vmem>>)
      %dma_start3A_870 = arith.constant 0 : i32
      %dma_start3A_871 = arith.constant 0 : i32
      %dma_start3A_872 = tpu.memref_slice %arg10[%dma_start3A_870, %dma_start3A_871] : memref<1x1000000xf32, #tpu.memory_space<vmem_shared>> -> memref<1x1000000xf32, #tpu.memory_space<vmem_shared>>
      %dma_start3A_873 = tpu.memref_squeeze %dma_start3A_872 : memref<1x1000000xf32, #tpu.memory_space<vmem_shared>> -> memref<1000000xf32, #tpu.memory_space<vmem_shared>>
      %dma_start3A_874 = arith.constant 0 : i32
      %dma_start3A_875 = tpu.memref_slice %dma_start3A_873[%dma_start3A_874] : memref<1000000xf32, #tpu.memory_space<vmem_shared>> -> memref<1000000xf32, #tpu.memory_space<vmem_shared>>
      tpu.enqueue_indirect_dma source(%dma_start3A_875 : memref<1000000xf32, #tpu.memory_space<vmem_shared>>) target(%arg7 : memref<1280xf32, #tpu.memory_space<vmem>>) offsets(%arg5 : memref<1280xi32, #tpu.memory_space<vmem>>) semaphore(%arg14 : memref<!tpu.dma_semaphore, #tpu.memory_space<semaphore_mem>>)
      %dma_start3A_876 = arith.constant 1280 : i32
      %dma_start3A_877 = tpu.memref_slice %arg2[%arg1, %dma_start3A_876] : memref<16x12800xi32, #tpu.memory_space<hbm>> -> memref<1x1280xi32, #tpu.memory_space<hbm>>
      %dma_start3A_878 = tpu.memref_squeeze %dma_start3A_877 : memref<1x1280xi32, #tpu.memory_space<hbm>> -> memref<1280xi32, #tpu.memory_space<hbm>>
      %dma_start3A_879 = arith.constant 1280 : i32
      %dma_start3A_880 = tpu.memref_slice %arg2[%arg1, %dma_start3A_879] : memref<16x12800xi32, #tpu.memory_space<hbm>> -> memref<1x1280xi32, #tpu.memory_space<hbm>>
      %dma_start3A_881 = tpu.memref_squeeze %dma_start3A_880 : memref<1x1280xi32, #tpu.memory_space<hbm>> -> memref<1280xi32, #tpu.memory_space<hbm>>
      tpu.enqueue_dma source(%dma_start3A_881 : memref<1280xi32, #tpu.memory_space<hbm>>) target(%arg6 : memref<1280xi32, #tpu.memory_space<vmem>>) target_semaphore(%arg13 : memref<!tpu.dma_semaphore, #tpu.memory_space<semaphore_mem>>)
      %gt3A_882 = arith.constant 0 : i32
      %gt3A_883 = arith.cmpi sgt, %add3A_835, %gt3A_882 : i32
      %convert_element_type3A_884 = arith.extui %gt3A_883 : i1 to i32
      %cond3A_885 = arith.constant 0 : i32
      %cond3A_886 = arith.cmpi ne, %convert_element_type3A_884, %cond3A_885 : i32
      scf.if %cond3A_886 {
        %dma_wait3A_1625 = arith.constant 0 : i32
        %dma_wait3A_1626 = arith.constant 0 : i32
        %dma_wait3A_1627 = tpu.memref_slice %arg3[%dma_wait3A_1625, %dma_wait3A_1626] : memref<64x1000000xf32, #tpu.memory_space<hbm>> -> memref<1x1280xf32, #tpu.memory_space<hbm>>
        %dma_wait3A_1628 = tpu.memref_squeeze %dma_wait3A_1627 : memref<1x1280xf32, #tpu.memory_space<hbm>> -> memref<1280xf32, #tpu.memory_space<hbm>>
        %dma_wait3A_1629 = arith.constant 0 : i32
        %dma_wait3A_1630 = tpu.memref_slice %arg3[%dma_wait3A_1625, %dma_wait3A_1629] : memref<64x1000000xf32, #tpu.memory_space<hbm>> -> memref<1x1280xf32, #tpu.memory_space<hbm>>
        %dma_wait3A_1631 = tpu.memref_squeeze %dma_wait3A_1630 : memref<1x1280xf32, #tpu.memory_space<hbm>> -> memref<1280xf32, #tpu.memory_space<hbm>>
        tpu.wait_dma2 semaphore(%arg16 : memref<!tpu.dma_semaphore, #tpu.memory_space<semaphore_mem>>) src(%dma_wait3A_1631 : memref<1280xf32, #tpu.memory_space<hbm>>) dst(%arg8 : memref<1280xf32, #tpu.memory_space<vmem>>)
      } else {
      }
      %dma_wait3A_887 = arith.constant 1280 : i32
      %dma_wait3A_888 = tpu.memref_slice %arg2[%arg1, %dma_wait3A_887] : memref<16x12800xi32, #tpu.memory_space<hbm>> -> memref<1x1280xi32, #tpu.memory_space<hbm>>
      %dma_wait3A_889 = tpu.memref_squeeze %dma_wait3A_888 : memref<1x1280xi32, #tpu.memory_space<hbm>> -> memref<1280xi32, #tpu.memory_space<hbm>>
      %dma_wait3A_890 = arith.constant 1280 : i32
      %dma_wait3A_891 = tpu.memref_slice %arg2[%arg1, %dma_wait3A_890] : memref<16x12800xi32, #tpu.memory_space<hbm>> -> memref<1x1280xi32, #tpu.memory_space<hbm>>
      %dma_wait3A_892 = tpu.memref_squeeze %dma_wait3A_891 : memref<1x1280xi32, #tpu.memory_space<hbm>> -> memref<1280xi32, #tpu.memory_space<hbm>>
      tpu.wait_dma2 semaphore(%arg13 : memref<!tpu.dma_semaphore, #tpu.memory_space<semaphore_mem>>) src(%dma_wait3A_892 : memref<1280xi32, #tpu.memory_space<hbm>>) dst(%arg6 : memref<1280xi32, #tpu.memory_space<vmem>>)
      %dma_start3A_893 = arith.constant 0 : i32
      %dma_start3A_894 = arith.constant 0 : i32
      %dma_start3A_895 = tpu.memref_slice %arg10[%dma_start3A_893, %dma_start3A_894] : memref<1x1000000xf32, #tpu.memory_space<vmem_shared>> -> memref<1x1000000xf32, #tpu.memory_space<vmem_shared>>
      %dma_start3A_896 = tpu.memref_squeeze %dma_start3A_895 : memref<1x1000000xf32, #tpu.memory_space<vmem_shared>> -> memref<1000000xf32, #tpu.memory_space<vmem_shared>>
      %dma_start3A_897 = arith.constant 0 : i32
      %dma_start3A_898 = tpu.memref_slice %dma_start3A_896[%dma_start3A_897] : memref<1000000xf32, #tpu.memory_space<vmem_shared>> -> memref<1000000xf32, #tpu.memory_space<vmem_shared>>
      tpu.enqueue_indirect_dma source(%dma_start3A_898 : memref<1000000xf32, #tpu.memory_space<vmem_shared>>) target(%arg8 : memref<1280xf32, #tpu.memory_space<vmem>>) offsets(%arg6 : memref<1280xi32, #tpu.memory_space<vmem>>) semaphore(%arg14 : memref<!tpu.dma_semaphore, #tpu.memory_space<semaphore_mem>>)
      %dma_wait3A_899 = arith.constant 0 : i32
      %dma_wait3A_900 = arith.constant 0 : i32
      %dma_wait3A_901 = tpu.memref_slice %arg3[%dma_wait3A_899, %dma_wait3A_900] : memref<64x1000000xf32, #tpu.memory_space<hbm>> -> memref<1x1280xf32, #tpu.memory_space<hbm>>
      %dma_wait3A_902 = tpu.memref_squeeze %dma_wait3A_901 : memref<1x1280xf32, #tpu.memory_space<hbm>> -> memref<1280xf32, #tpu.memory_space<hbm>>
      %dma_wait3A_903 = arith.constant 0 : i32
      %dma_wait3A_904 = tpu.memref_slice %arg3[%dma_wait3A_899, %dma_wait3A_903] : memref<64x1000000xf32, #tpu.memory_space<hbm>> -> memref<1x1280xf32, #tpu.memory_space<hbm>>
      %dma_wait3A_905 = tpu.memref_squeeze %dma_wait3A_904 : memref<1x1280xf32, #tpu.memory_space<hbm>> -> memref<1280xf32, #tpu.memory_space<hbm>>
      tpu.wait_dma2 semaphore(%arg14 : memref<!tpu.dma_semaphore, #tpu.memory_space<semaphore_mem>>) src(%dma_wait3A_905 : memref<1280xf32, #tpu.memory_space<hbm>>) dst(%arg7 : memref<1280xf32, #tpu.memory_space<vmem>>)
      %dma_start3A_906 = arith.constant 2560 : i32
      %dma_start3A_907 = tpu.memref_slice %arg2[%arg1, %dma_start3A_906] : memref<16x12800xi32, #tpu.memory_space<hbm>> -> memref<1x1280xi32, #tpu.memory_space<hbm>>
      %dma_start3A_908 = tpu.memref_squeeze %dma_start3A_907 : memref<1x1280xi32, #tpu.memory_space<hbm>> -> memref<1280xi32, #tpu.memory_space<hbm>>
      %dma_start3A_909 = arith.constant 2560 : i32
      %dma_start3A_910 = tpu.memref_slice %arg2[%arg1, %dma_start3A_909] : memref<16x12800xi32, #tpu.memory_space<hbm>> -> memref<1x1280xi32, #tpu.memory_space<hbm>>
      %dma_start3A_911 = tpu.memref_squeeze %dma_start3A_910 : memref<1x1280xi32, #tpu.memory_space<hbm>> -> memref<1280xi32, #tpu.memory_space<hbm>>
      tpu.enqueue_dma source(%dma_start3A_911 : memref<1280xi32, #tpu.memory_space<hbm>>) target(%arg5 : memref<1280xi32, #tpu.memory_space<vmem>>) target_semaphore(%arg13 : memref<!tpu.dma_semaphore, #tpu.memory_space<semaphore_mem>>)
      %dma_start3A_912 = arith.constant 0 : i32
      %dma_start3A_913 = arith.constant 0 : i32
      %dma_start3A_914 = tpu.memref_slice %arg7[%dma_start3A_913] : memref<1280xf32, #tpu.memory_space<vmem>> -> memref<256xf32, #tpu.memory_space<vmem>>
      %dma_start3A_915 = tpu.memref_slice %arg4[%dma_start3A_912, %add3A_836, %multiple_of3A] : memref<50x64x4096xf32, #tpu.memory_space<hbm>> -> memref<1x1x256xf32, #tpu.memory_space<hbm>>
      %dma_start3A_916 = tpu.memref_squeeze %dma_start3A_915 : memref<1x1x256xf32, #tpu.memory_space<hbm>> -> memref<256xf32, #tpu.memory_space<hbm>>
      %dma_start3A_917 = tpu.memref_slice %arg4[%dma_start3A_912, %add3A_836, %multiple_of3A] : memref<50x64x4096xf32, #tpu.memory_space<hbm>> -> memref<1x1x256xf32, #tpu.memory_space<hbm>>
      %dma_start3A_918 = tpu.memref_squeeze %dma_start3A_917 : memref<1x1x256xf32, #tpu.memory_space<hbm>> -> memref<256xf32, #tpu.memory_space<hbm>>
      %dma_start3A_919 = arith.constant 0 : i32
      %dma_start3A_920 = tpu.memref_slice %arg7[%dma_start3A_919] : memref<1280xf32, #tpu.memory_space<vmem>> -> memref<256xf32, #tpu.memory_space<vmem>>
      tpu.enqueue_dma source(%dma_start3A_920 : memref<256xf32, #tpu.memory_space<vmem>>) target(%dma_start3A_918 : memref<256xf32, #tpu.memory_space<hbm>>) target_semaphore(%arg15 : memref<!tpu.dma_semaphore, #tpu.memory_space<semaphore_mem>>)
      %dma_start3A_921 = arith.constant 1 : i32
      %dma_start3A_922 = arith.constant 256 : i32
      %dma_start3A_923 = tpu.memref_slice %arg7[%dma_start3A_922] : memref<1280xf32, #tpu.memory_space<vmem>> -> memref<256xf32, #tpu.memory_space<vmem>>
      %dma_start3A_924 = tpu.memref_slice %arg4[%dma_start3A_921, %add3A_836, %multiple_of3A] : memref<50x64x4096xf32, #tpu.memory_space<hbm>> -> memref<1x1x256xf32, #tpu.memory_space<hbm>>
      %dma_start3A_925 = tpu.memref_squeeze %dma_start3A_924 : memref<1x1x256xf32, #tpu.memory_space<hbm>> -> memref<256xf32, #tpu.memory_space<hbm>>
      %dma_start3A_926 = tpu.memref_slice %arg4[%dma_start3A_921, %add3A_836, %multiple_of3A] : memref<50x64x4096xf32, #tpu.memory_space<hbm>> -> memref<1x1x256xf32, #tpu.memory_space<hbm>>
      %dma_start3A_927 = tpu.memref_squeeze %dma_start3A_926 : memref<1x1x256xf32, #tpu.memory_space<hbm>> -> memref<256xf32, #tpu.memory_space<hbm>>
      %dma_start3A_928 = arith.constant 256 : i32
      %dma_start3A_929 = tpu.memref_slice %arg7[%dma_start3A_928] : memref<1280xf32, #tpu.memory_space<vmem>> -> memref<256xf32, #tpu.memory_space<vmem>>
      tpu.enqueue_dma source(%dma_start3A_929 : memref<256xf32, #tpu.memory_space<vmem>>) target(%dma_start3A_927 : memref<256xf32, #tpu.memory_space<hbm>>) target_semaphore(%arg15 : memref<!tpu.dma_semaphore, #tpu.memory_space<semaphore_mem>>)
      %dma_start3A_930 = arith.constant 2 : i32
      %dma_start3A_931 = arith.constant 512 : i32
      %dma_start3A_932 = tpu.memref_slice %arg7[%dma_start3A_931] : memref<1280xf32, #tpu.memory_space<vmem>> -> memref<256xf32, #tpu.memory_space<vmem>>
      %dma_start3A_933 = tpu.memref_slice %arg4[%dma_start3A_930, %add3A_836, %multiple_of3A] : memref<50x64x4096xf32, #tpu.memory_space<hbm>> -> memref<1x1x256xf32, #tpu.memory_space<hbm>>
      %dma_start3A_934 = tpu.memref_squeeze %dma_start3A_933 : memref<1x1x256xf32, #tpu.memory_space<hbm>> -> memref<256xf32, #tpu.memory_space<hbm>>
      %dma_start3A_935 = tpu.memref_slice %arg4[%dma_start3A_930, %add3A_836, %multiple_of3A] : memref<50x64x4096xf32, #tpu.memory_space<hbm>> -> memref<1x1x256xf32, #tpu.memory_space<hbm>>
      %dma_start3A_936 = tpu.memref_squeeze %dma_start3A_935 : memref<1x1x256xf32, #tpu.memory_space<hbm>> -> memref<256xf32, #tpu.memory_space<hbm>>
      %dma_start3A_937 = arith.constant 512 : i32
      %dma_start3A_938 = tpu.memref_slice %arg7[%dma_start3A_937] : memref<1280xf32, #tpu.memory_space<vmem>> -> memref<256xf32, #tpu.memory_space<vmem>>
      tpu.enqueue_dma source(%dma_start3A_938 : memref<256xf32, #tpu.memory_space<vmem>>) target(%dma_start3A_936 : memref<256xf32, #tpu.memory_space<hbm>>) target_semaphore(%arg15 : memref<!tpu.dma_semaphore, #tpu.memory_space<semaphore_mem>>)
      %dma_start3A_939 = arith.constant 3 : i32
      %dma_start3A_940 = arith.constant 768 : i32
      %dma_start3A_941 = tpu.memref_slice %arg7[%dma_start3A_940] : memref<1280xf32, #tpu.memory_space<vmem>> -> memref<256xf32, #tpu.memory_space<vmem>>
      %dma_start3A_942 = tpu.memref_slice %arg4[%dma_start3A_939, %add3A_836, %multiple_of3A] : memref<50x64x4096xf32, #tpu.memory_space<hbm>> -> memref<1x1x256xf32, #tpu.memory_space<hbm>>
      %dma_start3A_943 = tpu.memref_squeeze %dma_start3A_942 : memref<1x1x256xf32, #tpu.memory_space<hbm>> -> memref<256xf32, #tpu.memory_space<hbm>>
      %dma_start3A_944 = tpu.memref_slice %arg4[%dma_start3A_939, %add3A_836, %multiple_of3A] : memref<50x64x4096xf32, #tpu.memory_space<hbm>> -> memref<1x1x256xf32, #tpu.memory_space<hbm>>
      %dma_start3A_945 = tpu.memref_squeeze %dma_start3A_944 : memref<1x1x256xf32, #tpu.memory_space<hbm>> -> memref<256xf32, #tpu.memory_space<hbm>>
      %dma_start3A_946 = arith.constant 768 : i32
      %dma_start3A_947 = tpu.memref_slice %arg7[%dma_start3A_946] : memref<1280xf32, #tpu.memory_space<vmem>> -> memref<256xf32, #tpu.memory_space<vmem>>
      tpu.enqueue_dma source(%dma_start3A_947 : memref<256xf32, #tpu.memory_space<vmem>>) target(%dma_start3A_945 : memref<256xf32, #tpu.memory_space<hbm>>) target_semaphore(%arg15 : memref<!tpu.dma_semaphore, #tpu.memory_space<semaphore_mem>>)
      %dma_start3A_948 = arith.constant 4 : i32
      %dma_start3A_949 = arith.constant 1024 : i32
      %dma_start3A_950 = tpu.memref_slice %arg7[%dma_start3A_949] : memref<1280xf32, #tpu.memory_space<vmem>> -> memref<256xf32, #tpu.memory_space<vmem>>
      %dma_start3A_951 = tpu.memref_slice %arg4[%dma_start3A_948, %add3A_836, %multiple_of3A] : memref<50x64x4096xf32, #tpu.memory_space<hbm>> -> memref<1x1x256xf32, #tpu.memory_space<hbm>>
      %dma_start3A_952 = tpu.memref_squeeze %dma_start3A_951 : memref<1x1x256xf32, #tpu.memory_space<hbm>> -> memref<256xf32, #tpu.memory_space<hbm>>
      %dma_start3A_953 = tpu.memref_slice %arg4[%dma_start3A_948, %add3A_836, %multiple_of3A] : memref<50x64x4096xf32, #tpu.memory_space<hbm>> -> memref<1x1x256xf32, #tpu.memory_space<hbm>>
      %dma_start3A_954 = tpu.memref_squeeze %dma_start3A_953 : memref<1x1x256xf32, #tpu.memory_space<hbm>> -> memref<256xf32, #tpu.memory_space<hbm>>
      %dma_start3A_955 = arith.constant 1024 : i32
      %dma_start3A_956 = tpu.memref_slice %arg7[%dma_start3A_955] : memref<1280xf32, #tpu.memory_space<vmem>> -> memref<256xf32, #tpu.memory_space<vmem>>
      tpu.enqueue_dma source(%dma_start3A_956 : memref<256xf32, #tpu.memory_space<vmem>>) target(%dma_start3A_954 : memref<256xf32, #tpu.memory_space<hbm>>) target_semaphore(%arg15 : memref<!tpu.dma_semaphore, #tpu.memory_space<semaphore_mem>>)
      %dma_wait3A_957 = arith.constant 0 : i32
      %dma_wait3A_958 = arith.constant 0 : i32
      %dma_wait3A_959 = tpu.memref_slice %arg3[%dma_wait3A_957, %dma_wait3A_958] : memref<64x1000000xf32, #tpu.memory_space<hbm>> -> memref<1x1280xf32, #tpu.memory_space<hbm>>
      %dma_wait3A_960 = tpu.memref_squeeze %dma_wait3A_959 : memref<1x1280xf32, #tpu.memory_space<hbm>> -> memref<1280xf32, #tpu.memory_space<hbm>>
      %dma_wait3A_961 = arith.constant 0 : i32
      %dma_wait3A_962 = tpu.memref_slice %arg3[%dma_wait3A_957, %dma_wait3A_961] : memref<64x1000000xf32, #tpu.memory_space<hbm>> -> memref<1x1280xf32, #tpu.memory_space<hbm>>
      %dma_wait3A_963 = tpu.memref_squeeze %dma_wait3A_962 : memref<1x1280xf32, #tpu.memory_space<hbm>> -> memref<1280xf32, #tpu.memory_space<hbm>>
      tpu.wait_dma2 semaphore(%arg15 : memref<!tpu.dma_semaphore, #tpu.memory_space<semaphore_mem>>) src(%dma_wait3A_963 : memref<1280xf32, #tpu.memory_space<hbm>>) dst(%arg7 : memref<1280xf32, #tpu.memory_space<vmem>>)
      %dma_wait3A_964 = arith.constant 2560 : i32
      %dma_wait3A_965 = tpu.memref_slice %arg2[%arg1, %dma_wait3A_964] : memref<16x12800xi32, #tpu.memory_space<hbm>> -> memref<1x1280xi32, #tpu.memory_space<hbm>>
      %dma_wait3A_966 = tpu.memref_squeeze %dma_wait3A_965 : memref<1x1280xi32, #tpu.memory_space<hbm>> -> memref<1280xi32, #tpu.memory_space<hbm>>
      %dma_wait3A_967 = arith.constant 2560 : i32
      %dma_wait3A_968 = tpu.memref_slice %arg2[%arg1, %dma_wait3A_967] : memref<16x12800xi32, #tpu.memory_space<hbm>> -> memref<1x1280xi32, #tpu.memory_space<hbm>>
      %dma_wait3A_969 = tpu.memref_squeeze %dma_wait3A_968 : memref<1x1280xi32, #tpu.memory_space<hbm>> -> memref<1280xi32, #tpu.memory_space<hbm>>
      tpu.wait_dma2 semaphore(%arg13 : memref<!tpu.dma_semaphore, #tpu.memory_space<semaphore_mem>>) src(%dma_wait3A_969 : memref<1280xi32, #tpu.memory_space<hbm>>) dst(%arg5 : memref<1280xi32, #tpu.memory_space<vmem>>)
      %dma_start3A_970 = arith.constant 0 : i32
      %dma_start3A_971 = arith.constant 0 : i32
      %dma_start3A_972 = tpu.memref_slice %arg10[%dma_start3A_970, %dma_start3A_971] : memref<1x1000000xf32, #tpu.memory_space<vmem_shared>> -> memref<1x1000000xf32, #tpu.memory_space<vmem_shared>>
      %dma_start3A_973 = tpu.memref_squeeze %dma_start3A_972 : memref<1x1000000xf32, #tpu.memory_space<vmem_shared>> -> memref<1000000xf32, #tpu.memory_space<vmem_shared>>
      %dma_start3A_974 = arith.constant 0 : i32
      %dma_start3A_975 = tpu.memref_slice %dma_start3A_973[%dma_start3A_974] : memref<1000000xf32, #tpu.memory_space<vmem_shared>> -> memref<1000000xf32, #tpu.memory_space<vmem_shared>>
      tpu.enqueue_indirect_dma source(%dma_start3A_975 : memref<1000000xf32, #tpu.memory_space<vmem_shared>>) target(%arg7 : memref<1280xf32, #tpu.memory_space<vmem>>) offsets(%arg5 : memref<1280xi32, #tpu.memory_space<vmem>>) semaphore(%arg14 : memref<!tpu.dma_semaphore, #tpu.memory_space<semaphore_mem>>)
      %dma_wait3A_976 = arith.constant 0 : i32
      %dma_wait3A_977 = arith.constant 0 : i32
      %dma_wait3A_978 = tpu.memref_slice %arg3[%dma_wait3A_976, %dma_wait3A_977] : memref<64x1000000xf32, #tpu.memory_space<hbm>> -> memref<1x1280xf32, #tpu.memory_space<hbm>>
      %dma_wait3A_979 = tpu.memref_squeeze %dma_wait3A_978 : memref<1x1280xf32, #tpu.memory_space<hbm>> -> memref<1280xf32, #tpu.memory_space<hbm>>
      %dma_wait3A_980 = arith.constant 0 : i32
      %dma_wait3A_981 = tpu.memref_slice %arg3[%dma_wait3A_976, %dma_wait3A_980] : memref<64x1000000xf32, #tpu.memory_space<hbm>> -> memref<1x1280xf32, #tpu.memory_space<hbm>>
      %dma_wait3A_982 = tpu.memref_squeeze %dma_wait3A_981 : memref<1x1280xf32, #tpu.memory_space<hbm>> -> memref<1280xf32, #tpu.memory_space<hbm>>
      tpu.wait_dma2 semaphore(%arg14 : memref<!tpu.dma_semaphore, #tpu.memory_space<semaphore_mem>>) src(%dma_wait3A_982 : memref<1280xf32, #tpu.memory_space<hbm>>) dst(%arg8 : memref<1280xf32, #tpu.memory_space<vmem>>)
      %dma_start3A_983 = arith.constant 3840 : i32
      %dma_start3A_984 = tpu.memref_slice %arg2[%arg1, %dma_start3A_983] : memref<16x12800xi32, #tpu.memory_space<hbm>> -> memref<1x1280xi32, #tpu.memory_space<hbm>>
      %dma_start3A_985 = tpu.memref_squeeze %dma_start3A_984 : memref<1x1280xi32, #tpu.memory_space<hbm>> -> memref<1280xi32, #tpu.memory_space<hbm>>
      %dma_start3A_986 = arith.constant 3840 : i32
      %dma_start3A_987 = tpu.memref_slice %arg2[%arg1, %dma_start3A_986] : memref<16x12800xi32, #tpu.memory_space<hbm>> -> memref<1x1280xi32, #tpu.memory_space<hbm>>
      %dma_start3A_988 = tpu.memref_squeeze %dma_start3A_987 : memref<1x1280xi32, #tpu.memory_space<hbm>> -> memref<1280xi32, #tpu.memory_space<hbm>>
      tpu.enqueue_dma source(%dma_start3A_988 : memref<1280xi32, #tpu.memory_space<hbm>>) target(%arg6 : memref<1280xi32, #tpu.memory_space<vmem>>) target_semaphore(%arg13 : memref<!tpu.dma_semaphore, #tpu.memory_space<semaphore_mem>>)
      %dma_start3A_989 = arith.constant 5 : i32
      %dma_start3A_990 = arith.constant 0 : i32
      %dma_start3A_991 = tpu.memref_slice %arg8[%dma_start3A_990] : memref<1280xf32, #tpu.memory_space<vmem>> -> memref<256xf32, #tpu.memory_space<vmem>>
      %dma_start3A_992 = tpu.memref_slice %arg4[%dma_start3A_989, %add3A_836, %multiple_of3A] : memref<50x64x4096xf32, #tpu.memory_space<hbm>> -> memref<1x1x256xf32, #tpu.memory_space<hbm>>
      %dma_start3A_993 = tpu.memref_squeeze %dma_start3A_992 : memref<1x1x256xf32, #tpu.memory_space<hbm>> -> memref<256xf32, #tpu.memory_space<hbm>>
      %dma_start3A_994 = tpu.memref_slice %arg4[%dma_start3A_989, %add3A_836, %multiple_of3A] : memref<50x64x4096xf32, #tpu.memory_space<hbm>> -> memref<1x1x256xf32, #tpu.memory_space<hbm>>
      %dma_start3A_995 = tpu.memref_squeeze %dma_start3A_994 : memref<1x1x256xf32, #tpu.memory_space<hbm>> -> memref<256xf32, #tpu.memory_space<hbm>>
      %dma_start3A_996 = arith.constant 0 : i32
      %dma_start3A_997 = tpu.memref_slice %arg8[%dma_start3A_996] : memref<1280xf32, #tpu.memory_space<vmem>> -> memref<256xf32, #tpu.memory_space<vmem>>
      tpu.enqueue_dma source(%dma_start3A_997 : memref<256xf32, #tpu.memory_space<vmem>>) target(%dma_start3A_995 : memref<256xf32, #tpu.memory_space<hbm>>) target_semaphore(%arg16 : memref<!tpu.dma_semaphore, #tpu.memory_space<semaphore_mem>>)
      %dma_start3A_998 = arith.constant 6 : i32
      %dma_start3A_999 = arith.constant 256 : i32
      %dma_start3A_1000 = tpu.memref_slice %arg8[%dma_start3A_999] : memref<1280xf32, #tpu.memory_space<vmem>> -> memref<256xf32, #tpu.memory_space<vmem>>
      %dma_start3A_1001 = tpu.memref_slice %arg4[%dma_start3A_998, %add3A_836, %multiple_of3A] : memref<50x64x4096xf32, #tpu.memory_space<hbm>> -> memref<1x1x256xf32, #tpu.memory_space<hbm>>
      %dma_start3A_1002 = tpu.memref_squeeze %dma_start3A_1001 : memref<1x1x256xf32, #tpu.memory_space<hbm>> -> memref<256xf32, #tpu.memory_space<hbm>>
      %dma_start3A_1003 = tpu.memref_slice %arg4[%dma_start3A_998, %add3A_836, %multiple_of3A] : memref<50x64x4096xf32, #tpu.memory_space<hbm>> -> memref<1x1x256xf32, #tpu.memory_space<hbm>>
      %dma_start3A_1004 = tpu.memref_squeeze %dma_start3A_1003 : memref<1x1x256xf32, #tpu.memory_space<hbm>> -> memref<256xf32, #tpu.memory_space<hbm>>
      %dma_start3A_1005 = arith.constant 256 : i32
      %dma_start3A_1006 = tpu.memref_slice %arg8[%dma_start3A_1005] : memref<1280xf32, #tpu.memory_space<vmem>> -> memref<256xf32, #tpu.memory_space<vmem>>
      tpu.enqueue_dma source(%dma_start3A_1006 : memref<256xf32, #tpu.memory_space<vmem>>) target(%dma_start3A_1004 : memref<256xf32, #tpu.memory_space<hbm>>) target_semaphore(%arg16 : memref<!tpu.dma_semaphore, #tpu.memory_space<semaphore_mem>>)
      %dma_start3A_1007 = arith.constant 7 : i32
      %dma_start3A_1008 = arith.constant 512 : i32
      %dma_start3A_1009 = tpu.memref_slice %arg8[%dma_start3A_1008] : memref<1280xf32, #tpu.memory_space<vmem>> -> memref<256xf32, #tpu.memory_space<vmem>>
      %dma_start3A_1010 = tpu.memref_slice %arg4[%dma_start3A_1007, %add3A_836, %multiple_of3A] : memref<50x64x4096xf32, #tpu.memory_space<hbm>> -> memref<1x1x256xf32, #tpu.memory_space<hbm>>
      %dma_start3A_1011 = tpu.memref_squeeze %dma_start3A_1010 : memref<1x1x256xf32, #tpu.memory_space<hbm>> -> memref<256xf32, #tpu.memory_space<hbm>>
      %dma_start3A_1012 = tpu.memref_slice %arg4[%dma_start3A_1007, %add3A_836, %multiple_of3A] : memref<50x64x4096xf32, #tpu.memory_space<hbm>> -> memref<1x1x256xf32, #tpu.memory_space<hbm>>
      %dma_start3A_1013 = tpu.memref_squeeze %dma_start3A_1012 : memref<1x1x256xf32, #tpu.memory_space<hbm>> -> memref<256xf32, #tpu.memory_space<hbm>>
      %dma_start3A_1014 = arith.constant 512 : i32
      %dma_start3A_1015 = tpu.memref_slice %arg8[%dma_start3A_1014] : memref<1280xf32, #tpu.memory_space<vmem>> -> memref<256xf32, #tpu.memory_space<vmem>>
      tpu.enqueue_dma source(%dma_start3A_1015 : memref<256xf32, #tpu.memory_space<vmem>>) target(%dma_start3A_1013 : memref<256xf32, #tpu.memory_space<hbm>>) target_semaphore(%arg16 : memref<!tpu.dma_semaphore, #tpu.memory_space<semaphore_mem>>)
      %dma_start3A_1016 = arith.constant 8 : i32
      %dma_start3A_1017 = arith.constant 768 : i32
      %dma_start3A_1018 = tpu.memref_slice %arg8[%dma_start3A_1017] : memref<1280xf32, #tpu.memory_space<vmem>> -> memref<256xf32, #tpu.memory_space<vmem>>
      %dma_start3A_1019 = tpu.memref_slice %arg4[%dma_start3A_1016, %add3A_836, %multiple_of3A] : memref<50x64x4096xf32, #tpu.memory_space<hbm>> -> memref<1x1x256xf32, #tpu.memory_space<hbm>>
      %dma_start3A_1020 = tpu.memref_squeeze %dma_start3A_1019 : memref<1x1x256xf32, #tpu.memory_space<hbm>> -> memref<256xf32, #tpu.memory_space<hbm>>
      %dma_start3A_1021 = tpu.memref_slice %arg4[%dma_start3A_1016, %add3A_836, %multiple_of3A] : memref<50x64x4096xf32, #tpu.memory_space<hbm>> -> memref<1x1x256xf32, #tpu.memory_space<hbm>>
      %dma_start3A_1022 = tpu.memref_squeeze %dma_start3A_1021 : memref<1x1x256xf32, #tpu.memory_space<hbm>> -> memref<256xf32, #tpu.memory_space<hbm>>
      %dma_start3A_1023 = arith.constant 768 : i32
      %dma_start3A_1024 = tpu.memref_slice %arg8[%dma_start3A_1023] : memref<1280xf32, #tpu.memory_space<vmem>> -> memref<256xf32, #tpu.memory_space<vmem>>
      tpu.enqueue_dma source(%dma_start3A_1024 : memref<256xf32, #tpu.memory_space<vmem>>) target(%dma_start3A_1022 : memref<256xf32, #tpu.memory_space<hbm>>) target_semaphore(%arg16 : memref<!tpu.dma_semaphore, #tpu.memory_space<semaphore_mem>>)
      %dma_start3A_1025 = arith.constant 9 : i32
      %dma_start3A_1026 = arith.constant 1024 : i32
      %dma_start3A_1027 = tpu.memref_slice %arg8[%dma_start3A_1026] : memref<1280xf32, #tpu.memory_space<vmem>> -> memref<256xf32, #tpu.memory_space<vmem>>
      %dma_start3A_1028 = tpu.memref_slice %arg4[%dma_start3A_1025, %add3A_836, %multiple_of3A] : memref<50x64x4096xf32, #tpu.memory_space<hbm>> -> memref<1x1x256xf32, #tpu.memory_space<hbm>>
      %dma_start3A_1029 = tpu.memref_squeeze %dma_start3A_1028 : memref<1x1x256xf32, #tpu.memory_space<hbm>> -> memref<256xf32, #tpu.memory_space<hbm>>
      %dma_start3A_1030 = tpu.memref_slice %arg4[%dma_start3A_1025, %add3A_836, %multiple_of3A] : memref<50x64x4096xf32, #tpu.memory_space<hbm>> -> memref<1x1x256xf32, #tpu.memory_space<hbm>>
      %dma_start3A_1031 = tpu.memref_squeeze %dma_start3A_1030 : memref<1x1x256xf32, #tpu.memory_space<hbm>> -> memref<256xf32, #tpu.memory_space<hbm>>
      %dma_start3A_1032 = arith.constant 1024 : i32
      %dma_start3A_1033 = tpu.memref_slice %arg8[%dma_start3A_1032] : memref<1280xf32, #tpu.memory_space<vmem>> -> memref<256xf32, #tpu.memory_space<vmem>>
      tpu.enqueue_dma source(%dma_start3A_1033 : memref<256xf32, #tpu.memory_space<vmem>>) target(%dma_start3A_1031 : memref<256xf32, #tpu.memory_space<hbm>>) target_semaphore(%arg16 : memref<!tpu.dma_semaphore, #tpu.memory_space<semaphore_mem>>)
      %dma_wait3A_1034 = arith.constant 0 : i32
      %dma_wait3A_1035 = arith.constant 0 : i32
      %dma_wait3A_1036 = tpu.memref_slice %arg3[%dma_wait3A_1034, %dma_wait3A_1035] : memref<64x1000000xf32, #tpu.memory_space<hbm>> -> memref<1x1280xf32, #tpu.memory_space<hbm>>
      %dma_wait3A_1037 = tpu.memref_squeeze %dma_wait3A_1036 : memref<1x1280xf32, #tpu.memory_space<hbm>> -> memref<1280xf32, #tpu.memory_space<hbm>>
      %dma_wait3A_1038 = arith.constant 0 : i32
      %dma_wait3A_1039 = tpu.memref_slice %arg3[%dma_wait3A_1034, %dma_wait3A_1038] : memref<64x1000000xf32, #tpu.memory_space<hbm>> -> memref<1x1280xf32, #tpu.memory_space<hbm>>
      %dma_wait3A_1040 = tpu.memref_squeeze %dma_wait3A_1039 : memref<1x1280xf32, #tpu.memory_space<hbm>> -> memref<1280xf32, #tpu.memory_space<hbm>>
      tpu.wait_dma2 semaphore(%arg16 : memref<!tpu.dma_semaphore, #tpu.memory_space<semaphore_mem>>) src(%dma_wait3A_1040 : memref<1280xf32, #tpu.memory_space<hbm>>) dst(%arg8 : memref<1280xf32, #tpu.memory_space<vmem>>)
      %dma_wait3A_1041 = arith.constant 3840 : i32
      %dma_wait3A_1042 = tpu.memref_slice %arg2[%arg1, %dma_wait3A_1041] : memref<16x12800xi32, #tpu.memory_space<hbm>> -> memref<1x1280xi32, #tpu.memory_space<hbm>>
      %dma_wait3A_1043 = tpu.memref_squeeze %dma_wait3A_1042 : memref<1x1280xi32, #tpu.memory_space<hbm>> -> memref<1280xi32, #tpu.memory_space<hbm>>
      %dma_wait3A_1044 = arith.constant 3840 : i32
      %dma_wait3A_1045 = tpu.memref_slice %arg2[%arg1, %dma_wait3A_1044] : memref<16x12800xi32, #tpu.memory_space<hbm>> -> memref<1x1280xi32, #tpu.memory_space<hbm>>
      %dma_wait3A_1046 = tpu.memref_squeeze %dma_wait3A_1045 : memref<1x1280xi32, #tpu.memory_space<hbm>> -> memref<1280xi32, #tpu.memory_space<hbm>>
      tpu.wait_dma2 semaphore(%arg13 : memref<!tpu.dma_semaphore, #tpu.memory_space<semaphore_mem>>) src(%dma_wait3A_1046 : memref<1280xi32, #tpu.memory_space<hbm>>) dst(%arg6 : memref<1280xi32, #tpu.memory_space<vmem>>)
      %dma_start3A_1047 = arith.constant 0 : i32
      %dma_start3A_1048 = arith.constant 0 : i32
      %dma_start3A_1049 = tpu.memref_slice %arg10[%dma_start3A_1047, %dma_start3A_1048] : memref<1x1000000xf32, #tpu.memory_space<vmem_shared>> -> memref<1x1000000xf32, #tpu.memory_space<vmem_shared>>
      %dma_start3A_1050 = tpu.memref_squeeze %dma_start3A_1049 : memref<1x1000000xf32, #tpu.memory_space<vmem_shared>> -> memref<1000000xf32, #tpu.memory_space<vmem_shared>>
      %dma_start3A_1051 = arith.constant 0 : i32
      %dma_start3A_1052 = tpu.memref_slice %dma_start3A_1050[%dma_start3A_1051] : memref<1000000xf32, #tpu.memory_space<vmem_shared>> -> memref<1000000xf32, #tpu.memory_space<vmem_shared>>
      tpu.enqueue_indirect_dma source(%dma_start3A_1052 : memref<1000000xf32, #tpu.memory_space<vmem_shared>>) target(%arg8 : memref<1280xf32, #tpu.memory_space<vmem>>) offsets(%arg6 : memref<1280xi32, #tpu.memory_space<vmem>>) semaphore(%arg14 : memref<!tpu.dma_semaphore, #tpu.memory_space<semaphore_mem>>)
      %dma_wait3A_1053 = arith.constant 0 : i32
      %dma_wait3A_1054 = arith.constant 0 : i32
      %dma_wait3A_1055 = tpu.memref_slice %arg3[%dma_wait3A_1053, %dma_wait3A_1054] : memref<64x1000000xf32, #tpu.memory_space<hbm>> -> memref<1x1280xf32, #tpu.memory_space<hbm>>
      %dma_wait3A_1056 = tpu.memref_squeeze %dma_wait3A_1055 : memref<1x1280xf32, #tpu.memory_space<hbm>> -> memref<1280xf32, #tpu.memory_space<hbm>>
      %dma_wait3A_1057 = arith.constant 0 : i32
      %dma_wait3A_1058 = tpu.memref_slice %arg3[%dma_wait3A_1053, %dma_wait3A_1057] : memref<64x1000000xf32, #tpu.memory_space<hbm>> -> memref<1x1280xf32, #tpu.memory_space<hbm>>
      %dma_wait3A_1059 = tpu.memref_squeeze %dma_wait3A_1058 : memref<1x1280xf32, #tpu.memory_space<hbm>> -> memref<1280xf32, #tpu.memory_space<hbm>>
      tpu.wait_dma2 semaphore(%arg14 : memref<!tpu.dma_semaphore, #tpu.memory_space<semaphore_mem>>) src(%dma_wait3A_1059 : memref<1280xf32, #tpu.memory_space<hbm>>) dst(%arg7 : memref<1280xf32, #tpu.memory_space<vmem>>)
      %dma_start3A_1060 = arith.constant 5120 : i32
      %dma_start3A_1061 = tpu.memref_slice %arg2[%arg1, %dma_start3A_1060] : memref<16x12800xi32, #tpu.memory_space<hbm>> -> memref<1x1280xi32, #tpu.memory_space<hbm>>
      %dma_start3A_1062 = tpu.memref_squeeze %dma_start3A_1061 : memref<1x1280xi32, #tpu.memory_space<hbm>> -> memref<1280xi32, #tpu.memory_space<hbm>>
      %dma_start3A_1063 = arith.constant 5120 : i32
      %dma_start3A_1064 = tpu.memref_slice %arg2[%arg1, %dma_start3A_1063] : memref<16x12800xi32, #tpu.memory_space<hbm>> -> memref<1x1280xi32, #tpu.memory_space<hbm>>
      %dma_start3A_1065 = tpu.memref_squeeze %dma_start3A_1064 : memref<1x1280xi32, #tpu.memory_space<hbm>> -> memref<1280xi32, #tpu.memory_space<hbm>>
      tpu.enqueue_dma source(%dma_start3A_1065 : memref<1280xi32, #tpu.memory_space<hbm>>) target(%arg5 : memref<1280xi32, #tpu.memory_space<vmem>>) target_semaphore(%arg13 : memref<!tpu.dma_semaphore, #tpu.memory_space<semaphore_mem>>)
      %dma_start3A_1066 = arith.constant 10 : i32
      %dma_start3A_1067 = arith.constant 0 : i32
      %dma_start3A_1068 = tpu.memref_slice %arg7[%dma_start3A_1067] : memref<1280xf32, #tpu.memory_space<vmem>> -> memref<256xf32, #tpu.memory_space<vmem>>
      %dma_start3A_1069 = tpu.memref_slice %arg4[%dma_start3A_1066, %add3A_836, %multiple_of3A] : memref<50x64x4096xf32, #tpu.memory_space<hbm>> -> memref<1x1x256xf32, #tpu.memory_space<hbm>>
      %dma_start3A_1070 = tpu.memref_squeeze %dma_start3A_1069 : memref<1x1x256xf32, #tpu.memory_space<hbm>> -> memref<256xf32, #tpu.memory_space<hbm>>
      %dma_start3A_1071 = tpu.memref_slice %arg4[%dma_start3A_1066, %add3A_836, %multiple_of3A] : memref<50x64x4096xf32, #tpu.memory_space<hbm>> -> memref<1x1x256xf32, #tpu.memory_space<hbm>>
      %dma_start3A_1072 = tpu.memref_squeeze %dma_start3A_1071 : memref<1x1x256xf32, #tpu.memory_space<hbm>> -> memref<256xf32, #tpu.memory_space<hbm>>
      %dma_start3A_1073 = arith.constant 0 : i32
      %dma_start3A_1074 = tpu.memref_slice %arg7[%dma_start3A_1073] : memref<1280xf32, #tpu.memory_space<vmem>> -> memref<256xf32, #tpu.memory_space<vmem>>
      tpu.enqueue_dma source(%dma_start3A_1074 : memref<256xf32, #tpu.memory_space<vmem>>) target(%dma_start3A_1072 : memref<256xf32, #tpu.memory_space<hbm>>) target_semaphore(%arg15 : memref<!tpu.dma_semaphore, #tpu.memory_space<semaphore_mem>>)
      %dma_start3A_1075 = arith.constant 11 : i32
      %dma_start3A_1076 = arith.constant 256 : i32
      %dma_start3A_1077 = tpu.memref_slice %arg7[%dma_start3A_1076] : memref<1280xf32, #tpu.memory_space<vmem>> -> memref<256xf32, #tpu.memory_space<vmem>>
      %dma_start3A_1078 = tpu.memref_slice %arg4[%dma_start3A_1075, %add3A_836, %multiple_of3A] : memref<50x64x4096xf32, #tpu.memory_space<hbm>> -> memref<1x1x256xf32, #tpu.memory_space<hbm>>
      %dma_start3A_1079 = tpu.memref_squeeze %dma_start3A_1078 : memref<1x1x256xf32, #tpu.memory_space<hbm>> -> memref<256xf32, #tpu.memory_space<hbm>>
      %dma_start3A_1080 = tpu.memref_slice %arg4[%dma_start3A_1075, %add3A_836, %multiple_of3A] : memref<50x64x4096xf32, #tpu.memory_space<hbm>> -> memref<1x1x256xf32, #tpu.memory_space<hbm>>
      %dma_start3A_1081 = tpu.memref_squeeze %dma_start3A_1080 : memref<1x1x256xf32, #tpu.memory_space<hbm>> -> memref<256xf32, #tpu.memory_space<hbm>>
      %dma_start3A_1082 = arith.constant 256 : i32
      %dma_start3A_1083 = tpu.memref_slice %arg7[%dma_start3A_1082] : memref<1280xf32, #tpu.memory_space<vmem>> -> memref<256xf32, #tpu.memory_space<vmem>>
      tpu.enqueue_dma source(%dma_start3A_1083 : memref<256xf32, #tpu.memory_space<vmem>>) target(%dma_start3A_1081 : memref<256xf32, #tpu.memory_space<hbm>>) target_semaphore(%arg15 : memref<!tpu.dma_semaphore, #tpu.memory_space<semaphore_mem>>)
      %dma_start3A_1084 = arith.constant 12 : i32
      %dma_start3A_1085 = arith.constant 512 : i32
      %dma_start3A_1086 = tpu.memref_slice %arg7[%dma_start3A_1085] : memref<1280xf32, #tpu.memory_space<vmem>> -> memref<256xf32, #tpu.memory_space<vmem>>
      %dma_start3A_1087 = tpu.memref_slice %arg4[%dma_start3A_1084, %add3A_836, %multiple_of3A] : memref<50x64x4096xf32, #tpu.memory_space<hbm>> -> memref<1x1x256xf32, #tpu.memory_space<hbm>>
      %dma_start3A_1088 = tpu.memref_squeeze %dma_start3A_1087 : memref<1x1x256xf32, #tpu.memory_space<hbm>> -> memref<256xf32, #tpu.memory_space<hbm>>
      %dma_start3A_1089 = tpu.memref_slice %arg4[%dma_start3A_1084, %add3A_836, %multiple_of3A] : memref<50x64x4096xf32, #tpu.memory_space<hbm>> -> memref<1x1x256xf32, #tpu.memory_space<hbm>>
      %dma_start3A_1090 = tpu.memref_squeeze %dma_start3A_1089 : memref<1x1x256xf32, #tpu.memory_space<hbm>> -> memref<256xf32, #tpu.memory_space<hbm>>
      %dma_start3A_1091 = arith.constant 512 : i32
      %dma_start3A_1092 = tpu.memref_slice %arg7[%dma_start3A_1091] : memref<1280xf32, #tpu.memory_space<vmem>> -> memref<256xf32, #tpu.memory_space<vmem>>
      tpu.enqueue_dma source(%dma_start3A_1092 : memref<256xf32, #tpu.memory_space<vmem>>) target(%dma_start3A_1090 : memref<256xf32, #tpu.memory_space<hbm>>) target_semaphore(%arg15 : memref<!tpu.dma_semaphore, #tpu.memory_space<semaphore_mem>>)
      %dma_start3A_1093 = arith.constant 13 : i32
      %dma_start3A_1094 = arith.constant 768 : i32
      %dma_start3A_1095 = tpu.memref_slice %arg7[%dma_start3A_1094] : memref<1280xf32, #tpu.memory_space<vmem>> -> memref<256xf32, #tpu.memory_space<vmem>>
      %dma_start3A_1096 = tpu.memref_slice %arg4[%dma_start3A_1093, %add3A_836, %multiple_of3A] : memref<50x64x4096xf32, #tpu.memory_space<hbm>> -> memref<1x1x256xf32, #tpu.memory_space<hbm>>
      %dma_start3A_1097 = tpu.memref_squeeze %dma_start3A_1096 : memref<1x1x256xf32, #tpu.memory_space<hbm>> -> memref<256xf32, #tpu.memory_space<hbm>>
      %dma_start3A_1098 = tpu.memref_slice %arg4[%dma_start3A_1093, %add3A_836, %multiple_of3A] : memref<50x64x4096xf32, #tpu.memory_space<hbm>> -> memref<1x1x256xf32, #tpu.memory_space<hbm>>
      %dma_start3A_1099 = tpu.memref_squeeze %dma_start3A_1098 : memref<1x1x256xf32, #tpu.memory_space<hbm>> -> memref<256xf32, #tpu.memory_space<hbm>>
      %dma_start3A_1100 = arith.constant 768 : i32
      %dma_start3A_1101 = tpu.memref_slice %arg7[%dma_start3A_1100] : memref<1280xf32, #tpu.memory_space<vmem>> -> memref<256xf32, #tpu.memory_space<vmem>>
      tpu.enqueue_dma source(%dma_start3A_1101 : memref<256xf32, #tpu.memory_space<vmem>>) target(%dma_start3A_1099 : memref<256xf32, #tpu.memory_space<hbm>>) target_semaphore(%arg15 : memref<!tpu.dma_semaphore, #tpu.memory_space<semaphore_mem>>)
      %dma_start3A_1102 = arith.constant 14 : i32
      %dma_start3A_1103 = arith.constant 1024 : i32
      %dma_start3A_1104 = tpu.memref_slice %arg7[%dma_start3A_1103] : memref<1280xf32, #tpu.memory_space<vmem>> -> memref<256xf32, #tpu.memory_space<vmem>>
      %dma_start3A_1105 = tpu.memref_slice %arg4[%dma_start3A_1102, %add3A_836, %multiple_of3A] : memref<50x64x4096xf32, #tpu.memory_space<hbm>> -> memref<1x1x256xf32, #tpu.memory_space<hbm>>
      %dma_start3A_1106 = tpu.memref_squeeze %dma_start3A_1105 : memref<1x1x256xf32, #tpu.memory_space<hbm>> -> memref<256xf32, #tpu.memory_space<hbm>>
      %dma_start3A_1107 = tpu.memref_slice %arg4[%dma_start3A_1102, %add3A_836, %multiple_of3A] : memref<50x64x4096xf32, #tpu.memory_space<hbm>> -> memref<1x1x256xf32, #tpu.memory_space<hbm>>
      %dma_start3A_1108 = tpu.memref_squeeze %dma_start3A_1107 : memref<1x1x256xf32, #tpu.memory_space<hbm>> -> memref<256xf32, #tpu.memory_space<hbm>>
      %dma_start3A_1109 = arith.constant 1024 : i32
      %dma_start3A_1110 = tpu.memref_slice %arg7[%dma_start3A_1109] : memref<1280xf32, #tpu.memory_space<vmem>> -> memref<256xf32, #tpu.memory_space<vmem>>
      tpu.enqueue_dma source(%dma_start3A_1110 : memref<256xf32, #tpu.memory_space<vmem>>) target(%dma_start3A_1108 : memref<256xf32, #tpu.memory_space<hbm>>) target_semaphore(%arg15 : memref<!tpu.dma_semaphore, #tpu.memory_space<semaphore_mem>>)
      %dma_wait3A_1111 = arith.constant 0 : i32
      %dma_wait3A_1112 = arith.constant 0 : i32
      %dma_wait3A_1113 = tpu.memref_slice %arg3[%dma_wait3A_1111, %dma_wait3A_1112] : memref<64x1000000xf32, #tpu.memory_space<hbm>> -> memref<1x1280xf32, #tpu.memory_space<hbm>>
      %dma_wait3A_1114 = tpu.memref_squeeze %dma_wait3A_1113 : memref<1x1280xf32, #tpu.memory_space<hbm>> -> memref<1280xf32, #tpu.memory_space<hbm>>
      %dma_wait3A_1115 = arith.constant 0 : i32
      %dma_wait3A_1116 = tpu.memref_slice %arg3[%dma_wait3A_1111, %dma_wait3A_1115] : memref<64x1000000xf32, #tpu.memory_space<hbm>> -> memref<1x1280xf32, #tpu.memory_space<hbm>>
      %dma_wait3A_1117 = tpu.memref_squeeze %dma_wait3A_1116 : memref<1x1280xf32, #tpu.memory_space<hbm>> -> memref<1280xf32, #tpu.memory_space<hbm>>
      tpu.wait_dma2 semaphore(%arg15 : memref<!tpu.dma_semaphore, #tpu.memory_space<semaphore_mem>>) src(%dma_wait3A_1117 : memref<1280xf32, #tpu.memory_space<hbm>>) dst(%arg7 : memref<1280xf32, #tpu.memory_space<vmem>>)
      %dma_wait3A_1118 = arith.constant 5120 : i32
      %dma_wait3A_1119 = tpu.memref_slice %arg2[%arg1, %dma_wait3A_1118] : memref<16x12800xi32, #tpu.memory_space<hbm>> -> memref<1x1280xi32, #tpu.memory_space<hbm>>
      %dma_wait3A_1120 = tpu.memref_squeeze %dma_wait3A_1119 : memref<1x1280xi32, #tpu.memory_space<hbm>> -> memref<1280xi32, #tpu.memory_space<hbm>>
      %dma_wait3A_1121 = arith.constant 5120 : i32
      %dma_wait3A_1122 = tpu.memref_slice %arg2[%arg1, %dma_wait3A_1121] : memref<16x12800xi32, #tpu.memory_space<hbm>> -> memref<1x1280xi32, #tpu.memory_space<hbm>>
      %dma_wait3A_1123 = tpu.memref_squeeze %dma_wait3A_1122 : memref<1x1280xi32, #tpu.memory_space<hbm>> -> memref<1280xi32, #tpu.memory_space<hbm>>
      tpu.wait_dma2 semaphore(%arg13 : memref<!tpu.dma_semaphore, #tpu.memory_space<semaphore_mem>>) src(%dma_wait3A_1123 : memref<1280xi32, #tpu.memory_space<hbm>>) dst(%arg5 : memref<1280xi32, #tpu.memory_space<vmem>>)
      %dma_start3A_1124 = arith.constant 0 : i32
      %dma_start3A_1125 = arith.constant 0 : i32
      %dma_start3A_1126 = tpu.memref_slice %arg10[%dma_start3A_1124, %dma_start3A_1125] : memref<1x1000000xf32, #tpu.memory_space<vmem_shared>> -> memref<1x1000000xf32, #tpu.memory_space<vmem_shared>>
      %dma_start3A_1127 = tpu.memref_squeeze %dma_start3A_1126 : memref<1x1000000xf32, #tpu.memory_space<vmem_shared>> -> memref<1000000xf32, #tpu.memory_space<vmem_shared>>
      %dma_start3A_1128 = arith.constant 0 : i32
      %dma_start3A_1129 = tpu.memref_slice %dma_start3A_1127[%dma_start3A_1128] : memref<1000000xf32, #tpu.memory_space<vmem_shared>> -> memref<1000000xf32, #tpu.memory_space<vmem_shared>>
      tpu.enqueue_indirect_dma source(%dma_start3A_1129 : memref<1000000xf32, #tpu.memory_space<vmem_shared>>) target(%arg7 : memref<1280xf32, #tpu.memory_space<vmem>>) offsets(%arg5 : memref<1280xi32, #tpu.memory_space<vmem>>) semaphore(%arg14 : memref<!tpu.dma_semaphore, #tpu.memory_space<semaphore_mem>>)
      %dma_wait3A_1130 = arith.constant 0 : i32
      %dma_wait3A_1131 = arith.constant 0 : i32
      %dma_wait3A_1132 = tpu.memref_slice %arg3[%dma_wait3A_1130, %dma_wait3A_1131] : memref<64x1000000xf32, #tpu.memory_space<hbm>> -> memref<1x1280xf32, #tpu.memory_space<hbm>>
      %dma_wait3A_1133 = tpu.memref_squeeze %dma_wait3A_1132 : memref<1x1280xf32, #tpu.memory_space<hbm>> -> memref<1280xf32, #tpu.memory_space<hbm>>
      %dma_wait3A_1134 = arith.constant 0 : i32
      %dma_wait3A_1135 = tpu.memref_slice %arg3[%dma_wait3A_1130, %dma_wait3A_1134] : memref<64x1000000xf32, #tpu.memory_space<hbm>> -> memref<1x1280xf32, #tpu.memory_space<hbm>>
      %dma_wait3A_1136 = tpu.memref_squeeze %dma_wait3A_1135 : memref<1x1280xf32, #tpu.memory_space<hbm>> -> memref<1280xf32, #tpu.memory_space<hbm>>
      tpu.wait_dma2 semaphore(%arg14 : memref<!tpu.dma_semaphore, #tpu.memory_space<semaphore_mem>>) src(%dma_wait3A_1136 : memref<1280xf32, #tpu.memory_space<hbm>>) dst(%arg8 : memref<1280xf32, #tpu.memory_space<vmem>>)
      %dma_start3A_1137 = arith.constant 6400 : i32
      %dma_start3A_1138 = tpu.memref_slice %arg2[%arg1, %dma_start3A_1137] : memref<16x12800xi32, #tpu.memory_space<hbm>> -> memref<1x1280xi32, #tpu.memory_space<hbm>>
      %dma_start3A_1139 = tpu.memref_squeeze %dma_start3A_1138 : memref<1x1280xi32, #tpu.memory_space<hbm>> -> memref<1280xi32, #tpu.memory_space<hbm>>
      %dma_start3A_1140 = arith.constant 6400 : i32
      %dma_start3A_1141 = tpu.memref_slice %arg2[%arg1, %dma_start3A_1140] : memref<16x12800xi32, #tpu.memory_space<hbm>> -> memref<1x1280xi32, #tpu.memory_space<hbm>>
      %dma_start3A_1142 = tpu.memref_squeeze %dma_start3A_1141 : memref<1x1280xi32, #tpu.memory_space<hbm>> -> memref<1280xi32, #tpu.memory_space<hbm>>
      tpu.enqueue_dma source(%dma_start3A_1142 : memref<1280xi32, #tpu.memory_space<hbm>>) target(%arg6 : memref<1280xi32, #tpu.memory_space<vmem>>) target_semaphore(%arg13 : memref<!tpu.dma_semaphore, #tpu.memory_space<semaphore_mem>>)
      %dma_start3A_1143 = arith.constant 15 : i32
      %dma_start3A_1144 = arith.constant 0 : i32
      %dma_start3A_1145 = tpu.memref_slice %arg8[%dma_start3A_1144] : memref<1280xf32, #tpu.memory_space<vmem>> -> memref<256xf32, #tpu.memory_space<vmem>>
      %dma_start3A_1146 = tpu.memref_slice %arg4[%dma_start3A_1143, %add3A_836, %multiple_of3A] : memref<50x64x4096xf32, #tpu.memory_space<hbm>> -> memref<1x1x256xf32, #tpu.memory_space<hbm>>
      %dma_start3A_1147 = tpu.memref_squeeze %dma_start3A_1146 : memref<1x1x256xf32, #tpu.memory_space<hbm>> -> memref<256xf32, #tpu.memory_space<hbm>>
      %dma_start3A_1148 = tpu.memref_slice %arg4[%dma_start3A_1143, %add3A_836, %multiple_of3A] : memref<50x64x4096xf32, #tpu.memory_space<hbm>> -> memref<1x1x256xf32, #tpu.memory_space<hbm>>
      %dma_start3A_1149 = tpu.memref_squeeze %dma_start3A_1148 : memref<1x1x256xf32, #tpu.memory_space<hbm>> -> memref<256xf32, #tpu.memory_space<hbm>>
      %dma_start3A_1150 = arith.constant 0 : i32
      %dma_start3A_1151 = tpu.memref_slice %arg8[%dma_start3A_1150] : memref<1280xf32, #tpu.memory_space<vmem>> -> memref<256xf32, #tpu.memory_space<vmem>>
      tpu.enqueue_dma source(%dma_start3A_1151 : memref<256xf32, #tpu.memory_space<vmem>>) target(%dma_start3A_1149 : memref<256xf32, #tpu.memory_space<hbm>>) target_semaphore(%arg16 : memref<!tpu.dma_semaphore, #tpu.memory_space<semaphore_mem>>)
      %dma_start3A_1152 = arith.constant 16 : i32
      %dma_start3A_1153 = arith.constant 256 : i32
      %dma_start3A_1154 = tpu.memref_slice %arg8[%dma_start3A_1153] : memref<1280xf32, #tpu.memory_space<vmem>> -> memref<256xf32, #tpu.memory_space<vmem>>
      %dma_start3A_1155 = tpu.memref_slice %arg4[%dma_start3A_1152, %add3A_836, %multiple_of3A] : memref<50x64x4096xf32, #tpu.memory_space<hbm>> -> memref<1x1x256xf32, #tpu.memory_space<hbm>>
      %dma_start3A_1156 = tpu.memref_squeeze %dma_start3A_1155 : memref<1x1x256xf32, #tpu.memory_space<hbm>> -> memref<256xf32, #tpu.memory_space<hbm>>
      %dma_start3A_1157 = tpu.memref_slice %arg4[%dma_start3A_1152, %add3A_836, %multiple_of3A] : memref<50x64x4096xf32, #tpu.memory_space<hbm>> -> memref<1x1x256xf32, #tpu.memory_space<hbm>>
      %dma_start3A_1158 = tpu.memref_squeeze %dma_start3A_1157 : memref<1x1x256xf32, #tpu.memory_space<hbm>> -> memref<256xf32, #tpu.memory_space<hbm>>
      %dma_start3A_1159 = arith.constant 256 : i32
      %dma_start3A_1160 = tpu.memref_slice %arg8[%dma_start3A_1159] : memref<1280xf32, #tpu.memory_space<vmem>> -> memref<256xf32, #tpu.memory_space<vmem>>
      tpu.enqueue_dma source(%dma_start3A_1160 : memref<256xf32, #tpu.memory_space<vmem>>) target(%dma_start3A_1158 : memref<256xf32, #tpu.memory_space<hbm>>) target_semaphore(%arg16 : memref<!tpu.dma_semaphore, #tpu.memory_space<semaphore_mem>>)
      %dma_start3A_1161 = arith.constant 17 : i32
      %dma_start3A_1162 = arith.constant 512 : i32
      %dma_start3A_1163 = tpu.memref_slice %arg8[%dma_start3A_1162] : memref<1280xf32, #tpu.memory_space<vmem>> -> memref<256xf32, #tpu.memory_space<vmem>>
      %dma_start3A_1164 = tpu.memref_slice %arg4[%dma_start3A_1161, %add3A_836, %multiple_of3A] : memref<50x64x4096xf32, #tpu.memory_space<hbm>> -> memref<1x1x256xf32, #tpu.memory_space<hbm>>
      %dma_start3A_1165 = tpu.memref_squeeze %dma_start3A_1164 : memref<1x1x256xf32, #tpu.memory_space<hbm>> -> memref<256xf32, #tpu.memory_space<hbm>>
      %dma_start3A_1166 = tpu.memref_slice %arg4[%dma_start3A_1161, %add3A_836, %multiple_of3A] : memref<50x64x4096xf32, #tpu.memory_space<hbm>> -> memref<1x1x256xf32, #tpu.memory_space<hbm>>
      %dma_start3A_1167 = tpu.memref_squeeze %dma_start3A_1166 : memref<1x1x256xf32, #tpu.memory_space<hbm>> -> memref<256xf32, #tpu.memory_space<hbm>>
      %dma_start3A_1168 = arith.constant 512 : i32
      %dma_start3A_1169 = tpu.memref_slice %arg8[%dma_start3A_1168] : memref<1280xf32, #tpu.memory_space<vmem>> -> memref<256xf32, #tpu.memory_space<vmem>>
      tpu.enqueue_dma source(%dma_start3A_1169 : memref<256xf32, #tpu.memory_space<vmem>>) target(%dma_start3A_1167 : memref<256xf32, #tpu.memory_space<hbm>>) target_semaphore(%arg16 : memref<!tpu.dma_semaphore, #tpu.memory_space<semaphore_mem>>)
      %dma_start3A_1170 = arith.constant 18 : i32
      %dma_start3A_1171 = arith.constant 768 : i32
      %dma_start3A_1172 = tpu.memref_slice %arg8[%dma_start3A_1171] : memref<1280xf32, #tpu.memory_space<vmem>> -> memref<256xf32, #tpu.memory_space<vmem>>
      %dma_start3A_1173 = tpu.memref_slice %arg4[%dma_start3A_1170, %add3A_836, %multiple_of3A] : memref<50x64x4096xf32, #tpu.memory_space<hbm>> -> memref<1x1x256xf32, #tpu.memory_space<hbm>>
      %dma_start3A_1174 = tpu.memref_squeeze %dma_start3A_1173 : memref<1x1x256xf32, #tpu.memory_space<hbm>> -> memref<256xf32, #tpu.memory_space<hbm>>
      %dma_start3A_1175 = tpu.memref_slice %arg4[%dma_start3A_1170, %add3A_836, %multiple_of3A] : memref<50x64x4096xf32, #tpu.memory_space<hbm>> -> memref<1x1x256xf32, #tpu.memory_space<hbm>>
      %dma_start3A_1176 = tpu.memref_squeeze %dma_start3A_1175 : memref<1x1x256xf32, #tpu.memory_space<hbm>> -> memref<256xf32, #tpu.memory_space<hbm>>
      %dma_start3A_1177 = arith.constant 768 : i32
      %dma_start3A_1178 = tpu.memref_slice %arg8[%dma_start3A_1177] : memref<1280xf32, #tpu.memory_space<vmem>> -> memref<256xf32, #tpu.memory_space<vmem>>
      tpu.enqueue_dma source(%dma_start3A_1178 : memref<256xf32, #tpu.memory_space<vmem>>) target(%dma_start3A_1176 : memref<256xf32, #tpu.memory_space<hbm>>) target_semaphore(%arg16 : memref<!tpu.dma_semaphore, #tpu.memory_space<semaphore_mem>>)
      %dma_start3A_1179 = arith.constant 19 : i32
      %dma_start3A_1180 = arith.constant 1024 : i32
      %dma_start3A_1181 = tpu.memref_slice %arg8[%dma_start3A_1180] : memref<1280xf32, #tpu.memory_space<vmem>> -> memref<256xf32, #tpu.memory_space<vmem>>
      %dma_start3A_1182 = tpu.memref_slice %arg4[%dma_start3A_1179, %add3A_836, %multiple_of3A] : memref<50x64x4096xf32, #tpu.memory_space<hbm>> -> memref<1x1x256xf32, #tpu.memory_space<hbm>>
      %dma_start3A_1183 = tpu.memref_squeeze %dma_start3A_1182 : memref<1x1x256xf32, #tpu.memory_space<hbm>> -> memref<256xf32, #tpu.memory_space<hbm>>
      %dma_start3A_1184 = tpu.memref_slice %arg4[%dma_start3A_1179, %add3A_836, %multiple_of3A] : memref<50x64x4096xf32, #tpu.memory_space<hbm>> -> memref<1x1x256xf32, #tpu.memory_space<hbm>>
      %dma_start3A_1185 = tpu.memref_squeeze %dma_start3A_1184 : memref<1x1x256xf32, #tpu.memory_space<hbm>> -> memref<256xf32, #tpu.memory_space<hbm>>
      %dma_start3A_1186 = arith.constant 1024 : i32
      %dma_start3A_1187 = tpu.memref_slice %arg8[%dma_start3A_1186] : memref<1280xf32, #tpu.memory_space<vmem>> -> memref<256xf32, #tpu.memory_space<vmem>>
      tpu.enqueue_dma source(%dma_start3A_1187 : memref<256xf32, #tpu.memory_space<vmem>>) target(%dma_start3A_1185 : memref<256xf32, #tpu.memory_space<hbm>>) target_semaphore(%arg16 : memref<!tpu.dma_semaphore, #tpu.memory_space<semaphore_mem>>)
      %dma_wait3A_1188 = arith.constant 0 : i32
      %dma_wait3A_1189 = arith.constant 0 : i32
      %dma_wait3A_1190 = tpu.memref_slice %arg3[%dma_wait3A_1188, %dma_wait3A_1189] : memref<64x1000000xf32, #tpu.memory_space<hbm>> -> memref<1x1280xf32, #tpu.memory_space<hbm>>
      %dma_wait3A_1191 = tpu.memref_squeeze %dma_wait3A_1190 : memref<1x1280xf32, #tpu.memory_space<hbm>> -> memref<1280xf32, #tpu.memory_space<hbm>>
      %dma_wait3A_1192 = arith.constant 0 : i32
      %dma_wait3A_1193 = tpu.memref_slice %arg3[%dma_wait3A_1188, %dma_wait3A_1192] : memref<64x1000000xf32, #tpu.memory_space<hbm>> -> memref<1x1280xf32, #tpu.memory_space<hbm>>
      %dma_wait3A_1194 = tpu.memref_squeeze %dma_wait3A_1193 : memref<1x1280xf32, #tpu.memory_space<hbm>> -> memref<1280xf32, #tpu.memory_space<hbm>>
      tpu.wait_dma2 semaphore(%arg16 : memref<!tpu.dma_semaphore, #tpu.memory_space<semaphore_mem>>) src(%dma_wait3A_1194 : memref<1280xf32, #tpu.memory_space<hbm>>) dst(%arg8 : memref<1280xf32, #tpu.memory_space<vmem>>)
      %dma_wait3A_1195 = arith.constant 6400 : i32
      %dma_wait3A_1196 = tpu.memref_slice %arg2[%arg1, %dma_wait3A_1195] : memref<16x12800xi32, #tpu.memory_space<hbm>> -> memref<1x1280xi32, #tpu.memory_space<hbm>>
      %dma_wait3A_1197 = tpu.memref_squeeze %dma_wait3A_1196 : memref<1x1280xi32, #tpu.memory_space<hbm>> -> memref<1280xi32, #tpu.memory_space<hbm>>
      %dma_wait3A_1198 = arith.constant 6400 : i32
      %dma_wait3A_1199 = tpu.memref_slice %arg2[%arg1, %dma_wait3A_1198] : memref<16x12800xi32, #tpu.memory_space<hbm>> -> memref<1x1280xi32, #tpu.memory_space<hbm>>
      %dma_wait3A_1200 = tpu.memref_squeeze %dma_wait3A_1199 : memref<1x1280xi32, #tpu.memory_space<hbm>> -> memref<1280xi32, #tpu.memory_space<hbm>>
      tpu.wait_dma2 semaphore(%arg13 : memref<!tpu.dma_semaphore, #tpu.memory_space<semaphore_mem>>) src(%dma_wait3A_1200 : memref<1280xi32, #tpu.memory_space<hbm>>) dst(%arg6 : memref<1280xi32, #tpu.memory_space<vmem>>)
      %dma_start3A_1201 = arith.constant 0 : i32
      %dma_start3A_1202 = arith.constant 0 : i32
      %dma_start3A_1203 = tpu.memref_slice %arg10[%dma_start3A_1201, %dma_start3A_1202] : memref<1x1000000xf32, #tpu.memory_space<vmem_shared>> -> memref<1x1000000xf32, #tpu.memory_space<vmem_shared>>
      %dma_start3A_1204 = tpu.memref_squeeze %dma_start3A_1203 : memref<1x1000000xf32, #tpu.memory_space<vmem_shared>> -> memref<1000000xf32, #tpu.memory_space<vmem_shared>>
      %dma_start3A_1205 = arith.constant 0 : i32
      %dma_start3A_1206 = tpu.memref_slice %dma_start3A_1204[%dma_start3A_1205] : memref<1000000xf32, #tpu.memory_space<vmem_shared>> -> memref<1000000xf32, #tpu.memory_space<vmem_shared>>
      tpu.enqueue_indirect_dma source(%dma_start3A_1206 : memref<1000000xf32, #tpu.memory_space<vmem_shared>>) target(%arg8 : memref<1280xf32, #tpu.memory_space<vmem>>) offsets(%arg6 : memref<1280xi32, #tpu.memory_space<vmem>>) semaphore(%arg14 : memref<!tpu.dma_semaphore, #tpu.memory_space<semaphore_mem>>)
      %dma_wait3A_1207 = arith.constant 0 : i32
      %dma_wait3A_1208 = arith.constant 0 : i32
      %dma_wait3A_1209 = tpu.memref_slice %arg3[%dma_wait3A_1207, %dma_wait3A_1208] : memref<64x1000000xf32, #tpu.memory_space<hbm>> -> memref<1x1280xf32, #tpu.memory_space<hbm>>
      %dma_wait3A_1210 = tpu.memref_squeeze %dma_wait3A_1209 : memref<1x1280xf32, #tpu.memory_space<hbm>> -> memref<1280xf32, #tpu.memory_space<hbm>>
      %dma_wait3A_1211 = arith.constant 0 : i32
      %dma_wait3A_1212 = tpu.memref_slice %arg3[%dma_wait3A_1207, %dma_wait3A_1211] : memref<64x1000000xf32, #tpu.memory_space<hbm>> -> memref<1x1280xf32, #tpu.memory_space<hbm>>
      %dma_wait3A_1213 = tpu.memref_squeeze %dma_wait3A_1212 : memref<1x1280xf32, #tpu.memory_space<hbm>> -> memref<1280xf32, #tpu.memory_space<hbm>>
      tpu.wait_dma2 semaphore(%arg14 : memref<!tpu.dma_semaphore, #tpu.memory_space<semaphore_mem>>) src(%dma_wait3A_1213 : memref<1280xf32, #tpu.memory_space<hbm>>) dst(%arg7 : memref<1280xf32, #tpu.memory_space<vmem>>)
      %dma_start3A_1214 = arith.constant 7680 : i32
      %dma_start3A_1215 = tpu.memref_slice %arg2[%arg1, %dma_start3A_1214] : memref<16x12800xi32, #tpu.memory_space<hbm>> -> memref<1x1280xi32, #tpu.memory_space<hbm>>
      %dma_start3A_1216 = tpu.memref_squeeze %dma_start3A_1215 : memref<1x1280xi32, #tpu.memory_space<hbm>> -> memref<1280xi32, #tpu.memory_space<hbm>>
      %dma_start3A_1217 = arith.constant 7680 : i32
      %dma_start3A_1218 = tpu.memref_slice %arg2[%arg1, %dma_start3A_1217] : memref<16x12800xi32, #tpu.memory_space<hbm>> -> memref<1x1280xi32, #tpu.memory_space<hbm>>
      %dma_start3A_1219 = tpu.memref_squeeze %dma_start3A_1218 : memref<1x1280xi32, #tpu.memory_space<hbm>> -> memref<1280xi32, #tpu.memory_space<hbm>>
      tpu.enqueue_dma source(%dma_start3A_1219 : memref<1280xi32, #tpu.memory_space<hbm>>) target(%arg5 : memref<1280xi32, #tpu.memory_space<vmem>>) target_semaphore(%arg13 : memref<!tpu.dma_semaphore, #tpu.memory_space<semaphore_mem>>)
      %dma_start3A_1220 = arith.constant 20 : i32
      %dma_start3A_1221 = arith.constant 0 : i32
      %dma_start3A_1222 = tpu.memref_slice %arg7[%dma_start3A_1221] : memref<1280xf32, #tpu.memory_space<vmem>> -> memref<256xf32, #tpu.memory_space<vmem>>
      %dma_start3A_1223 = tpu.memref_slice %arg4[%dma_start3A_1220, %add3A_836, %multiple_of3A] : memref<50x64x4096xf32, #tpu.memory_space<hbm>> -> memref<1x1x256xf32, #tpu.memory_space<hbm>>
      %dma_start3A_1224 = tpu.memref_squeeze %dma_start3A_1223 : memref<1x1x256xf32, #tpu.memory_space<hbm>> -> memref<256xf32, #tpu.memory_space<hbm>>
      %dma_start3A_1225 = tpu.memref_slice %arg4[%dma_start3A_1220, %add3A_836, %multiple_of3A] : memref<50x64x4096xf32, #tpu.memory_space<hbm>> -> memref<1x1x256xf32, #tpu.memory_space<hbm>>
      %dma_start3A_1226 = tpu.memref_squeeze %dma_start3A_1225 : memref<1x1x256xf32, #tpu.memory_space<hbm>> -> memref<256xf32, #tpu.memory_space<hbm>>
      %dma_start3A_1227 = arith.constant 0 : i32
      %dma_start3A_1228 = tpu.memref_slice %arg7[%dma_start3A_1227] : memref<1280xf32, #tpu.memory_space<vmem>> -> memref<256xf32, #tpu.memory_space<vmem>>
      tpu.enqueue_dma source(%dma_start3A_1228 : memref<256xf32, #tpu.memory_space<vmem>>) target(%dma_start3A_1226 : memref<256xf32, #tpu.memory_space<hbm>>) target_semaphore(%arg15 : memref<!tpu.dma_semaphore, #tpu.memory_space<semaphore_mem>>)
      %dma_start3A_1229 = arith.constant 21 : i32
      %dma_start3A_1230 = arith.constant 256 : i32
      %dma_start3A_1231 = tpu.memref_slice %arg7[%dma_start3A_1230] : memref<1280xf32, #tpu.memory_space<vmem>> -> memref<256xf32, #tpu.memory_space<vmem>>
      %dma_start3A_1232 = tpu.memref_slice %arg4[%dma_start3A_1229, %add3A_836, %multiple_of3A] : memref<50x64x4096xf32, #tpu.memory_space<hbm>> -> memref<1x1x256xf32, #tpu.memory_space<hbm>>
      %dma_start3A_1233 = tpu.memref_squeeze %dma_start3A_1232 : memref<1x1x256xf32, #tpu.memory_space<hbm>> -> memref<256xf32, #tpu.memory_space<hbm>>
      %dma_start3A_1234 = tpu.memref_slice %arg4[%dma_start3A_1229, %add3A_836, %multiple_of3A] : memref<50x64x4096xf32, #tpu.memory_space<hbm>> -> memref<1x1x256xf32, #tpu.memory_space<hbm>>
      %dma_start3A_1235 = tpu.memref_squeeze %dma_start3A_1234 : memref<1x1x256xf32, #tpu.memory_space<hbm>> -> memref<256xf32, #tpu.memory_space<hbm>>
      %dma_start3A_1236 = arith.constant 256 : i32
      %dma_start3A_1237 = tpu.memref_slice %arg7[%dma_start3A_1236] : memref<1280xf32, #tpu.memory_space<vmem>> -> memref<256xf32, #tpu.memory_space<vmem>>
      tpu.enqueue_dma source(%dma_start3A_1237 : memref<256xf32, #tpu.memory_space<vmem>>) target(%dma_start3A_1235 : memref<256xf32, #tpu.memory_space<hbm>>) target_semaphore(%arg15 : memref<!tpu.dma_semaphore, #tpu.memory_space<semaphore_mem>>)
      %dma_start3A_1238 = arith.constant 22 : i32
      %dma_start3A_1239 = arith.constant 512 : i32
      %dma_start3A_1240 = tpu.memref_slice %arg7[%dma_start3A_1239] : memref<1280xf32, #tpu.memory_space<vmem>> -> memref<256xf32, #tpu.memory_space<vmem>>
      %dma_start3A_1241 = tpu.memref_slice %arg4[%dma_start3A_1238, %add3A_836, %multiple_of3A] : memref<50x64x4096xf32, #tpu.memory_space<hbm>> -> memref<1x1x256xf32, #tpu.memory_space<hbm>>
      %dma_start3A_1242 = tpu.memref_squeeze %dma_start3A_1241 : memref<1x1x256xf32, #tpu.memory_space<hbm>> -> memref<256xf32, #tpu.memory_space<hbm>>
      %dma_start3A_1243 = tpu.memref_slice %arg4[%dma_start3A_1238, %add3A_836, %multiple_of3A] : memref<50x64x4096xf32, #tpu.memory_space<hbm>> -> memref<1x1x256xf32, #tpu.memory_space<hbm>>
      %dma_start3A_1244 = tpu.memref_squeeze %dma_start3A_1243 : memref<1x1x256xf32, #tpu.memory_space<hbm>> -> memref<256xf32, #tpu.memory_space<hbm>>
      %dma_start3A_1245 = arith.constant 512 : i32
      %dma_start3A_1246 = tpu.memref_slice %arg7[%dma_start3A_1245] : memref<1280xf32, #tpu.memory_space<vmem>> -> memref<256xf32, #tpu.memory_space<vmem>>
      tpu.enqueue_dma source(%dma_start3A_1246 : memref<256xf32, #tpu.memory_space<vmem>>) target(%dma_start3A_1244 : memref<256xf32, #tpu.memory_space<hbm>>) target_semaphore(%arg15 : memref<!tpu.dma_semaphore, #tpu.memory_space<semaphore_mem>>)
      %dma_start3A_1247 = arith.constant 23 : i32
      %dma_start3A_1248 = arith.constant 768 : i32
      %dma_start3A_1249 = tpu.memref_slice %arg7[%dma_start3A_1248] : memref<1280xf32, #tpu.memory_space<vmem>> -> memref<256xf32, #tpu.memory_space<vmem>>
      %dma_start3A_1250 = tpu.memref_slice %arg4[%dma_start3A_1247, %add3A_836, %multiple_of3A] : memref<50x64x4096xf32, #tpu.memory_space<hbm>> -> memref<1x1x256xf32, #tpu.memory_space<hbm>>
      %dma_start3A_1251 = tpu.memref_squeeze %dma_start3A_1250 : memref<1x1x256xf32, #tpu.memory_space<hbm>> -> memref<256xf32, #tpu.memory_space<hbm>>
      %dma_start3A_1252 = tpu.memref_slice %arg4[%dma_start3A_1247, %add3A_836, %multiple_of3A] : memref<50x64x4096xf32, #tpu.memory_space<hbm>> -> memref<1x1x256xf32, #tpu.memory_space<hbm>>
      %dma_start3A_1253 = tpu.memref_squeeze %dma_start3A_1252 : memref<1x1x256xf32, #tpu.memory_space<hbm>> -> memref<256xf32, #tpu.memory_space<hbm>>
      %dma_start3A_1254 = arith.constant 768 : i32
      %dma_start3A_1255 = tpu.memref_slice %arg7[%dma_start3A_1254] : memref<1280xf32, #tpu.memory_space<vmem>> -> memref<256xf32, #tpu.memory_space<vmem>>
      tpu.enqueue_dma source(%dma_start3A_1255 : memref<256xf32, #tpu.memory_space<vmem>>) target(%dma_start3A_1253 : memref<256xf32, #tpu.memory_space<hbm>>) target_semaphore(%arg15 : memref<!tpu.dma_semaphore, #tpu.memory_space<semaphore_mem>>)
      %dma_start3A_1256 = arith.constant 24 : i32
      %dma_start3A_1257 = arith.constant 1024 : i32
      %dma_start3A_1258 = tpu.memref_slice %arg7[%dma_start3A_1257] : memref<1280xf32, #tpu.memory_space<vmem>> -> memref<256xf32, #tpu.memory_space<vmem>>
      %dma_start3A_1259 = tpu.memref_slice %arg4[%dma_start3A_1256, %add3A_836, %multiple_of3A] : memref<50x64x4096xf32, #tpu.memory_space<hbm>> -> memref<1x1x256xf32, #tpu.memory_space<hbm>>
      %dma_start3A_1260 = tpu.memref_squeeze %dma_start3A_1259 : memref<1x1x256xf32, #tpu.memory_space<hbm>> -> memref<256xf32, #tpu.memory_space<hbm>>
      %dma_start3A_1261 = tpu.memref_slice %arg4[%dma_start3A_1256, %add3A_836, %multiple_of3A] : memref<50x64x4096xf32, #tpu.memory_space<hbm>> -> memref<1x1x256xf32, #tpu.memory_space<hbm>>
      %dma_start3A_1262 = tpu.memref_squeeze %dma_start3A_1261 : memref<1x1x256xf32, #tpu.memory_space<hbm>> -> memref<256xf32, #tpu.memory_space<hbm>>
      %dma_start3A_1263 = arith.constant 1024 : i32
      %dma_start3A_1264 = tpu.memref_slice %arg7[%dma_start3A_1263] : memref<1280xf32, #tpu.memory_space<vmem>> -> memref<256xf32, #tpu.memory_space<vmem>>
      tpu.enqueue_dma source(%dma_start3A_1264 : memref<256xf32, #tpu.memory_space<vmem>>) target(%dma_start3A_1262 : memref<256xf32, #tpu.memory_space<hbm>>) target_semaphore(%arg15 : memref<!tpu.dma_semaphore, #tpu.memory_space<semaphore_mem>>)
      %dma_wait3A_1265 = arith.constant 0 : i32
      %dma_wait3A_1266 = arith.constant 0 : i32
      %dma_wait3A_1267 = tpu.memref_slice %arg3[%dma_wait3A_1265, %dma_wait3A_1266] : memref<64x1000000xf32, #tpu.memory_space<hbm>> -> memref<1x1280xf32, #tpu.memory_space<hbm>>
      %dma_wait3A_1268 = tpu.memref_squeeze %dma_wait3A_1267 : memref<1x1280xf32, #tpu.memory_space<hbm>> -> memref<1280xf32, #tpu.memory_space<hbm>>
      %dma_wait3A_1269 = arith.constant 0 : i32
      %dma_wait3A_1270 = tpu.memref_slice %arg3[%dma_wait3A_1265, %dma_wait3A_1269] : memref<64x1000000xf32, #tpu.memory_space<hbm>> -> memref<1x1280xf32, #tpu.memory_space<hbm>>
      %dma_wait3A_1271 = tpu.memref_squeeze %dma_wait3A_1270 : memref<1x1280xf32, #tpu.memory_space<hbm>> -> memref<1280xf32, #tpu.memory_space<hbm>>
      tpu.wait_dma2 semaphore(%arg15 : memref<!tpu.dma_semaphore, #tpu.memory_space<semaphore_mem>>) src(%dma_wait3A_1271 : memref<1280xf32, #tpu.memory_space<hbm>>) dst(%arg7 : memref<1280xf32, #tpu.memory_space<vmem>>)
      %dma_wait3A_1272 = arith.constant 7680 : i32
      %dma_wait3A_1273 = tpu.memref_slice %arg2[%arg1, %dma_wait3A_1272] : memref<16x12800xi32, #tpu.memory_space<hbm>> -> memref<1x1280xi32, #tpu.memory_space<hbm>>
      %dma_wait3A_1274 = tpu.memref_squeeze %dma_wait3A_1273 : memref<1x1280xi32, #tpu.memory_space<hbm>> -> memref<1280xi32, #tpu.memory_space<hbm>>
      %dma_wait3A_1275 = arith.constant 7680 : i32
      %dma_wait3A_1276 = tpu.memref_slice %arg2[%arg1, %dma_wait3A_1275] : memref<16x12800xi32, #tpu.memory_space<hbm>> -> memref<1x1280xi32, #tpu.memory_space<hbm>>
      %dma_wait3A_1277 = tpu.memref_squeeze %dma_wait3A_1276 : memref<1x1280xi32, #tpu.memory_space<hbm>> -> memref<1280xi32, #tpu.memory_space<hbm>>
      tpu.wait_dma2 semaphore(%arg13 : memref<!tpu.dma_semaphore, #tpu.memory_space<semaphore_mem>>) src(%dma_wait3A_1277 : memref<1280xi32, #tpu.memory_space<hbm>>) dst(%arg5 : memref<1280xi32, #tpu.memory_space<vmem>>)
      %dma_start3A_1278 = arith.constant 0 : i32
      %dma_start3A_1279 = arith.constant 0 : i32
      %dma_start3A_1280 = tpu.memref_slice %arg10[%dma_start3A_1278, %dma_start3A_1279] : memref<1x1000000xf32, #tpu.memory_space<vmem_shared>> -> memref<1x1000000xf32, #tpu.memory_space<vmem_shared>>
      %dma_start3A_1281 = tpu.memref_squeeze %dma_start3A_1280 : memref<1x1000000xf32, #tpu.memory_space<vmem_shared>> -> memref<1000000xf32, #tpu.memory_space<vmem_shared>>
      %dma_start3A_1282 = arith.constant 0 : i32
      %dma_start3A_1283 = tpu.memref_slice %dma_start3A_1281[%dma_start3A_1282] : memref<1000000xf32, #tpu.memory_space<vmem_shared>> -> memref<1000000xf32, #tpu.memory_space<vmem_shared>>
      tpu.enqueue_indirect_dma source(%dma_start3A_1283 : memref<1000000xf32, #tpu.memory_space<vmem_shared>>) target(%arg7 : memref<1280xf32, #tpu.memory_space<vmem>>) offsets(%arg5 : memref<1280xi32, #tpu.memory_space<vmem>>) semaphore(%arg14 : memref<!tpu.dma_semaphore, #tpu.memory_space<semaphore_mem>>)
      %dma_wait3A_1284 = arith.constant 0 : i32
      %dma_wait3A_1285 = arith.constant 0 : i32
      %dma_wait3A_1286 = tpu.memref_slice %arg3[%dma_wait3A_1284, %dma_wait3A_1285] : memref<64x1000000xf32, #tpu.memory_space<hbm>> -> memref<1x1280xf32, #tpu.memory_space<hbm>>
      %dma_wait3A_1287 = tpu.memref_squeeze %dma_wait3A_1286 : memref<1x1280xf32, #tpu.memory_space<hbm>> -> memref<1280xf32, #tpu.memory_space<hbm>>
      %dma_wait3A_1288 = arith.constant 0 : i32
      %dma_wait3A_1289 = tpu.memref_slice %arg3[%dma_wait3A_1284, %dma_wait3A_1288] : memref<64x1000000xf32, #tpu.memory_space<hbm>> -> memref<1x1280xf32, #tpu.memory_space<hbm>>
      %dma_wait3A_1290 = tpu.memref_squeeze %dma_wait3A_1289 : memref<1x1280xf32, #tpu.memory_space<hbm>> -> memref<1280xf32, #tpu.memory_space<hbm>>
      tpu.wait_dma2 semaphore(%arg14 : memref<!tpu.dma_semaphore, #tpu.memory_space<semaphore_mem>>) src(%dma_wait3A_1290 : memref<1280xf32, #tpu.memory_space<hbm>>) dst(%arg8 : memref<1280xf32, #tpu.memory_space<vmem>>)
      %dma_start3A_1291 = arith.constant 8960 : i32
      %dma_start3A_1292 = tpu.memref_slice %arg2[%arg1, %dma_start3A_1291] : memref<16x12800xi32, #tpu.memory_space<hbm>> -> memref<1x1280xi32, #tpu.memory_space<hbm>>
      %dma_start3A_1293 = tpu.memref_squeeze %dma_start3A_1292 : memref<1x1280xi32, #tpu.memory_space<hbm>> -> memref<1280xi32, #tpu.memory_space<hbm>>
      %dma_start3A_1294 = arith.constant 8960 : i32
      %dma_start3A_1295 = tpu.memref_slice %arg2[%arg1, %dma_start3A_1294] : memref<16x12800xi32, #tpu.memory_space<hbm>> -> memref<1x1280xi32, #tpu.memory_space<hbm>>
      %dma_start3A_1296 = tpu.memref_squeeze %dma_start3A_1295 : memref<1x1280xi32, #tpu.memory_space<hbm>> -> memref<1280xi32, #tpu.memory_space<hbm>>
      tpu.enqueue_dma source(%dma_start3A_1296 : memref<1280xi32, #tpu.memory_space<hbm>>) target(%arg6 : memref<1280xi32, #tpu.memory_space<vmem>>) target_semaphore(%arg13 : memref<!tpu.dma_semaphore, #tpu.memory_space<semaphore_mem>>)
      %dma_start3A_1297 = arith.constant 25 : i32
      %dma_start3A_1298 = arith.constant 0 : i32
      %dma_start3A_1299 = tpu.memref_slice %arg8[%dma_start3A_1298] : memref<1280xf32, #tpu.memory_space<vmem>> -> memref<256xf32, #tpu.memory_space<vmem>>
      %dma_start3A_1300 = tpu.memref_slice %arg4[%dma_start3A_1297, %add3A_836, %multiple_of3A] : memref<50x64x4096xf32, #tpu.memory_space<hbm>> -> memref<1x1x256xf32, #tpu.memory_space<hbm>>
      %dma_start3A_1301 = tpu.memref_squeeze %dma_start3A_1300 : memref<1x1x256xf32, #tpu.memory_space<hbm>> -> memref<256xf32, #tpu.memory_space<hbm>>
      %dma_start3A_1302 = tpu.memref_slice %arg4[%dma_start3A_1297, %add3A_836, %multiple_of3A] : memref<50x64x4096xf32, #tpu.memory_space<hbm>> -> memref<1x1x256xf32, #tpu.memory_space<hbm>>
      %dma_start3A_1303 = tpu.memref_squeeze %dma_start3A_1302 : memref<1x1x256xf32, #tpu.memory_space<hbm>> -> memref<256xf32, #tpu.memory_space<hbm>>
      %dma_start3A_1304 = arith.constant 0 : i32
      %dma_start3A_1305 = tpu.memref_slice %arg8[%dma_start3A_1304] : memref<1280xf32, #tpu.memory_space<vmem>> -> memref<256xf32, #tpu.memory_space<vmem>>
      tpu.enqueue_dma source(%dma_start3A_1305 : memref<256xf32, #tpu.memory_space<vmem>>) target(%dma_start3A_1303 : memref<256xf32, #tpu.memory_space<hbm>>) target_semaphore(%arg16 : memref<!tpu.dma_semaphore, #tpu.memory_space<semaphore_mem>>)
      %dma_start3A_1306 = arith.constant 26 : i32
      %dma_start3A_1307 = arith.constant 256 : i32
      %dma_start3A_1308 = tpu.memref_slice %arg8[%dma_start3A_1307] : memref<1280xf32, #tpu.memory_space<vmem>> -> memref<256xf32, #tpu.memory_space<vmem>>
      %dma_start3A_1309 = tpu.memref_slice %arg4[%dma_start3A_1306, %add3A_836, %multiple_of3A] : memref<50x64x4096xf32, #tpu.memory_space<hbm>> -> memref<1x1x256xf32, #tpu.memory_space<hbm>>
      %dma_start3A_1310 = tpu.memref_squeeze %dma_start3A_1309 : memref<1x1x256xf32, #tpu.memory_space<hbm>> -> memref<256xf32, #tpu.memory_space<hbm>>
      %dma_start3A_1311 = tpu.memref_slice %arg4[%dma_start3A_1306, %add3A_836, %multiple_of3A] : memref<50x64x4096xf32, #tpu.memory_space<hbm>> -> memref<1x1x256xf32, #tpu.memory_space<hbm>>
      %dma_start3A_1312 = tpu.memref_squeeze %dma_start3A_1311 : memref<1x1x256xf32, #tpu.memory_space<hbm>> -> memref<256xf32, #tpu.memory_space<hbm>>
      %dma_start3A_1313 = arith.constant 256 : i32
      %dma_start3A_1314 = tpu.memref_slice %arg8[%dma_start3A_1313] : memref<1280xf32, #tpu.memory_space<vmem>> -> memref<256xf32, #tpu.memory_space<vmem>>
      tpu.enqueue_dma source(%dma_start3A_1314 : memref<256xf32, #tpu.memory_space<vmem>>) target(%dma_start3A_1312 : memref<256xf32, #tpu.memory_space<hbm>>) target_semaphore(%arg16 : memref<!tpu.dma_semaphore, #tpu.memory_space<semaphore_mem>>)
      %dma_start3A_1315 = arith.constant 27 : i32
      %dma_start3A_1316 = arith.constant 512 : i32
      %dma_start3A_1317 = tpu.memref_slice %arg8[%dma_start3A_1316] : memref<1280xf32, #tpu.memory_space<vmem>> -> memref<256xf32, #tpu.memory_space<vmem>>
      %dma_start3A_1318 = tpu.memref_slice %arg4[%dma_start3A_1315, %add3A_836, %multiple_of3A] : memref<50x64x4096xf32, #tpu.memory_space<hbm>> -> memref<1x1x256xf32, #tpu.memory_space<hbm>>
      %dma_start3A_1319 = tpu.memref_squeeze %dma_start3A_1318 : memref<1x1x256xf32, #tpu.memory_space<hbm>> -> memref<256xf32, #tpu.memory_space<hbm>>
      %dma_start3A_1320 = tpu.memref_slice %arg4[%dma_start3A_1315, %add3A_836, %multiple_of3A] : memref<50x64x4096xf32, #tpu.memory_space<hbm>> -> memref<1x1x256xf32, #tpu.memory_space<hbm>>
      %dma_start3A_1321 = tpu.memref_squeeze %dma_start3A_1320 : memref<1x1x256xf32, #tpu.memory_space<hbm>> -> memref<256xf32, #tpu.memory_space<hbm>>
      %dma_start3A_1322 = arith.constant 512 : i32
      %dma_start3A_1323 = tpu.memref_slice %arg8[%dma_start3A_1322] : memref<1280xf32, #tpu.memory_space<vmem>> -> memref<256xf32, #tpu.memory_space<vmem>>
      tpu.enqueue_dma source(%dma_start3A_1323 : memref<256xf32, #tpu.memory_space<vmem>>) target(%dma_start3A_1321 : memref<256xf32, #tpu.memory_space<hbm>>) target_semaphore(%arg16 : memref<!tpu.dma_semaphore, #tpu.memory_space<semaphore_mem>>)
      %dma_start3A_1324 = arith.constant 28 : i32
      %dma_start3A_1325 = arith.constant 768 : i32
      %dma_start3A_1326 = tpu.memref_slice %arg8[%dma_start3A_1325] : memref<1280xf32, #tpu.memory_space<vmem>> -> memref<256xf32, #tpu.memory_space<vmem>>
      %dma_start3A_1327 = tpu.memref_slice %arg4[%dma_start3A_1324, %add3A_836, %multiple_of3A] : memref<50x64x4096xf32, #tpu.memory_space<hbm>> -> memref<1x1x256xf32, #tpu.memory_space<hbm>>
      %dma_start3A_1328 = tpu.memref_squeeze %dma_start3A_1327 : memref<1x1x256xf32, #tpu.memory_space<hbm>> -> memref<256xf32, #tpu.memory_space<hbm>>
      %dma_start3A_1329 = tpu.memref_slice %arg4[%dma_start3A_1324, %add3A_836, %multiple_of3A] : memref<50x64x4096xf32, #tpu.memory_space<hbm>> -> memref<1x1x256xf32, #tpu.memory_space<hbm>>
      %dma_start3A_1330 = tpu.memref_squeeze %dma_start3A_1329 : memref<1x1x256xf32, #tpu.memory_space<hbm>> -> memref<256xf32, #tpu.memory_space<hbm>>
      %dma_start3A_1331 = arith.constant 768 : i32
      %dma_start3A_1332 = tpu.memref_slice %arg8[%dma_start3A_1331] : memref<1280xf32, #tpu.memory_space<vmem>> -> memref<256xf32, #tpu.memory_space<vmem>>
      tpu.enqueue_dma source(%dma_start3A_1332 : memref<256xf32, #tpu.memory_space<vmem>>) target(%dma_start3A_1330 : memref<256xf32, #tpu.memory_space<hbm>>) target_semaphore(%arg16 : memref<!tpu.dma_semaphore, #tpu.memory_space<semaphore_mem>>)
      %dma_start3A_1333 = arith.constant 29 : i32
      %dma_start3A_1334 = arith.constant 1024 : i32
      %dma_start3A_1335 = tpu.memref_slice %arg8[%dma_start3A_1334] : memref<1280xf32, #tpu.memory_space<vmem>> -> memref<256xf32, #tpu.memory_space<vmem>>
      %dma_start3A_1336 = tpu.memref_slice %arg4[%dma_start3A_1333, %add3A_836, %multiple_of3A] : memref<50x64x4096xf32, #tpu.memory_space<hbm>> -> memref<1x1x256xf32, #tpu.memory_space<hbm>>
      %dma_start3A_1337 = tpu.memref_squeeze %dma_start3A_1336 : memref<1x1x256xf32, #tpu.memory_space<hbm>> -> memref<256xf32, #tpu.memory_space<hbm>>
      %dma_start3A_1338 = tpu.memref_slice %arg4[%dma_start3A_1333, %add3A_836, %multiple_of3A] : memref<50x64x4096xf32, #tpu.memory_space<hbm>> -> memref<1x1x256xf32, #tpu.memory_space<hbm>>
      %dma_start3A_1339 = tpu.memref_squeeze %dma_start3A_1338 : memref<1x1x256xf32, #tpu.memory_space<hbm>> -> memref<256xf32, #tpu.memory_space<hbm>>
      %dma_start3A_1340 = arith.constant 1024 : i32
      %dma_start3A_1341 = tpu.memref_slice %arg8[%dma_start3A_1340] : memref<1280xf32, #tpu.memory_space<vmem>> -> memref<256xf32, #tpu.memory_space<vmem>>
      tpu.enqueue_dma source(%dma_start3A_1341 : memref<256xf32, #tpu.memory_space<vmem>>) target(%dma_start3A_1339 : memref<256xf32, #tpu.memory_space<hbm>>) target_semaphore(%arg16 : memref<!tpu.dma_semaphore, #tpu.memory_space<semaphore_mem>>)
      %dma_wait3A_1342 = arith.constant 0 : i32
      %dma_wait3A_1343 = arith.constant 0 : i32
      %dma_wait3A_1344 = tpu.memref_slice %arg3[%dma_wait3A_1342, %dma_wait3A_1343] : memref<64x1000000xf32, #tpu.memory_space<hbm>> -> memref<1x1280xf32, #tpu.memory_space<hbm>>
      %dma_wait3A_1345 = tpu.memref_squeeze %dma_wait3A_1344 : memref<1x1280xf32, #tpu.memory_space<hbm>> -> memref<1280xf32, #tpu.memory_space<hbm>>
      %dma_wait3A_1346 = arith.constant 0 : i32
      %dma_wait3A_1347 = tpu.memref_slice %arg3[%dma_wait3A_1342, %dma_wait3A_1346] : memref<64x1000000xf32, #tpu.memory_space<hbm>> -> memref<1x1280xf32, #tpu.memory_space<hbm>>
      %dma_wait3A_1348 = tpu.memref_squeeze %dma_wait3A_1347 : memref<1x1280xf32, #tpu.memory_space<hbm>> -> memref<1280xf32, #tpu.memory_space<hbm>>
      tpu.wait_dma2 semaphore(%arg16 : memref<!tpu.dma_semaphore, #tpu.memory_space<semaphore_mem>>) src(%dma_wait3A_1348 : memref<1280xf32, #tpu.memory_space<hbm>>) dst(%arg8 : memref<1280xf32, #tpu.memory_space<vmem>>)
      %dma_wait3A_1349 = arith.constant 8960 : i32
      %dma_wait3A_1350 = tpu.memref_slice %arg2[%arg1, %dma_wait3A_1349] : memref<16x12800xi32, #tpu.memory_space<hbm>> -> memref<1x1280xi32, #tpu.memory_space<hbm>>
      %dma_wait3A_1351 = tpu.memref_squeeze %dma_wait3A_1350 : memref<1x1280xi32, #tpu.memory_space<hbm>> -> memref<1280xi32, #tpu.memory_space<hbm>>
      %dma_wait3A_1352 = arith.constant 8960 : i32
      %dma_wait3A_1353 = tpu.memref_slice %arg2[%arg1, %dma_wait3A_1352] : memref<16x12800xi32, #tpu.memory_space<hbm>> -> memref<1x1280xi32, #tpu.memory_space<hbm>>
      %dma_wait3A_1354 = tpu.memref_squeeze %dma_wait3A_1353 : memref<1x1280xi32, #tpu.memory_space<hbm>> -> memref<1280xi32, #tpu.memory_space<hbm>>
      tpu.wait_dma2 semaphore(%arg13 : memref<!tpu.dma_semaphore, #tpu.memory_space<semaphore_mem>>) src(%dma_wait3A_1354 : memref<1280xi32, #tpu.memory_space<hbm>>) dst(%arg6 : memref<1280xi32, #tpu.memory_space<vmem>>)
      %dma_start3A_1355 = arith.constant 0 : i32
      %dma_start3A_1356 = arith.constant 0 : i32
      %dma_start3A_1357 = tpu.memref_slice %arg10[%dma_start3A_1355, %dma_start3A_1356] : memref<1x1000000xf32, #tpu.memory_space<vmem_shared>> -> memref<1x1000000xf32, #tpu.memory_space<vmem_shared>>
      %dma_start3A_1358 = tpu.memref_squeeze %dma_start3A_1357 : memref<1x1000000xf32, #tpu.memory_space<vmem_shared>> -> memref<1000000xf32, #tpu.memory_space<vmem_shared>>
      %dma_start3A_1359 = arith.constant 0 : i32
      %dma_start3A_1360 = tpu.memref_slice %dma_start3A_1358[%dma_start3A_1359] : memref<1000000xf32, #tpu.memory_space<vmem_shared>> -> memref<1000000xf32, #tpu.memory_space<vmem_shared>>
      tpu.enqueue_indirect_dma source(%dma_start3A_1360 : memref<1000000xf32, #tpu.memory_space<vmem_shared>>) target(%arg8 : memref<1280xf32, #tpu.memory_space<vmem>>) offsets(%arg6 : memref<1280xi32, #tpu.memory_space<vmem>>) semaphore(%arg14 : memref<!tpu.dma_semaphore, #tpu.memory_space<semaphore_mem>>)
      %dma_wait3A_1361 = arith.constant 0 : i32
      %dma_wait3A_1362 = arith.constant 0 : i32
      %dma_wait3A_1363 = tpu.memref_slice %arg3[%dma_wait3A_1361, %dma_wait3A_1362] : memref<64x1000000xf32, #tpu.memory_space<hbm>> -> memref<1x1280xf32, #tpu.memory_space<hbm>>
      %dma_wait3A_1364 = tpu.memref_squeeze %dma_wait3A_1363 : memref<1x1280xf32, #tpu.memory_space<hbm>> -> memref<1280xf32, #tpu.memory_space<hbm>>
      %dma_wait3A_1365 = arith.constant 0 : i32
      %dma_wait3A_1366 = tpu.memref_slice %arg3[%dma_wait3A_1361, %dma_wait3A_1365] : memref<64x1000000xf32, #tpu.memory_space<hbm>> -> memref<1x1280xf32, #tpu.memory_space<hbm>>
      %dma_wait3A_1367 = tpu.memref_squeeze %dma_wait3A_1366 : memref<1x1280xf32, #tpu.memory_space<hbm>> -> memref<1280xf32, #tpu.memory_space<hbm>>
      tpu.wait_dma2 semaphore(%arg14 : memref<!tpu.dma_semaphore, #tpu.memory_space<semaphore_mem>>) src(%dma_wait3A_1367 : memref<1280xf32, #tpu.memory_space<hbm>>) dst(%arg7 : memref<1280xf32, #tpu.memory_space<vmem>>)
      %dma_start3A_1368 = arith.constant 10240 : i32
      %dma_start3A_1369 = tpu.memref_slice %arg2[%arg1, %dma_start3A_1368] : memref<16x12800xi32, #tpu.memory_space<hbm>> -> memref<1x1280xi32, #tpu.memory_space<hbm>>
      %dma_start3A_1370 = tpu.memref_squeeze %dma_start3A_1369 : memref<1x1280xi32, #tpu.memory_space<hbm>> -> memref<1280xi32, #tpu.memory_space<hbm>>
      %dma_start3A_1371 = arith.constant 10240 : i32
      %dma_start3A_1372 = tpu.memref_slice %arg2[%arg1, %dma_start3A_1371] : memref<16x12800xi32, #tpu.memory_space<hbm>> -> memref<1x1280xi32, #tpu.memory_space<hbm>>
      %dma_start3A_1373 = tpu.memref_squeeze %dma_start3A_1372 : memref<1x1280xi32, #tpu.memory_space<hbm>> -> memref<1280xi32, #tpu.memory_space<hbm>>
      tpu.enqueue_dma source(%dma_start3A_1373 : memref<1280xi32, #tpu.memory_space<hbm>>) target(%arg5 : memref<1280xi32, #tpu.memory_space<vmem>>) target_semaphore(%arg13 : memref<!tpu.dma_semaphore, #tpu.memory_space<semaphore_mem>>)
      %dma_start3A_1374 = arith.constant 30 : i32
      %dma_start3A_1375 = arith.constant 0 : i32
      %dma_start3A_1376 = tpu.memref_slice %arg7[%dma_start3A_1375] : memref<1280xf32, #tpu.memory_space<vmem>> -> memref<256xf32, #tpu.memory_space<vmem>>
      %dma_start3A_1377 = tpu.memref_slice %arg4[%dma_start3A_1374, %add3A_836, %multiple_of3A] : memref<50x64x4096xf32, #tpu.memory_space<hbm>> -> memref<1x1x256xf32, #tpu.memory_space<hbm>>
      %dma_start3A_1378 = tpu.memref_squeeze %dma_start3A_1377 : memref<1x1x256xf32, #tpu.memory_space<hbm>> -> memref<256xf32, #tpu.memory_space<hbm>>
      %dma_start3A_1379 = tpu.memref_slice %arg4[%dma_start3A_1374, %add3A_836, %multiple_of3A] : memref<50x64x4096xf32, #tpu.memory_space<hbm>> -> memref<1x1x256xf32, #tpu.memory_space<hbm>>
      %dma_start3A_1380 = tpu.memref_squeeze %dma_start3A_1379 : memref<1x1x256xf32, #tpu.memory_space<hbm>> -> memref<256xf32, #tpu.memory_space<hbm>>
      %dma_start3A_1381 = arith.constant 0 : i32
      %dma_start3A_1382 = tpu.memref_slice %arg7[%dma_start3A_1381] : memref<1280xf32, #tpu.memory_space<vmem>> -> memref<256xf32, #tpu.memory_space<vmem>>
      tpu.enqueue_dma source(%dma_start3A_1382 : memref<256xf32, #tpu.memory_space<vmem>>) target(%dma_start3A_1380 : memref<256xf32, #tpu.memory_space<hbm>>) target_semaphore(%arg15 : memref<!tpu.dma_semaphore, #tpu.memory_space<semaphore_mem>>)
      %dma_start3A_1383 = arith.constant 31 : i32
      %dma_start3A_1384 = arith.constant 256 : i32
      %dma_start3A_1385 = tpu.memref_slice %arg7[%dma_start3A_1384] : memref<1280xf32, #tpu.memory_space<vmem>> -> memref<256xf32, #tpu.memory_space<vmem>>
      %dma_start3A_1386 = tpu.memref_slice %arg4[%dma_start3A_1383, %add3A_836, %multiple_of3A] : memref<50x64x4096xf32, #tpu.memory_space<hbm>> -> memref<1x1x256xf32, #tpu.memory_space<hbm>>
      %dma_start3A_1387 = tpu.memref_squeeze %dma_start3A_1386 : memref<1x1x256xf32, #tpu.memory_space<hbm>> -> memref<256xf32, #tpu.memory_space<hbm>>
      %dma_start3A_1388 = tpu.memref_slice %arg4[%dma_start3A_1383, %add3A_836, %multiple_of3A] : memref<50x64x4096xf32, #tpu.memory_space<hbm>> -> memref<1x1x256xf32, #tpu.memory_space<hbm>>
      %dma_start3A_1389 = tpu.memref_squeeze %dma_start3A_1388 : memref<1x1x256xf32, #tpu.memory_space<hbm>> -> memref<256xf32, #tpu.memory_space<hbm>>
      %dma_start3A_1390 = arith.constant 256 : i32
      %dma_start3A_1391 = tpu.memref_slice %arg7[%dma_start3A_1390] : memref<1280xf32, #tpu.memory_space<vmem>> -> memref<256xf32, #tpu.memory_space<vmem>>
      tpu.enqueue_dma source(%dma_start3A_1391 : memref<256xf32, #tpu.memory_space<vmem>>) target(%dma_start3A_1389 : memref<256xf32, #tpu.memory_space<hbm>>) target_semaphore(%arg15 : memref<!tpu.dma_semaphore, #tpu.memory_space<semaphore_mem>>)
      %dma_start3A_1392 = arith.constant 32 : i32
      %dma_start3A_1393 = arith.constant 512 : i32
      %dma_start3A_1394 = tpu.memref_slice %arg7[%dma_start3A_1393] : memref<1280xf32, #tpu.memory_space<vmem>> -> memref<256xf32, #tpu.memory_space<vmem>>
      %dma_start3A_1395 = tpu.memref_slice %arg4[%dma_start3A_1392, %add3A_836, %multiple_of3A] : memref<50x64x4096xf32, #tpu.memory_space<hbm>> -> memref<1x1x256xf32, #tpu.memory_space<hbm>>
      %dma_start3A_1396 = tpu.memref_squeeze %dma_start3A_1395 : memref<1x1x256xf32, #tpu.memory_space<hbm>> -> memref<256xf32, #tpu.memory_space<hbm>>
      %dma_start3A_1397 = tpu.memref_slice %arg4[%dma_start3A_1392, %add3A_836, %multiple_of3A] : memref<50x64x4096xf32, #tpu.memory_space<hbm>> -> memref<1x1x256xf32, #tpu.memory_space<hbm>>
      %dma_start3A_1398 = tpu.memref_squeeze %dma_start3A_1397 : memref<1x1x256xf32, #tpu.memory_space<hbm>> -> memref<256xf32, #tpu.memory_space<hbm>>
      %dma_start3A_1399 = arith.constant 512 : i32
      %dma_start3A_1400 = tpu.memref_slice %arg7[%dma_start3A_1399] : memref<1280xf32, #tpu.memory_space<vmem>> -> memref<256xf32, #tpu.memory_space<vmem>>
      tpu.enqueue_dma source(%dma_start3A_1400 : memref<256xf32, #tpu.memory_space<vmem>>) target(%dma_start3A_1398 : memref<256xf32, #tpu.memory_space<hbm>>) target_semaphore(%arg15 : memref<!tpu.dma_semaphore, #tpu.memory_space<semaphore_mem>>)
      %dma_start3A_1401 = arith.constant 33 : i32
      %dma_start3A_1402 = arith.constant 768 : i32
      %dma_start3A_1403 = tpu.memref_slice %arg7[%dma_start3A_1402] : memref<1280xf32, #tpu.memory_space<vmem>> -> memref<256xf32, #tpu.memory_space<vmem>>
      %dma_start3A_1404 = tpu.memref_slice %arg4[%dma_start3A_1401, %add3A_836, %multiple_of3A] : memref<50x64x4096xf32, #tpu.memory_space<hbm>> -> memref<1x1x256xf32, #tpu.memory_space<hbm>>
      %dma_start3A_1405 = tpu.memref_squeeze %dma_start3A_1404 : memref<1x1x256xf32, #tpu.memory_space<hbm>> -> memref<256xf32, #tpu.memory_space<hbm>>
      %dma_start3A_1406 = tpu.memref_slice %arg4[%dma_start3A_1401, %add3A_836, %multiple_of3A] : memref<50x64x4096xf32, #tpu.memory_space<hbm>> -> memref<1x1x256xf32, #tpu.memory_space<hbm>>
      %dma_start3A_1407 = tpu.memref_squeeze %dma_start3A_1406 : memref<1x1x256xf32, #tpu.memory_space<hbm>> -> memref<256xf32, #tpu.memory_space<hbm>>
      %dma_start3A_1408 = arith.constant 768 : i32
      %dma_start3A_1409 = tpu.memref_slice %arg7[%dma_start3A_1408] : memref<1280xf32, #tpu.memory_space<vmem>> -> memref<256xf32, #tpu.memory_space<vmem>>
      tpu.enqueue_dma source(%dma_start3A_1409 : memref<256xf32, #tpu.memory_space<vmem>>) target(%dma_start3A_1407 : memref<256xf32, #tpu.memory_space<hbm>>) target_semaphore(%arg15 : memref<!tpu.dma_semaphore, #tpu.memory_space<semaphore_mem>>)
      %dma_start3A_1410 = arith.constant 34 : i32
      %dma_start3A_1411 = arith.constant 1024 : i32
      %dma_start3A_1412 = tpu.memref_slice %arg7[%dma_start3A_1411] : memref<1280xf32, #tpu.memory_space<vmem>> -> memref<256xf32, #tpu.memory_space<vmem>>
      %dma_start3A_1413 = tpu.memref_slice %arg4[%dma_start3A_1410, %add3A_836, %multiple_of3A] : memref<50x64x4096xf32, #tpu.memory_space<hbm>> -> memref<1x1x256xf32, #tpu.memory_space<hbm>>
      %dma_start3A_1414 = tpu.memref_squeeze %dma_start3A_1413 : memref<1x1x256xf32, #tpu.memory_space<hbm>> -> memref<256xf32, #tpu.memory_space<hbm>>
      %dma_start3A_1415 = tpu.memref_slice %arg4[%dma_start3A_1410, %add3A_836, %multiple_of3A] : memref<50x64x4096xf32, #tpu.memory_space<hbm>> -> memref<1x1x256xf32, #tpu.memory_space<hbm>>
      %dma_start3A_1416 = tpu.memref_squeeze %dma_start3A_1415 : memref<1x1x256xf32, #tpu.memory_space<hbm>> -> memref<256xf32, #tpu.memory_space<hbm>>
      %dma_start3A_1417 = arith.constant 1024 : i32
      %dma_start3A_1418 = tpu.memref_slice %arg7[%dma_start3A_1417] : memref<1280xf32, #tpu.memory_space<vmem>> -> memref<256xf32, #tpu.memory_space<vmem>>
      tpu.enqueue_dma source(%dma_start3A_1418 : memref<256xf32, #tpu.memory_space<vmem>>) target(%dma_start3A_1416 : memref<256xf32, #tpu.memory_space<hbm>>) target_semaphore(%arg15 : memref<!tpu.dma_semaphore, #tpu.memory_space<semaphore_mem>>)
      %dma_wait3A_1419 = arith.constant 0 : i32
      %dma_wait3A_1420 = arith.constant 0 : i32
      %dma_wait3A_1421 = tpu.memref_slice %arg3[%dma_wait3A_1419, %dma_wait3A_1420] : memref<64x1000000xf32, #tpu.memory_space<hbm>> -> memref<1x1280xf32, #tpu.memory_space<hbm>>
      %dma_wait3A_1422 = tpu.memref_squeeze %dma_wait3A_1421 : memref<1x1280xf32, #tpu.memory_space<hbm>> -> memref<1280xf32, #tpu.memory_space<hbm>>
      %dma_wait3A_1423 = arith.constant 0 : i32
      %dma_wait3A_1424 = tpu.memref_slice %arg3[%dma_wait3A_1419, %dma_wait3A_1423] : memref<64x1000000xf32, #tpu.memory_space<hbm>> -> memref<1x1280xf32, #tpu.memory_space<hbm>>
      %dma_wait3A_1425 = tpu.memref_squeeze %dma_wait3A_1424 : memref<1x1280xf32, #tpu.memory_space<hbm>> -> memref<1280xf32, #tpu.memory_space<hbm>>
      tpu.wait_dma2 semaphore(%arg15 : memref<!tpu.dma_semaphore, #tpu.memory_space<semaphore_mem>>) src(%dma_wait3A_1425 : memref<1280xf32, #tpu.memory_space<hbm>>) dst(%arg7 : memref<1280xf32, #tpu.memory_space<vmem>>)
      %dma_wait3A_1426 = arith.constant 10240 : i32
      %dma_wait3A_1427 = tpu.memref_slice %arg2[%arg1, %dma_wait3A_1426] : memref<16x12800xi32, #tpu.memory_space<hbm>> -> memref<1x1280xi32, #tpu.memory_space<hbm>>
      %dma_wait3A_1428 = tpu.memref_squeeze %dma_wait3A_1427 : memref<1x1280xi32, #tpu.memory_space<hbm>> -> memref<1280xi32, #tpu.memory_space<hbm>>
      %dma_wait3A_1429 = arith.constant 10240 : i32
      %dma_wait3A_1430 = tpu.memref_slice %arg2[%arg1, %dma_wait3A_1429] : memref<16x12800xi32, #tpu.memory_space<hbm>> -> memref<1x1280xi32, #tpu.memory_space<hbm>>
      %dma_wait3A_1431 = tpu.memref_squeeze %dma_wait3A_1430 : memref<1x1280xi32, #tpu.memory_space<hbm>> -> memref<1280xi32, #tpu.memory_space<hbm>>
      tpu.wait_dma2 semaphore(%arg13 : memref<!tpu.dma_semaphore, #tpu.memory_space<semaphore_mem>>) src(%dma_wait3A_1431 : memref<1280xi32, #tpu.memory_space<hbm>>) dst(%arg5 : memref<1280xi32, #tpu.memory_space<vmem>>)
      %dma_start3A_1432 = arith.constant 0 : i32
      %dma_start3A_1433 = arith.constant 0 : i32
      %dma_start3A_1434 = tpu.memref_slice %arg10[%dma_start3A_1432, %dma_start3A_1433] : memref<1x1000000xf32, #tpu.memory_space<vmem_shared>> -> memref<1x1000000xf32, #tpu.memory_space<vmem_shared>>
      %dma_start3A_1435 = tpu.memref_squeeze %dma_start3A_1434 : memref<1x1000000xf32, #tpu.memory_space<vmem_shared>> -> memref<1000000xf32, #tpu.memory_space<vmem_shared>>
      %dma_start3A_1436 = arith.constant 0 : i32
      %dma_start3A_1437 = tpu.memref_slice %dma_start3A_1435[%dma_start3A_1436] : memref<1000000xf32, #tpu.memory_space<vmem_shared>> -> memref<1000000xf32, #tpu.memory_space<vmem_shared>>
      tpu.enqueue_indirect_dma source(%dma_start3A_1437 : memref<1000000xf32, #tpu.memory_space<vmem_shared>>) target(%arg7 : memref<1280xf32, #tpu.memory_space<vmem>>) offsets(%arg5 : memref<1280xi32, #tpu.memory_space<vmem>>) semaphore(%arg14 : memref<!tpu.dma_semaphore, #tpu.memory_space<semaphore_mem>>)
      %dma_wait3A_1438 = arith.constant 0 : i32
      %dma_wait3A_1439 = arith.constant 0 : i32
      %dma_wait3A_1440 = tpu.memref_slice %arg3[%dma_wait3A_1438, %dma_wait3A_1439] : memref<64x1000000xf32, #tpu.memory_space<hbm>> -> memref<1x1280xf32, #tpu.memory_space<hbm>>
      %dma_wait3A_1441 = tpu.memref_squeeze %dma_wait3A_1440 : memref<1x1280xf32, #tpu.memory_space<hbm>> -> memref<1280xf32, #tpu.memory_space<hbm>>
      %dma_wait3A_1442 = arith.constant 0 : i32
      %dma_wait3A_1443 = tpu.memref_slice %arg3[%dma_wait3A_1438, %dma_wait3A_1442] : memref<64x1000000xf32, #tpu.memory_space<hbm>> -> memref<1x1280xf32, #tpu.memory_space<hbm>>
      %dma_wait3A_1444 = tpu.memref_squeeze %dma_wait3A_1443 : memref<1x1280xf32, #tpu.memory_space<hbm>> -> memref<1280xf32, #tpu.memory_space<hbm>>
      tpu.wait_dma2 semaphore(%arg14 : memref<!tpu.dma_semaphore, #tpu.memory_space<semaphore_mem>>) src(%dma_wait3A_1444 : memref<1280xf32, #tpu.memory_space<hbm>>) dst(%arg8 : memref<1280xf32, #tpu.memory_space<vmem>>)
      %dma_start3A_1445 = arith.constant 11520 : i32
      %dma_start3A_1446 = tpu.memref_slice %arg2[%arg1, %dma_start3A_1445] : memref<16x12800xi32, #tpu.memory_space<hbm>> -> memref<1x1280xi32, #tpu.memory_space<hbm>>
      %dma_start3A_1447 = tpu.memref_squeeze %dma_start3A_1446 : memref<1x1280xi32, #tpu.memory_space<hbm>> -> memref<1280xi32, #tpu.memory_space<hbm>>
      %dma_start3A_1448 = arith.constant 11520 : i32
      %dma_start3A_1449 = tpu.memref_slice %arg2[%arg1, %dma_start3A_1448] : memref<16x12800xi32, #tpu.memory_space<hbm>> -> memref<1x1280xi32, #tpu.memory_space<hbm>>
      %dma_start3A_1450 = tpu.memref_squeeze %dma_start3A_1449 : memref<1x1280xi32, #tpu.memory_space<hbm>> -> memref<1280xi32, #tpu.memory_space<hbm>>
      tpu.enqueue_dma source(%dma_start3A_1450 : memref<1280xi32, #tpu.memory_space<hbm>>) target(%arg6 : memref<1280xi32, #tpu.memory_space<vmem>>) target_semaphore(%arg13 : memref<!tpu.dma_semaphore, #tpu.memory_space<semaphore_mem>>)
      %dma_start3A_1451 = arith.constant 35 : i32
      %dma_start3A_1452 = arith.constant 0 : i32
      %dma_start3A_1453 = tpu.memref_slice %arg8[%dma_start3A_1452] : memref<1280xf32, #tpu.memory_space<vmem>> -> memref<256xf32, #tpu.memory_space<vmem>>
      %dma_start3A_1454 = tpu.memref_slice %arg4[%dma_start3A_1451, %add3A_836, %multiple_of3A] : memref<50x64x4096xf32, #tpu.memory_space<hbm>> -> memref<1x1x256xf32, #tpu.memory_space<hbm>>
      %dma_start3A_1455 = tpu.memref_squeeze %dma_start3A_1454 : memref<1x1x256xf32, #tpu.memory_space<hbm>> -> memref<256xf32, #tpu.memory_space<hbm>>
      %dma_start3A_1456 = tpu.memref_slice %arg4[%dma_start3A_1451, %add3A_836, %multiple_of3A] : memref<50x64x4096xf32, #tpu.memory_space<hbm>> -> memref<1x1x256xf32, #tpu.memory_space<hbm>>
      %dma_start3A_1457 = tpu.memref_squeeze %dma_start3A_1456 : memref<1x1x256xf32, #tpu.memory_space<hbm>> -> memref<256xf32, #tpu.memory_space<hbm>>
      %dma_start3A_1458 = arith.constant 0 : i32
      %dma_start3A_1459 = tpu.memref_slice %arg8[%dma_start3A_1458] : memref<1280xf32, #tpu.memory_space<vmem>> -> memref<256xf32, #tpu.memory_space<vmem>>
      tpu.enqueue_dma source(%dma_start3A_1459 : memref<256xf32, #tpu.memory_space<vmem>>) target(%dma_start3A_1457 : memref<256xf32, #tpu.memory_space<hbm>>) target_semaphore(%arg16 : memref<!tpu.dma_semaphore, #tpu.memory_space<semaphore_mem>>)
      %dma_start3A_1460 = arith.constant 36 : i32
      %dma_start3A_1461 = arith.constant 256 : i32
      %dma_start3A_1462 = tpu.memref_slice %arg8[%dma_start3A_1461] : memref<1280xf32, #tpu.memory_space<vmem>> -> memref<256xf32, #tpu.memory_space<vmem>>
      %dma_start3A_1463 = tpu.memref_slice %arg4[%dma_start3A_1460, %add3A_836, %multiple_of3A] : memref<50x64x4096xf32, #tpu.memory_space<hbm>> -> memref<1x1x256xf32, #tpu.memory_space<hbm>>
      %dma_start3A_1464 = tpu.memref_squeeze %dma_start3A_1463 : memref<1x1x256xf32, #tpu.memory_space<hbm>> -> memref<256xf32, #tpu.memory_space<hbm>>
      %dma_start3A_1465 = tpu.memref_slice %arg4[%dma_start3A_1460, %add3A_836, %multiple_of3A] : memref<50x64x4096xf32, #tpu.memory_space<hbm>> -> memref<1x1x256xf32, #tpu.memory_space<hbm>>
      %dma_start3A_1466 = tpu.memref_squeeze %dma_start3A_1465 : memref<1x1x256xf32, #tpu.memory_space<hbm>> -> memref<256xf32, #tpu.memory_space<hbm>>
      %dma_start3A_1467 = arith.constant 256 : i32
      %dma_start3A_1468 = tpu.memref_slice %arg8[%dma_start3A_1467] : memref<1280xf32, #tpu.memory_space<vmem>> -> memref<256xf32, #tpu.memory_space<vmem>>
      tpu.enqueue_dma source(%dma_start3A_1468 : memref<256xf32, #tpu.memory_space<vmem>>) target(%dma_start3A_1466 : memref<256xf32, #tpu.memory_space<hbm>>) target_semaphore(%arg16 : memref<!tpu.dma_semaphore, #tpu.memory_space<semaphore_mem>>)
      %dma_start3A_1469 = arith.constant 37 : i32
      %dma_start3A_1470 = arith.constant 512 : i32
      %dma_start3A_1471 = tpu.memref_slice %arg8[%dma_start3A_1470] : memref<1280xf32, #tpu.memory_space<vmem>> -> memref<256xf32, #tpu.memory_space<vmem>>
      %dma_start3A_1472 = tpu.memref_slice %arg4[%dma_start3A_1469, %add3A_836, %multiple_of3A] : memref<50x64x4096xf32, #tpu.memory_space<hbm>> -> memref<1x1x256xf32, #tpu.memory_space<hbm>>
      %dma_start3A_1473 = tpu.memref_squeeze %dma_start3A_1472 : memref<1x1x256xf32, #tpu.memory_space<hbm>> -> memref<256xf32, #tpu.memory_space<hbm>>
      %dma_start3A_1474 = tpu.memref_slice %arg4[%dma_start3A_1469, %add3A_836, %multiple_of3A] : memref<50x64x4096xf32, #tpu.memory_space<hbm>> -> memref<1x1x256xf32, #tpu.memory_space<hbm>>
      %dma_start3A_1475 = tpu.memref_squeeze %dma_start3A_1474 : memref<1x1x256xf32, #tpu.memory_space<hbm>> -> memref<256xf32, #tpu.memory_space<hbm>>
      %dma_start3A_1476 = arith.constant 512 : i32
      %dma_start3A_1477 = tpu.memref_slice %arg8[%dma_start3A_1476] : memref<1280xf32, #tpu.memory_space<vmem>> -> memref<256xf32, #tpu.memory_space<vmem>>
      tpu.enqueue_dma source(%dma_start3A_1477 : memref<256xf32, #tpu.memory_space<vmem>>) target(%dma_start3A_1475 : memref<256xf32, #tpu.memory_space<hbm>>) target_semaphore(%arg16 : memref<!tpu.dma_semaphore, #tpu.memory_space<semaphore_mem>>)
      %dma_start3A_1478 = arith.constant 38 : i32
      %dma_start3A_1479 = arith.constant 768 : i32
      %dma_start3A_1480 = tpu.memref_slice %arg8[%dma_start3A_1479] : memref<1280xf32, #tpu.memory_space<vmem>> -> memref<256xf32, #tpu.memory_space<vmem>>
      %dma_start3A_1481 = tpu.memref_slice %arg4[%dma_start3A_1478, %add3A_836, %multiple_of3A] : memref<50x64x4096xf32, #tpu.memory_space<hbm>> -> memref<1x1x256xf32, #tpu.memory_space<hbm>>
      %dma_start3A_1482 = tpu.memref_squeeze %dma_start3A_1481 : memref<1x1x256xf32, #tpu.memory_space<hbm>> -> memref<256xf32, #tpu.memory_space<hbm>>
      %dma_start3A_1483 = tpu.memref_slice %arg4[%dma_start3A_1478, %add3A_836, %multiple_of3A] : memref<50x64x4096xf32, #tpu.memory_space<hbm>> -> memref<1x1x256xf32, #tpu.memory_space<hbm>>
      %dma_start3A_1484 = tpu.memref_squeeze %dma_start3A_1483 : memref<1x1x256xf32, #tpu.memory_space<hbm>> -> memref<256xf32, #tpu.memory_space<hbm>>
      %dma_start3A_1485 = arith.constant 768 : i32
      %dma_start3A_1486 = tpu.memref_slice %arg8[%dma_start3A_1485] : memref<1280xf32, #tpu.memory_space<vmem>> -> memref<256xf32, #tpu.memory_space<vmem>>
      tpu.enqueue_dma source(%dma_start3A_1486 : memref<256xf32, #tpu.memory_space<vmem>>) target(%dma_start3A_1484 : memref<256xf32, #tpu.memory_space<hbm>>) target_semaphore(%arg16 : memref<!tpu.dma_semaphore, #tpu.memory_space<semaphore_mem>>)
      %dma_start3A_1487 = arith.constant 39 : i32
      %dma_start3A_1488 = arith.constant 1024 : i32
      %dma_start3A_1489 = tpu.memref_slice %arg8[%dma_start3A_1488] : memref<1280xf32, #tpu.memory_space<vmem>> -> memref<256xf32, #tpu.memory_space<vmem>>
      %dma_start3A_1490 = tpu.memref_slice %arg4[%dma_start3A_1487, %add3A_836, %multiple_of3A] : memref<50x64x4096xf32, #tpu.memory_space<hbm>> -> memref<1x1x256xf32, #tpu.memory_space<hbm>>
      %dma_start3A_1491 = tpu.memref_squeeze %dma_start3A_1490 : memref<1x1x256xf32, #tpu.memory_space<hbm>> -> memref<256xf32, #tpu.memory_space<hbm>>
      %dma_start3A_1492 = tpu.memref_slice %arg4[%dma_start3A_1487, %add3A_836, %multiple_of3A] : memref<50x64x4096xf32, #tpu.memory_space<hbm>> -> memref<1x1x256xf32, #tpu.memory_space<hbm>>
      %dma_start3A_1493 = tpu.memref_squeeze %dma_start3A_1492 : memref<1x1x256xf32, #tpu.memory_space<hbm>> -> memref<256xf32, #tpu.memory_space<hbm>>
      %dma_start3A_1494 = arith.constant 1024 : i32
      %dma_start3A_1495 = tpu.memref_slice %arg8[%dma_start3A_1494] : memref<1280xf32, #tpu.memory_space<vmem>> -> memref<256xf32, #tpu.memory_space<vmem>>
      tpu.enqueue_dma source(%dma_start3A_1495 : memref<256xf32, #tpu.memory_space<vmem>>) target(%dma_start3A_1493 : memref<256xf32, #tpu.memory_space<hbm>>) target_semaphore(%arg16 : memref<!tpu.dma_semaphore, #tpu.memory_space<semaphore_mem>>)
      %dma_wait3A_1496 = arith.constant 0 : i32
      %dma_wait3A_1497 = arith.constant 0 : i32
      %dma_wait3A_1498 = tpu.memref_slice %arg3[%dma_wait3A_1496, %dma_wait3A_1497] : memref<64x1000000xf32, #tpu.memory_space<hbm>> -> memref<1x1280xf32, #tpu.memory_space<hbm>>
      %dma_wait3A_1499 = tpu.memref_squeeze %dma_wait3A_1498 : memref<1x1280xf32, #tpu.memory_space<hbm>> -> memref<1280xf32, #tpu.memory_space<hbm>>
      %dma_wait3A_1500 = arith.constant 0 : i32
      %dma_wait3A_1501 = tpu.memref_slice %arg3[%dma_wait3A_1496, %dma_wait3A_1500] : memref<64x1000000xf32, #tpu.memory_space<hbm>> -> memref<1x1280xf32, #tpu.memory_space<hbm>>
      %dma_wait3A_1502 = tpu.memref_squeeze %dma_wait3A_1501 : memref<1x1280xf32, #tpu.memory_space<hbm>> -> memref<1280xf32, #tpu.memory_space<hbm>>
      tpu.wait_dma2 semaphore(%arg16 : memref<!tpu.dma_semaphore, #tpu.memory_space<semaphore_mem>>) src(%dma_wait3A_1502 : memref<1280xf32, #tpu.memory_space<hbm>>) dst(%arg8 : memref<1280xf32, #tpu.memory_space<vmem>>)
      %dma_wait3A_1503 = arith.constant 11520 : i32
      %dma_wait3A_1504 = tpu.memref_slice %arg2[%arg1, %dma_wait3A_1503] : memref<16x12800xi32, #tpu.memory_space<hbm>> -> memref<1x1280xi32, #tpu.memory_space<hbm>>
      %dma_wait3A_1505 = tpu.memref_squeeze %dma_wait3A_1504 : memref<1x1280xi32, #tpu.memory_space<hbm>> -> memref<1280xi32, #tpu.memory_space<hbm>>
      %dma_wait3A_1506 = arith.constant 11520 : i32
      %dma_wait3A_1507 = tpu.memref_slice %arg2[%arg1, %dma_wait3A_1506] : memref<16x12800xi32, #tpu.memory_space<hbm>> -> memref<1x1280xi32, #tpu.memory_space<hbm>>
      %dma_wait3A_1508 = tpu.memref_squeeze %dma_wait3A_1507 : memref<1x1280xi32, #tpu.memory_space<hbm>> -> memref<1280xi32, #tpu.memory_space<hbm>>
      tpu.wait_dma2 semaphore(%arg13 : memref<!tpu.dma_semaphore, #tpu.memory_space<semaphore_mem>>) src(%dma_wait3A_1508 : memref<1280xi32, #tpu.memory_space<hbm>>) dst(%arg6 : memref<1280xi32, #tpu.memory_space<vmem>>)
      %dma_start3A_1509 = arith.constant 0 : i32
      %dma_start3A_1510 = arith.constant 0 : i32
      %dma_start3A_1511 = tpu.memref_slice %arg10[%dma_start3A_1509, %dma_start3A_1510] : memref<1x1000000xf32, #tpu.memory_space<vmem_shared>> -> memref<1x1000000xf32, #tpu.memory_space<vmem_shared>>
      %dma_start3A_1512 = tpu.memref_squeeze %dma_start3A_1511 : memref<1x1000000xf32, #tpu.memory_space<vmem_shared>> -> memref<1000000xf32, #tpu.memory_space<vmem_shared>>
      %dma_start3A_1513 = arith.constant 0 : i32
      %dma_start3A_1514 = tpu.memref_slice %dma_start3A_1512[%dma_start3A_1513] : memref<1000000xf32, #tpu.memory_space<vmem_shared>> -> memref<1000000xf32, #tpu.memory_space<vmem_shared>>
      tpu.enqueue_indirect_dma source(%dma_start3A_1514 : memref<1000000xf32, #tpu.memory_space<vmem_shared>>) target(%arg8 : memref<1280xf32, #tpu.memory_space<vmem>>) offsets(%arg6 : memref<1280xi32, #tpu.memory_space<vmem>>) semaphore(%arg14 : memref<!tpu.dma_semaphore, #tpu.memory_space<semaphore_mem>>)
      %dma_wait3A_1515 = arith.constant 0 : i32
      %dma_wait3A_1516 = arith.constant 0 : i32
      %dma_wait3A_1517 = tpu.memref_slice %arg3[%dma_wait3A_1515, %dma_wait3A_1516] : memref<64x1000000xf32, #tpu.memory_space<hbm>> -> memref<1x1280xf32, #tpu.memory_space<hbm>>
      %dma_wait3A_1518 = tpu.memref_squeeze %dma_wait3A_1517 : memref<1x1280xf32, #tpu.memory_space<hbm>> -> memref<1280xf32, #tpu.memory_space<hbm>>
      %dma_wait3A_1519 = arith.constant 0 : i32
      %dma_wait3A_1520 = tpu.memref_slice %arg3[%dma_wait3A_1515, %dma_wait3A_1519] : memref<64x1000000xf32, #tpu.memory_space<hbm>> -> memref<1x1280xf32, #tpu.memory_space<hbm>>
      %dma_wait3A_1521 = tpu.memref_squeeze %dma_wait3A_1520 : memref<1x1280xf32, #tpu.memory_space<hbm>> -> memref<1280xf32, #tpu.memory_space<hbm>>
      tpu.wait_dma2 semaphore(%arg14 : memref<!tpu.dma_semaphore, #tpu.memory_space<semaphore_mem>>) src(%dma_wait3A_1521 : memref<1280xf32, #tpu.memory_space<hbm>>) dst(%arg7 : memref<1280xf32, #tpu.memory_space<vmem>>)
      %dma_start3A_1522 = arith.constant 0 : i32
      %dma_start3A_1523 = tpu.memref_slice %arg2[%arg1, %dma_start3A_1522] : memref<16x12800xi32, #tpu.memory_space<hbm>> -> memref<1x1280xi32, #tpu.memory_space<hbm>>
      %dma_start3A_1524 = tpu.memref_squeeze %dma_start3A_1523 : memref<1x1280xi32, #tpu.memory_space<hbm>> -> memref<1280xi32, #tpu.memory_space<hbm>>
      %dma_start3A_1525 = arith.constant 0 : i32
      %dma_start3A_1526 = tpu.memref_slice %arg2[%arg1, %dma_start3A_1525] : memref<16x12800xi32, #tpu.memory_space<hbm>> -> memref<1x1280xi32, #tpu.memory_space<hbm>>
      %dma_start3A_1527 = tpu.memref_squeeze %dma_start3A_1526 : memref<1x1280xi32, #tpu.memory_space<hbm>> -> memref<1280xi32, #tpu.memory_space<hbm>>
      tpu.enqueue_dma source(%dma_start3A_1527 : memref<1280xi32, #tpu.memory_space<hbm>>) target(%arg5 : memref<1280xi32, #tpu.memory_space<vmem>>) target_semaphore(%arg13 : memref<!tpu.dma_semaphore, #tpu.memory_space<semaphore_mem>>)
      %dma_start3A_1528 = arith.constant 40 : i32
      %dma_start3A_1529 = arith.constant 0 : i32
      %dma_start3A_1530 = tpu.memref_slice %arg7[%dma_start3A_1529] : memref<1280xf32, #tpu.memory_space<vmem>> -> memref<256xf32, #tpu.memory_space<vmem>>
      %dma_start3A_1531 = tpu.memref_slice %arg4[%dma_start3A_1528, %add3A_836, %multiple_of3A] : memref<50x64x4096xf32, #tpu.memory_space<hbm>> -> memref<1x1x256xf32, #tpu.memory_space<hbm>>
      %dma_start3A_1532 = tpu.memref_squeeze %dma_start3A_1531 : memref<1x1x256xf32, #tpu.memory_space<hbm>> -> memref<256xf32, #tpu.memory_space<hbm>>
      %dma_start3A_1533 = tpu.memref_slice %arg4[%dma_start3A_1528, %add3A_836, %multiple_of3A] : memref<50x64x4096xf32, #tpu.memory_space<hbm>> -> memref<1x1x256xf32, #tpu.memory_space<hbm>>
      %dma_start3A_1534 = tpu.memref_squeeze %dma_start3A_1533 : memref<1x1x256xf32, #tpu.memory_space<hbm>> -> memref<256xf32, #tpu.memory_space<hbm>>
      %dma_start3A_1535 = arith.constant 0 : i32
      %dma_start3A_1536 = tpu.memref_slice %arg7[%dma_start3A_1535] : memref<1280xf32, #tpu.memory_space<vmem>> -> memref<256xf32, #tpu.memory_space<vmem>>
      tpu.enqueue_dma source(%dma_start3A_1536 : memref<256xf32, #tpu.memory_space<vmem>>) target(%dma_start3A_1534 : memref<256xf32, #tpu.memory_space<hbm>>) target_semaphore(%arg15 : memref<!tpu.dma_semaphore, #tpu.memory_space<semaphore_mem>>)
      %dma_start3A_1537 = arith.constant 41 : i32
      %dma_start3A_1538 = arith.constant 256 : i32
      %dma_start3A_1539 = tpu.memref_slice %arg7[%dma_start3A_1538] : memref<1280xf32, #tpu.memory_space<vmem>> -> memref<256xf32, #tpu.memory_space<vmem>>
      %dma_start3A_1540 = tpu.memref_slice %arg4[%dma_start3A_1537, %add3A_836, %multiple_of3A] : memref<50x64x4096xf32, #tpu.memory_space<hbm>> -> memref<1x1x256xf32, #tpu.memory_space<hbm>>
      %dma_start3A_1541 = tpu.memref_squeeze %dma_start3A_1540 : memref<1x1x256xf32, #tpu.memory_space<hbm>> -> memref<256xf32, #tpu.memory_space<hbm>>
      %dma_start3A_1542 = tpu.memref_slice %arg4[%dma_start3A_1537, %add3A_836, %multiple_of3A] : memref<50x64x4096xf32, #tpu.memory_space<hbm>> -> memref<1x1x256xf32, #tpu.memory_space<hbm>>
      %dma_start3A_1543 = tpu.memref_squeeze %dma_start3A_1542 : memref<1x1x256xf32, #tpu.memory_space<hbm>> -> memref<256xf32, #tpu.memory_space<hbm>>
      %dma_start3A_1544 = arith.constant 256 : i32
      %dma_start3A_1545 = tpu.memref_slice %arg7[%dma_start3A_1544] : memref<1280xf32, #tpu.memory_space<vmem>> -> memref<256xf32, #tpu.memory_space<vmem>>
      tpu.enqueue_dma source(%dma_start3A_1545 : memref<256xf32, #tpu.memory_space<vmem>>) target(%dma_start3A_1543 : memref<256xf32, #tpu.memory_space<hbm>>) target_semaphore(%arg15 : memref<!tpu.dma_semaphore, #tpu.memory_space<semaphore_mem>>)
      %dma_start3A_1546 = arith.constant 42 : i32
      %dma_start3A_1547 = arith.constant 512 : i32
      %dma_start3A_1548 = tpu.memref_slice %arg7[%dma_start3A_1547] : memref<1280xf32, #tpu.memory_space<vmem>> -> memref<256xf32, #tpu.memory_space<vmem>>
      %dma_start3A_1549 = tpu.memref_slice %arg4[%dma_start3A_1546, %add3A_836, %multiple_of3A] : memref<50x64x4096xf32, #tpu.memory_space<hbm>> -> memref<1x1x256xf32, #tpu.memory_space<hbm>>
      %dma_start3A_1550 = tpu.memref_squeeze %dma_start3A_1549 : memref<1x1x256xf32, #tpu.memory_space<hbm>> -> memref<256xf32, #tpu.memory_space<hbm>>
      %dma_start3A_1551 = tpu.memref_slice %arg4[%dma_start3A_1546, %add3A_836, %multiple_of3A] : memref<50x64x4096xf32, #tpu.memory_space<hbm>> -> memref<1x1x256xf32, #tpu.memory_space<hbm>>
      %dma_start3A_1552 = tpu.memref_squeeze %dma_start3A_1551 : memref<1x1x256xf32, #tpu.memory_space<hbm>> -> memref<256xf32, #tpu.memory_space<hbm>>
      %dma_start3A_1553 = arith.constant 512 : i32
      %dma_start3A_1554 = tpu.memref_slice %arg7[%dma_start3A_1553] : memref<1280xf32, #tpu.memory_space<vmem>> -> memref<256xf32, #tpu.memory_space<vmem>>
      tpu.enqueue_dma source(%dma_start3A_1554 : memref<256xf32, #tpu.memory_space<vmem>>) target(%dma_start3A_1552 : memref<256xf32, #tpu.memory_space<hbm>>) target_semaphore(%arg15 : memref<!tpu.dma_semaphore, #tpu.memory_space<semaphore_mem>>)
      %dma_start3A_1555 = arith.constant 43 : i32
      %dma_start3A_1556 = arith.constant 768 : i32
      %dma_start3A_1557 = tpu.memref_slice %arg7[%dma_start3A_1556] : memref<1280xf32, #tpu.memory_space<vmem>> -> memref<256xf32, #tpu.memory_space<vmem>>
      %dma_start3A_1558 = tpu.memref_slice %arg4[%dma_start3A_1555, %add3A_836, %multiple_of3A] : memref<50x64x4096xf32, #tpu.memory_space<hbm>> -> memref<1x1x256xf32, #tpu.memory_space<hbm>>
      %dma_start3A_1559 = tpu.memref_squeeze %dma_start3A_1558 : memref<1x1x256xf32, #tpu.memory_space<hbm>> -> memref<256xf32, #tpu.memory_space<hbm>>
      %dma_start3A_1560 = tpu.memref_slice %arg4[%dma_start3A_1555, %add3A_836, %multiple_of3A] : memref<50x64x4096xf32, #tpu.memory_space<hbm>> -> memref<1x1x256xf32, #tpu.memory_space<hbm>>
      %dma_start3A_1561 = tpu.memref_squeeze %dma_start3A_1560 : memref<1x1x256xf32, #tpu.memory_space<hbm>> -> memref<256xf32, #tpu.memory_space<hbm>>
      %dma_start3A_1562 = arith.constant 768 : i32
      %dma_start3A_1563 = tpu.memref_slice %arg7[%dma_start3A_1562] : memref<1280xf32, #tpu.memory_space<vmem>> -> memref<256xf32, #tpu.memory_space<vmem>>
      tpu.enqueue_dma source(%dma_start3A_1563 : memref<256xf32, #tpu.memory_space<vmem>>) target(%dma_start3A_1561 : memref<256xf32, #tpu.memory_space<hbm>>) target_semaphore(%arg15 : memref<!tpu.dma_semaphore, #tpu.memory_space<semaphore_mem>>)
      %dma_start3A_1564 = arith.constant 44 : i32
      %dma_start3A_1565 = arith.constant 1024 : i32
      %dma_start3A_1566 = tpu.memref_slice %arg7[%dma_start3A_1565] : memref<1280xf32, #tpu.memory_space<vmem>> -> memref<256xf32, #tpu.memory_space<vmem>>
      %dma_start3A_1567 = tpu.memref_slice %arg4[%dma_start3A_1564, %add3A_836, %multiple_of3A] : memref<50x64x4096xf32, #tpu.memory_space<hbm>> -> memref<1x1x256xf32, #tpu.memory_space<hbm>>
      %dma_start3A_1568 = tpu.memref_squeeze %dma_start3A_1567 : memref<1x1x256xf32, #tpu.memory_space<hbm>> -> memref<256xf32, #tpu.memory_space<hbm>>
      %dma_start3A_1569 = tpu.memref_slice %arg4[%dma_start3A_1564, %add3A_836, %multiple_of3A] : memref<50x64x4096xf32, #tpu.memory_space<hbm>> -> memref<1x1x256xf32, #tpu.memory_space<hbm>>
      %dma_start3A_1570 = tpu.memref_squeeze %dma_start3A_1569 : memref<1x1x256xf32, #tpu.memory_space<hbm>> -> memref<256xf32, #tpu.memory_space<hbm>>
      %dma_start3A_1571 = arith.constant 1024 : i32
      %dma_start3A_1572 = tpu.memref_slice %arg7[%dma_start3A_1571] : memref<1280xf32, #tpu.memory_space<vmem>> -> memref<256xf32, #tpu.memory_space<vmem>>
      tpu.enqueue_dma source(%dma_start3A_1572 : memref<256xf32, #tpu.memory_space<vmem>>) target(%dma_start3A_1570 : memref<256xf32, #tpu.memory_space<hbm>>) target_semaphore(%arg15 : memref<!tpu.dma_semaphore, #tpu.memory_space<semaphore_mem>>)
      %dma_wait3A_1573 = arith.constant 0 : i32
      %dma_wait3A_1574 = arith.constant 0 : i32
      %dma_wait3A_1575 = tpu.memref_slice %arg3[%dma_wait3A_1573, %dma_wait3A_1574] : memref<64x1000000xf32, #tpu.memory_space<hbm>> -> memref<1x1280xf32, #tpu.memory_space<hbm>>
      %dma_wait3A_1576 = tpu.memref_squeeze %dma_wait3A_1575 : memref<1x1280xf32, #tpu.memory_space<hbm>> -> memref<1280xf32, #tpu.memory_space<hbm>>
      %dma_wait3A_1577 = arith.constant 0 : i32
      %dma_wait3A_1578 = tpu.memref_slice %arg3[%dma_wait3A_1573, %dma_wait3A_1577] : memref<64x1000000xf32, #tpu.memory_space<hbm>> -> memref<1x1280xf32, #tpu.memory_space<hbm>>
      %dma_wait3A_1579 = tpu.memref_squeeze %dma_wait3A_1578 : memref<1x1280xf32, #tpu.memory_space<hbm>> -> memref<1280xf32, #tpu.memory_space<hbm>>
      tpu.wait_dma2 semaphore(%arg14 : memref<!tpu.dma_semaphore, #tpu.memory_space<semaphore_mem>>) src(%dma_wait3A_1579 : memref<1280xf32, #tpu.memory_space<hbm>>) dst(%arg8 : memref<1280xf32, #tpu.memory_space<vmem>>)
      %dma_start3A_1580 = arith.constant 45 : i32
      %dma_start3A_1581 = arith.constant 0 : i32
      %dma_start3A_1582 = tpu.memref_slice %arg8[%dma_start3A_1581] : memref<1280xf32, #tpu.memory_space<vmem>> -> memref<256xf32, #tpu.memory_space<vmem>>
      %dma_start3A_1583 = tpu.memref_slice %arg4[%dma_start3A_1580, %add3A_836, %multiple_of3A] : memref<50x64x4096xf32, #tpu.memory_space<hbm>> -> memref<1x1x256xf32, #tpu.memory_space<hbm>>
      %dma_start3A_1584 = tpu.memref_squeeze %dma_start3A_1583 : memref<1x1x256xf32, #tpu.memory_space<hbm>> -> memref<256xf32, #tpu.memory_space<hbm>>
      %dma_start3A_1585 = tpu.memref_slice %arg4[%dma_start3A_1580, %add3A_836, %multiple_of3A] : memref<50x64x4096xf32, #tpu.memory_space<hbm>> -> memref<1x1x256xf32, #tpu.memory_space<hbm>>
      %dma_start3A_1586 = tpu.memref_squeeze %dma_start3A_1585 : memref<1x1x256xf32, #tpu.memory_space<hbm>> -> memref<256xf32, #tpu.memory_space<hbm>>
      %dma_start3A_1587 = arith.constant 0 : i32
      %dma_start3A_1588 = tpu.memref_slice %arg8[%dma_start3A_1587] : memref<1280xf32, #tpu.memory_space<vmem>> -> memref<256xf32, #tpu.memory_space<vmem>>
      tpu.enqueue_dma source(%dma_start3A_1588 : memref<256xf32, #tpu.memory_space<vmem>>) target(%dma_start3A_1586 : memref<256xf32, #tpu.memory_space<hbm>>) target_semaphore(%arg16 : memref<!tpu.dma_semaphore, #tpu.memory_space<semaphore_mem>>)
      %dma_start3A_1589 = arith.constant 46 : i32
      %dma_start3A_1590 = arith.constant 256 : i32
      %dma_start3A_1591 = tpu.memref_slice %arg8[%dma_start3A_1590] : memref<1280xf32, #tpu.memory_space<vmem>> -> memref<256xf32, #tpu.memory_space<vmem>>
      %dma_start3A_1592 = tpu.memref_slice %arg4[%dma_start3A_1589, %add3A_836, %multiple_of3A] : memref<50x64x4096xf32, #tpu.memory_space<hbm>> -> memref<1x1x256xf32, #tpu.memory_space<hbm>>
      %dma_start3A_1593 = tpu.memref_squeeze %dma_start3A_1592 : memref<1x1x256xf32, #tpu.memory_space<hbm>> -> memref<256xf32, #tpu.memory_space<hbm>>
      %dma_start3A_1594 = tpu.memref_slice %arg4[%dma_start3A_1589, %add3A_836, %multiple_of3A] : memref<50x64x4096xf32, #tpu.memory_space<hbm>> -> memref<1x1x256xf32, #tpu.memory_space<hbm>>
      %dma_start3A_1595 = tpu.memref_squeeze %dma_start3A_1594 : memref<1x1x256xf32, #tpu.memory_space<hbm>> -> memref<256xf32, #tpu.memory_space<hbm>>
      %dma_start3A_1596 = arith.constant 256 : i32
      %dma_start3A_1597 = tpu.memref_slice %arg8[%dma_start3A_1596] : memref<1280xf32, #tpu.memory_space<vmem>> -> memref<256xf32, #tpu.memory_space<vmem>>
      tpu.enqueue_dma source(%dma_start3A_1597 : memref<256xf32, #tpu.memory_space<vmem>>) target(%dma_start3A_1595 : memref<256xf32, #tpu.memory_space<hbm>>) target_semaphore(%arg16 : memref<!tpu.dma_semaphore, #tpu.memory_space<semaphore_mem>>)
      %dma_start3A_1598 = arith.constant 47 : i32
      %dma_start3A_1599 = arith.constant 512 : i32
      %dma_start3A_1600 = tpu.memref_slice %arg8[%dma_start3A_1599] : memref<1280xf32, #tpu.memory_space<vmem>> -> memref<256xf32, #tpu.memory_space<vmem>>
      %dma_start3A_1601 = tpu.memref_slice %arg4[%dma_start3A_1598, %add3A_836, %multiple_of3A] : memref<50x64x4096xf32, #tpu.memory_space<hbm>> -> memref<1x1x256xf32, #tpu.memory_space<hbm>>
      %dma_start3A_1602 = tpu.memref_squeeze %dma_start3A_1601 : memref<1x1x256xf32, #tpu.memory_space<hbm>> -> memref<256xf32, #tpu.memory_space<hbm>>
      %dma_start3A_1603 = tpu.memref_slice %arg4[%dma_start3A_1598, %add3A_836, %multiple_of3A] : memref<50x64x4096xf32, #tpu.memory_space<hbm>> -> memref<1x1x256xf32, #tpu.memory_space<hbm>>
      %dma_start3A_1604 = tpu.memref_squeeze %dma_start3A_1603 : memref<1x1x256xf32, #tpu.memory_space<hbm>> -> memref<256xf32, #tpu.memory_space<hbm>>
      %dma_start3A_1605 = arith.constant 512 : i32
      %dma_start3A_1606 = tpu.memref_slice %arg8[%dma_start3A_1605] : memref<1280xf32, #tpu.memory_space<vmem>> -> memref<256xf32, #tpu.memory_space<vmem>>
      tpu.enqueue_dma source(%dma_start3A_1606 : memref<256xf32, #tpu.memory_space<vmem>>) target(%dma_start3A_1604 : memref<256xf32, #tpu.memory_space<hbm>>) target_semaphore(%arg16 : memref<!tpu.dma_semaphore, #tpu.memory_space<semaphore_mem>>)
      %dma_start3A_1607 = arith.constant 48 : i32
      %dma_start3A_1608 = arith.constant 768 : i32
      %dma_start3A_1609 = tpu.memref_slice %arg8[%dma_start3A_1608] : memref<1280xf32, #tpu.memory_space<vmem>> -> memref<256xf32, #tpu.memory_space<vmem>>
      %dma_start3A_1610 = tpu.memref_slice %arg4[%dma_start3A_1607, %add3A_836, %multiple_of3A] : memref<50x64x4096xf32, #tpu.memory_space<hbm>> -> memref<1x1x256xf32, #tpu.memory_space<hbm>>
      %dma_start3A_1611 = tpu.memref_squeeze %dma_start3A_1610 : memref<1x1x256xf32, #tpu.memory_space<hbm>> -> memref<256xf32, #tpu.memory_space<hbm>>
      %dma_start3A_1612 = tpu.memref_slice %arg4[%dma_start3A_1607, %add3A_836, %multiple_of3A] : memref<50x64x4096xf32, #tpu.memory_space<hbm>> -> memref<1x1x256xf32, #tpu.memory_space<hbm>>
      %dma_start3A_1613 = tpu.memref_squeeze %dma_start3A_1612 : memref<1x1x256xf32, #tpu.memory_space<hbm>> -> memref<256xf32, #tpu.memory_space<hbm>>
      %dma_start3A_1614 = arith.constant 768 : i32
      %dma_start3A_1615 = tpu.memref_slice %arg8[%dma_start3A_1614] : memref<1280xf32, #tpu.memory_space<vmem>> -> memref<256xf32, #tpu.memory_space<vmem>>
      tpu.enqueue_dma source(%dma_start3A_1615 : memref<256xf32, #tpu.memory_space<vmem>>) target(%dma_start3A_1613 : memref<256xf32, #tpu.memory_space<hbm>>) target_semaphore(%arg16 : memref<!tpu.dma_semaphore, #tpu.memory_space<semaphore_mem>>)
      %dma_start3A_1616 = arith.constant 49 : i32
      %dma_start3A_1617 = arith.constant 1024 : i32
      %dma_start3A_1618 = tpu.memref_slice %arg8[%dma_start3A_1617] : memref<1280xf32, #tpu.memory_space<vmem>> -> memref<256xf32, #tpu.memory_space<vmem>>
      %dma_start3A_1619 = tpu.memref_slice %arg4[%dma_start3A_1616, %add3A_836, %multiple_of3A] : memref<50x64x4096xf32, #tpu.memory_space<hbm>> -> memref<1x1x256xf32, #tpu.memory_space<hbm>>
      %dma_start3A_1620 = tpu.memref_squeeze %dma_start3A_1619 : memref<1x1x256xf32, #tpu.memory_space<hbm>> -> memref<256xf32, #tpu.memory_space<hbm>>
      %dma_start3A_1621 = tpu.memref_slice %arg4[%dma_start3A_1616, %add3A_836, %multiple_of3A] : memref<50x64x4096xf32, #tpu.memory_space<hbm>> -> memref<1x1x256xf32, #tpu.memory_space<hbm>>
      %dma_start3A_1622 = tpu.memref_squeeze %dma_start3A_1621 : memref<1x1x256xf32, #tpu.memory_space<hbm>> -> memref<256xf32, #tpu.memory_space<hbm>>
      %dma_start3A_1623 = arith.constant 1024 : i32
      %dma_start3A_1624 = tpu.memref_slice %arg8[%dma_start3A_1623] : memref<1280xf32, #tpu.memory_space<vmem>> -> memref<256xf32, #tpu.memory_space<vmem>>
      tpu.enqueue_dma source(%dma_start3A_1624 : memref<256xf32, #tpu.memory_space<vmem>>) target(%dma_start3A_1622 : memref<256xf32, #tpu.memory_space<hbm>>) target_semaphore(%arg16 : memref<!tpu.dma_semaphore, #tpu.memory_space<semaphore_mem>>)
    }
    %scan3A_25 = arith.constant 16 : i32
    %dma_wait3A = arith.constant 0 : i32
    %dma_wait3A_26 = tpu.memref_slice %arg2[%arg1, %dma_wait3A] : memref<16x12800xi32, #tpu.memory_space<hbm>> -> memref<1x1280xi32, #tpu.memory_space<hbm>>
    %dma_wait3A_27 = tpu.memref_squeeze %dma_wait3A_26 : memref<1x1280xi32, #tpu.memory_space<hbm>> -> memref<1280xi32, #tpu.memory_space<hbm>>
    %dma_wait3A_28 = arith.constant 0 : i32
    %dma_wait3A_29 = tpu.memref_slice %arg2[%arg1, %dma_wait3A_28] : memref<16x12800xi32, #tpu.memory_space<hbm>> -> memref<1x1280xi32, #tpu.memory_space<hbm>>
    %dma_wait3A_30 = tpu.memref_squeeze %dma_wait3A_29 : memref<1x1280xi32, #tpu.memory_space<hbm>> -> memref<1280xi32, #tpu.memory_space<hbm>>
    tpu.wait_dma2 semaphore(%arg13 : memref<!tpu.dma_semaphore, #tpu.memory_space<semaphore_mem>>) src(%dma_wait3A_30 : memref<1280xi32, #tpu.memory_space<hbm>>) dst(%arg5 : memref<1280xi32, #tpu.memory_space<vmem>>)
    %dma_wait3A_31 = arith.constant 0 : i32
    %dma_wait3A_32 = arith.constant 0 : i32
    %dma_wait3A_33 = tpu.memref_slice %arg3[%dma_wait3A_31, %dma_wait3A_32] : memref<64x1000000xf32, #tpu.memory_space<hbm>> -> memref<1x1280xf32, #tpu.memory_space<hbm>>
    %dma_wait3A_34 = tpu.memref_squeeze %dma_wait3A_33 : memref<1x1280xf32, #tpu.memory_space<hbm>> -> memref<1280xf32, #tpu.memory_space<hbm>>
    %dma_wait3A_35 = arith.constant 0 : i32
    %dma_wait3A_36 = tpu.memref_slice %arg3[%dma_wait3A_31, %dma_wait3A_35] : memref<64x1000000xf32, #tpu.memory_space<hbm>> -> memref<1x1280xf32, #tpu.memory_space<hbm>>
    %dma_wait3A_37 = tpu.memref_squeeze %dma_wait3A_36 : memref<1x1280xf32, #tpu.memory_space<hbm>> -> memref<1280xf32, #tpu.memory_space<hbm>>
    tpu.wait_dma2 semaphore(%arg15 : memref<!tpu.dma_semaphore, #tpu.memory_space<semaphore_mem>>) src(%dma_wait3A_37 : memref<1280xf32, #tpu.memory_space<hbm>>) dst(%arg7 : memref<1280xf32, #tpu.memory_space<vmem>>)
    %dma_wait3A_38 = arith.constant 0 : i32
    %dma_wait3A_39 = arith.constant 0 : i32
    %dma_wait3A_40 = tpu.memref_slice %arg3[%dma_wait3A_38, %dma_wait3A_39] : memref<64x1000000xf32, #tpu.memory_space<hbm>> -> memref<1x1280xf32, #tpu.memory_space<hbm>>
    %dma_wait3A_41 = tpu.memref_squeeze %dma_wait3A_40 : memref<1x1280xf32, #tpu.memory_space<hbm>> -> memref<1280xf32, #tpu.memory_space<hbm>>
    %dma_wait3A_42 = arith.constant 0 : i32
    %dma_wait3A_43 = tpu.memref_slice %arg3[%dma_wait3A_38, %dma_wait3A_42] : memref<64x1000000xf32, #tpu.memory_space<hbm>> -> memref<1x1280xf32, #tpu.memory_space<hbm>>
    %dma_wait3A_44 = tpu.memref_squeeze %dma_wait3A_43 : memref<1x1280xf32, #tpu.memory_space<hbm>> -> memref<1280xf32, #tpu.memory_space<hbm>>
    tpu.wait_dma2 semaphore(%arg16 : memref<!tpu.dma_semaphore, #tpu.memory_space<semaphore_mem>>) src(%dma_wait3A_44 : memref<1280xf32, #tpu.memory_space<hbm>>) dst(%arg8 : memref<1280xf32, #tpu.memory_space<vmem>>)
    return
  }
}

</mosaic_0001>

<sc_bundles>
// kernel: _gather.3.cloned.1.call-start
scs
__scs_entry_jumppad:
0x0: {  	(pc) =	sbr.rel $0x88, $3  }
0x1: {  	(tag) =	ssettag $0x0;
	lr =	simm.s32 $0x1  }
0x2: {  	[smem:$0x3F9F] =	sst lr;
	_ =	strace $0xD0000000  }
0x3: {  	_ = 	snop  }
0x4: {  	_ = 	snop  }
0x5: {  	_ = 	snop  }
0x6: {  	_ = 	snop  }
0x7: {  	_ = 	snop  }
__scs_overlays_trampoline_lowered:
0x8: {  	[smem:$0x3FAE] =	sst s0  }
0x9: {  	[smem:$0x3FAF] =	sst s1  }
0xa: {  	[smem:$0x3FB0] =	sst s2  }
0xb: {  	[smem:$0x3FB1] =	sst s3  }
0xc: {  	[smem:$0x3FB2] =	sst s4  }
0xd: {  	[smem:$0x3FB3] =	sst s5  }
0xe: {  	[smem:$0x3FB4] =	sst s6  }
0xf: {  	[smem:$0x3FB5] =	sst s7  }
0x10: {  	[smem:$0x3FB6] =	sst s8  }
0x11: {  	[smem:$0x3FB7] =	sst s9;
	s0 =	simm.s32 @!p0 $0x0  }
0x12: {  	s1 =	sld [smem:$0x3F9D];
	s0 =	simm.s32 @p0 $0x1  }
0x13: {  	[smem:$0x3FB8] =	sst s0;
	s0 =	simm.s32 @!p1 $0x0  }
0x14: {  	s2 =	sld [smem:$0x3F9C];
	s0 =	simm.s32 @p1 $0x1  }
0x15: {  	[smem:$0x3FB9] =	sst s0;
	s0 =	simm.s32 @!p2 $0x0  }
0x16: {  	s3 =	sld [smem:$0x3FDB];
	s0 =	simm.s32 @p2 $0x1  }
0x17: {  	s4 =	simm.s32 $0x1BF5;
	[smem:$0x3FBB] =	sst s0  }
0x18: {  	s0 =	sld [smem:$0x3F9E];
	_ =	swait.ge [sflag:s4], $0x0  }
0x19: {  	s7 =	sld [smem:$0x3F9F]  }
0x1a: {  	s8 =	sadd.s32 $0xFFFFE003, lr  }
0x1b: {  	s9 =	sadd.s32 $0xFFFFFEF7, lr;
	s5 =	simm.s32 $0xFFFFFFFF;
	p2 =	slt.u32 s8, $0xFFFFF086  }
0x1c: {  	p1 =	slt.u32 s9, $0xF7A;
	s5 =	simm.s32 @!p2 $0x0  }
0x1d: {  	s5 =	simm.s32 @p1 $0x1;
	p0 =	seq.s32 s7, s2  }
0x1e: {  	s7 =	smul.u32 @!p0 $0xF7A, s2;
	p2 =	seq.s32 @!p0 s5, $0x0  }
0x1f: {  	s9 =	smul.u32 $0xF7A, s1;
	s8 =	simm.s32 @!p0 $0x1BF5;
	p2 =	por !p2, p0  }
0x20: {  	[sflag:s8] =	ssyncset.s32 @!p0 $0xFFFFF086;
	s6 =	sadd.s32 @!p0 s3, s7;
	s7 =	simm.s32 @!p0 $0x108  }
0x21: {  	s3 =	sadd.s32 s3, s9;
	s6 =	sadd.s32 @!p0 $0x88, s6;
	s7 =	simm.s32 @p2 $0x1082  }
0x22: {  	[simem:s7], [sflag:s8] =	dma.local @!p0 [hbm:s6], $0xF7A  }
0x23: {  	s9 =	sor.u32 $0xD0000000, s2;
	s6 =	simm.s32 $0x108;
	_ =	swait.ge @!p0 [sflag:s8], $0x0  }
0x24: {  	s3 =	sadd.s32 $0x88, s3;
	s6 =	simm.s32 @!p1 $0x1082;
	[sflag:s4] =	ssyncset.s32 $0xFFFFF086  }
0x25: {  	[simem:s6], [sflag:s4] =	dma.local [hbm:s3], $0xF7A  }
0x26: {  	[smem:$0x3F9F] =	sst s1;
	(tag) =	ssettag s2;
	_ =	strace s9  }
0x27: {  	s1 =	sld [smem:$0x3FAF]  }
0x28: {  	s2 =	sld [smem:$0x3FB0]  }
0x29: {  	s4 =	sld [smem:$0x3FB2]  }
0x2a: {  	p0 =	seq.s32 s5, $0x0;
	s5 =	sld [smem:$0x3FB3]  }
0x2b: {  	s6 =	sld [smem:$0x3FB4]  }
0x2c: {  	s7 =	sld [smem:$0x3FB5]  }
0x2d: {  	s3 =	simm.s32 $0x108;
	s8 =	sld [smem:$0x3FB6]  }
0x2e: {  	s3 =	simm.s32 @!p0 $0x1082;
	s9 =	sld [smem:$0x3FB7]  }
0x2f: {  	lr =	sadd.s32 s0, s3;
	s0 =	sld [smem:$0x3FAE]  }
0x30: {  	s3 =	sld [smem:$0x3FB1]  }
0x31: {  	[smem:$0x3FBA] =	sst s10  }
0x32: {  	s10 =	sld [smem:$0x3FB8];
	_ =	sdelay $0x3  }
0x33: {  	p0 =	seq.s32 s10, $0x1;
	s10 =	sld [smem:$0x3FBA];
	_ =	sdelay $0x3  }
0x34: {  	[smem:$0x3FBA] =	sst s10  }
0x35: {  	s10 =	sld [smem:$0x3FB9];
	_ =	sdelay $0x3  }
0x36: {  	p1 =	seq.s32 s10, $0x1;
	s10 =	sld [smem:$0x3FBA];
	_ =	sdelay $0x3  }
0x37: {  	[smem:$0x3FBA] =	sst s10  }
0x38: {  	s10 =	sld [smem:$0x3FBB]  }
0x39: {  	_ = 	snop;
	(pc) =	sbr.ind lr, $3  }
0x3a: {  	_ = 	snop  }
0x3b: {  	_ = 	snop  }
0x3c: {  	p2 =	seq.s32 s10, $0x1;
	s10 =	sld [smem:$0x3FBA]  }
0x3d: {  	_ =	shalt  }
0x3e: {  	_ =	shalt  }
0x3f: {  	_ =	shalt  }
0x40: {  	_ =	shalt  }
0x41: {  	_ =	shalt  }
0x42: {  	_ =	shalt  }
0x43: {  	_ =	shalt  }
0x44: {  	_ =	shalt  }
0x45: {  	_ =	shalt  }
0x46: {  	_ =	shalt  }
0x47: {  	_ =	shalt  }
0x48: {  	_ =	shalt  }
0x49: {  	_ =	shalt  }
0x4a: {  	_ =	shalt  }
0x4b: {  	_ =	shalt  }
0x4c: {  	_ =	shalt  }
0x4d: {  	_ =	shalt  }
0x4e: {  	_ =	shalt  }
0x4f: {  	_ =	shalt  }
0x50: {  	_ =	shalt  }
0x51: {  	_ =	shalt  }
0x52: {  	_ =	shalt  }
0x53: {  	_ =	shalt  }
0x54: {  	_ =	shalt  }
0x55: {  	_ =	shalt  }
0x56: {  	_ =	shalt  }
0x57: {  	_ =	shalt  }
0x58: {  	_ =	shalt  }
0x59: {  	_ =	shalt  }
0x5a: {  	_ =	shalt  }
0x5b: {  	_ =	shalt  }
0x5c: {  	_ =	shalt  }
0x5d: {  	_ =	shalt  }
0x5e: {  	_ =	shalt  }
0x5f: {  	_ =	shalt  }
0x60: {  	_ =	shalt  }
0x61: {  	_ =	shalt  }
0x62: {  	_ =	shalt  }
0x63: {  	_ =	shalt  }
0x64: {  	_ =	shalt  }
0x65: {  	_ =	shalt  }
0x66: {  	_ =	shalt  }
0x67: {  	_ =	shalt  }
0x68: {  	_ =	shalt  }
0x69: {  	_ =	shalt  }
0x6a: {  	_ =	shalt  }
0x6b: {  	_ =	shalt  }
0x6c: {  	_ =	shalt  }
0x6d: {  	_ =	shalt  }
0x6e: {  	_ =	shalt  }
0x6f: {  	_ =	shalt  }
0x70: {  	_ =	shalt  }
0x71: {  	_ =	shalt  }
0x72: {  	_ =	shalt  }
0x73: {  	_ =	shalt  }
0x74: {  	_ =	shalt  }
0x75: {  	_ =	shalt  }
0x76: {  	_ =	shalt  }
0x77: {  	_ =	shalt  }
0x78: {  	_ =	shalt  }
0x79: {  	_ =	shalt  }
0x7a: {  	_ =	shalt  }
0x7b: {  	_ =	shalt  }
0x7c: {  	_ =	shalt  }
0x7d: {  	_ =	shalt  }
0x7e: {  	_ =	shalt  }
0x7f: {  	_ =	shalt  }
0x80: {  	_ =	shalt  }
0x81: {  	_ =	shalt  }
0x82: {  	_ =	shalt  }
0x83: {  	_ =	shalt  }
0x84: {  	_ =	shalt  }
0x85: {  	_ =	shalt  }
0x86: {  	_ =	shalt  }
0x87: {  	_ =	shalt  }
.Lfunc_end0:
.L_simem_size_0:
called_computation_lowered:
.L_overlay_start_0:
0x88: {  	s2 =	sld [smem:$0x3FD9]  }
0x89: {  	s3 =	sld [smem:$0x3FFE];
	_ =	sdelay $0x1  }
0x8a: {  	s1 =	srdreg.scid  }
0x8b: {  	s0 =	sand.u32 $0x1, s1  }
0x8c: {  	s18 =	sshll.u32 s0, $0xA;
	s2 =	sadd.s32 s3, s2  }
0x8d: {  	s2 =	sadd.s32 s2, s18  }
0x8e: {  	[smem:$0x3FC6] =	sst s2  }
0x8f: {  	_ = 	snop  }
0x90: {  	s2 =	sld [smem:$0x3FC9]  }
0x91: {  	s19 =	sld [smem:$0x3FC8]  }
0x92: {  	s4 =	sld [smem:$0x3FD0];
	(tm) =	ssettm $0x1  }
0x93: {  	s5 =	sld [smem:$0x3FFB];
	_ =	sdelay $0x3  }
0x94: {  	_ =	strace s5  }
0x95: {  	s5 =	sld [smem:$0x3FFC];
	_ =	sdelay $0x3  }
0x96: {  	_ =	strace s5  }
0x97: {  	s5 =	sld [smem:$0x3FFD];
	_ =	sdelay $0x3  }
0x98: {  	_ =	strace s5  }
0x99: {  	_ =	strace $0x8FFFFFFF  }
0x9a: {  	s20 =	sld [smem:$0x3FDB];
	_ =	sdelay $0x1  }
0x9b: {  	s6 =	simm.s32 $_scs_section_size  }
0x9c: {  	s7 =	simm.s32 $_size__tile_overlayer_lowered;
	s8 =	simm.s32 $_tile_overlayer_lowered  }
0x9d: {  	s23 =	simm.s32 $0x1BFF;
	s22 =	sshll.u32 s8, $0x1;
	s5 =	sadd.s32 s6, s20  }
0x9e: {  	s9 =	simm.s32 $0x0;
	s21 =	sshll.u32 s7, $0x1;
	s7 =	sadd.s32 s22, s5  }
0x9f: {  	[timem:s9], [sflag:s23] =	dma.local [hbm:s7], s21  }
0xa0: {  	_ =	swait.ge [sflag:s23], s21  }
0xa1: {  	s6 =	ssub.s32 $0x0, s21;
	[sflag:s23] =	ssyncset.done $0x0  }
0xa2: {  	[sflag:s23] =	ssyncadd.s32 s6;
	_ =	sdelay $0x1  }
0xa3: {  	s24 =	simm.s32 $0x1B8B  }
0xa4: {  	_ =	swait.ge [sflag:s24], $0x1  }
0xa5: {  	[sflag:s24] =	ssyncset.done $0x0  }
0xa6: {  	s25 =	simm.s32 $0x1B8E;
	[sflag:s24] =	ssyncadd.s32 $0xFFFFFFFF  }
0xa7: {  	s26 =	simm.s32 $execute0_lowered;
	[smem:$0x3FD2] =	sst s25  }
0xa8: {  	s6 =	sshll.u32 s26, $0x1;
	_ =	strace $0x80000046;
	[dreg:$0x1] =	wrdreg $0xFFFFFFFF  }
0xa9: {  	s28 =	simm.s32 $_size_execute0_lowered;
	s5 =	sadd.s32 s5, s6;
	[dreg:$0x0] =	wrdreg $0x0  }
0xaa: {  	s6 =	sshll.u32 s28, $0x1;
	[dreg:$0x2] =	wrdreg s5  }
0xab: {  	[dreg:$0x3] =	wrdreg s6  }
0xac: {  	[dreg:$0x4] =	wrdreg $0xC0  }
0xad: {  	_ =	task [dreg:s9], $0x5FFFF  }
0xae: {  	[dreg:$0x1] =	wrdreg $0xFFFFFFFF  }
0xaf: {  	[dreg:$0x0] =	wrdreg $0x60  }
0xb0: {  	[dreg:$0x2] =	wrdreg s2  }
0xb1: {  	[dreg:$0x3] =	wrdreg s19  }
0xb2: {  	[dreg:$0x4] =	wrdreg s4  }
0xb3: {  	[dreg:$0x5] =	wrdreg $0x14000  }
0xb4: {  	[dreg:$0x6] =	wrdreg $0x108280  }
0xb5: {  	[dreg:$0x7] =	wrdreg $0x9  }
0xb6: {  	_ =	task.clear_ibuf [dreg:s9], $0x8FFFF;
	_ =	strace $0x90000046  }
0xb7: {  	s29 =	simm.s32 $0x9;
	_ =	strace $0x80000048  }
0xb8: {  	_ =	swait.ge [sflag:s29], $0x1  }
0xb9: {  	[sflag:s29] =	ssyncadd.s32 $0xFFFFFFFF  }
0xba: {  	_ =	strace $0x90000048  }
0xbb: {  	_ =	sfence  }
0xbc: {  	s30 =	sld [smem:$0x0];
	_ =	sdelay $0x2  }
0xbd: {  	s31 =	sshll.u32 s1, $0xD;
	s1 =	sshrl.u32 s1, $0x2  }
0xbe: {  	s3 =	sand.u32 $0x4000, s31;
	s1 =	sadd.s32 s1, s30  }
0xbf: {  	s0 =	sor.u32 s3, s0;
	s1 =	sshll.u32 s1, $0x11  }
0xc0: {  	s0 =	sor.u32 s1, s0  }
0xc1: {  	s0 =	sadd.s32 $0x8F2B, s0  }
0xc2: {  	[sflag:s0] =	ssyncadd.remote.s32 $0x1  }
0xc3: {  	_ =	sfence.sel $0xFFFF  }
0xc4: {  	[dreg:$0x0] =	wrdreg $0xFFFFFFFF;
	(pc) =	sbr.abs _section_cstart, $3  }
0xc5: {  	[dreg:$0x1] =	wrdreg $0xFFFFFFFF  }
0xc6: {  	_ =	task.clear_ibuf [dreg:s9], $0x2FFFF;
	_ =	strace $0x9FFFFFFF  }
0xc7: {  	(tm) =	ssettm $0x7FFFFFFF  }
tec
execute0_lowered:
.L_overlay_start_1:
0x0: {  	(tag) =	ssettag $0x1  }
0x1: {  	s2 =	rddreg [dreg:$0x0]  }
0x2: {  	s6 =	rddreg [dreg:$0x1]  }
0x3: {  	s15 =	rddreg [dreg:$0x2]  }
0x4: {  	s25 =	rddreg [dreg:$0x3]  }
0x5: {  	s28 =	rddreg [dreg:$0x4]  }
0x6: {  	s4 =	stileid.u32;
	s26 =	simm.s32 $0x0;
	s0 =	srdreg.scid  }
0x7: {  	s3 =	sshrl.u32 s4, $0x3;
	[smem:$0x7FF] =	sst s26;
	s1 =	smul.u32 $0x7A000, s4  }
0x8: {  	s0 =	sand.u32 $0x1, s0;
	s7 =	sshll.u32 s4, $0x7;
	s11 =	smul.u32 $0xF400, s4  }
0x9: {  	s3 =	smul.u32 $0x19000, s3;
	_ =	strace $0x80000047;
	s9 =	ssub.s32 $0x2, s0  }
0xa: {  	s8 =	smul.u32 $0x1E85000, s0;
	s7 =	sand.u32 $0x380, s7;
	s10 =	sshrl.u32 s9, $0x1  }
0xb: {  	[smem:$0x7CB] =	sst s1;
	s21 =	sadd.s32 s11, s25;
	s3 =	sor.u32 s7, s3  }
0xc: {  	s7 =	ssub.s32 s9, s10;
	s19 =	sadd.s32 s1, s8;
	s9 =	sadd.s32 $0x7A00, s11  }
0xd: {  	[smem:$0x7CD] =	sst s21;
	s18 =	sshrl.u32 s3, $0x3;
	s10 =	sshrl.u32 s19, $0x3  }
0xe: {  	s12 =	sadd.s32 $0x5000, s3;
	s30 =	sadd.s32 $0x7800, s3;
	s5 =	sadd.s32 $0xA000, s3  }
0xf: {  	s16 =	sadd.s32 $0xC800, s3;
	s19 =	sadd.s32 $0xF000, s3;
	s20 =	sadd.s32 s2, s18  }
0x10: {  	s10 =	sadd.s32 s6, s10;
	s24 =	sshrl.u32 s12, $0x3;
	[smem:$0x7CC] =	sst s20  }
0x11: {  	s18 =	sshrl.u32 s16, $0x3;
	s16 =	sshll.u32 s0, $0x5;
	[smem:$0x7CE] =	sst s10  }
0x12: {  	s21 =	sshrl.u32 s19, $0x3;
	s19 =	sadd.s32 $0x10000, s15;
	[smem:$0x7D7] =	sst s16  }
0x13: {  	s1 =	sshrl.u32 s30, $0x3;
	s31 =	sadd.s32 s2, s24;
	[dreg:$0x10] =	wrdreg s19  }
0x14: {  	s14 =	sshrl.u32 s5, $0x3;
	s13 =	sadd.s32 s2, s1;
	[smem:$0x7D0] =	sst s31  }
0x15: {  	s11 =	sadd.s32 s11, s28;
	s17 =	sadd.s32 s2, s14;
	[smem:$0x7D1] =	sst s13  }
0x16: {  	s22 =	sadd.s32 $0x2800, s3;
	s20 =	sadd.s32 s2, s18;
	[smem:$0x7D2] =	sst s17  }
0x17: {  	s10 =	sshrl.u32 s22, $0x3;
	s1 =	sshrl.u32 s11, $0x3;
	[smem:$0x7D3] =	sst s20  }
0x18: {  	s22 =	sshll.u32 s0, $0xC;
	s0 =	sshll.u32 s0, $0x11;
	[dreg:$0x7] =	wrdreg s1  }
0x19: {  	s14 =	sshll.u32 s4, $0x6;
	[smem:$0x7D8] =	sst s0  }
0x1a: {  	s18 =	sadd.s32 $0x8000, s15;
	[smem:$0x7D9] =	sst s14  }
0x1b: {  	s16 =	sadd.s32 $0x98000, s15;
	[dreg:$0xf] =	wrdreg s18  }
0x1c: {  	s19 =	sadd.s32 $0xB0000, s15;
	[smem:$0x7DB] =	sst s16  }
0x1d: {  	s11 =	sshll.u32 s9, $0x3;
	[smem:$0x7DE] =	sst s19  }
0x1e: {  	s23 =	sadd.s32 s2, s10;
	[smem:$0x7FC] =	sst s11  }
0x1f: {  	s10 =	sadd.s32 s2, s21;
	[smem:$0x7CF] =	sst s23  }
0x20: {  	s12 =	sor.u32 $0x100, s22;
	[dreg:$0xa] =	wrdreg s10  }
0x21: {  	s13 =	smax.u32 s7, $0x1;
	[dreg:$0x6] =	wrdreg s12  }
0x22: {  	s17 =	sshll.u32 s4, $0xB;
	[smem:$0x7D6] =	sst s13  }
0x23: {  	s20 =	sadd.s32 $0x18000, s15;
	[dreg:$0xe] =	wrdreg s17  }
0x24: {  	s21 =	sadd.s32 $0x20000, s15;
	[dreg:$0x11] =	wrdreg s20  }
0x25: {  	s24 =	sadd.s32 $0x14000, s3;
	s22 =	sadd.s32 $0x28000, s15;
	[dreg:$0x12] =	wrdreg s21  }
0x26: {  	s31 =	sshrl.u32 s24, $0x3;
	s24 =	sadd.s32 $0x38000, s15;
	[dreg:$0x13] =	wrdreg s22  }
0x27: {  	s1 =	sadd.s32 $0x50000, s15;
	[dreg:$0x15] =	wrdreg s24  }
0x28: {  	p0 =	sne.s32 s4, $0xF;
	s4 =	sadd.s32 $0x60000, s15;
	[dreg:$0x18] =	wrdreg s1  }
0x29: {  	s7 =	sadd.s32 $0x68000, s15;
	[dreg:$0x1a] =	wrdreg s4  }
0x2a: {  	s18 =	sadd.s32 $0xA8000, s15;
	[dreg:$0x1b] =	wrdreg s7  }
0x2b: {  	s16 =	sadd.s32 $0x138000, s15;
	[smem:$0x7DD] =	sst s18  }
0x2c: {  	s19 =	sadd.s32 $0x150000, s15;
	[smem:$0x7EF] =	sst s16  }
0x2d: {  	s13 =	sor.u32 $0x1C01, s14;
	s14 =	sadd.s32 $0x90000, s15;
	[smem:$0x7F2] =	sst s19  }
0x2e: {  	s17 =	sadd.s32 $0xA0000, s15;
	[smem:$0x7DA] =	sst s14  }
0x2f: {  	s20 =	sadd.s32 $0xB8000, s15;
	[smem:$0x7DC] =	sst s17  }
0x30: {  	s21 =	sadd.s32 $0xC0000, s15;
	[smem:$0x7DF] =	sst s20  }
0x31: {  	s22 =	sadd.s32 $0xC8000, s15;
	[smem:$0x7E0] =	sst s21  }
0x32: {  	s24 =	sadd.s32 $0xD8000, s15;
	[smem:$0x7E1] =	sst s22  }
0x33: {  	s1 =	sadd.s32 $0xF0000, s15;
	[smem:$0x7E3] =	sst s24  }
0x34: {  	s4 =	sadd.s32 $0x100000, s15;
	[smem:$0x7E6] =	sst s1  }
0x35: {  	s7 =	sadd.s32 $0x108000, s15;
	[smem:$0x7E8] =	sst s4  }
0x36: {  	s18 =	sadd.s32 $0x148000, s15;
	[smem:$0x7E9] =	sst s7  }
0x37: {  	s23 =	sadd.s32 $0x11800, s3;
	[smem:$0x7F1] =	sst s18  }
0x38: {  	s10 =	sshrl.u32 s23, $0x3;
	s23 =	sadd.s32 $0x30000, s15;
	[smem:$0x7FB] =	sst s13  }
0x39: {  	s14 =	sadd.s32 $0x130000, s15;
	[dreg:$0x14] =	wrdreg s23  }
0x3a: {  	s17 =	sadd.s32 $0x140000, s15;
	[smem:$0x7EE] =	sst s14  }
0x3b: {  	s20 =	sadd.s32 $0x158000, s15;
	[smem:$0x7F0] =	sst s17  }
0x3c: {  	s21 =	sadd.s32 $0x160000, s15;
	[smem:$0x7F3] =	sst s20  }
0x3d: {  	s22 =	sadd.s32 $0x168000, s15;
	[smem:$0x7F4] =	sst s21  }
0x3e: {  	s24 =	sadd.s32 $0x178000, s15;
	[smem:$0x7F5] =	sst s22  }
0x3f: {  	s3 =	sadd.s32 $0x16800, s3;
	s30 =	sadd.s32 s2, s10;
	[smem:$0x7F7] =	sst s24  }
0x40: {  	s3 =	sshrl.u32 s3, $0x3;
	s10 =	sadd.s32 s2, s31;
	[dreg:$0xb] =	wrdreg s30  }
0x41: {  	s2 =	sadd.s32 s2, s3;
	[dreg:$0xc] =	wrdreg s10  }
0x42: {  	s31 =	sadd.s32 $0x48000, s15;
	[dreg:$0xd] =	wrdreg s2  }
0x43: {  	s5 =	sadd.s32 s9, s28;
	s23 =	sadd.s32 $0xD0000, s15;
	[dreg:$0x17] =	wrdreg s31  }
0x44: {  	s2 =	sshrl.u32 s5, $0x3;
	[smem:$0x7E2] =	sst s23  }
0x45: {  	s5 =	sadd.s32 s9, s25;
	s30 =	sadd.s32 $0x40000, s15;
	[dreg:$0x8] =	wrdreg s2  }
0x46: {  	s10 =	sadd.s32 s6, s9;
	s9 =	sadd.s32 $0x78000, s15;
	[dreg:$0x16] =	wrdreg s30  }
0x47: {  	s31 =	sadd.s32 $0xE8000, s15;
	[dreg:$0x1d] =	wrdreg s9  }
0x48: {  	s23 =	sadd.s32 $0x170000, s15;
	[smem:$0x7E5] =	sst s31  }
0x49: {  	s3 =	sadd.s32 $0xF4000, s28;
	[smem:$0x7F6] =	sst s23  }
0x4a: {  	s2 =	sshrl.u32 @!p0 s3, $0x3;
	[smem:$0x7FD] =	sst s5  }
0x4b: {  	s30 =	sadd.s32 $0xE0000, s15;
	[dreg:$0x9] =	wrdreg s2  }
0x4c: {  	s9 =	sadd.s32 $0x118000, s15;
	[smem:$0x7E4] =	sst s30  }
0x4d: {  	s31 =	sadd.s32 $0x188000, s15;
	[smem:$0x7EB] =	sst s9  }
0x4e: {  	s8 =	sshrl.u32 s8, $0x3;
	s3 =	sadd.s32 $0xF4000, s25;
	[smem:$0x7F9] =	sst s31  }
0x4f: {  	s2 =	sadd.s32 s8, s10;
	[smem:$0x7FA] =	sst s3  }
0x50: {  	s12 =	sadd.s32 s6, s8;
	s8 =	sadd.s32 $0x70000, s15;
	[smem:$0x7D4] =	sst s2  }
0x51: {  	s29 =	simm.s32 $0xD00;
	s10 =	sadd.s32 $0x80000, s15;
	[dreg:$0x1c] =	wrdreg s8  }
0x52: {  	s19 =	simm.s32 $0x80;
	s30 =	sadd.s32 $0x180000, s15;
	[dreg:$0x1e] =	wrdreg s10  }
0x53: {  	s16 =	simm.s32 $0x3;
	s2 =	sadd.s32 $0xF4000, s12;
	[smem:$0x7F8] =	sst s30  }
0x54: {  	s4 =	simm.s32 $0x0;
	s12 =	sadd.s32 $0x88000, s15;
	[smem:$0x7D5] =	sst s2  }
0x55: {  	s21 =	simm.s32 $0x400;
	s8 =	sadd.s32 $0x110000, s15;
	[dreg:$0x1f] =	wrdreg s12  }
0x56: {  	s20 =	simm.s32 $0x10;
	s10 =	sadd.s32 $0x120000, s15;
	[smem:$0x7EA] =	sst s8  }
0x57: {  	s22 =	simm.s32 $0xA00;
	s2 =	sadd.s32 $0x58000, s15;
	[smem:$0x7EC] =	sst s10  }
0x58: {  	s24 =	simm.s32 $0x4;
	s12 =	sadd.s32 $0x128000, s15;
	[dreg:$0x19] =	wrdreg s2  }
0x59: {  	s23 =	simm.s32 $0xF00;
	s2 =	sadd.s32 $0xF8000, s15;
	[smem:$0x7ED] =	sst s12  }
0x5a: {  	s10 =	simm.s32 $0x500;
	[smem:$0x7E7] =	sst s2;
	s2 =	simm.s32 $0x1  }
.LBB2_1:
0x5b: {  	s0 =	sld [smem:$0x7CC]  }
0x5c: {  	s30 =	sld [smem:$0x7CD]  }
0x5d: {  	s1 =	sld [smem:$0x7CE]  }
0x5e: {  	[tilespmem:s26], [sflag:$0x3] =	stream.strided.gather [hbm4b:s0+s19], $0x500, s21, s19, $0x38;
	[tilespmem:$0x1FC50] =	vst v63  }
0x5f: {  	[smem:$0x7C8] =	sst s4;
	s12 =	sshrl.u32 s30, $0x3  }
0x60: {  	[spmem:s12@s20], [sflag:s13] =	dma.strided [hbm:s1@s19], $0xF40, s2, $0x10   }
0x61: {  	s1 =	sld [smem:$0x7D4];
	_ =	sdelay $0x1  }
0x62: {  	s0 =	sshrl.u32 s5, $0x3  }
0x63: {  	[spmem:s0@s20], [sflag:s13] =	dma.strided [hbm:s1@s19], $0xF40, s2, $0x10   }
0x64: {  	s1 =	sld [smem:$0x7D5]  }
0x65: {  	s7 =	simm.s32 @!p0 $0x1  }
0x66: {  	s31 =	simm.s32 @!p0 $0x80;
	s30 =	simm.s32 @!p0 $0x10;
	s12 =	sshrl.u32 @!p0 s3, $0x3  }
0x67: {  	[spmem:s12@s30], [sflag:s13] =	dma.strided @!p0 [hbm:s1@s31], $0x50, s7, $0x10   }
0x68: {  	_ =	swait.ge [sflag:s2], $0xF40  }
0x69: {  	[sflag:s2] =	ssyncset.done $0x0  }
0x6a: {  	[sflag:s2] =	ssyncadd.s32 $0xFFFFF0C0  }
0x6b: {  	_ =	swait.ge [sflag:s2], $0xF40  }
0x6c: {  	[sflag:s2] =	ssyncset.done $0x0;
	s3 =	sld [smem:$0x7D7]  }
0x6d: {  	[sflag:s2] =	ssyncadd.s32 $0xFFFFF0C0  }
0x6e: {  	_ =	swait.ge @!p0 [sflag:s7], $0x50  }
0x6f: {  	s4 =	sshrl.u32 s3, $0x3;
	[sflag:s7] =	ssyncset.done @!p0 $0x0;
	s5 =	sld [smem:$0x7CB]  }
0x70: {  	s14 =	sand.u32 $0x300, s26;
	s12 =	smul.u32 $0x7A1400, s4;
	[sflag:s7] =	ssyncadd.s32 @!p0 $0xFFFFFFB0  }
0x71: {  	s15 =	sor.u32 $0x80, s14;
	[bflag:$0x0] =	sbarrier.arrive $0xFFFF  }
0x72: {  	s4 =	smov.u32 s13;
	s8 =	sadd.s32 s5, s12;
	s3 =	sld [smem:$0x7D9]  }
0x73: {  	s9 =	rddreg [dreg:$0x7];
	s17 =	sadd.s32 s11, s12;
	s13 =	sor.u32 s15, s8  }
0x74: {  	s12 =	sadd.s32 @!p0 s15, s12;
	s5 =	sor.u32 s15, s17;
	s13 =	sshrl.u32 s13, $0x3  }
0x75: {  	s0 =	sshrl.u32 s5, $0x3;
	s18 =	sadd.s32 s6, s13;
	s1 =	sor.u32 $0x1C02, s3  }
0x76: {  	[spmem:s9@s20], [sflag:s1] =	dma.strided [hbm:s18@s19], $0xF40, s2, $0x10   }
0x77: {  	s12 =	sadd.s32 @!p0 $0x7A0000, s12;
	s9 =	sadd.s32 s6, s0;
	s8 =	rddreg [dreg:$0x8]  }
0x78: {  	[spmem:s8@s20], [sflag:s1] =	dma.strided [hbm:s9@s19], $0xF40, s2, $0x10   }
0x79: {  	p1 =	por $0x1, $0x1;
	s12 =	sshrl.u32 @!p0 s12, $0x3;
	[smem:$0x7C9] =	sst s1  }
0x7a: {  	s12 =	sadd.s32 @!p0 s6, s12;
	s0 =	simm.s32 @!p1 $0x5;
	s15 =	rddreg [dreg:$0x9]  }
0x7b: {  	[spmem:s15@s30], [sflag:s1] =	dma.strided @!p0 [hbm:s12@s31], $0x50, s7, $0x10   }
0x7c: {  	_ =	swait.ge @!p1 [sflag:s0], $0x500  }
0x7d: {  	[sflag:s0] =	ssyncset.done @!p1 $0x0  }
0x7e: {  	[sflag:s0] =	ssyncadd.s32 @!p1 $0xFFFFFB00  }
0x7f: {  	_ =	swait.ge [sflag:s16], $0x500  }
0x80: {  	[sflag:s16] =	ssyncset.done $0x0  }
0x81: {  	s13 =	sld [smem:$0x7CF];
	[sflag:s16] =	ssyncadd.s32 $0xFFFFFB00  }
0x82: {  	[tilespmem:s22], [sflag:$0x4] =	stream.indirect.gather [spmem:s25], $0x1, s26, s10, $0xb8;
	[tilespmem:$0x1FC50] =	vst v63  }
0x83: {  	s12 =	simm.s32 @!p1 $0x6  }
0x84: {  	[tilespmem:s10], [sflag:$0x3] =	stream.strided.gather [hbm4b:s13+s19], $0x500, s21, s19, $0x38;
	[tilespmem:$0x1FC50] =	vst v63  }
0x85: {  	_ =	swait.ge @!p1 [sflag:s12], $0x500  }
0x86: {  	[sflag:s12] =	ssyncset.done @!p1 $0x0  }
0x87: {  	[sflag:s12] =	ssyncadd.s32 @!p1 $0xFFFFFB00  }
0x88: {  	_ =	swait.ge [sflag:s16], $0x500  }
0x89: {  	[sflag:s16] =	ssyncset.done $0x0;
	s15 =	sld [smem:$0x7D8]  }
0x8a: {  	[sflag:s16] =	ssyncadd.s32 $0xFFFFFB00  }
0x8b: {  	[tilespmem:s23], [sflag:$0x4] =	stream.indirect.gather [spmem:s25], $0x1, s10, s10, $0xb8;
	[tilespmem:$0x1FC50] =	vst v63  }
0x8c: {  	s18 =	rddreg [dreg:$0xe];
	s17 =	sand.u32 $0x38000, s15;
	_ =	swait.ge [sflag:s24], $0x500  }
0x8d: {  	s12 =	sor.u32 s17, s18;
	[sflag:s24] =	ssyncset.done $0x0;
	s20 =	sld [smem:$0x7D0]  }
0x8e: {  	s12 =	sor.u32 s14, s12;
	[sflag:s24] =	ssyncadd.s32 $0xFFFFFB00  }
0x8f: {  	s14 =	sshrl.u32 s12, $0x3;
	s30 =	rddreg [dreg:$0x2]  }
0x90: {  	[tilespmem:s26], [sflag:$0x3] =	stream.strided.gather [hbm4b:s20+s19], $0x500, s21, s19, $0x38;
	[tilespmem:$0x1FC50] =	vst v63  }
0x91: {  	s7 =	rddreg [dreg:$0xf];
	s12 =	sadd.s32 s30, s14  }
0x92: {  	[hbm4b:s12+s19] =	stream.strided.scatter [tilespmem:s22], [sflag:$0x5], $0x100, s21, s19, $0x38;
	[tilespmem:$0x1FC50] =	vst v63  }
0x93: {  	s1 =	simm.s32 $0xB00;
	s2 =	rddreg [dreg:$0x10];
	s0 =	sadd.s32 s14, s7  }
0x94: {  	[hbm4b:s0+s19] =	stream.strided.scatter [tilespmem:s1], [sflag:$0x5], $0x100, s21, s19, $0x38;
	[tilespmem:$0x1FC50] =	vst v63  }
0x95: {  	s5 =	rddreg [dreg:$0x11];
	s3 =	sadd.s32 s14, s2;
	s2 =	simm.s32 $0xC00  }
0x96: {  	[hbm4b:s3+s19] =	stream.strided.scatter [tilespmem:s2], [sflag:$0x5], $0x100, s21, s19, $0x38;
	[tilespmem:$0x1FC50] =	vst v63  }
0x97: {  	s31 =	rddreg [dreg:$0x12];
	s8 =	sadd.s32 s14, s5  }
0x98: {  	[hbm4b:s8+s19] =	stream.strided.scatter [tilespmem:s29], [sflag:$0x5], $0x100, s21, s19, $0x38;
	[tilespmem:$0x1FC50] =	vst v63  }
0x99: {  	s15 =	simm.s32 $0xE00;
	s9 =	sadd.s32 s14, s31;
	s3 =	simm.s32 $0x5  }
0x9a: {  	[hbm4b:s9+s19] =	stream.strided.scatter [tilespmem:s15], [sflag:$0x5], $0x100, s21, s19, $0x38;
	[tilespmem:$0x1FC50] =	vst v63  }
0x9b: {  	_ =	swait.ge [sflag:s3], $0x500  }
0x9c: {  	[sflag:s3] =	ssyncset.done $0x0  }
0x9d: {  	[sflag:s3] =	ssyncadd.s32 $0xFFFFFB00  }
0x9e: {  	_ =	swait.ge [sflag:s16], $0x500  }
0x9f: {  	[sflag:s16] =	ssyncset.done $0x0  }
0xa0: {  	[sflag:s16] =	ssyncadd.s32 $0xFFFFFB00  }
0xa1: {  	[tilespmem:s22], [sflag:$0x4] =	stream.indirect.gather [spmem:s25], $0x1, s26, s10, $0xb8;
	[tilespmem:$0x1FC50] =	vst v63  }
0xa2: {  	_ =	swait.ge [sflag:s24], $0x500  }
0xa3: {  	s12 =	sld [smem:$0x7D1]  }
0xa4: {  	[sflag:s24] =	ssyncset.done $0x0  }
0xa5: {  	s17 =	rddreg [dreg:$0x13];
	[sflag:s24] =	ssyncadd.s32 $0xFFFFFB00  }
0xa6: {  	[tilespmem:s10], [sflag:$0x3] =	stream.strided.gather [hbm4b:s12+s19], $0x500, s21, s19, $0x38;
	[tilespmem:$0x1FC50] =	vst v63  }
0xa7: {  	s20 =	rddreg [dreg:$0x14];
	s18 =	sadd.s32 s14, s17  }
0xa8: {  	[hbm4b:s18+s19] =	stream.strided.scatter [tilespmem:s23], [sflag:$0x6], $0x100, s21, s19, $0x38;
	[tilespmem:$0x1FC50] =	vst v63  }
0xa9: {  	s29 =	simm.s32 $0x1000;
	s30 =	rddreg [dreg:$0x15];
	s22 =	sadd.s32 s14, s20  }
0xaa: {  	[hbm4b:s22+s19] =	stream.strided.scatter [tilespmem:s29], [sflag:$0x6], $0x100, s21, s19, $0x38;
	[tilespmem:$0x1FC50] =	vst v63  }
0xab: {  	s1 =	simm.s32 $0x1100;
	s5 =	rddreg [dreg:$0x16];
	s0 =	sadd.s32 s14, s30  }
0xac: {  	[hbm4b:s0+s19] =	stream.strided.scatter [tilespmem:s1], [sflag:$0x6], $0x100, s21, s19, $0x38;
	[tilespmem:$0x1FC50] =	vst v63  }
0xad: {  	s9 =	simm.s32 $0x1200;
	s8 =	sadd.s32 s14, s5;
	s20 =	rddreg [dreg:$0x17]  }
0xae: {  	[hbm4b:s8+s19] =	stream.strided.scatter [tilespmem:s9], [sflag:$0x6], $0x100, s21, s19, $0x38;
	[tilespmem:$0x1FC50] =	vst v63  }
0xaf: {  	s22 =	sadd.s32 s14, s20;
	s29 =	simm.s32 $0x1300;
	s8 =	simm.s32 $0x6  }
0xb0: {  	[hbm4b:s22+s19] =	stream.strided.scatter [tilespmem:s29], [sflag:$0x6], $0x100, s21, s19, $0x38;
	[tilespmem:$0x1FC50] =	vst v63  }
0xb1: {  	_ =	swait.ge [sflag:s8], $0x500  }
0xb2: {  	[sflag:s8] =	ssyncset.done $0x0  }
0xb3: {  	[sflag:s8] =	ssyncadd.s32 $0xFFFFFB00  }
0xb4: {  	_ =	swait.ge [sflag:s16], $0x500  }
0xb5: {  	[sflag:s16] =	ssyncset.done $0x0  }
0xb6: {  	[sflag:s16] =	ssyncadd.s32 $0xFFFFFB00  }
0xb7: {  	[tilespmem:s23], [sflag:$0x4] =	stream.indirect.gather [spmem:s25], $0x1, s10, s10, $0xb8;
	[tilespmem:$0x1FC50] =	vst v63  }
0xb8: {  	_ =	swait.ge [sflag:s24], $0x500  }
0xb9: {  	s23 =	sld [smem:$0x7D2]  }
0xba: {  	[sflag:s24] =	ssyncset.done $0x0  }
0xbb: {  	s5 =	rddreg [dreg:$0x18];
	[sflag:s24] =	ssyncadd.s32 $0xFFFFFB00  }
0xbc: {  	[tilespmem:s26], [sflag:$0x3] =	stream.strided.gather [hbm4b:s23+s19], $0x500, s21, s19, $0x38;
	[tilespmem:$0x1FC50] =	vst v63  }
0xbd: {  	s13 =	simm.s32 $0xA00;
	s30 =	sadd.s32 s14, s5  }
0xbe: {  	[hbm4b:s30+s19] =	stream.strided.scatter [tilespmem:s13], [sflag:$0x5], $0x100, s21, s19, $0x38;
	[tilespmem:$0x1FC50] =	vst v63  }
0xbf: {  	s30 =	rddreg [dreg:$0x19]  }
0xc0: {  	s1 =	simm.s32 $0xB00;
	s12 =	rddreg [dreg:$0x1a];
	s0 =	sadd.s32 s14, s30  }
0xc1: {  	[hbm4b:s0+s19] =	stream.strided.scatter [tilespmem:s1], [sflag:$0x5], $0x100, s21, s19, $0x38;
	[tilespmem:$0x1FC50] =	vst v63  }
0xc2: {  	s1 =	sadd.s32 s14, s12;
	s12 =	rddreg [dreg:$0x1b]  }
0xc3: {  	[hbm4b:s1+s19] =	stream.strided.scatter [tilespmem:s2], [sflag:$0x5], $0x100, s21, s19, $0x38;
	[tilespmem:$0x1FC50] =	vst v63  }
0xc4: {  	s22 =	simm.s32 $0xD00;
	s1 =	sadd.s32 s14, s12;
	s12 =	rddreg [dreg:$0x1c]  }
0xc5: {  	[hbm4b:s1+s19] =	stream.strided.scatter [tilespmem:s22], [sflag:$0x5], $0x100, s21, s19, $0x38;
	[tilespmem:$0x1FC50] =	vst v63  }
0xc6: {  	s0 =	sadd.s32 s14, s12  }
0xc7: {  	[hbm4b:s0+s19] =	stream.strided.scatter [tilespmem:s15], [sflag:$0x5], $0x100, s21, s19, $0x38;
	[tilespmem:$0x1FC50] =	vst v63  }
0xc8: {  	_ =	swait.ge [sflag:s3], $0x500  }
0xc9: {  	[sflag:s3] =	ssyncset.done $0x0  }
0xca: {  	[sflag:s3] =	ssyncadd.s32 $0xFFFFFB00  }
0xcb: {  	_ =	swait.ge [sflag:s16], $0x500  }
0xcc: {  	[sflag:s16] =	ssyncset.done $0x0  }
0xcd: {  	[sflag:s16] =	ssyncadd.s32 $0xFFFFFB00  }
0xce: {  	[tilespmem:s13], [sflag:$0x4] =	stream.indirect.gather [spmem:s25], $0x1, s26, s10, $0xb8;
	[tilespmem:$0x1FC50] =	vst v63  }
0xcf: {  	_ =	swait.ge [sflag:s24], $0x500  }
0xd0: {  	s1 =	sld [smem:$0x7D3]  }
0xd1: {  	[sflag:s24] =	ssyncset.done $0x0  }
0xd2: {  	s12 =	rddreg [dreg:$0x1d];
	[sflag:s24] =	ssyncadd.s32 $0xFFFFFB00  }
0xd3: {  	[tilespmem:s10], [sflag:$0x3] =	stream.strided.gather [hbm4b:s1+s19], $0x500, s21, s19, $0x38;
	[tilespmem:$0x1FC50] =	vst v63  }
0xd4: {  	s29 =	simm.s32 $0xF00;
	s1 =	sadd.s32 s14, s12;
	s12 =	rddreg [dreg:$0x1e]  }
0xd5: {  	[hbm4b:s1+s19] =	stream.strided.scatter [tilespmem:s29], [sflag:$0x6], $0x100, s21, s19, $0x38;
	[tilespmem:$0x1FC50] =	vst v63  }
0xd6: {  	s17 =	simm.s32 $0x1000;
	s1 =	sadd.s32 s14, s12;
	s12 =	rddreg [dreg:$0x1f]  }
0xd7: {  	[hbm4b:s1+s19] =	stream.strided.scatter [tilespmem:s17], [sflag:$0x6], $0x100, s21, s19, $0x38;
	[tilespmem:$0x1FC50] =	vst v63  }
0xd8: {  	s1 =	sadd.s32 s14, s12;
	s12 =	sld [smem:$0x7DA]  }
0xd9: {  	s18 =	simm.s32 $0x1100  }
0xda: {  	[hbm4b:s1+s19] =	stream.strided.scatter [tilespmem:s18], [sflag:$0x6], $0x100, s21, s19, $0x38;
	[tilespmem:$0x1FC50] =	vst v63  }
0xdb: {  	s1 =	sadd.s32 s14, s12;
	s12 =	sld [smem:$0x7DB]  }
0xdc: {  	s9 =	simm.s32 $0x1200  }
0xdd: {  	[hbm4b:s1+s19] =	stream.strided.scatter [tilespmem:s9], [sflag:$0x6], $0x100, s21, s19, $0x38;
	[tilespmem:$0x1FC50] =	vst v63  }
0xde: {  	s20 =	simm.s32 $0x1300;
	s0 =	sadd.s32 s14, s12  }
0xdf: {  	[hbm4b:s0+s19] =	stream.strided.scatter [tilespmem:s20], [sflag:$0x6], $0x100, s21, s19, $0x38;
	[tilespmem:$0x1FC50] =	vst v63  }
0xe0: {  	_ =	swait.ge [sflag:s8], $0x500  }
0xe1: {  	[sflag:s8] =	ssyncset.done $0x0  }
0xe2: {  	[sflag:s8] =	ssyncadd.s32 $0xFFFFFB00  }
0xe3: {  	_ =	swait.ge [sflag:s16], $0x500  }
0xe4: {  	[sflag:s16] =	ssyncset.done $0x0  }
0xe5: {  	[sflag:s16] =	ssyncadd.s32 $0xFFFFFB00  }
0xe6: {  	[tilespmem:s29], [sflag:$0x4] =	stream.indirect.gather [spmem:s25], $0x1, s10, s10, $0xb8;
	[tilespmem:$0x1FC50] =	vst v63  }
0xe7: {  	_ =	swait.ge [sflag:s24], $0x500  }
0xe8: {  	[sflag:s24] =	ssyncset.done $0x0;
	s12 =	sld [smem:$0x7DC]  }
0xe9: {  	s1 =	rddreg [dreg:$0xa];
	[sflag:s24] =	ssyncadd.s32 $0xFFFFFB00  }
0xea: {  	[tilespmem:s26], [sflag:$0x3] =	stream.strided.gather [hbm4b:s1+s19], $0x500, s21, s19, $0x38;
	[tilespmem:$0x1FC50] =	vst v63  }
0xeb: {  	s1 =	sadd.s32 s14, s12;
	s12 =	sld [smem:$0x7DD];
	_ =	sdelay $0x1  }
0xec: {  	[hbm4b:s1+s19] =	stream.strided.scatter [tilespmem:s13], [sflag:$0x5], $0x100, s21, s19, $0x38;
	[tilespmem:$0x1FC50] =	vst v63  }
0xed: {  	s0 =	sadd.s32 s14, s12;
	s12 =	sld [smem:$0x7DE]  }
0xee: {  	s1 =	simm.s32 $0xB00  }
0xef: {  	[hbm4b:s0+s19] =	stream.strided.scatter [tilespmem:s1], [sflag:$0x5], $0x100, s21, s19, $0x38;
	[tilespmem:$0x1FC50] =	vst v63  }
0xf0: {  	s1 =	sadd.s32 s14, s12;
	s12 =	sld [smem:$0x7DF];
	_ =	sdelay $0x1  }
0xf1: {  	[hbm4b:s1+s19] =	stream.strided.scatter [tilespmem:s2], [sflag:$0x5], $0x100, s21, s19, $0x38;
	[tilespmem:$0x1FC50] =	vst v63  }
0xf2: {  	s1 =	sadd.s32 s14, s12;
	s12 =	sld [smem:$0x7E0];
	_ =	sdelay $0x1  }
0xf3: {  	[hbm4b:s1+s19] =	stream.strided.scatter [tilespmem:s22], [sflag:$0x5], $0x100, s21, s19, $0x38;
	[tilespmem:$0x1FC50] =	vst v63  }
0xf4: {  	s1 =	sadd.s32 s14, s12  }
0xf5: {  	[hbm4b:s1+s19] =	stream.strided.scatter [tilespmem:s15], [sflag:$0x5], $0x100, s21, s19, $0x38;
	[tilespmem:$0x1FC50] =	vst v63  }
0xf6: {  	_ =	swait.ge [sflag:s3], $0x500  }
0xf7: {  	[sflag:s3] =	ssyncset.done $0x0  }
0xf8: {  	[sflag:s3] =	ssyncadd.s32 $0xFFFFFB00  }
0xf9: {  	_ =	swait.ge [sflag:s16], $0x500  }
0xfa: {  	[sflag:s16] =	ssyncset.done $0x0  }
0xfb: {  	[sflag:s16] =	ssyncadd.s32 $0xFFFFFB00  }
0xfc: {  	[tilespmem:s13], [sflag:$0x4] =	stream.indirect.gather [spmem:s25], $0x1, s26, s10, $0xb8;
	[tilespmem:$0x1FC50] =	vst v63  }
0xfd: {  	_ =	swait.ge [sflag:s24], $0x500  }
0xfe: {  	[sflag:s24] =	ssyncset.done $0x0;
	s12 =	sld [smem:$0x7E1]  }
0xff: {  	s0 =	rddreg [dreg:$0xb];
	[sflag:s24] =	ssyncadd.s32 $0xFFFFFB00  }
0x100: {  	[tilespmem:s10], [sflag:$0x3] =	stream.strided.gather [hbm4b:s0+s19], $0x500, s21, s19, $0x38;
	[tilespmem:$0x1FC50] =	vst v63  }
0x101: {  	s1 =	sadd.s32 s14, s12;
	s12 =	sld [smem:$0x7E2];
	_ =	sdelay $0x1  }
0x102: {  	[hbm4b:s1+s19] =	stream.strided.scatter [tilespmem:s29], [sflag:$0x6], $0x100, s21, s19, $0x38;
	[tilespmem:$0x1FC50] =	vst v63  }
0x103: {  	s1 =	sadd.s32 s14, s12;
	s12 =	sld [smem:$0x7E3];
	_ =	sdelay $0x1  }
0x104: {  	[hbm4b:s1+s19] =	stream.strided.scatter [tilespmem:s17], [sflag:$0x6], $0x100, s21, s19, $0x38;
	[tilespmem:$0x1FC50] =	vst v63  }
0x105: {  	s1 =	sadd.s32 s14, s12;
	s12 =	sld [smem:$0x7E4];
	_ =	sdelay $0x1  }
0x106: {  	[hbm4b:s1+s19] =	stream.strided.scatter [tilespmem:s18], [sflag:$0x6], $0x100, s21, s19, $0x38;
	[tilespmem:$0x1FC50] =	vst v63  }
0x107: {  	s1 =	sadd.s32 s14, s12;
	s12 =	sld [smem:$0x7E5];
	_ =	sdelay $0x1  }
0x108: {  	[hbm4b:s1+s19] =	stream.strided.scatter [tilespmem:s9], [sflag:$0x6], $0x100, s21, s19, $0x38;
	[tilespmem:$0x1FC50] =	vst v63  }
0x109: {  	s1 =	sadd.s32 s14, s12  }
0x10a: {  	[hbm4b:s1+s19] =	stream.strided.scatter [tilespmem:s20], [sflag:$0x6], $0x100, s21, s19, $0x38;
	[tilespmem:$0x1FC50] =	vst v63  }
0x10b: {  	_ =	swait.ge [sflag:s8], $0x500  }
0x10c: {  	[sflag:s8] =	ssyncset.done $0x0  }
0x10d: {  	[sflag:s8] =	ssyncadd.s32 $0xFFFFFB00  }
0x10e: {  	_ =	swait.ge [sflag:s16], $0x500  }
0x10f: {  	[sflag:s16] =	ssyncset.done $0x0  }
0x110: {  	[sflag:s16] =	ssyncadd.s32 $0xFFFFFB00  }
0x111: {  	[tilespmem:s29], [sflag:$0x4] =	stream.indirect.gather [spmem:s25], $0x1, s10, s10, $0xb8;
	[tilespmem:$0x1FC50] =	vst v63  }
0x112: {  	_ =	swait.ge [sflag:s24], $0x500  }
0x113: {  	[sflag:s24] =	ssyncset.done $0x0;
	s12 =	sld [smem:$0x7E6]  }
0x114: {  	s1 =	rddreg [dreg:$0xc];
	[sflag:s24] =	ssyncadd.s32 $0xFFFFFB00  }
0x115: {  	[tilespmem:s26], [sflag:$0x3] =	stream.strided.gather [hbm4b:s1+s19], $0x500, s21, s19, $0x38;
	[tilespmem:$0x1FC50] =	vst v63  }
0x116: {  	s0 =	sadd.s32 s14, s12;
	s12 =	sld [smem:$0x7E7];
	_ =	sdelay $0x1  }
0x117: {  	[hbm4b:s0+s19] =	stream.strided.scatter [tilespmem:s13], [sflag:$0x5], $0x100, s21, s19, $0x38;
	[tilespmem:$0x1FC50] =	vst v63  }
0x118: {  	s0 =	simm.s32 $0xB00;
	s12 =	sadd.s32 s14, s12  }
0x119: {  	[hbm4b:s12+s19] =	stream.strided.scatter [tilespmem:s0], [sflag:$0x5], $0x100, s21, s19, $0x38;
	[tilespmem:$0x1FC50] =	vst v63  }
0x11a: {  	s12 =	sld [smem:$0x7E8];
	_ =	sdelay $0x2  }
0x11b: {  	s0 =	sadd.s32 s14, s12;
	s12 =	sld [smem:$0x7E9];
	_ =	sdelay $0x1  }
0x11c: {  	[hbm4b:s0+s19] =	stream.strided.scatter [tilespmem:s2], [sflag:$0x5], $0x100, s21, s19, $0x38;
	[tilespmem:$0x1FC50] =	vst v63  }
0x11d: {  	s0 =	sadd.s32 s14, s12;
	s12 =	sld [smem:$0x7EA];
	_ =	sdelay $0x1  }
0x11e: {  	[hbm4b:s0+s19] =	stream.strided.scatter [tilespmem:s22], [sflag:$0x5], $0x100, s21, s19, $0x38;
	[tilespmem:$0x1FC50] =	vst v63  }
0x11f: {  	s0 =	sadd.s32 s14, s12  }
0x120: {  	[hbm4b:s0+s19] =	stream.strided.scatter [tilespmem:s15], [sflag:$0x5], $0x100, s21, s19, $0x38;
	[tilespmem:$0x1FC50] =	vst v63  }
0x121: {  	_ =	swait.ge [sflag:s3], $0x500  }
0x122: {  	[sflag:s3] =	ssyncset.done $0x0  }
0x123: {  	[sflag:s3] =	ssyncadd.s32 $0xFFFFFB00  }
0x124: {  	_ =	swait.ge [sflag:s16], $0x500  }
0x125: {  	[sflag:s16] =	ssyncset.done $0x0  }
0x126: {  	[sflag:s16] =	ssyncadd.s32 $0xFFFFFB00  }
0x127: {  	[tilespmem:s13], [sflag:$0x4] =	stream.indirect.gather [spmem:s25], $0x1, s26, s10, $0xb8;
	[tilespmem:$0x1FC50] =	vst v63  }
0x128: {  	_ =	swait.ge [sflag:s24], $0x500  }
0x129: {  	[sflag:s24] =	ssyncset.done $0x0  }
0x12a: {  	s12 =	rddreg [dreg:$0xd];
	[sflag:s24] =	ssyncadd.s32 $0xFFFFFB00  }
0x12b: {  	[tilespmem:s10], [sflag:$0x3] =	stream.strided.gather [hbm4b:s12+s19], $0x500, s21, s19, $0x38;
	[tilespmem:$0x1FC50] =	vst v63  }
0x12c: {  	s12 =	sld [smem:$0x7EB];
	_ =	sdelay $0x2  }
0x12d: {  	s0 =	sadd.s32 s14, s12;
	s12 =	sld [smem:$0x7EC];
	_ =	sdelay $0x1  }
0x12e: {  	[hbm4b:s0+s19] =	stream.strided.scatter [tilespmem:s29], [sflag:$0x6], $0x100, s21, s19, $0x38;
	[tilespmem:$0x1FC50] =	vst v63  }
0x12f: {  	s0 =	sadd.s32 s14, s12;
	s12 =	sld [smem:$0x7ED];
	_ =	sdelay $0x1  }
0x130: {  	[hbm4b:s0+s19] =	stream.strided.scatter [tilespmem:s17], [sflag:$0x6], $0x100, s21, s19, $0x38;
	[tilespmem:$0x1FC50] =	vst v63  }
0x131: {  	s0 =	sadd.s32 s14, s12;
	s12 =	sld [smem:$0x7EE];
	_ =	sdelay $0x1  }
0x132: {  	[hbm4b:s0+s19] =	stream.strided.scatter [tilespmem:s18], [sflag:$0x6], $0x100, s21, s19, $0x38;
	[tilespmem:$0x1FC50] =	vst v63  }
0x133: {  	s0 =	sadd.s32 s14, s12;
	s12 =	sld [smem:$0x7EF];
	_ =	sdelay $0x1  }
0x134: {  	[hbm4b:s0+s19] =	stream.strided.scatter [tilespmem:s9], [sflag:$0x6], $0x100, s21, s19, $0x38;
	[tilespmem:$0x1FC50] =	vst v63  }
0x135: {  	s0 =	sadd.s32 s14, s12  }
0x136: {  	[hbm4b:s0+s19] =	stream.strided.scatter [tilespmem:s20], [sflag:$0x6], $0x100, s21, s19, $0x38;
	[tilespmem:$0x1FC50] =	vst v63  }
0x137: {  	_ =	swait.ge [sflag:s8], $0x500  }
0x138: {  	[sflag:s8] =	ssyncset.done $0x0  }
0x139: {  	[sflag:s8] =	ssyncadd.s32 $0xFFFFFB00  }
0x13a: {  	_ =	swait.ge [sflag:s16], $0x500  }
0x13b: {  	[sflag:s16] =	ssyncset.done $0x0  }
0x13c: {  	[sflag:s16] =	ssyncadd.s32 $0xFFFFFB00  }
0x13d: {  	[tilespmem:s29], [sflag:$0x4] =	stream.indirect.gather [spmem:s25], $0x1, s10, s10, $0xb8;
	[tilespmem:$0x1FC50] =	vst v63  }
0x13e: {  	_ =	swait.ge [sflag:s24], $0x500  }
0x13f: {  	s12 =	sld [smem:$0x7CC]  }
0x140: {  	[sflag:s24] =	ssyncset.done $0x0  }
0x141: {  	[sflag:s24] =	ssyncadd.s32 $0xFFFFFB00  }
0x142: {  	[tilespmem:s26], [sflag:$0x3] =	stream.strided.gather [hbm4b:s12+s19], $0x500, s21, s19, $0x38;
	[tilespmem:$0x1FC50] =	vst v63  }
0x143: {  	s12 =	sld [smem:$0x7F0];
	_ =	sdelay $0x2  }
0x144: {  	s0 =	sadd.s32 s14, s12;
	s12 =	sld [smem:$0x7F1];
	_ =	sdelay $0x1  }
0x145: {  	[hbm4b:s0+s19] =	stream.strided.scatter [tilespmem:s13], [sflag:$0x5], $0x100, s21, s19, $0x38;
	[tilespmem:$0x1FC50] =	vst v63  }
0x146: {  	s0 =	simm.s32 $0xB00;
	s12 =	sadd.s32 s14, s12  }
0x147: {  	[hbm4b:s12+s19] =	stream.strided.scatter [tilespmem:s0], [sflag:$0x5], $0x100, s21, s19, $0x38;
	[tilespmem:$0x1FC50] =	vst v63  }
0x148: {  	s12 =	sld [smem:$0x7F2];
	_ =	sdelay $0x2  }
0x149: {  	s0 =	sadd.s32 s14, s12;
	s12 =	sld [smem:$0x7F3];
	_ =	sdelay $0x1  }
0x14a: {  	[hbm4b:s0+s19] =	stream.strided.scatter [tilespmem:s2], [sflag:$0x5], $0x100, s21, s19, $0x38;
	[tilespmem:$0x1FC50] =	vst v63  }
0x14b: {  	s2 =	sadd.s32 s14, s12;
	s12 =	sld [smem:$0x7F4];
	_ =	sdelay $0x1  }
0x14c: {  	[hbm4b:s2+s19] =	stream.strided.scatter [tilespmem:s22], [sflag:$0x5], $0x100, s21, s19, $0x38;
	[tilespmem:$0x1FC50] =	vst v63  }
0x14d: {  	s2 =	sadd.s32 s14, s12  }
0x14e: {  	[hbm4b:s2+s19] =	stream.strided.scatter [tilespmem:s15], [sflag:$0x5], $0x100, s21, s19, $0x38;
	[tilespmem:$0x1FC50] =	vst v63  }
0x14f: {  	_ =	swait.ge [sflag:s24], $0x500  }
0x150: {  	s15 =	sld [smem:$0x7F5];
	_ =	sdelay $0x1  }
0x151: {  	[sflag:s24] =	ssyncset.done $0x0  }
0x152: {  	[sflag:s24] =	ssyncadd.s32 $0xFFFFFB00;
	s2 =	sadd.s32 s14, s15;
	s15 =	sld [smem:$0x7F6]  }
0x153: {  	[hbm4b:s2+s19] =	stream.strided.scatter [tilespmem:s29], [sflag:$0x6], $0x100, s21, s19, $0x38;
	[tilespmem:$0x1FC50] =	vst v63  }
0x154: {  	s2 =	sld [smem:$0x7F7]  }
0x155: {  	s0 =	sadd.s32 s14, s15  }
0x156: {  	[hbm4b:s0+s19] =	stream.strided.scatter [tilespmem:s17], [sflag:$0x6], $0x100, s21, s19, $0x38;
	[tilespmem:$0x1FC50] =	vst v63  }
0x157: {  	s12 =	sadd.s32 s14, s2  }
0x158: {  	[hbm4b:s12+s19] =	stream.strided.scatter [tilespmem:s18], [sflag:$0x6], $0x100, s21, s19, $0x38;
	[tilespmem:$0x1FC50] =	vst v63  }
0x159: {  	s12 =	sld [smem:$0x7F8];
	_ =	sdelay $0x1  }
0x15a: {  	s17 =	sld [smem:$0x7F9]  }
0x15b: {  	s15 =	sadd.s32 s14, s12  }
0x15c: {  	[hbm4b:s15+s19] =	stream.strided.scatter [tilespmem:s9], [sflag:$0x6], $0x100, s21, s19, $0x38;
	[tilespmem:$0x1FC50] =	vst v63  }
0x15d: {  	s0 =	simm.s32 $0x2;
	s18 =	sadd.s32 s14, s17  }
0x15e: {  	[hbm4b:s18+s19] =	stream.strided.scatter [tilespmem:s20], [sflag:$0x6], $0x100, s21, s19, $0x38;
	[tilespmem:$0x1FC50] =	vst v63  }
0x15f: {  	_ =	swait.ge [sflag:s0], $0xF40  }
0x160: {  	[sflag:s0] =	ssyncset.done $0x0  }
0x161: {  	[sflag:s0] =	ssyncadd.s32 $0xFFFFF0C0  }
0x162: {  	_ =	swait.ge [sflag:s0], $0xF40  }
0x163: {  	[sflag:s0] =	ssyncset.done $0x0  }
0x164: {  	s9 =	simm.s32 @!p0 $0x2;
	[sflag:s0] =	ssyncadd.s32 $0xFFFFF0C0  }
0x165: {  	_ =	swait.ge @!p0 [sflag:s9], $0x50  }
0x166: {  	[sflag:s9] =	ssyncset.done @!p0 $0x0  }
0x167: {  	[sflag:s9] =	ssyncadd.s32 @!p0 $0xFFFFFFB0  }
0x168: {  	[bflag:$0x0] =	sbarrier.arrive $0xFFFF  }
0x169: {  	s0 =	sld [smem:$0x7D7];
	_ =	sdelay $0x1  }
0x16a: {  	p1 =	por $0x0, $0x0  }
0x16b: {  	s12 =	sadd.s32 @!p1 $0x2, s0  }
0x16c: {  	s0 =	sld [smem:$0x7CB];
	s12 =	sshrl.u32 @!p1 s12, $0x3  }
0x16d: {  	s14 =	rddreg [dreg:$0x6];
	s12 =	smul.u32 @!p1 $0x7A1400, s12  }
0x16e: {  	s14 =	sadd.s32 @!p1 $0x0, s14  }
0x16f: {  	s14 =	sand.u32 @!p1 $0x300, s14;
	s15 =	sadd.s32 @!p1 s0, s12;
	s0 =	sld [smem:$0x7CD]  }
0x170: {  	s15 =	sor.u32 @!p1 s14, s15  }
0x171: {  	s18 =	simm.s32 @!p1 $0x1;
	s9 =	simm.s32 @!p1 $0x80;
	s15 =	sshrl.u32 @!p1 s15, $0x3  }
0x172: {  	s17 =	sshrl.u32 @!p1 s0, $0x3;
	s0 =	simm.s32 @!p1 $0x10;
	s15 =	sadd.s32 @!p1 s6, s15  }
0x173: {  	[spmem:s17@s0], [sflag:s4] =	dma.strided @!p1 [hbm:s15@s9], $0xF40, s18, $0x10   }
0x174: {  	s15 =	sadd.s32 @!p1 s11, s12;
	s2 =	sld [smem:$0x7FD]  }
0x175: {  	s15 =	sor.u32 @!p1 s14, s15  }
0x176: {  	s15 =	sshrl.u32 @!p1 s15, $0x3  }
0x177: {  	s15 =	sadd.s32 @!p1 s6, s15;
	s17 =	sshrl.u32 @!p1 s2, $0x3;
	s2 =	stileid.u32  }
0x178: {  	[spmem:s17@s0], [sflag:s4] =	dma.strided @!p1 [hbm:s15@s9], $0xF40, s18, $0x10   }
0x179: {  	p2 =	sne.s32 @!p1 s2, $0xF  }
0x17a: {  	p1 =	por p2, p1  }
0x17b: {  	s0 =	sld [smem:$0x7FA];
	s12 =	sadd.s32 @!p1 s14, s12  }
0x17c: {  	s12 =	sadd.s32 @!p1 $0x7A0000, s12  }
0x17d: {  	s14 =	simm.s32 @!p1 $0x10;
	s17 =	simm.s32 @!p1 $0x80;
	s12 =	sshrl.u32 @!p1 s12, $0x3  }
0x17e: {  	s15 =	sshrl.u32 @!p1 s0, $0x3;
	s0 =	simm.s32 @!p1 $0x1;
	s12 =	sadd.s32 @!p1 s6, s12  }
0x17f: {  	[spmem:s15@s14], [sflag:s4] =	dma.strided @!p1 [hbm:s12@s17], $0x50, s0, $0x10   }
0x180: {  	s2 =	rddreg [dreg:$0xb];
	_ =	swait.ge [sflag:s3], $0x500  }
0x181: {  	[sflag:s3] =	ssyncset.done $0x0  }
0x182: {  	[sflag:s3] =	ssyncadd.s32 $0xFFFFFB00  }
0x183: {  	_ =	swait.ge [sflag:s16], $0x500  }
0x184: {  	[sflag:s16] =	ssyncset.done $0x0  }
0x185: {  	s12 =	sld [smem:$0x7CF];
	[sflag:s16] =	ssyncadd.s32 $0xFFFFFB00  }
0x186: {  	[tilespmem:s13], [sflag:$0x4] =	stream.indirect.gather [spmem:s28], $0x1, s26, s10, $0xb8;
	[tilespmem:$0x1FC50] =	vst v63  }
0x187: {  	_ = 	snop  }
0x188: {  	[tilespmem:s10], [sflag:$0x3] =	stream.strided.gather [hbm4b:s12+s19], $0x500, s21, s19, $0x38;
	[tilespmem:$0x1FC50] =	vst v63  }
0x189: {  	_ =	swait.ge [sflag:s8], $0x500  }
0x18a: {  	[sflag:s8] =	ssyncset.done $0x0  }
0x18b: {  	[sflag:s8] =	ssyncadd.s32 $0xFFFFFB00  }
0x18c: {  	_ =	swait.ge [sflag:s16], $0x500  }
0x18d: {  	s11 =	sld [smem:$0x7D8];
	[sflag:s16] =	ssyncset.done $0x0  }
0x18e: {  	[sflag:s16] =	ssyncadd.s32 $0xFFFFFB00  }
0x18f: {  	[tilespmem:s29], [sflag:$0x4] =	stream.indirect.gather [spmem:s28], $0x1, s10, s10, $0xb8;
	[tilespmem:$0x1FC50] =	vst v63  }
0x190: {  	s14 =	simm.s32 $0x80;
	s15 =	sadd.s32 $0x1000, s11;
	_ =	swait.ge [sflag:s24], $0x500  }
0x191: {  	s12 =	sand.u32 $0x380, s14;
	s14 =	sand.u32 $0x38000, s15;
	s15 =	rddreg [dreg:$0xe]  }
0x192: {  	[sflag:s24] =	ssyncset.done $0x0;
	s17 =	sld [smem:$0x7D0];
	s12 =	sor.u32 s14, s12  }
0x193: {  	[sflag:s24] =	ssyncadd.s32 $0xFFFFFB00;
	s12 =	sor.u32 s15, s12  }
0x194: {  	s20 =	rddreg [dreg:$0x2];
	s18 =	sshrl.u32 s12, $0x3  }
0x195: {  	[tilespmem:s26], [sflag:$0x3] =	stream.strided.gather [hbm4b:s17+s19], $0x500, s21, s19, $0x38;
	[tilespmem:$0x1FC50] =	vst v63  }
0x196: {  	s6 =	simm.s32 $0xB00;
	s12 =	sadd.s32 s20, s18  }
0x197: {  	[hbm4b:s12+s19] =	stream.strided.scatter [tilespmem:s13], [sflag:$0x5], $0x100, s21, s19, $0x38;
	[tilespmem:$0x1FC50] =	vst v63  }
0x198: {  	s4 =	smov.u32 s1;
	s1 =	rddreg [dreg:$0x10];
	s0 =	sadd.s32 s18, s7  }
0x199: {  	[hbm4b:s0+s19] =	stream.strided.scatter [tilespmem:s6], [sflag:$0x5], $0x100, s21, s19, $0x38;
	[tilespmem:$0x1FC50] =	vst v63  }
0x19a: {  	s20 =	simm.s32 $0xC00;
	s7 =	sadd.s32 s18, s1;
	s12 =	rddreg [dreg:$0x11]  }
0x19b: {  	[hbm4b:s7+s19] =	stream.strided.scatter [tilespmem:s20], [sflag:$0x5], $0x100, s21, s19, $0x38;
	[tilespmem:$0x1FC50] =	vst v63  }
0x19c: {  	s14 =	sadd.s32 s18, s12  }
0x19d: {  	[hbm4b:s14+s19] =	stream.strided.scatter [tilespmem:s22], [sflag:$0x5], $0x100, s21, s19, $0x38;
	[tilespmem:$0x1FC50] =	vst v63  }
0x19e: {  	s9 =	simm.s32 $0xE00;
	s17 =	sadd.s32 s18, s31  }
0x19f: {  	[hbm4b:s17+s19] =	stream.strided.scatter [tilespmem:s9], [sflag:$0x5], $0x100, s21, s19, $0x38;
	[tilespmem:$0x1FC50] =	vst v63  }
0x1a0: {  	_ =	swait.ge [sflag:s3], $0x500  }
0x1a1: {  	[sflag:s3] =	ssyncset.done $0x0  }
0x1a2: {  	[sflag:s3] =	ssyncadd.s32 $0xFFFFFB00  }
0x1a3: {  	_ =	swait.ge [sflag:s16], $0x500  }
0x1a4: {  	[sflag:s16] =	ssyncset.done $0x0  }
0x1a5: {  	[sflag:s16] =	ssyncadd.s32 $0xFFFFFB00  }
0x1a6: {  	[tilespmem:s13], [sflag:$0x4] =	stream.indirect.gather [spmem:s28], $0x1, s26, s10, $0xb8;
	[tilespmem:$0x1FC50] =	vst v63  }
0x1a7: {  	_ =	swait.ge [sflag:s24], $0x500  }
0x1a8: {  	s22 =	sld [smem:$0x7D1]  }
0x1a9: {  	[sflag:s24] =	ssyncset.done $0x0  }
0x1aa: {  	s1 =	rddreg [dreg:$0x13];
	[sflag:s24] =	ssyncadd.s32 $0xFFFFFB00  }
0x1ab: {  	[tilespmem:s10], [sflag:$0x3] =	stream.strided.gather [hbm4b:s22+s19], $0x500, s21, s19, $0x38;
	[tilespmem:$0x1FC50] =	vst v63  }
0x1ac: {  	s13 =	rddreg [dreg:$0x14];
	s7 =	sadd.s32 s18, s1  }
0x1ad: {  	[hbm4b:s7+s19] =	stream.strided.scatter [tilespmem:s29], [sflag:$0x6], $0x100, s21, s19, $0x38;
	[tilespmem:$0x1FC50] =	vst v63  }
0x1ae: {  	s0 =	simm.s32 $0x1000;
	s17 =	rddreg [dreg:$0x15];
	s14 =	sadd.s32 s18, s13  }
0x1af: {  	[hbm4b:s14+s19] =	stream.strided.scatter [tilespmem:s0], [sflag:$0x6], $0x100, s21, s19, $0x38;
	[tilespmem:$0x1FC50] =	vst v63  }
0x1b0: {  	s1 =	sadd.s32 s18, s17;
	s13 =	rddreg [dreg:$0x16];
	s7 =	simm.s32 $0x1100  }
0x1b1: {  	[hbm4b:s1+s19] =	stream.strided.scatter [tilespmem:s7], [sflag:$0x6], $0x100, s21, s19, $0x38;
	[tilespmem:$0x1FC50] =	vst v63  }
0x1b2: {  	s17 =	rddreg [dreg:$0x17];
	s14 =	sadd.s32 s18, s13;
	s13 =	simm.s32 $0x1200  }
0x1b3: {  	[hbm4b:s14+s19] =	stream.strided.scatter [tilespmem:s13], [sflag:$0x6], $0x100, s21, s19, $0x38;
	[tilespmem:$0x1FC50] =	vst v63  }
0x1b4: {  	s1 =	sadd.s32 s18, s17;
	s14 =	simm.s32 $0x1300  }
0x1b5: {  	[hbm4b:s1+s19] =	stream.strided.scatter [tilespmem:s14], [sflag:$0x6], $0x100, s21, s19, $0x38;
	[tilespmem:$0x1FC50] =	vst v63  }
0x1b6: {  	_ =	swait.ge [sflag:s8], $0x500  }
0x1b7: {  	[sflag:s8] =	ssyncset.done $0x0  }
0x1b8: {  	[sflag:s8] =	ssyncadd.s32 $0xFFFFFB00  }
0x1b9: {  	_ =	swait.ge [sflag:s16], $0x500  }
0x1ba: {  	[sflag:s16] =	ssyncset.done $0x0  }
0x1bb: {  	[sflag:s16] =	ssyncadd.s32 $0xFFFFFB00  }
0x1bc: {  	[tilespmem:s29], [sflag:$0x4] =	stream.indirect.gather [spmem:s28], $0x1, s10, s10, $0xb8;
	[tilespmem:$0x1FC50] =	vst v63  }
0x1bd: {  	_ =	swait.ge [sflag:s24], $0x500  }
0x1be: {  	[sflag:s24] =	ssyncset.done $0x0  }
0x1bf: {  	[sflag:s24] =	ssyncadd.s32 $0xFFFFFB00  }
0x1c0: {  	[tilespmem:s26], [sflag:$0x3] =	stream.strided.gather [hbm4b:s23+s19], $0x500, s21, s19, $0x38;
	[tilespmem:$0x1FC50] =	vst v63  }
0x1c1: {  	s22 =	simm.s32 $0xA00;
	s17 =	sadd.s32 s18, s5  }
0x1c2: {  	[hbm4b:s17+s19] =	stream.strided.scatter [tilespmem:s22], [sflag:$0x5], $0x100, s21, s19, $0x38;
	[tilespmem:$0x1FC50] =	vst v63  }
0x1c3: {  	s29 =	sadd.s32 s18, s30;
	s30 =	rddreg [dreg:$0x1a]  }
0x1c4: {  	[hbm4b:s29+s19] =	stream.strided.scatter [tilespmem:s6], [sflag:$0x5], $0x100, s21, s19, $0x38;
	[tilespmem:$0x1FC50] =	vst v63  }
0x1c5: {  	s5 =	sadd.s32 s18, s30;
	s17 =	rddreg [dreg:$0x1b]  }
0x1c6: {  	[hbm4b:s5+s19] =	stream.strided.scatter [tilespmem:s20], [sflag:$0x5], $0x100, s21, s19, $0x38;
	[tilespmem:$0x1FC50] =	vst v63  }
0x1c7: {  	s1 =	simm.s32 $0xD00;
	s30 =	rddreg [dreg:$0x1c];
	s29 =	sadd.s32 s18, s17  }
0x1c8: {  	[hbm4b:s29+s19] =	stream.strided.scatter [tilespmem:s1], [sflag:$0x5], $0x100, s21, s19, $0x38;
	[tilespmem:$0x1FC50] =	vst v63  }
0x1c9: {  	s5 =	sadd.s32 s18, s30  }
0x1ca: {  	[hbm4b:s5+s19] =	stream.strided.scatter [tilespmem:s9], [sflag:$0x5], $0x100, s21, s19, $0x38;
	[tilespmem:$0x1FC50] =	vst v63  }
0x1cb: {  	_ =	swait.ge [sflag:s3], $0x500  }
0x1cc: {  	[sflag:s3] =	ssyncset.done $0x0  }
0x1cd: {  	[sflag:s3] =	ssyncadd.s32 $0xFFFFFB00  }
0x1ce: {  	_ =	swait.ge [sflag:s16], $0x500  }
0x1cf: {  	[sflag:s16] =	ssyncset.done $0x0  }
0x1d0: {  	[sflag:s16] =	ssyncadd.s32 $0xFFFFFB00  }
0x1d1: {  	[tilespmem:s22], [sflag:$0x4] =	stream.indirect.gather [spmem:s28], $0x1, s26, s10, $0xb8;
	[tilespmem:$0x1FC50] =	vst v63  }
0x1d2: {  	_ =	swait.ge [sflag:s24], $0x500  }
0x1d3: {  	s12 =	sld [smem:$0x7D3]  }
0x1d4: {  	[sflag:s24] =	ssyncset.done $0x0;
	s17 =	rddreg [dreg:$0x1d]  }
0x1d5: {  	s30 =	rddreg [dreg:$0x1e];
	[sflag:s24] =	ssyncadd.s32 $0xFFFFFB00  }
0x1d6: {  	[tilespmem:s10], [sflag:$0x3] =	stream.strided.gather [hbm4b:s12+s19], $0x500, s21, s19, $0x38;
	[tilespmem:$0x1FC50] =	vst v63  }
0x1d7: {  	s23 =	simm.s32 $0xF00;
	s29 =	sadd.s32 s18, s17;
	s17 =	rddreg [dreg:$0x1f]  }
0x1d8: {  	[hbm4b:s29+s19] =	stream.strided.scatter [tilespmem:s23], [sflag:$0x6], $0x100, s21, s19, $0x38;
	[tilespmem:$0x1FC50] =	vst v63  }
0x1d9: {  	s5 =	sadd.s32 s18, s30;
	s30 =	sld [smem:$0x7DA]  }
0x1da: {  	[hbm4b:s5+s19] =	stream.strided.scatter [tilespmem:s0], [sflag:$0x6], $0x100, s21, s19, $0x38;
	[tilespmem:$0x1FC50] =	vst v63  }
0x1db: {  	s29 =	sadd.s32 s18, s17  }
0x1dc: {  	[hbm4b:s29+s19] =	stream.strided.scatter [tilespmem:s7], [sflag:$0x6], $0x100, s21, s19, $0x38;
	[tilespmem:$0x1FC50] =	vst v63  }
0x1dd: {  	s7 =	sadd.s32 s18, s30  }
0x1de: {  	[hbm4b:s7+s19] =	stream.strided.scatter [tilespmem:s13], [sflag:$0x6], $0x100, s21, s19, $0x38;
	[tilespmem:$0x1FC50] =	vst v63  }
0x1df: {  	s13 =	sld [smem:$0x7DB];
	_ =	sdelay $0x2  }
0x1e0: {  	s12 =	sadd.s32 s18, s13  }
0x1e1: {  	[hbm4b:s12+s19] =	stream.strided.scatter [tilespmem:s14], [sflag:$0x6], $0x100, s21, s19, $0x38;
	[tilespmem:$0x1FC50] =	vst v63  }
0x1e2: {  	_ =	swait.ge [sflag:s8], $0x500  }
0x1e3: {  	[sflag:s8] =	ssyncset.done $0x0  }
0x1e4: {  	[sflag:s8] =	ssyncadd.s32 $0xFFFFFB00  }
0x1e5: {  	_ =	swait.ge [sflag:s16], $0x500  }
0x1e6: {  	[sflag:s16] =	ssyncset.done $0x0  }
0x1e7: {  	[sflag:s16] =	ssyncadd.s32 $0xFFFFFB00  }
0x1e8: {  	[tilespmem:s23], [sflag:$0x4] =	stream.indirect.gather [spmem:s28], $0x1, s10, s10, $0xb8;
	[tilespmem:$0x1FC50] =	vst v63  }
0x1e9: {  	_ =	swait.ge [sflag:s24], $0x500  }
0x1ea: {  	s17 =	rddreg [dreg:$0xa]  }
0x1eb: {  	[sflag:s24] =	ssyncset.done $0x0;
	s29 =	sld [smem:$0x7DC]  }
0x1ec: {  	s30 =	sld [smem:$0x7DD];
	[sflag:s24] =	ssyncadd.s32 $0xFFFFFB00  }
0x1ed: {  	[tilespmem:s26], [sflag:$0x3] =	stream.strided.gather [hbm4b:s17+s19], $0x500, s21, s19, $0x38;
	[tilespmem:$0x1FC50] =	vst v63  }
0x1ee: {  	s14 =	sld [smem:$0x7DE];
	s12 =	sadd.s32 s18, s29  }
0x1ef: {  	[hbm4b:s12+s19] =	stream.strided.scatter [tilespmem:s22], [sflag:$0x5], $0x100, s21, s19, $0x38;
	[tilespmem:$0x1FC50] =	vst v63  }
0x1f0: {  	s17 =	sld [smem:$0x7DF];
	s12 =	sadd.s32 s18, s30  }
0x1f1: {  	[hbm4b:s12+s19] =	stream.strided.scatter [tilespmem:s6], [sflag:$0x5], $0x100, s21, s19, $0x38;
	[tilespmem:$0x1FC50] =	vst v63  }
0x1f2: {  	s29 =	sld [smem:$0x7E0];
	s12 =	sadd.s32 s18, s14  }
0x1f3: {  	[hbm4b:s12+s19] =	stream.strided.scatter [tilespmem:s20], [sflag:$0x5], $0x100, s21, s19, $0x38;
	[tilespmem:$0x1FC50] =	vst v63  }
0x1f4: {  	s12 =	sadd.s32 s18, s17  }
0x1f5: {  	[hbm4b:s12+s19] =	stream.strided.scatter [tilespmem:s1], [sflag:$0x5], $0x100, s21, s19, $0x38;
	[tilespmem:$0x1FC50] =	vst v63  }
0x1f6: {  	s12 =	sadd.s32 s18, s29  }
0x1f7: {  	[hbm4b:s12+s19] =	stream.strided.scatter [tilespmem:s9], [sflag:$0x5], $0x100, s21, s19, $0x38;
	[tilespmem:$0x1FC50] =	vst v63  }
0x1f8: {  	_ =	swait.ge [sflag:s3], $0x500  }
0x1f9: {  	[sflag:s3] =	ssyncset.done $0x0  }
0x1fa: {  	[sflag:s3] =	ssyncadd.s32 $0xFFFFFB00  }
0x1fb: {  	_ =	swait.ge [sflag:s16], $0x500  }
0x1fc: {  	[sflag:s16] =	ssyncset.done $0x0  }
0x1fd: {  	[sflag:s16] =	ssyncadd.s32 $0xFFFFFB00  }
0x1fe: {  	[tilespmem:s22], [sflag:$0x4] =	stream.indirect.gather [spmem:s28], $0x1, s26, s10, $0xb8;
	[tilespmem:$0x1FC50] =	vst v63  }
0x1ff: {  	_ =	swait.ge [sflag:s24], $0x500  }
0x200: {  	[sflag:s24] =	ssyncset.done $0x0;
	s30 =	sld [smem:$0x7E1]  }
0x201: {  	s12 =	sld [smem:$0x7E2];
	[sflag:s24] =	ssyncadd.s32 $0xFFFFFB00  }
0x202: {  	[tilespmem:s10], [sflag:$0x3] =	stream.strided.gather [hbm4b:s2+s19], $0x500, s21, s19, $0x38;
	[tilespmem:$0x1FC50] =	vst v63  }
0x203: {  	s17 =	sld [smem:$0x7E3];
	s2 =	sadd.s32 s18, s30  }
0x204: {  	[hbm4b:s2+s19] =	stream.strided.scatter [tilespmem:s23], [sflag:$0x6], $0x100, s21, s19, $0x38;
	[tilespmem:$0x1FC50] =	vst v63  }
0x205: {  	s0 =	simm.s32 $0x1000;
	s14 =	sadd.s32 s18, s12;
	s30 =	sld [smem:$0x7E4]  }
0x206: {  	[hbm4b:s14+s19] =	stream.strided.scatter [tilespmem:s0], [sflag:$0x6], $0x100, s21, s19, $0x38;
	[tilespmem:$0x1FC50] =	vst v63  }
0x207: {  	s5 =	simm.s32 $0x1100;
	s29 =	sadd.s32 s18, s17;
	s12 =	sld [smem:$0x7E5]  }
0x208: {  	[hbm4b:s29+s19] =	stream.strided.scatter [tilespmem:s5], [sflag:$0x6], $0x100, s21, s19, $0x38;
	[tilespmem:$0x1FC50] =	vst v63  }
0x209: {  	s7 =	simm.s32 $0x1200;
	s2 =	sadd.s32 s18, s30  }
0x20a: {  	[hbm4b:s2+s19] =	stream.strided.scatter [tilespmem:s7], [sflag:$0x6], $0x100, s21, s19, $0x38;
	[tilespmem:$0x1FC50] =	vst v63  }
0x20b: {  	s13 =	simm.s32 $0x1300;
	s14 =	sadd.s32 s18, s12  }
0x20c: {  	[hbm4b:s14+s19] =	stream.strided.scatter [tilespmem:s13], [sflag:$0x6], $0x100, s21, s19, $0x38;
	[tilespmem:$0x1FC50] =	vst v63  }
0x20d: {  	_ =	swait.ge [sflag:s8], $0x500  }
0x20e: {  	[sflag:s8] =	ssyncset.done $0x0  }
0x20f: {  	[sflag:s8] =	ssyncadd.s32 $0xFFFFFB00  }
0x210: {  	_ =	swait.ge [sflag:s16], $0x500  }
0x211: {  	[sflag:s16] =	ssyncset.done $0x0  }
0x212: {  	[sflag:s16] =	ssyncadd.s32 $0xFFFFFB00  }
0x213: {  	[tilespmem:s23], [sflag:$0x4] =	stream.indirect.gather [spmem:s28], $0x1, s10, s10, $0xb8;
	[tilespmem:$0x1FC50] =	vst v63  }
0x214: {  	_ =	swait.ge [sflag:s24], $0x500  }
0x215: {  	[sflag:s24] =	ssyncset.done $0x0;
	s17 =	sld [smem:$0x7E6]  }
0x216: {  	s30 =	sld [smem:$0x7E7];
	[sflag:s24] =	ssyncadd.s32 $0xFFFFFB00  }
0x217: {  	[tilespmem:s26], [sflag:$0x3] =	stream.strided.gather [hbm4b:s4+s19], $0x500, s21, s19, $0x38;
	[tilespmem:$0x1FC50] =	vst v63  }
0x218: {  	s12 =	sld [smem:$0x7E8];
	s29 =	sadd.s32 s18, s17  }
0x219: {  	[hbm4b:s29+s19] =	stream.strided.scatter [tilespmem:s22], [sflag:$0x5], $0x100, s21, s19, $0x38;
	[tilespmem:$0x1FC50] =	vst v63  }
0x21a: {  	s4 =	sadd.s32 s18, s30;
	s17 =	sld [smem:$0x7E9]  }
0x21b: {  	[hbm4b:s4+s19] =	stream.strided.scatter [tilespmem:s6], [sflag:$0x5], $0x100, s21, s19, $0x38;
	[tilespmem:$0x1FC50] =	vst v63  }
0x21c: {  	s14 =	sadd.s32 s18, s12;
	s30 =	sld [smem:$0x7EA]  }
0x21d: {  	[hbm4b:s14+s19] =	stream.strided.scatter [tilespmem:s20], [sflag:$0x5], $0x100, s21, s19, $0x38;
	[tilespmem:$0x1FC50] =	vst v63  }
0x21e: {  	s29 =	sadd.s32 s18, s17  }
0x21f: {  	[hbm4b:s29+s19] =	stream.strided.scatter [tilespmem:s1], [sflag:$0x5], $0x100, s21, s19, $0x38;
	[tilespmem:$0x1FC50] =	vst v63  }
0x220: {  	s4 =	sadd.s32 s18, s30  }
0x221: {  	[hbm4b:s4+s19] =	stream.strided.scatter [tilespmem:s9], [sflag:$0x5], $0x100, s21, s19, $0x38;
	[tilespmem:$0x1FC50] =	vst v63  }
0x222: {  	_ =	swait.ge [sflag:s3], $0x500  }
0x223: {  	[sflag:s3] =	ssyncset.done $0x0  }
0x224: {  	[sflag:s3] =	ssyncadd.s32 $0xFFFFFB00  }
0x225: {  	_ =	swait.ge [sflag:s16], $0x500  }
0x226: {  	[sflag:s16] =	ssyncset.done $0x0  }
0x227: {  	[sflag:s16] =	ssyncadd.s32 $0xFFFFFB00  }
0x228: {  	[tilespmem:s22], [sflag:$0x4] =	stream.indirect.gather [spmem:s28], $0x1, s26, s10, $0xb8;
	[tilespmem:$0x1FC50] =	vst v63  }
0x229: {  	_ =	swait.ge [sflag:s24], $0x500  }
0x22a: {  	s31 =	rddreg [dreg:$0xd]  }
0x22b: {  	[sflag:s24] =	ssyncset.done $0x0;
	s14 =	sld [smem:$0x7EB]  }
0x22c: {  	s29 =	sld [smem:$0x7EC];
	[sflag:s24] =	ssyncadd.s32 $0xFFFFFB00  }
0x22d: {  	[tilespmem:s10], [sflag:$0x3] =	stream.strided.gather [hbm4b:s31+s19], $0x500, s21, s19, $0x38;
	[tilespmem:$0x1FC50] =	vst v63  }
0x22e: {  	s2 =	sld [smem:$0x7ED];
	s17 =	sadd.s32 s18, s14  }
0x22f: {  	[hbm4b:s17+s19] =	stream.strided.scatter [tilespmem:s23], [sflag:$0x6], $0x100, s21, s19, $0x38;
	[tilespmem:$0x1FC50] =	vst v63  }
0x230: {  	s4 =	sld [smem:$0x7EE];
	s30 =	sadd.s32 s18, s29  }
0x231: {  	[hbm4b:s30+s19] =	stream.strided.scatter [tilespmem:s0], [sflag:$0x6], $0x100, s21, s19, $0x38;
	[tilespmem:$0x1FC50] =	vst v63  }
0x232: {  	s3 =	sadd.s32 s18, s2;
	s14 =	sld [smem:$0x7EF]  }
0x233: {  	[hbm4b:s3+s19] =	stream.strided.scatter [tilespmem:s5], [sflag:$0x6], $0x100, s21, s19, $0x38;
	[tilespmem:$0x1FC50] =	vst v63  }
0x234: {  	s5 =	sadd.s32 s18, s4  }
0x235: {  	[hbm4b:s5+s19] =	stream.strided.scatter [tilespmem:s7], [sflag:$0x6], $0x100, s21, s19, $0x38;
	[tilespmem:$0x1FC50] =	vst v63  }
0x236: {  	s17 =	sadd.s32 s18, s14  }
0x237: {  	[hbm4b:s17+s19] =	stream.strided.scatter [tilespmem:s13], [sflag:$0x6], $0x100, s21, s19, $0x38;
	[tilespmem:$0x1FC50] =	vst v63  }
0x238: {  	_ =	swait.ge [sflag:s8], $0x500  }
0x239: {  	[sflag:s8] =	ssyncset.done $0x0  }
0x23a: {  	[sflag:s8] =	ssyncadd.s32 $0xFFFFFB00  }
0x23b: {  	_ =	swait.ge [sflag:s16], $0x500  }
0x23c: {  	[sflag:s16] =	ssyncset.done $0x0  }
0x23d: {  	[sflag:s16] =	ssyncadd.s32 $0xFFFFFB00  }
0x23e: {  	[tilespmem:s23], [sflag:$0x4] =	stream.indirect.gather [spmem:s28], $0x1, s10, s10, $0xb8;
	[tilespmem:$0x1FC50] =	vst v63  }
0x23f: {  	_ =	swait.ge [sflag:s24], $0x500  }
0x240: {  	s29 =	sld [smem:$0x7CC]  }
0x241: {  	[sflag:s24] =	ssyncset.done $0x0;
	s30 =	sld [smem:$0x7F0]  }
0x242: {  	s2 =	sld [smem:$0x7F1];
	[sflag:s24] =	ssyncadd.s32 $0xFFFFFB00  }
0x243: {  	[tilespmem:s26], [sflag:$0x3] =	stream.strided.gather [hbm4b:s29+s19], $0x500, s21, s19, $0x38;
	[tilespmem:$0x1FC50] =	vst v63  }
0x244: {  	s4 =	sld [smem:$0x7F2];
	s0 =	sadd.s32 s18, s30  }
0x245: {  	[hbm4b:s0+s19] =	stream.strided.scatter [tilespmem:s22], [sflag:$0x5], $0x100, s21, s19, $0x38;
	[tilespmem:$0x1FC50] =	vst v63  }
0x246: {  	s7 =	sld [smem:$0x7F3];
	s3 =	sadd.s32 s18, s2  }
0x247: {  	[hbm4b:s3+s19] =	stream.strided.scatter [tilespmem:s6], [sflag:$0x5], $0x100, s21, s19, $0x38;
	[tilespmem:$0x1FC50] =	vst v63  }
0x248: {  	s12 =	sld [smem:$0x7F4];
	s5 =	sadd.s32 s18, s4  }
0x249: {  	[hbm4b:s5+s19] =	stream.strided.scatter [tilespmem:s20], [sflag:$0x5], $0x100, s21, s19, $0x38;
	[tilespmem:$0x1FC50] =	vst v63  }
0x24a: {  	s8 =	sadd.s32 s18, s7  }
0x24b: {  	[hbm4b:s8+s19] =	stream.strided.scatter [tilespmem:s1], [sflag:$0x5], $0x100, s21, s19, $0x38;
	[tilespmem:$0x1FC50] =	vst v63  }
0x24c: {  	s13 =	sadd.s32 s18, s12  }
0x24d: {  	[hbm4b:s13+s19] =	stream.strided.scatter [tilespmem:s9], [sflag:$0x5], $0x100, s21, s19, $0x38;
	[tilespmem:$0x1FC50] =	vst v63  }
0x24e: {  	_ =	swait.ge [sflag:s24], $0x500  }
0x24f: {  	s14 =	sld [smem:$0x7F5]  }
0x250: {  	s29 =	sld [smem:$0x7F6]  }
0x251: {  	s30 =	sld [smem:$0x7D7]  }
0x252: {  	s2 =	simm.s32 $0x100;
	[sflag:s24] =	ssyncset.done $0x0  }
0x253: {  	s3 =	sadd.s32 $0x2000, s11;
	s11 =	smov.u32 s15;
	[sflag:s24] =	ssyncadd.s32 $0xFFFFFB00  }
0x254: {  	s17 =	sadd.s32 s18, s14;
	s12 =	sadd.s32 s18, s29;
	[smem:$0x7CA] =	sst s30  }
0x255: {  	[hbm4b:s17+s19] =	stream.strided.scatter [tilespmem:s23], [sflag:$0x6], $0x100, s21, s19, $0x38;
	[tilespmem:$0x1FC50] =	vst v63  }
.LBB2_2:
0x256: {  	[smem:$0x7C6] =	sst s3  }
0x257: {  	s0 =	sld [smem:$0x7F7]  }
0x258: {  	s4 =	sld [smem:$0x7CA]  }
0x259: {  	s13 =	smov.u32 s2;
	s7 =	sld [smem:$0x7F8]  }
0x25a: {  	s5 =	simm.s32 $0x1000;
	s14 =	simm.s32 $0x1100;
	s15 =	sld [smem:$0x7F9]  }
0x25b: {  	[hbm4b:s12+s19] =	stream.strided.scatter [tilespmem:s5], [sflag:$0x6], $0x100, s21, s19, $0x38;
	[tilespmem:$0x1FC50] =	vst v63  }
0x25c: {  	s1 =	sadd.s32 s18, s0;
	s0 =	sadd.s32 $0x100, s2;
	s8 =	sadd.s32 s18, s7  }
0x25d: {  	[hbm4b:s1+s19] =	stream.strided.scatter [tilespmem:s14], [sflag:$0x6], $0x100, s21, s19, $0x38;
	[tilespmem:$0x1FC50] =	vst v63  }
0x25e: {  	s17 =	sadd.s32 s18, s15;
	s18 =	simm.s32 $0x1200;
	[smem:$0x7C7] =	sst s0  }
0x25f: {  	[hbm4b:s8+s19] =	stream.strided.scatter [tilespmem:s18], [sflag:$0x6], $0x100, s21, s19, $0x38;
	[tilespmem:$0x1FC50] =	vst v63  }
0x260: {  	p1 =	sne.s32 s0, $0x1000;
	s0 =	simm.s32 $0x1300;
	s14 =	simm.s32 $0x1  }
0x261: {  	[hbm4b:s17+s19] =	stream.strided.scatter [tilespmem:s0], [sflag:$0x6], $0x100, s21, s19, $0x38;
	[tilespmem:$0x1FC50] =	vst v63  }
0x262: {  	s5 =	sand.u32 $0x300, s13;
	_ =	swait.ge [sflag:s14], $0xF40  }
0x263: {  	s29 =	sor.u32 $0x80, s5;
	s4 =	sadd.s32 $0x2, s4;
	[sflag:s14] =	ssyncset.done $0x0  }
0x264: {  	s7 =	sshrl.u32 s4, $0x3;
	s8 =	sand.u32 $0x38000, s3;
	[sflag:s14] =	ssyncadd.s32 $0xFFFFF0C0  }
0x265: {  	s12 =	smul.u32 $0x7A1400, s7;
	s18 =	sor.u32 s8, s11;
	_ =	swait.ge [sflag:s14], $0xF40  }
0x266: {  	s18 =	sor.u32 s5, s18;
	[sflag:s14] =	ssyncset.done $0x0;
	s11 =	sld [smem:$0x7CB]  }
0x267: {  	s5 =	simm.s32 @!p0 $0x1;
	s17 =	sld [smem:$0x7FC];
	[sflag:s14] =	ssyncadd.s32 $0xFFFFF0C0  }
0x268: {  	p2 =	seq.s32 s13, $0x0;
	_ =	swait.ge @!p0 [sflag:s5], $0x50  }
0x269: {  	s7 =	simm.s32 $0x10;
	s15 =	sadd.s32 s11, s12;
	[sflag:s5] =	ssyncset.done @!p0 $0x0  }
0x26a: {  	s0 =	sadd.s32 s17, s12;
	s17 =	rddreg [dreg:$0x1];
	[sflag:s5] =	ssyncadd.s32 @!p0 $0xFFFFFFB0  }
0x26b: {  	s12 =	sadd.s32 @!p0 s29, s12;
	s1 =	sor.u32 s29, s15;
	[bflag:$0x0] =	sbarrier.arrive $0xFFFF  }
0x26c: {  	s11 =	sor.u32 s29, s0;
	s12 =	sadd.s32 @!p0 $0x7A0000, s12;
	s15 =	sld [smem:$0x7C9]  }
0x26d: {  	s1 =	sshrl.u32 s1, $0x3;
	s11 =	sshrl.u32 s11, $0x3;
	s12 =	sshrl.u32 @!p0 s12, $0x3  }
0x26e: {  	s1 =	sadd.s32 s17, s1;
	s29 =	rddreg [dreg:$0x7];
	s3 =	sadd.s32 s17, s11  }
0x26f: {  	[spmem:s29@s7], [sflag:s15] =	dma.strided [hbm:s1@s19], $0xF40, s14, $0x10   }
0x270: {  	s29 =	simm.s32 @!p2 $0x5;
	s1 =	sadd.s32 @!p0 s17, s12;
	s8 =	rddreg [dreg:$0x8]  }
0x271: {  	[spmem:s8@s7], [sflag:s15] =	dma.strided [hbm:s3@s19], $0xF40, s14, $0x10   }
0x272: {  	s12 =	simm.s32 @!p0 $0x80;
	s7 =	simm.s32 @!p0 $0x10;
	s11 =	rddreg [dreg:$0x9]  }
0x273: {  	[spmem:s11@s7], [sflag:s15] =	dma.strided @!p0 [hbm:s1@s12], $0x50, s5, $0x10   }
0x274: {  	_ =	swait.ge @!p2 [sflag:s29], $0x500  }
0x275: {  	[sflag:s29] =	ssyncset.done @!p2 $0x0  }
0x276: {  	[sflag:s29] =	ssyncadd.s32 @!p2 $0xFFFFFB00  }
0x277: {  	_ =	swait.ge [sflag:s16], $0x500  }
0x278: {  	[sflag:s16] =	ssyncset.done $0x0  }
0x279: {  	s15 =	sld [smem:$0x7CF];
	[sflag:s16] =	ssyncadd.s32 $0xFFFFFB00  }
0x27a: {  	[tilespmem:s22], [sflag:$0x4] =	stream.indirect.gather [spmem:s25], $0x1, s26, s10, $0xb8;
	[tilespmem:$0x1FC50] =	vst v63  }
0x27b: {  	s1 =	simm.s32 @!p2 $0x6  }
0x27c: {  	[tilespmem:s10], [sflag:$0x3] =	stream.strided.gather [hbm4b:s15+s19], $0x500, s21, s19, $0x38;
	[tilespmem:$0x1FC50] =	vst v63  }
0x27d: {  	_ =	swait.ge @!p2 [sflag:s1], $0x500  }
0x27e: {  	[sflag:s1] =	ssyncset.done @!p2 $0x0  }
0x27f: {  	[sflag:s1] =	ssyncadd.s32 @!p2 $0xFFFFFB00  }
0x280: {  	_ =	swait.ge [sflag:s16], $0x500  }
0x281: {  	[sflag:s16] =	ssyncset.done $0x0  }
0x282: {  	[sflag:s16] =	ssyncadd.s32 $0xFFFFFB00  }
0x283: {  	[tilespmem:s23], [sflag:$0x4] =	stream.indirect.gather [spmem:s25], $0x1, s10, s10, $0xb8;
	[tilespmem:$0x1FC50] =	vst v63  }
0x284: {  	_ =	swait.ge [sflag:s24], $0x500  }
0x285: {  	s8 =	sld [smem:$0x7D0]  }
0x286: {  	s15 =	rddreg [dreg:$0x2];
	[sflag:s24] =	ssyncset.done $0x0  }
0x287: {  	s18 =	sshrl.u32 s18, $0x3;
	[sflag:s24] =	ssyncadd.s32 $0xFFFFFB00  }
0x288: {  	[tilespmem:s26], [sflag:$0x3] =	stream.strided.gather [hbm4b:s8+s19], $0x500, s21, s19, $0x38;
	[tilespmem:$0x1FC50] =	vst v63  }
0x289: {  	s5 =	rddreg [dreg:$0xf];
	s3 =	sadd.s32 s15, s18  }
0x28a: {  	[hbm4b:s3+s19] =	stream.strided.scatter [tilespmem:s22], [sflag:$0x5], $0x100, s21, s19, $0x38;
	[tilespmem:$0x1FC50] =	vst v63  }
0x28b: {  	s12 =	rddreg [dreg:$0x10];
	s7 =	sadd.s32 s18, s5  }
0x28c: {  	[hbm4b:s7+s19] =	stream.strided.scatter [tilespmem:s6], [sflag:$0x5], $0x100, s21, s19, $0x38;
	[tilespmem:$0x1FC50] =	vst v63  }
0x28d: {  	s14 =	sadd.s32 s18, s12;
	s3 =	rddreg [dreg:$0x11]  }
0x28e: {  	[hbm4b:s14+s19] =	stream.strided.scatter [tilespmem:s20], [sflag:$0x5], $0x100, s21, s19, $0x38;
	[tilespmem:$0x1FC50] =	vst v63  }
0x28f: {  	s2 =	simm.s32 $0xD00;
	s5 =	sadd.s32 s18, s3;
	s7 =	rddreg [dreg:$0x12]  }
0x290: {  	[hbm4b:s5+s19] =	stream.strided.scatter [tilespmem:s2], [sflag:$0x5], $0x100, s21, s19, $0x38;
	[tilespmem:$0x1FC50] =	vst v63  }
0x291: {  	s8 =	sadd.s32 s18, s7  }
0x292: {  	[hbm4b:s8+s19] =	stream.strided.scatter [tilespmem:s9], [sflag:$0x5], $0x100, s21, s19, $0x38;
	[tilespmem:$0x1FC50] =	vst v63  }
0x293: {  	s8 =	simm.s32 $0x5  }
0x294: {  	_ =	swait.ge [sflag:s8], $0x500  }
0x295: {  	[sflag:s8] =	ssyncset.done $0x0  }
0x296: {  	[sflag:s8] =	ssyncadd.s32 $0xFFFFFB00  }
0x297: {  	_ =	swait.ge [sflag:s16], $0x500  }
0x298: {  	[sflag:s16] =	ssyncset.done $0x0  }
0x299: {  	[sflag:s16] =	ssyncadd.s32 $0xFFFFFB00  }
0x29a: {  	[tilespmem:s22], [sflag:$0x4] =	stream.indirect.gather [spmem:s25], $0x1, s26, s10, $0xb8;
	[tilespmem:$0x1FC50] =	vst v63  }
0x29b: {  	_ =	swait.ge [sflag:s24], $0x500  }
0x29c: {  	s22 =	rddreg [dreg:$0x14]  }
0x29d: {  	s3 =	sadd.s32 s18, s22;
	s22 =	sld [smem:$0x7D1]  }
0x29e: {  	[sflag:s24] =	ssyncset.done $0x0  }
0x29f: {  	s14 =	rddreg [dreg:$0x13];
	[sflag:s24] =	ssyncadd.s32 $0xFFFFFB00  }
0x2a0: {  	[tilespmem:s10], [sflag:$0x3] =	stream.strided.gather [hbm4b:s22+s19], $0x500, s21, s19, $0x38;
	[tilespmem:$0x1FC50] =	vst v63  }
0x2a1: {  	s20 =	sadd.s32 s18, s14  }
0x2a2: {  	[hbm4b:s20+s19] =	stream.strided.scatter [tilespmem:s23], [sflag:$0x6], $0x100, s21, s19, $0x38;
	[tilespmem:$0x1FC50] =	vst v63  }
0x2a3: {  	s7 =	simm.s32 $0x1000;
	s5 =	rddreg [dreg:$0x15]  }
0x2a4: {  	[hbm4b:s3+s19] =	stream.strided.scatter [tilespmem:s7], [sflag:$0x6], $0x100, s21, s19, $0x38;
	[tilespmem:$0x1FC50] =	vst v63  }
0x2a5: {  	s30 =	simm.s32 $0x1100;
	s6 =	sadd.s32 s18, s5;
	s10 =	rddreg [dreg:$0x16]  }
0x2a6: {  	[hbm4b:s6+s19] =	stream.strided.scatter [tilespmem:s30], [sflag:$0x6], $0x100, s21, s19, $0x38;
	[tilespmem:$0x1FC50] =	vst v63  }
0x2a7: {  	s5 =	simm.s32 $0x1200;
	s14 =	sadd.s32 s18, s10;
	s20 =	rddreg [dreg:$0x17]  }
0x2a8: {  	[hbm4b:s14+s19] =	stream.strided.scatter [tilespmem:s5], [sflag:$0x6], $0x100, s21, s19, $0x38;
	[tilespmem:$0x1FC50] =	vst v63  }
0x2a9: {  	s10 =	simm.s32 $0x6;
	s0 =	sadd.s32 s18, s20;
	s6 =	simm.s32 $0x1300  }
0x2aa: {  	[hbm4b:s0+s19] =	stream.strided.scatter [tilespmem:s6], [sflag:$0x6], $0x100, s21, s19, $0x38;
	[tilespmem:$0x1FC50] =	vst v63  }
0x2ab: {  	_ =	swait.ge [sflag:s10], $0x500  }
0x2ac: {  	[sflag:s10] =	ssyncset.done $0x0  }
0x2ad: {  	[sflag:s10] =	ssyncadd.s32 $0xFFFFFB00  }
0x2ae: {  	_ =	swait.ge [sflag:s16], $0x500  }
0x2af: {  	[sflag:s16] =	ssyncset.done $0x0  }
0x2b0: {  	s3 =	simm.s32 $0x500;
	[sflag:s16] =	ssyncadd.s32 $0xFFFFFB00  }
0x2b1: {  	[tilespmem:s23], [sflag:$0x4] =	stream.indirect.gather [spmem:s25], $0x1, s3, s3, $0xb8;
	[tilespmem:$0x1FC50] =	vst v63  }
0x2b2: {  	_ =	swait.ge [sflag:s24], $0x500  }
0x2b3: {  	s23 =	sld [smem:$0x7D2]  }
0x2b4: {  	[sflag:s24] =	ssyncset.done $0x0  }
0x2b5: {  	s1 =	rddreg [dreg:$0x18];
	[sflag:s24] =	ssyncadd.s32 $0xFFFFFB00  }
0x2b6: {  	[tilespmem:s26], [sflag:$0x3] =	stream.strided.gather [hbm4b:s23+s19], $0x500, s21, s19, $0x38;
	[tilespmem:$0x1FC50] =	vst v63  }
0x2b7: {  	s14 =	simm.s32 $0xA00;
	s11 =	rddreg [dreg:$0x19];
	s1 =	sadd.s32 s18, s1  }
0x2b8: {  	[hbm4b:s1+s19] =	stream.strided.scatter [tilespmem:s14], [sflag:$0x5], $0x100, s21, s19, $0x38;
	[tilespmem:$0x1FC50] =	vst v63  }
0x2b9: {  	s29 =	simm.s32 $0xB00;
	s12 =	rddreg [dreg:$0x1a];
	s11 =	sadd.s32 s18, s11  }
0x2ba: {  	[hbm4b:s11+s19] =	stream.strided.scatter [tilespmem:s29], [sflag:$0x5], $0x100, s21, s19, $0x38;
	[tilespmem:$0x1FC50] =	vst v63  }
0x2bb: {  	s12 =	sadd.s32 s18, s12;
	s1 =	rddreg [dreg:$0x1b];
	s29 =	simm.s32 $0xC00  }
0x2bc: {  	[hbm4b:s12+s19] =	stream.strided.scatter [tilespmem:s29], [sflag:$0x5], $0x100, s21, s19, $0x38;
	[tilespmem:$0x1FC50] =	vst v63  }
0x2bd: {  	s14 =	rddreg [dreg:$0x1c];
	s1 =	sadd.s32 s18, s1  }
0x2be: {  	[hbm4b:s1+s19] =	stream.strided.scatter [tilespmem:s2], [sflag:$0x5], $0x100, s21, s19, $0x38;
	[tilespmem:$0x1FC50] =	vst v63  }
0x2bf: {  	s0 =	sadd.s32 s18, s14  }
0x2c0: {  	[hbm4b:s0+s19] =	stream.strided.scatter [tilespmem:s9], [sflag:$0x5], $0x100, s21, s19, $0x38;
	[tilespmem:$0x1FC50] =	vst v63  }
0x2c1: {  	_ =	swait.ge [sflag:s8], $0x500  }
0x2c2: {  	[sflag:s8] =	ssyncset.done $0x0  }
0x2c3: {  	[sflag:s8] =	ssyncadd.s32 $0xFFFFFB00  }
0x2c4: {  	_ =	swait.ge [sflag:s16], $0x500  }
0x2c5: {  	[sflag:s16] =	ssyncset.done $0x0  }
0x2c6: {  	s9 =	simm.s32 $0xA00;
	[sflag:s16] =	ssyncadd.s32 $0xFFFFFB00  }
0x2c7: {  	[tilespmem:s9], [sflag:$0x4] =	stream.indirect.gather [spmem:s25], $0x1, s26, s3, $0xb8;
	[tilespmem:$0x1FC50] =	vst v63  }
0x2c8: {  	_ =	swait.ge [sflag:s24], $0x500  }
0x2c9: {  	s9 =	sld [smem:$0x7D3]  }
0x2ca: {  	s11 =	rddreg [dreg:$0x1d];
	[sflag:s24] =	ssyncset.done $0x0  }
0x2cb: {  	s12 =	rddreg [dreg:$0x1e];
	[sflag:s24] =	ssyncadd.s32 $0xFFFFFB00  }
0x2cc: {  	[tilespmem:s3], [sflag:$0x3] =	stream.strided.gather [hbm4b:s9+s19], $0x500, s21, s19, $0x38;
	[tilespmem:$0x1FC50] =	vst v63  }
0x2cd: {  	s20 =	simm.s32 $0xF00;
	s14 =	rddreg [dreg:$0x1f];
	s1 =	sadd.s32 s18, s11  }
0x2ce: {  	[hbm4b:s1+s19] =	stream.strided.scatter [tilespmem:s20], [sflag:$0x6], $0x100, s21, s19, $0x38;
	[tilespmem:$0x1FC50] =	vst v63  }
0x2cf: {  	s11 =	sadd.s32 s18, s12;
	s1 =	sld [smem:$0x7DA]  }
0x2d0: {  	[hbm4b:s11+s19] =	stream.strided.scatter [tilespmem:s7], [sflag:$0x6], $0x100, s21, s19, $0x38;
	[tilespmem:$0x1FC50] =	vst v63  }
0x2d1: {  	s12 =	sadd.s32 s18, s14;
	s11 =	sld [smem:$0x7DB]  }
0x2d2: {  	[hbm4b:s12+s19] =	stream.strided.scatter [tilespmem:s30], [sflag:$0x6], $0x100, s21, s19, $0x38;
	[tilespmem:$0x1FC50] =	vst v63  }
0x2d3: {  	s1 =	sadd.s32 s18, s1  }
0x2d4: {  	[hbm4b:s1+s19] =	stream.strided.scatter [tilespmem:s5], [sflag:$0x6], $0x100, s21, s19, $0x38;
	[tilespmem:$0x1FC50] =	vst v63  }
0x2d5: {  	s7 =	sadd.s32 s18, s11  }
0x2d6: {  	[hbm4b:s7+s19] =	stream.strided.scatter [tilespmem:s6], [sflag:$0x6], $0x100, s21, s19, $0x38;
	[tilespmem:$0x1FC50] =	vst v63  }
0x2d7: {  	_ =	swait.ge [sflag:s10], $0x500  }
0x2d8: {  	[sflag:s10] =	ssyncset.done $0x0  }
0x2d9: {  	[sflag:s10] =	ssyncadd.s32 $0xFFFFFB00  }
0x2da: {  	_ =	swait.ge [sflag:s16], $0x500  }
0x2db: {  	[sflag:s16] =	ssyncset.done $0x0  }
0x2dc: {  	[sflag:s16] =	ssyncadd.s32 $0xFFFFFB00  }
0x2dd: {  	[tilespmem:s20], [sflag:$0x4] =	stream.indirect.gather [spmem:s25], $0x1, s3, s3, $0xb8;
	[tilespmem:$0x1FC50] =	vst v63  }
0x2de: {  	_ =	swait.ge [sflag:s24], $0x500  }
0x2df: {  	s12 =	sld [smem:$0x7DC]  }
0x2e0: {  	[sflag:s24] =	ssyncset.done $0x0;
	s30 =	sld [smem:$0x7DD]  }
0x2e1: {  	s0 =	rddreg [dreg:$0xa];
	[sflag:s24] =	ssyncadd.s32 $0xFFFFFB00  }
0x2e2: {  	[tilespmem:s26], [sflag:$0x3] =	stream.strided.gather [hbm4b:s0+s19], $0x500, s21, s19, $0x38;
	[tilespmem:$0x1FC50] =	vst v63  }
0x2e3: {  	s1 =	sadd.s32 s18, s12  }
0x2e4: {  	s11 =	sadd.s32 s18, s30;
	s12 =	sld [smem:$0x7DE];
	s30 =	simm.s32 $0xA00  }
0x2e5: {  	[hbm4b:s1+s19] =	stream.strided.scatter [tilespmem:s30], [sflag:$0x5], $0x100, s21, s19, $0x38;
	[tilespmem:$0x1FC50] =	vst v63  }
0x2e6: {  	s29 =	simm.s32 $0xB00;
	s1 =	sld [smem:$0x7DF]  }
0x2e7: {  	[hbm4b:s11+s19] =	stream.strided.scatter [tilespmem:s29], [sflag:$0x5], $0x100, s21, s19, $0x38;
	[tilespmem:$0x1FC50] =	vst v63  }
0x2e8: {  	s30 =	sld [smem:$0x7E0];
	s12 =	sadd.s32 s18, s12;
	s29 =	simm.s32 $0xC00  }
0x2e9: {  	[hbm4b:s12+s19] =	stream.strided.scatter [tilespmem:s29], [sflag:$0x5], $0x100, s21, s19, $0x38;
	[tilespmem:$0x1FC50] =	vst v63  }
0x2ea: {  	s6 =	sadd.s32 s18, s1  }
0x2eb: {  	[hbm4b:s6+s19] =	stream.strided.scatter [tilespmem:s2], [sflag:$0x5], $0x100, s21, s19, $0x38;
	[tilespmem:$0x1FC50] =	vst v63  }
0x2ec: {  	s0 =	sadd.s32 s18, s30;
	s6 =	simm.s32 $0xE00  }
0x2ed: {  	[hbm4b:s0+s19] =	stream.strided.scatter [tilespmem:s6], [sflag:$0x5], $0x100, s21, s19, $0x38;
	[tilespmem:$0x1FC50] =	vst v63  }
0x2ee: {  	_ =	swait.ge [sflag:s8], $0x500  }
0x2ef: {  	[sflag:s8] =	ssyncset.done $0x0  }
0x2f0: {  	[sflag:s8] =	ssyncadd.s32 $0xFFFFFB00  }
0x2f1: {  	_ =	swait.ge [sflag:s16], $0x500  }
0x2f2: {  	[sflag:s16] =	ssyncset.done $0x0  }
0x2f3: {  	s11 =	simm.s32 $0xA00;
	[sflag:s16] =	ssyncadd.s32 $0xFFFFFB00  }
0x2f4: {  	[tilespmem:s11], [sflag:$0x4] =	stream.indirect.gather [spmem:s25], $0x1, s26, s3, $0xb8;
	[tilespmem:$0x1FC50] =	vst v63  }
0x2f5: {  	_ =	swait.ge [sflag:s24], $0x500  }
0x2f6: {  	s12 =	sld [smem:$0x7E1]  }
0x2f7: {  	[sflag:s24] =	ssyncset.done $0x0;
	s30 =	sld [smem:$0x7E2]  }
0x2f8: {  	s6 =	rddreg [dreg:$0xb];
	[sflag:s24] =	ssyncadd.s32 $0xFFFFFB00  }
0x2f9: {  	[tilespmem:s3], [sflag:$0x3] =	stream.strided.gather [hbm4b:s6+s19], $0x500, s21, s19, $0x38;
	[tilespmem:$0x1FC50] =	vst v63  }
0x2fa: {  	s6 =	sld [smem:$0x7E4]  }
0x2fb: {  	s1 =	sadd.s32 s18, s12;
	s11 =	sadd.s32 s18, s30;
	s30 =	sld [smem:$0x7E3]  }
0x2fc: {  	[hbm4b:s1+s19] =	stream.strided.scatter [tilespmem:s20], [sflag:$0x6], $0x100, s21, s19, $0x38;
	[tilespmem:$0x1FC50] =	vst v63  }
0x2fd: {  	s14 =	simm.s32 $0x1000;
	s1 =	sadd.s32 s18, s6  }
0x2fe: {  	[hbm4b:s11+s19] =	stream.strided.scatter [tilespmem:s14], [sflag:$0x6], $0x100, s21, s19, $0x38;
	[tilespmem:$0x1FC50] =	vst v63  }
0x2ff: {  	s6 =	simm.s32 $0x1100;
	s12 =	sadd.s32 s18, s30;
	s30 =	sld [smem:$0x7E5]  }
0x300: {  	[hbm4b:s12+s19] =	stream.strided.scatter [tilespmem:s6], [sflag:$0x6], $0x100, s21, s19, $0x38;
	[tilespmem:$0x1FC50] =	vst v63  }
0x301: {  	s5 =	simm.s32 $0x1200  }
0x302: {  	[hbm4b:s1+s19] =	stream.strided.scatter [tilespmem:s5], [sflag:$0x6], $0x100, s21, s19, $0x38;
	[tilespmem:$0x1FC50] =	vst v63  }
0x303: {  	s7 =	simm.s32 $0x1300;
	s0 =	sadd.s32 s18, s30  }
0x304: {  	[hbm4b:s0+s19] =	stream.strided.scatter [tilespmem:s7], [sflag:$0x6], $0x100, s21, s19, $0x38;
	[tilespmem:$0x1FC50] =	vst v63  }
0x305: {  	_ =	swait.ge [sflag:s10], $0x500  }
0x306: {  	[sflag:s10] =	ssyncset.done $0x0  }
0x307: {  	[sflag:s10] =	ssyncadd.s32 $0xFFFFFB00  }
0x308: {  	_ =	swait.ge [sflag:s16], $0x500  }
0x309: {  	[sflag:s16] =	ssyncset.done $0x0  }
0x30a: {  	[sflag:s16] =	ssyncadd.s32 $0xFFFFFB00  }
0x30b: {  	[tilespmem:s20], [sflag:$0x4] =	stream.indirect.gather [spmem:s25], $0x1, s3, s3, $0xb8;
	[tilespmem:$0x1FC50] =	vst v63  }
0x30c: {  	_ =	swait.ge [sflag:s24], $0x500  }
0x30d: {  	s12 =	sld [smem:$0x7E6]  }
0x30e: {  	[sflag:s24] =	ssyncset.done $0x0;
	s14 =	sld [smem:$0x7E7]  }
0x30f: {  	s30 =	rddreg [dreg:$0xc];
	[sflag:s24] =	ssyncadd.s32 $0xFFFFFB00  }
0x310: {  	[tilespmem:s26], [sflag:$0x3] =	stream.strided.gather [hbm4b:s30+s19], $0x500, s21, s19, $0x38;
	[tilespmem:$0x1FC50] =	vst v63  }
0x311: {  	s1 =	sadd.s32 s18, s12  }
0x312: {  	s11 =	sadd.s32 s18, s14;
	s12 =	sld [smem:$0x7E8];
	s14 =	simm.s32 $0xA00  }
0x313: {  	[hbm4b:s1+s19] =	stream.strided.scatter [tilespmem:s14], [sflag:$0x5], $0x100, s21, s19, $0x38;
	[tilespmem:$0x1FC50] =	vst v63  }
0x314: {  	s0 =	simm.s32 $0xB00;
	s30 =	sld [smem:$0x7E9]  }
0x315: {  	[hbm4b:s11+s19] =	stream.strided.scatter [tilespmem:s0], [sflag:$0x5], $0x100, s21, s19, $0x38;
	[tilespmem:$0x1FC50] =	vst v63  }
0x316: {  	s14 =	sld [smem:$0x7EA];
	s12 =	sadd.s32 s18, s12;
	s0 =	simm.s32 $0xC00  }
0x317: {  	[hbm4b:s12+s19] =	stream.strided.scatter [tilespmem:s0], [sflag:$0x5], $0x100, s21, s19, $0x38;
	[tilespmem:$0x1FC50] =	vst v63  }
0x318: {  	s1 =	sadd.s32 s18, s30  }
0x319: {  	[hbm4b:s1+s19] =	stream.strided.scatter [tilespmem:s2], [sflag:$0x5], $0x100, s21, s19, $0x38;
	[tilespmem:$0x1FC50] =	vst v63  }
0x31a: {  	s30 =	sadd.s32 s18, s14;
	s14 =	simm.s32 $0xE00  }
0x31b: {  	[hbm4b:s30+s19] =	stream.strided.scatter [tilespmem:s14], [sflag:$0x5], $0x100, s21, s19, $0x38;
	[tilespmem:$0x1FC50] =	vst v63  }
0x31c: {  	_ =	swait.ge [sflag:s8], $0x500  }
0x31d: {  	[sflag:s8] =	ssyncset.done $0x0  }
0x31e: {  	[sflag:s8] =	ssyncadd.s32 $0xFFFFFB00  }
0x31f: {  	_ =	swait.ge [sflag:s16], $0x500  }
0x320: {  	[sflag:s16] =	ssyncset.done $0x0  }
0x321: {  	s30 =	simm.s32 $0xA00;
	[sflag:s16] =	ssyncadd.s32 $0xFFFFFB00  }
0x322: {  	[tilespmem:s30], [sflag:$0x4] =	stream.indirect.gather [spmem:s25], $0x1, s26, s3, $0xb8;
	[tilespmem:$0x1FC50] =	vst v63  }
0x323: {  	_ =	swait.ge [sflag:s24], $0x500  }
0x324: {  	[sflag:s24] =	ssyncset.done $0x0;
	s14 =	sld [smem:$0x7EC]  }
0x325: {  	s1 =	sld [smem:$0x7EB];
	[sflag:s24] =	ssyncadd.s32 $0xFFFFFB00  }
0x326: {  	[tilespmem:s3], [sflag:$0x3] =	stream.strided.gather [hbm4b:s31+s19], $0x500, s21, s19, $0x38;
	[tilespmem:$0x1FC50] =	vst v63  }
0x327: {  	s30 =	sadd.s32 s18, s14;
	s14 =	sld [smem:$0x7EE]  }
0x328: {  	s12 =	sld [smem:$0x7ED];
	s11 =	sadd.s32 s18, s1  }
0x329: {  	[hbm4b:s11+s19] =	stream.strided.scatter [tilespmem:s20], [sflag:$0x6], $0x100, s21, s19, $0x38;
	[tilespmem:$0x1FC50] =	vst v63  }
0x32a: {  	s1 =	sadd.s32 s18, s14;
	s14 =	simm.s32 $0x1000  }
0x32b: {  	[hbm4b:s30+s19] =	stream.strided.scatter [tilespmem:s14], [sflag:$0x6], $0x100, s21, s19, $0x38;
	[tilespmem:$0x1FC50] =	vst v63  }
0x32c: {  	s12 =	sadd.s32 s18, s12;
	s30 =	sld [smem:$0x7EF]  }
0x32d: {  	[hbm4b:s12+s19] =	stream.strided.scatter [tilespmem:s6], [sflag:$0x6], $0x100, s21, s19, $0x38;
	[tilespmem:$0x1FC50] =	vst v63  }
0x32e: {  	_ = 	snop  }
0x32f: {  	[hbm4b:s1+s19] =	stream.strided.scatter [tilespmem:s5], [sflag:$0x6], $0x100, s21, s19, $0x38;
	[tilespmem:$0x1FC50] =	vst v63  }
0x330: {  	s0 =	sadd.s32 s18, s30  }
0x331: {  	[hbm4b:s0+s19] =	stream.strided.scatter [tilespmem:s7], [sflag:$0x6], $0x100, s21, s19, $0x38;
	[tilespmem:$0x1FC50] =	vst v63  }
0x332: {  	_ =	swait.ge [sflag:s10], $0x500  }
0x333: {  	[sflag:s10] =	ssyncset.done $0x0  }
0x334: {  	[sflag:s10] =	ssyncadd.s32 $0xFFFFFB00  }
0x335: {  	_ =	swait.ge [sflag:s16], $0x500  }
0x336: {  	[sflag:s16] =	ssyncset.done $0x0  }
0x337: {  	[sflag:s16] =	ssyncadd.s32 $0xFFFFFB00  }
0x338: {  	[tilespmem:s20], [sflag:$0x4] =	stream.indirect.gather [spmem:s25], $0x1, s3, s3, $0xb8;
	[tilespmem:$0x1FC50] =	vst v63  }
0x339: {  	_ =	swait.ge [sflag:s24], $0x500  }
0x33a: {  	s6 =	sld [smem:$0x7CC]  }
0x33b: {  	s12 =	sld [smem:$0x7F0];
	[sflag:s24] =	ssyncset.done $0x0  }
0x33c: {  	s30 =	sld [smem:$0x7F1];
	[sflag:s24] =	ssyncadd.s32 $0xFFFFFB00  }
0x33d: {  	[tilespmem:s26], [sflag:$0x3] =	stream.strided.gather [hbm4b:s6+s19], $0x500, s21, s19, $0x38;
	[tilespmem:$0x1FC50] =	vst v63  }
0x33e: {  	s1 =	sadd.s32 s18, s12;
	s12 =	sld [smem:$0x7F2];
	s26 =	simm.s32 $0xA00  }
0x33f: {  	[hbm4b:s1+s19] =	stream.strided.scatter [tilespmem:s26], [sflag:$0x5], $0x100, s21, s19, $0x38;
	[tilespmem:$0x1FC50] =	vst v63  }
0x340: {  	s0 =	simm.s32 $0xB00;
	s11 =	sadd.s32 s18, s30;
	s30 =	sld [smem:$0x7F3]  }
0x341: {  	[hbm4b:s11+s19] =	stream.strided.scatter [tilespmem:s0], [sflag:$0x5], $0x100, s21, s19, $0x38;
	[tilespmem:$0x1FC50] =	vst v63  }
0x342: {  	s26 =	sld [smem:$0x7F4];
	s12 =	sadd.s32 s18, s12;
	s0 =	simm.s32 $0xC00  }
0x343: {  	[hbm4b:s12+s19] =	stream.strided.scatter [tilespmem:s0], [sflag:$0x5], $0x100, s21, s19, $0x38;
	[tilespmem:$0x1FC50] =	vst v63  }
0x344: {  	s1 =	sadd.s32 s18, s30  }
0x345: {  	[hbm4b:s1+s19] =	stream.strided.scatter [tilespmem:s2], [sflag:$0x5], $0x100, s21, s19, $0x38;
	[tilespmem:$0x1FC50] =	vst v63  }
0x346: {  	s6 =	simm.s32 $0xE00;
	s30 =	sadd.s32 s18, s26;
	s2 =	sld [smem:$0x7F5]  }
0x347: {  	[hbm4b:s30+s19] =	stream.strided.scatter [tilespmem:s6], [sflag:$0x5], $0x100, s21, s19, $0x38;
	[tilespmem:$0x1FC50] =	vst v63  }
0x348: {  	_ =	swait.ge [sflag:s24], $0x500  }
0x349: {  	s11 =	sld [smem:$0x7F6];
	[sflag:s24] =	ssyncset.done $0x0  }
0x34a: {  	s1 =	sadd.s32 s18, s2;
	s26 =	sld [smem:$0x7F7];
	[sflag:s24] =	ssyncadd.s32 $0xFFFFFB00  }
0x34b: {  	[hbm4b:s1+s19] =	stream.strided.scatter [tilespmem:s20], [sflag:$0x6], $0x100, s21, s19, $0x38;
	[tilespmem:$0x1FC50] =	vst v63  }
0x34c: {  	s2 =	sld [smem:$0x7F8];
	s12 =	sadd.s32 s18, s11  }
0x34d: {  	[hbm4b:s12+s19] =	stream.strided.scatter [tilespmem:s14], [sflag:$0x6], $0x100, s21, s19, $0x38;
	[tilespmem:$0x1FC50] =	vst v63  }
0x34e: {  	s29 =	simm.s32 $0x1100;
	s30 =	sadd.s32 s18, s26;
	s14 =	sld [smem:$0x7F9]  }
0x34f: {  	[hbm4b:s30+s19] =	stream.strided.scatter [tilespmem:s29], [sflag:$0x6], $0x100, s21, s19, $0x38;
	[tilespmem:$0x1FC50] =	vst v63  }
0x350: {  	s6 =	sadd.s32 s18, s2  }
0x351: {  	[hbm4b:s6+s19] =	stream.strided.scatter [tilespmem:s5], [sflag:$0x6], $0x100, s21, s19, $0x38;
	[tilespmem:$0x1FC50] =	vst v63  }
0x352: {  	s26 =	simm.s32 $0x2;
	s18 =	sadd.s32 s18, s14  }
0x353: {  	[hbm4b:s18+s19] =	stream.strided.scatter [tilespmem:s7], [sflag:$0x6], $0x100, s21, s19, $0x38;
	[tilespmem:$0x1FC50] =	vst v63  }
0x354: {  	_ =	swait.ge [sflag:s26], $0xF40  }
0x355: {  	[sflag:s26] =	ssyncset.done $0x0  }
0x356: {  	[sflag:s26] =	ssyncadd.s32 $0xFFFFF0C0  }
0x357: {  	_ =	swait.ge [sflag:s26], $0xF40  }
0x358: {  	[sflag:s26] =	ssyncset.done $0x0  }
0x359: {  	s2 =	simm.s32 @!p0 $0x2;
	[sflag:s26] =	ssyncadd.s32 $0xFFFFF0C0  }
0x35a: {  	_ =	swait.ge @!p0 [sflag:s2], $0x50  }
0x35b: {  	[sflag:s2] =	ssyncset.done @!p0 $0x0  }
0x35c: {  	[smem:$0x7CA] =	sst s4;
	[sflag:s2] =	ssyncadd.s32 @!p0 $0xFFFFFFB0  }
0x35d: {  	p2 =	seq.s32 s13, $0xF00;
	s1 =	stileid.u32;
	[bflag:$0x0] =	sbarrier.arrive $0xFFFF  }
0x35e: {  	p3 =	sne.s32 @!p2 s1, $0xF;
	s1 =	sadd.s32 @!p2 $0x2, s4;
	s2 =	sld [smem:$0x7FA]  }
0x35f: {  	s11 =	simm.s32 @!p2 $0x80;
	s1 =	sshrl.u32 @!p2 s1, $0x3;
	s0 =	sld [smem:$0x7CB]  }
0x360: {  	p3 =	por p3, p2;
	s1 =	smul.u32 @!p2 $0x7A1400, s1;
	s12 =	rddreg [dreg:$0x6]  }
0x361: {  	s14 =	smov.u32 s13;
	s31 =	sshrl.u32 @!p3 s2, $0x3;
	s2 =	sld [smem:$0x7CD]  }
0x362: {  	s12 =	sadd.s32 @!p2 s14, s12;
	s18 =	sadd.s32 @!p2 s0, s1;
	s0 =	sld [smem:$0x7FC]  }
0x363: {  	s30 =	smov.u32 s15;
	s15 =	simm.s32 @!p2 $0x10;
	s12 =	sand.u32 @!p2 $0x300, s12  }
0x364: {  	s18 =	sor.u32 @!p2 s12, s18;
	s4 =	sshrl.u32 @!p2 s2, $0x3;
	s2 =	sld [smem:$0x7FB]  }
0x365: {  	s6 =	simm.s32 @!p2 $0x1;
	s18 =	sshrl.u32 @!p2 s18, $0x3;
	s13 =	sadd.s32 @!p2 s0, s1  }
0x366: {  	s1 =	sadd.s32 @!p3 s12, s1;
	s13 =	sor.u32 @!p2 s12, s13;
	s12 =	sadd.s32 @!p2 s17, s18  }
0x367: {  	[spmem:s4@s15], [sflag:s2] =	dma.strided @!p2 [hbm:s12@s11], $0xF40, s6, $0x10   }
0x368: {  	s4 =	sld [smem:$0x7FD];
	_ =	sdelay $0x1  }
0x369: {  	s13 =	sshrl.u32 @!p2 s13, $0x3  }
0x36a: {  	s13 =	sadd.s32 @!p2 s17, s13;
	s4 =	sshrl.u32 @!p2 s4, $0x3  }
0x36b: {  	[spmem:s4@s15], [sflag:s2] =	dma.strided @!p2 [hbm:s13@s11], $0xF40, s6, $0x10   }
0x36c: {  	s29 =	simm.s32 @!p3 $0x10;
	s1 =	sadd.s32 @!p3 $0x7A0000, s1;
	s11 =	rddreg [dreg:$0xe]  }
0x36d: {  	s0 =	simm.s32 @!p3 $0x1;
	s1 =	sshrl.u32 @!p3 s1, $0x3;
	s15 =	rddreg [dreg:$0xb]  }
0x36e: {  	s1 =	sadd.s32 @!p3 s17, s1;
	s12 =	simm.s32 @!p3 $0x80;
	s13 =	rddreg [dreg:$0xa]  }
0x36f: {  	[spmem:s31@s29], [sflag:s2] =	dma.strided @!p3 [hbm:s1@s12], $0x50, s0, $0x10   }
0x370: {  	s31 =	rddreg [dreg:$0xc]  }
0x371: {  	s2 =	sld [smem:$0x7D0]  }
0x372: {  	s1 =	sld [smem:$0x7CF];
	_ =	swait.ge [sflag:s8], $0x500  }
0x373: {  	[sflag:s8] =	ssyncset.done $0x0  }
0x374: {  	[sflag:s8] =	ssyncadd.s32 $0xFFFFFB00  }
0x375: {  	_ =	swait.ge [sflag:s16], $0x500  }
0x376: {  	[sflag:s16] =	ssyncset.done $0x0  }
0x377: {  	s26 =	simm.s32 $0x0;
	s4 =	simm.s32 $0xA00;
	[sflag:s16] =	ssyncadd.s32 $0xFFFFFB00  }
0x378: {  	[tilespmem:s4], [sflag:$0x4] =	stream.indirect.gather [spmem:s28], $0x1, s26, s3, $0xb8;
	[tilespmem:$0x1FC50] =	vst v63  }
0x379: {  	_ = 	snop  }
0x37a: {  	[tilespmem:s3], [sflag:$0x3] =	stream.strided.gather [hbm4b:s1+s19], $0x500, s21, s19, $0x38;
	[tilespmem:$0x1FC50] =	vst v63  }
0x37b: {  	_ =	swait.ge [sflag:s10], $0x500  }
0x37c: {  	[sflag:s10] =	ssyncset.done $0x0  }
0x37d: {  	[sflag:s10] =	ssyncadd.s32 $0xFFFFFB00  }
0x37e: {  	_ =	swait.ge [sflag:s16], $0x500  }
0x37f: {  	s12 =	sld [smem:$0x7C6];
	[sflag:s16] =	ssyncset.done $0x0  }
0x380: {  	[sflag:s16] =	ssyncadd.s32 $0xFFFFFB00  }
0x381: {  	[tilespmem:s20], [sflag:$0x4] =	stream.indirect.gather [spmem:s28], $0x1, s3, s3, $0xb8;
	[tilespmem:$0x1FC50] =	vst v63  }
0x382: {  	s6 =	sadd.s32 $0x80, s14;
	s4 =	sadd.s32 $0x1000, s12  }
0x383: {  	s1 =	sand.u32 $0x380, s6;
	_ =	swait.ge [sflag:s24], $0x500;
	s4 =	sand.u32 $0x38000, s4  }
0x384: {  	[sflag:s24] =	ssyncset.done $0x0;
	s1 =	sor.u32 s4, s1  }
0x385: {  	[sflag:s24] =	ssyncadd.s32 $0xFFFFFB00;
	s1 =	sor.u32 s11, s1  }
0x386: {  	[tilespmem:s26], [sflag:$0x3] =	stream.strided.gather [hbm4b:s2+s19], $0x500, s21, s19, $0x38;
	[tilespmem:$0x1FC50] =	vst v63  }
0x387: {  	s18 =	sshrl.u32 s1, $0x3  }
0x388: {  	s14 =	rddreg [dreg:$0xf];
	s1 =	sadd.s32 s30, s18;
	s30 =	simm.s32 $0xA00  }
0x389: {  	[hbm4b:s1+s19] =	stream.strided.scatter [tilespmem:s30], [sflag:$0x5], $0x100, s21, s19, $0x38;
	[tilespmem:$0x1FC50] =	vst v63  }
0x38a: {  	s6 =	simm.s32 $0xB00;
	s17 =	sadd.s32 s18, s14;
	s1 =	rddreg [dreg:$0x10]  }
0x38b: {  	[hbm4b:s17+s19] =	stream.strided.scatter [tilespmem:s6], [sflag:$0x5], $0x100, s21, s19, $0x38;
	[tilespmem:$0x1FC50] =	vst v63  }
0x38c: {  	s7 =	rddreg [dreg:$0x11];
	s14 =	simm.s32 $0xC00;
	s2 =	sadd.s32 s18, s1  }
0x38d: {  	[hbm4b:s2+s19] =	stream.strided.scatter [tilespmem:s14], [sflag:$0x5], $0x100, s21, s19, $0x38;
	[tilespmem:$0x1FC50] =	vst v63  }
0x38e: {  	s29 =	simm.s32 $0xD00;
	s12 =	sadd.s32 s18, s7;
	s17 =	rddreg [dreg:$0x12]  }
0x38f: {  	[hbm4b:s12+s19] =	stream.strided.scatter [tilespmem:s29], [sflag:$0x5], $0x100, s21, s19, $0x38;
	[tilespmem:$0x1FC50] =	vst v63  }
0x390: {  	s0 =	simm.s32 $0xE00;
	s30 =	sadd.s32 s18, s17  }
0x391: {  	[hbm4b:s30+s19] =	stream.strided.scatter [tilespmem:s0], [sflag:$0x5], $0x100, s21, s19, $0x38;
	[tilespmem:$0x1FC50] =	vst v63  }
0x392: {  	_ =	swait.ge [sflag:s8], $0x500  }
0x393: {  	[sflag:s8] =	ssyncset.done $0x0  }
0x394: {  	[sflag:s8] =	ssyncadd.s32 $0xFFFFFB00  }
0x395: {  	_ =	swait.ge [sflag:s16], $0x500  }
0x396: {  	[sflag:s16] =	ssyncset.done $0x0  }
0x397: {  	s1 =	simm.s32 $0xA00;
	[sflag:s16] =	ssyncadd.s32 $0xFFFFFB00  }
0x398: {  	[tilespmem:s1], [sflag:$0x4] =	stream.indirect.gather [spmem:s28], $0x1, s26, s3, $0xb8;
	[tilespmem:$0x1FC50] =	vst v63  }
0x399: {  	_ =	swait.ge [sflag:s24], $0x500  }
0x39a: {  	[sflag:s24] =	ssyncset.done $0x0;
	s2 =	rddreg [dreg:$0x13]  }
0x39b: {  	s5 =	rddreg [dreg:$0x14];
	[sflag:s24] =	ssyncadd.s32 $0xFFFFFB00  }
0x39c: {  	[tilespmem:s3], [sflag:$0x3] =	stream.strided.gather [hbm4b:s22+s19], $0x500, s21, s19, $0x38;
	[tilespmem:$0x1FC50] =	vst v63  }
0x39d: {  	s12 =	rddreg [dreg:$0x15];
	s4 =	sadd.s32 s18, s2  }
0x39e: {  	[hbm4b:s4+s19] =	stream.strided.scatter [tilespmem:s20], [sflag:$0x6], $0x100, s21, s19, $0x38;
	[tilespmem:$0x1FC50] =	vst v63  }
0x39f: {  	s17 =	rddreg [dreg:$0x16];
	s7 =	sadd.s32 s18, s5;
	s2 =	simm.s32 $0x1000  }
0x3a0: {  	[hbm4b:s7+s19] =	stream.strided.scatter [tilespmem:s2], [sflag:$0x6], $0x100, s21, s19, $0x38;
	[tilespmem:$0x1FC50] =	vst v63  }
0x3a1: {  	s14 =	sadd.s32 s18, s12;
	s5 =	simm.s32 $0x1100;
	s7 =	rddreg [dreg:$0x17]  }
0x3a2: {  	[hbm4b:s14+s19] =	stream.strided.scatter [tilespmem:s5], [sflag:$0x6], $0x100, s21, s19, $0x38;
	[tilespmem:$0x1FC50] =	vst v63  }
0x3a3: {  	s30 =	sadd.s32 s18, s17;
	s12 =	sadd.s32 s18, s7;
	s7 =	simm.s32 $0x1200  }
0x3a4: {  	[hbm4b:s30+s19] =	stream.strided.scatter [tilespmem:s7], [sflag:$0x6], $0x100, s21, s19, $0x38;
	[tilespmem:$0x1FC50] =	vst v63  }
0x3a5: {  	s17 =	simm.s32 $0x1300  }
0x3a6: {  	[hbm4b:s12+s19] =	stream.strided.scatter [tilespmem:s17], [sflag:$0x6], $0x100, s21, s19, $0x38;
	[tilespmem:$0x1FC50] =	vst v63  }
0x3a7: {  	_ =	swait.ge [sflag:s10], $0x500  }
0x3a8: {  	[sflag:s10] =	ssyncset.done $0x0  }
0x3a9: {  	[sflag:s10] =	ssyncadd.s32 $0xFFFFFB00  }
0x3aa: {  	_ =	swait.ge [sflag:s16], $0x500  }
0x3ab: {  	[sflag:s16] =	ssyncset.done $0x0  }
0x3ac: {  	[sflag:s16] =	ssyncadd.s32 $0xFFFFFB00  }
0x3ad: {  	[tilespmem:s20], [sflag:$0x4] =	stream.indirect.gather [spmem:s28], $0x1, s3, s3, $0xb8;
	[tilespmem:$0x1FC50] =	vst v63  }
0x3ae: {  	_ =	swait.ge [sflag:s24], $0x500  }
0x3af: {  	[sflag:s24] =	ssyncset.done $0x0  }
0x3b0: {  	s14 =	rddreg [dreg:$0x18];
	[sflag:s24] =	ssyncadd.s32 $0xFFFFFB00  }
0x3b1: {  	[tilespmem:s26], [sflag:$0x3] =	stream.strided.gather [hbm4b:s23+s19], $0x500, s21, s19, $0x38;
	[tilespmem:$0x1FC50] =	vst v63  }
0x3b2: {  	s22 =	simm.s32 $0xA00;
	s4 =	rddreg [dreg:$0x19];
	s30 =	sadd.s32 s18, s14  }
0x3b3: {  	[hbm4b:s30+s19] =	stream.strided.scatter [tilespmem:s22], [sflag:$0x5], $0x100, s21, s19, $0x38;
	[tilespmem:$0x1FC50] =	vst v63  }
0x3b4: {  	s6 =	simm.s32 $0xB00;
	s12 =	sadd.s32 s18, s4;
	s14 =	rddreg [dreg:$0x1a]  }
0x3b5: {  	[hbm4b:s12+s19] =	stream.strided.scatter [tilespmem:s6], [sflag:$0x5], $0x100, s21, s19, $0x38;
	[tilespmem:$0x1FC50] =	vst v63  }
0x3b6: {  	s20 =	simm.s32 $0xC00;
	s30 =	sadd.s32 s18, s14;
	s12 =	rddreg [dreg:$0x1b]  }
0x3b7: {  	[hbm4b:s30+s19] =	stream.strided.scatter [tilespmem:s20], [sflag:$0x5], $0x100, s21, s19, $0x38;
	[tilespmem:$0x1FC50] =	vst v63  }
0x3b8: {  	s14 =	sadd.s32 s18, s12;
	s30 =	rddreg [dreg:$0x1c]  }
0x3b9: {  	[hbm4b:s14+s19] =	stream.strided.scatter [tilespmem:s29], [sflag:$0x5], $0x100, s21, s19, $0x38;
	[tilespmem:$0x1FC50] =	vst v63  }
0x3ba: {  	s12 =	simm.s32 $0xE00;
	s0 =	sadd.s32 s18, s30  }
0x3bb: {  	[hbm4b:s0+s19] =	stream.strided.scatter [tilespmem:s12], [sflag:$0x5], $0x100, s21, s19, $0x38;
	[tilespmem:$0x1FC50] =	vst v63  }
0x3bc: {  	_ =	swait.ge [sflag:s8], $0x500  }
0x3bd: {  	[sflag:s8] =	ssyncset.done $0x0  }
0x3be: {  	[sflag:s8] =	ssyncadd.s32 $0xFFFFFB00  }
0x3bf: {  	_ =	swait.ge [sflag:s16], $0x500  }
0x3c0: {  	[sflag:s16] =	ssyncset.done $0x0  }
0x3c1: {  	[sflag:s16] =	ssyncadd.s32 $0xFFFFFB00  }
0x3c2: {  	[tilespmem:s22], [sflag:$0x4] =	stream.indirect.gather [spmem:s28], $0x1, s26, s3, $0xb8;
	[tilespmem:$0x1FC50] =	vst v63  }
0x3c3: {  	_ =	swait.ge [sflag:s24], $0x500  }
0x3c4: {  	[sflag:s24] =	ssyncset.done $0x0  }
0x3c5: {  	s14 =	rddreg [dreg:$0x1d];
	[sflag:s24] =	ssyncadd.s32 $0xFFFFFB00  }
0x3c6: {  	[tilespmem:s3], [sflag:$0x3] =	stream.strided.gather [hbm4b:s9+s19], $0x500, s21, s19, $0x38;
	[tilespmem:$0x1FC50] =	vst v63  }
0x3c7: {  	s23 =	simm.s32 $0xF00;
	s4 =	rddreg [dreg:$0x1e];
	s30 =	sadd.s32 s18, s14  }
0x3c8: {  	[hbm4b:s30+s19] =	stream.strided.scatter [tilespmem:s23], [sflag:$0x6], $0x100, s21, s19, $0x38;
	[tilespmem:$0x1FC50] =	vst v63  }
0x3c9: {  	s12 =	sadd.s32 s18, s4;
	s14 =	rddreg [dreg:$0x1f]  }
0x3ca: {  	[hbm4b:s12+s19] =	stream.strided.scatter [tilespmem:s2], [sflag:$0x6], $0x100, s21, s19, $0x38;
	[tilespmem:$0x1FC50] =	vst v63  }
0x3cb: {  	s30 =	sadd.s32 s18, s14;
	s12 =	sld [smem:$0x7DA]  }
0x3cc: {  	[hbm4b:s30+s19] =	stream.strided.scatter [tilespmem:s5], [sflag:$0x6], $0x100, s21, s19, $0x38;
	[tilespmem:$0x1FC50] =	vst v63  }
0x3cd: {  	s30 =	sld [smem:$0x7DB]  }
0x3ce: {  	s14 =	sadd.s32 s18, s12  }
0x3cf: {  	[hbm4b:s14+s19] =	stream.strided.scatter [tilespmem:s7], [sflag:$0x6], $0x100, s21, s19, $0x38;
	[tilespmem:$0x1FC50] =	vst v63  }
0x3d0: {  	s0 =	sadd.s32 s18, s30  }
0x3d1: {  	[hbm4b:s0+s19] =	stream.strided.scatter [tilespmem:s17], [sflag:$0x6], $0x100, s21, s19, $0x38;
	[tilespmem:$0x1FC50] =	vst v63  }
0x3d2: {  	_ =	swait.ge [sflag:s10], $0x500  }
0x3d3: {  	[sflag:s10] =	ssyncset.done $0x0  }
0x3d4: {  	[sflag:s10] =	ssyncadd.s32 $0xFFFFFB00  }
0x3d5: {  	_ =	swait.ge [sflag:s16], $0x500  }
0x3d6: {  	[sflag:s16] =	ssyncset.done $0x0  }
0x3d7: {  	[sflag:s16] =	ssyncadd.s32 $0xFFFFFB00  }
0x3d8: {  	[tilespmem:s23], [sflag:$0x4] =	stream.indirect.gather [spmem:s28], $0x1, s3, s3, $0xb8;
	[tilespmem:$0x1FC50] =	vst v63  }
0x3d9: {  	_ =	swait.ge [sflag:s24], $0x500  }
0x3da: {  	[sflag:s24] =	ssyncset.done $0x0  }
0x3db: {  	s5 =	sld [smem:$0x7DC];
	[sflag:s24] =	ssyncadd.s32 $0xFFFFFB00  }
0x3dc: {  	[tilespmem:s26], [sflag:$0x3] =	stream.strided.gather [hbm4b:s13+s19], $0x500, s21, s19, $0x38;
	[tilespmem:$0x1FC50] =	vst v63  }
0x3dd: {  	s13 =	sld [smem:$0x7DD]  }
0x3de: {  	s7 =	sadd.s32 s18, s5;
	s5 =	sld [smem:$0x7DE]  }
0x3df: {  	[hbm4b:s7+s19] =	stream.strided.scatter [tilespmem:s22], [sflag:$0x5], $0x100, s21, s19, $0x38;
	[tilespmem:$0x1FC50] =	vst v63  }
0x3e0: {  	s14 =	sadd.s32 s18, s13;
	s13 =	sld [smem:$0x7DF]  }
0x3e1: {  	[hbm4b:s14+s19] =	stream.strided.scatter [tilespmem:s6], [sflag:$0x5], $0x100, s21, s19, $0x38;
	[tilespmem:$0x1FC50] =	vst v63  }
0x3e2: {  	s7 =	sadd.s32 s18, s5;
	s5 =	sld [smem:$0x7E0]  }
0x3e3: {  	[hbm4b:s7+s19] =	stream.strided.scatter [tilespmem:s20], [sflag:$0x5], $0x100, s21, s19, $0x38;
	[tilespmem:$0x1FC50] =	vst v63  }
0x3e4: {  	s14 =	sadd.s32 s18, s13  }
0x3e5: {  	[hbm4b:s14+s19] =	stream.strided.scatter [tilespmem:s29], [sflag:$0x5], $0x100, s21, s19, $0x38;
	[tilespmem:$0x1FC50] =	vst v63  }
0x3e6: {  	s9 =	simm.s32 $0xE00;
	s7 =	sadd.s32 s18, s5  }
0x3e7: {  	[hbm4b:s7+s19] =	stream.strided.scatter [tilespmem:s9], [sflag:$0x5], $0x100, s21, s19, $0x38;
	[tilespmem:$0x1FC50] =	vst v63  }
0x3e8: {  	_ =	swait.ge [sflag:s8], $0x500  }
0x3e9: {  	[sflag:s8] =	ssyncset.done $0x0  }
0x3ea: {  	[sflag:s8] =	ssyncadd.s32 $0xFFFFFB00  }
0x3eb: {  	_ =	swait.ge [sflag:s16], $0x500  }
0x3ec: {  	[sflag:s16] =	ssyncset.done $0x0  }
0x3ed: {  	[sflag:s16] =	ssyncadd.s32 $0xFFFFFB00  }
0x3ee: {  	[tilespmem:s22], [sflag:$0x4] =	stream.indirect.gather [spmem:s28], $0x1, s26, s3, $0xb8;
	[tilespmem:$0x1FC50] =	vst v63  }
0x3ef: {  	_ =	swait.ge [sflag:s24], $0x500  }
0x3f0: {  	[sflag:s24] =	ssyncset.done $0x0;
	s13 =	sld [smem:$0x7E1]  }
0x3f1: {  	s4 =	sld [smem:$0x7E2];
	[sflag:s24] =	ssyncadd.s32 $0xFFFFFB00  }
0x3f2: {  	[tilespmem:s3], [sflag:$0x3] =	stream.strided.gather [hbm4b:s15+s19], $0x500, s21, s19, $0x38;
	[tilespmem:$0x1FC50] =	vst v63  }
0x3f3: {  	s7 =	sld [smem:$0x7E3];
	s14 =	sadd.s32 s18, s13  }
0x3f4: {  	[hbm4b:s14+s19] =	stream.strided.scatter [tilespmem:s23], [sflag:$0x6], $0x100, s21, s19, $0x38;
	[tilespmem:$0x1FC50] =	vst v63  }
0x3f5: {  	s2 =	simm.s32 $0x1000;
	s5 =	sadd.s32 s18, s4;
	s14 =	sld [smem:$0x7E4]  }
0x3f6: {  	[hbm4b:s5+s19] =	stream.strided.scatter [tilespmem:s2], [sflag:$0x6], $0x100, s21, s19, $0x38;
	[tilespmem:$0x1FC50] =	vst v63  }
0x3f7: {  	s12 =	simm.s32 $0x1100;
	s1 =	sld [smem:$0x7E5];
	s13 =	sadd.s32 s18, s7  }
0x3f8: {  	[hbm4b:s13+s19] =	stream.strided.scatter [tilespmem:s12], [sflag:$0x6], $0x100, s21, s19, $0x38;
	[tilespmem:$0x1FC50] =	vst v63  }
0x3f9: {  	s30 =	simm.s32 $0x1200;
	s15 =	sadd.s32 s18, s14  }
0x3fa: {  	[hbm4b:s15+s19] =	stream.strided.scatter [tilespmem:s30], [sflag:$0x6], $0x100, s21, s19, $0x38;
	[tilespmem:$0x1FC50] =	vst v63  }
0x3fb: {  	s17 =	simm.s32 $0x1300;
	s5 =	sadd.s32 s18, s1  }
0x3fc: {  	[hbm4b:s5+s19] =	stream.strided.scatter [tilespmem:s17], [sflag:$0x6], $0x100, s21, s19, $0x38;
	[tilespmem:$0x1FC50] =	vst v63  }
0x3fd: {  	_ =	swait.ge [sflag:s10], $0x500  }
0x3fe: {  	[sflag:s10] =	ssyncset.done $0x0  }
0x3ff: {  	[sflag:s10] =	ssyncadd.s32 $0xFFFFFB00  }
0x400: {  	_ =	swait.ge [sflag:s16], $0x500  }
0x401: {  	[sflag:s16] =	ssyncset.done $0x0  }
0x402: {  	[sflag:s16] =	ssyncadd.s32 $0xFFFFFB00  }
0x403: {  	[tilespmem:s23], [sflag:$0x4] =	stream.indirect.gather [spmem:s28], $0x1, s3, s3, $0xb8;
	[tilespmem:$0x1FC50] =	vst v63  }
0x404: {  	_ =	swait.ge [sflag:s24], $0x500  }
0x405: {  	[sflag:s24] =	ssyncset.done $0x0;
	s7 =	sld [smem:$0x7E6]  }
0x406: {  	s14 =	sld [smem:$0x7E7];
	[sflag:s24] =	ssyncadd.s32 $0xFFFFFB00  }
0x407: {  	[tilespmem:s26], [sflag:$0x3] =	stream.strided.gather [hbm4b:s31+s19], $0x500, s21, s19, $0x38;
	[tilespmem:$0x1FC50] =	vst v63  }
0x408: {  	s5 =	sld [smem:$0x7E8];
	s13 =	sadd.s32 s18, s7  }
0x409: {  	[hbm4b:s13+s19] =	stream.strided.scatter [tilespmem:s22], [sflag:$0x5], $0x100, s21, s19, $0x38;
	[tilespmem:$0x1FC50] =	vst v63  }
0x40a: {  	s15 =	sadd.s32 s18, s14;
	s13 =	sld [smem:$0x7E9]  }
0x40b: {  	[hbm4b:s15+s19] =	stream.strided.scatter [tilespmem:s6], [sflag:$0x5], $0x100, s21, s19, $0x38;
	[tilespmem:$0x1FC50] =	vst v63  }
0x40c: {  	s7 =	sadd.s32 s18, s5;
	s15 =	sld [smem:$0x7EA]  }
0x40d: {  	[hbm4b:s7+s19] =	stream.strided.scatter [tilespmem:s20], [sflag:$0x5], $0x100, s21, s19, $0x38;
	[tilespmem:$0x1FC50] =	vst v63  }
0x40e: {  	s14 =	sadd.s32 s18, s13  }
0x40f: {  	[hbm4b:s14+s19] =	stream.strided.scatter [tilespmem:s29], [sflag:$0x5], $0x100, s21, s19, $0x38;
	[tilespmem:$0x1FC50] =	vst v63  }
0x410: {  	s0 =	sadd.s32 s18, s15  }
0x411: {  	[hbm4b:s0+s19] =	stream.strided.scatter [tilespmem:s9], [sflag:$0x5], $0x100, s21, s19, $0x38;
	[tilespmem:$0x1FC50] =	vst v63  }
0x412: {  	_ =	swait.ge [sflag:s8], $0x500  }
0x413: {  	[sflag:s8] =	ssyncset.done $0x0  }
0x414: {  	[sflag:s8] =	ssyncadd.s32 $0xFFFFFB00  }
0x415: {  	_ =	swait.ge [sflag:s16], $0x500  }
0x416: {  	[sflag:s16] =	ssyncset.done $0x0  }
0x417: {  	[sflag:s16] =	ssyncadd.s32 $0xFFFFFB00  }
0x418: {  	[tilespmem:s22], [sflag:$0x4] =	stream.indirect.gather [spmem:s28], $0x1, s26, s3, $0xb8;
	[tilespmem:$0x1FC50] =	vst v63  }
0x419: {  	_ =	swait.ge [sflag:s24], $0x500  }
0x41a: {  	s4 =	sld [smem:$0x7EB]  }
0x41b: {  	[sflag:s24] =	ssyncset.done $0x0;
	s7 =	rddreg [dreg:$0xd]  }
0x41c: {  	s8 =	sld [smem:$0x7EC];
	[sflag:s24] =	ssyncadd.s32 $0xFFFFFB00  }
0x41d: {  	[tilespmem:s3], [sflag:$0x3] =	stream.strided.gather [hbm4b:s7+s19], $0x500, s21, s19, $0x38;
	[tilespmem:$0x1FC50] =	vst v63  }
0x41e: {  	s14 =	sld [smem:$0x7ED];
	s5 =	sadd.s32 s18, s4  }
0x41f: {  	[hbm4b:s5+s19] =	stream.strided.scatter [tilespmem:s23], [sflag:$0x6], $0x100, s21, s19, $0x38;
	[tilespmem:$0x1FC50] =	vst v63  }
0x420: {  	s31 =	smov.u32 s7;
	s7 =	sld [smem:$0x7EE];
	s13 =	sadd.s32 s18, s8  }
0x421: {  	[hbm4b:s13+s19] =	stream.strided.scatter [tilespmem:s2], [sflag:$0x6], $0x100, s21, s19, $0x38;
	[tilespmem:$0x1FC50] =	vst v63  }
0x422: {  	s15 =	sadd.s32 s18, s14;
	s13 =	sld [smem:$0x7EF]  }
0x423: {  	[hbm4b:s15+s19] =	stream.strided.scatter [tilespmem:s12], [sflag:$0x6], $0x100, s21, s19, $0x38;
	[tilespmem:$0x1FC50] =	vst v63  }
0x424: {  	s8 =	sadd.s32 s18, s7  }
0x425: {  	[hbm4b:s8+s19] =	stream.strided.scatter [tilespmem:s30], [sflag:$0x6], $0x100, s21, s19, $0x38;
	[tilespmem:$0x1FC50] =	vst v63  }
0x426: {  	s14 =	sadd.s32 s18, s13  }
0x427: {  	[hbm4b:s14+s19] =	stream.strided.scatter [tilespmem:s17], [sflag:$0x6], $0x100, s21, s19, $0x38;
	[tilespmem:$0x1FC50] =	vst v63  }
0x428: {  	s3 =	sld [smem:$0x7C6];
	_ =	swait.ge [sflag:s10], $0x500  }
0x429: {  	[sflag:s10] =	ssyncset.done $0x0  }
0x42a: {  	[sflag:s10] =	ssyncadd.s32 $0xFFFFFB00  }
0x42b: {  	_ =	swait.ge [sflag:s16], $0x500  }
0x42c: {  	[sflag:s16] =	ssyncset.done $0x0  }
0x42d: {  	s10 =	simm.s32 $0x500;
	[sflag:s16] =	ssyncadd.s32 $0xFFFFFB00  }
0x42e: {  	[tilespmem:s23], [sflag:$0x4] =	stream.indirect.gather [spmem:s28], $0x1, s10, s10, $0xb8;
	[tilespmem:$0x1FC50] =	vst v63  }
0x42f: {  	_ =	swait.ge [sflag:s24], $0x500  }
0x430: {  	s2 =	sld [smem:$0x7CC]  }
0x431: {  	[sflag:s24] =	ssyncset.done $0x0;
	s17 =	sld [smem:$0x7F0]  }
0x432: {  	s4 =	sld [smem:$0x7F1];
	[sflag:s24] =	ssyncadd.s32 $0xFFFFFB00  }
0x433: {  	[tilespmem:s26], [sflag:$0x3] =	stream.strided.gather [hbm4b:s2+s19], $0x500, s21, s19, $0x38;
	[tilespmem:$0x1FC50] =	vst v63  }
0x434: {  	s12 =	sld [smem:$0x7F2];
	s30 =	sadd.s32 s18, s17  }
0x435: {  	[hbm4b:s30+s19] =	stream.strided.scatter [tilespmem:s22], [sflag:$0x5], $0x100, s21, s19, $0x38;
	[tilespmem:$0x1FC50] =	vst v63  }
0x436: {  	s8 =	sadd.s32 s18, s4;
	s17 =	sld [smem:$0x7F3]  }
0x437: {  	[hbm4b:s8+s19] =	stream.strided.scatter [tilespmem:s6], [sflag:$0x5], $0x100, s21, s19, $0x38;
	[tilespmem:$0x1FC50] =	vst v63  }
0x438: {  	s14 =	sadd.s32 s18, s12;
	s8 =	sld [smem:$0x7F4]  }
0x439: {  	[hbm4b:s14+s19] =	stream.strided.scatter [tilespmem:s20], [sflag:$0x5], $0x100, s21, s19, $0x38;
	[tilespmem:$0x1FC50] =	vst v63  }
0x43a: {  	s30 =	sadd.s32 s18, s17  }
0x43b: {  	[hbm4b:s30+s19] =	stream.strided.scatter [tilespmem:s29], [sflag:$0x5], $0x100, s21, s19, $0x38;
	[tilespmem:$0x1FC50] =	vst v63  }
0x43c: {  	s12 =	sadd.s32 s18, s8  }
0x43d: {  	[hbm4b:s12+s19] =	stream.strided.scatter [tilespmem:s9], [sflag:$0x5], $0x100, s21, s19, $0x38;
	[tilespmem:$0x1FC50] =	vst v63  }
0x43e: {  	s2 =	sld [smem:$0x7C7];
	_ =	swait.ge [sflag:s24], $0x500  }
0x43f: {  	s14 =	sld [smem:$0x7F5]  }
.Ltmp0:
0x440: {  	s30 =	sld [smem:$0x7F6];
	(pc) =	sbr.rel @p1 .LBB2_2-.Ltmp0, $4  }
0x441: {  	s5 =	simm.s32 $0x1000;
	s7 =	simm.s32 $0x1100;
	s3 =	sadd.s32 $0x2000, s3  }
0x442: {  	s15 =	simm.s32 $0x1300;
	s13 =	simm.s32 $0x1200;
	[sflag:s24] =	ssyncset.done $0x0  }
0x443: {  	[sflag:s24] =	ssyncadd.s32 $0xFFFFFB00;
	s17 =	sadd.s32 s18, s14;
	s12 =	sadd.s32 s18, s30  }
0x444: {  	[hbm4b:s17+s19] =	stream.strided.scatter [tilespmem:s23], [sflag:$0x6], $0x100, s21, s19, $0x38;
	[tilespmem:$0x1FC50] =	vst v63  }
0x445: {  	s1 =	sld [smem:$0x7F7]  }
0x446: {  	[hbm4b:s12+s19] =	stream.strided.scatter [tilespmem:s5], [sflag:$0x6], $0x100, s21, s19, $0x38;
	[tilespmem:$0x1FC50] =	vst v63  }
0x447: {  	s17 =	sld [smem:$0x7F8]  }
0x448: {  	s20 =	sld [smem:$0x7F9];
	s1 =	sadd.s32 s18, s1  }
0x449: {  	[hbm4b:s1+s19] =	stream.strided.scatter [tilespmem:s7], [sflag:$0x6], $0x100, s21, s19, $0x38;
	[tilespmem:$0x1FC50] =	vst v63  }
0x44a: {  	s1 =	sadd.s32 s18, s17  }
0x44b: {  	[hbm4b:s1+s19] =	stream.strided.scatter [tilespmem:s13], [sflag:$0x6], $0x100, s21, s19, $0x38;
	[tilespmem:$0x1FC50] =	vst v63  }
0x44c: {  	s1 =	sadd.s32 s18, s20  }
0x44d: {  	[hbm4b:s1+s19] =	stream.strided.scatter [tilespmem:s15], [sflag:$0x6], $0x100, s21, s19, $0x38;
	[tilespmem:$0x1FC50] =	vst v63  }
0x44e: {  	_ =	swait.ge [sflag:s16], $0x500  }
0x44f: {  	[sflag:s16] =	ssyncset.done $0x0  }
0x450: {  	s30 =	simm.s32 $0x5;
	[sflag:s16] =	ssyncadd.s32 $0xFFFFFB00  }
0x451: {  	_ =	swait.ge [sflag:s30], $0x500  }
0x452: {  	[sflag:s30] =	ssyncset.done $0x0  }
0x453: {  	s2 =	simm.s32 $0x6;
	[sflag:s30] =	ssyncadd.s32 $0xFFFFFB00  }
0x454: {  	_ =	swait.ge [sflag:s2], $0x500  }
0x455: {  	s4 =	sld [smem:$0x7C8]  }
0x456: {  	s31 =	sld [smem:$0x7D6];
	_ =	sdelay $0x1  }
0x457: {  	s4 =	sadd.s32 $0x1, s4  }
0x458: {  	p1 =	sne.s32 s4, s31  }
.Ltmp1:
0x459: {  	s5 =	sld [smem:$0x7FD];
	(pc) =	sbr.rel @p1 .LBB2_1-.Ltmp1, $4  }
0x45a: {  	s11 =	sld [smem:$0x7FC]  }
0x45b: {  	[sflag:s2] =	ssyncset.done $0x0;
	s13 =	sld [smem:$0x7FB]  }
0x45c: {  	s3 =	sld [smem:$0x7FA];
	[sflag:s2] =	ssyncadd.s32 $0xFFFFFB00  }
0x45d: {  	s20 =	simm.s32 $0x10;
	s2 =	simm.s32 $0x1;
	s6 =	rddreg [dreg:$0x1]  }
0x45e: {  	_ =	sfence.sel $0x180000  }
0x45f: {  	[bflag:$0x0] =	sbarrier.arrive $0xFFFF  }
0x460: {  	_ =	strace $0x90000047  }
0x461: {  	s0 =	stileid.u32;
	[bflag:$0x2] =	sbarrier.arrive $0xFFFF  }
0x462: {  	p0 =	sne.s32 s0, $0x0;
	s0 =	rddreg [dreg:$0x5]  }
0x463: {  	s0 =	sadd.s32 @!p0 $0x100000, s0  }
0x464: {  	[sflag:s0] =	ssyncadd.tile.s32 @!p0 $0x1;
	_ =	shalt  }
.Lfunc_end2:
_tile_overlayer_lowered:
.L_overlay_start_2:
0x465: {  	(tag) =	ssettag $0x2  }
0x466: {  	s0 =	rddreg [dreg:$0x0];
	s2 =	stileid.u32  }
0x467: {  	s1 =	rddreg [dreg:$0x1];
	p0 =	sne.s32 s2, $0x0  }
0x468: {  	s3 =	rddreg [dreg:$0x2];
	[bflag:$0x3] =	sbarrier.arrive $0xFFFF;
	s2 =	simm.s32 @!p0 $0x1C07  }
0x469: {  	[timem:s3], [sflag:s2] =	dma.local @!p0 [hbm:s0], s1  }
0x46a: {  	s0 =	simm.s32 @!p0 $0x7  }
0x46b: {  	_ =	swait.ge @!p0 [sflag:s0], s1  }
0x46c: {  	s1 =	ssub.s32 @!p0 $0x0, s1;
	[sflag:s0] =	ssyncset.done @!p0 $0x0  }
0x46d: {  	[sflag:s0] =	ssyncadd.s32 @!p0 s1  }
0x46e: {  	[bflag:$0x3] =	sbarrier.arrive $0xFFFF  }
0x46f: {  	_ =	shalt  }

</sc_bundles>
